<compile_context>
chip_gen: v7x
topology: tpu7x:2x2x1
jax: 0.10.2.dev20260603
libtpu: 0.0.44.dev20260713+nightly
codegen_flags: <defaults>
</compile_context>

<pallas_src>
import functools

import jax
import jax.numpy as jnp
from jax import lax
from jax.experimental import pallas as pl
from jax.experimental.pallas import tpu as pltpu
from jax.experimental.pallas import tpu_sc as plsc

VOCAB = 1000000
D = 32
B = 4096
L_SEQ = 50
NC = 2
NS = 16
NW = NC * NS
BPW = B // NW


VBLK = 65536
VGRID = -(-VOCAB // VBLK)


def _matvec_body(w_ref, embt_ref, p_ref):
    p_ref[...] = jnp.dot(w_ref[...], embt_ref[...],
                         preferred_element_type=jnp.float32)[0]


_matvec = pl.pallas_call(
    _matvec_body,
    grid=(VGRID,),
    in_specs=[
        pl.BlockSpec((1, D), lambda i: (0, 0)),
        pl.BlockSpec((D, VBLK), lambda i: (0, i)),
    ],
    out_specs=pl.BlockSpec((VBLK,), lambda i: (i,)),
    out_shape=jax.ShapeDtypeStruct((VGRID * VBLK,), jnp.float32),
)



def _pool_body(xt_hbm, p_hbm, wb_hbm, out_hbm, idx_v, val_v, wb_v, out_v, sem):
    wid = lax.axis_index("s") * NC + lax.axis_index("c")
    base = wid * BPW

    pltpu.sync_copy(xt_hbm.at[:, pl.ds(base, BPW)], idx_v)
    pltpu.sync_copy(wb_hbm, wb_v)
    bias = wb_v[pl.ds(0, 16)]
    inv_l = jnp.float32(1.0 / L_SEQ)

    for l in range(L_SEQ):
        pltpu.make_async_copy(p_hbm.at[idx_v.at[l]], val_v.at[l], sem).start()

    acc = [jnp.zeros((16,), jnp.float32) for _ in range(BPW // 16)]
    for l in range(L_SEQ):
        pltpu.make_async_copy(p_hbm.at[idx_v.at[l]], val_v.at[l], sem).wait()
        for j in range(BPW // 16):
            acc[j] = acc[j] + val_v[l, pl.ds(j * 16, 16)]

    for j in range(BPW // 16):
        out_v[pl.ds(j * 16, 16)] = acc[j] * inv_l + bias

    pltpu.sync_copy(out_v, out_hbm.at[pl.ds(base, BPW)])


_mesh = plsc.VectorSubcoreMesh(
    core_axis_name="c", subcore_axis_name="s", num_cores=NC, num_subcores=NS)

_pool = functools.partial(
    pl.kernel,
    out_type=jax.ShapeDtypeStruct((B,), jnp.float32),
    mesh=_mesh,
    compiler_params=pltpu.CompilerParams(use_tc_tiling_on_sc=False),
    scratch_types=[
        pltpu.VMEM((L_SEQ, BPW), jnp.int32),
        pltpu.VMEM((L_SEQ, BPW), jnp.float32),
        pltpu.VMEM((16,), jnp.float32),
        pltpu.VMEM((BPW,), jnp.float32),
        pltpu.SemaphoreType.DMA,
    ],
)(_pool_body)


@jax.jit
def kernel(x, emb, W, b):
    p = _matvec(W, emb.T)
    wb = jnp.broadcast_to(b, (16,))
    out = _pool(x.astype(jnp.int32).T, p, wb)
    return out.reshape(B, 1)

# --- scband reference (transcript-rebuilt; emitter-appended) ---
"""Pipeline reference for scband-simple-nn-15496242004412 (READ-ONLY COPY).

The authoritative reference and input builder live on the scoring server;
editing this copy changes nothing except your own understanding.
"""

import jax, jax.numpy as jnp
import numpy as np

VOCAB = 1000000
EMBED_DIM = 32
B = 4096
L = 50

def setup_inputs(seed: int = 0) -> dict:
    key = jax.random.key(seed)
    k1, k2, k3, k4 = jax.random.split(key, 4)
    x = jax.random.randint(k1, (B, L), 0, VOCAB, dtype=jnp.int64 if jax.config.jax_enable_x64 else jnp.int32)
    emb = jax.random.normal(k2, (VOCAB, EMBED_DIM), dtype=jnp.float32) * 0.02
    W = jax.random.normal(k3, (1, EMBED_DIM), dtype=jnp.float32) * (1.0 / np.sqrt(EMBED_DIM))
    b = jax.random.normal(k4, (1,), dtype=jnp.float32) * 0.01
    return {"x": x, "emb": emb, "W": W, "b": b}

def reference(x, emb, W, b):
    # nn.Embedding lookup: [B, L] -> [B, L, D]
    embedded = jnp.take(emb, x, axis=0)
    # mean over sequence dim
    pooled = embedded.mean(axis=1)  # [B, D]
    # nn.Linear(D, 1)
    out = pooled @ W.T + b  # [B, 1]
    return out

if __name__ == "__main__":
    import jax
    _d = setup_inputs()
    print(jax.jit(kernel)(*tuple(_d.values())))

</pallas_src>

<mosaic_0001>
#map = affine_map<(d0, d1) -> (0, 0)>
#map1 = affine_map<(d0, d1) -> (0)>
module attributes {stable_mosaic.version = 14 : i64} {
  func.func @_pool_body(%arg0: i32, %arg1: i32, %arg2: memref<50x4096xi32, #tpu.memory_space<hbm>>, %arg3: memref<1048576xf32, #tpu.memory_space<hbm>>, %arg4: memref<16xf32, #tpu.memory_space<hbm>>, %arg5: memref<4096xf32, #tpu.memory_space<hbm>>, %arg6: memref<50x128xi32, #tpu.memory_space<vmem>>, %arg7: memref<50x128xf32, #tpu.memory_space<vmem>>, %arg8: memref<16xf32, #tpu.memory_space<vmem>>, %arg9: memref<128xf32, #tpu.memory_space<vmem>>, %arg10: memref<!tpu.dma_semaphore, #tpu.memory_space<semaphore_mem>>) attributes {dimension_semantics = [#tpu.dimension_semantics<core_parallel>, #tpu.dimension_semantics<subcore_parallel>], iteration_bounds = array<i64: 2, 16>, scalar_prefetch = 0 : i64, scratch_operands = 5 : i64, tpu.core_type = #tpu.core_type<sc_vector_subcore>, window_params = [{transform_indices = #map}, {transform_indices = #map1}, {transform_indices = #map1}, {transform_indices = #map1}]} {
    %mul3A = arith.constant 2 : i32
    %mul3A_0 = arith.muli %arg1, %mul3A : i32
    %add3A = arith.addi %mul3A_0, %arg0 : i32
    %mul3A_1 = arith.constant 128 : i32
    %mul3A_2 = arith.muli %add3A, %mul3A_1 : i32
    "tpu.region"() ({
      %run_scoped3A = tpu.sem_alloc : memref<!tpu.dma_semaphore, #tpu.memory_space<semaphore_mem>>
      %dma_start3A_3481 = arith.constant 0 : i32
      %dma_start3A_3482 = tpu.memref_slice %arg2[%dma_start3A_3481, %mul3A_2] : memref<50x4096xi32, #tpu.memory_space<hbm>> -> memref<50x128xi32, #tpu.memory_space<hbm>>
      %dma_start3A_3483 = arith.constant 0 : i32
      %dma_start3A_3484 = tpu.memref_slice %arg2[%dma_start3A_3483, %mul3A_2] : memref<50x4096xi32, #tpu.memory_space<hbm>> -> memref<50x128xi32, #tpu.memory_space<hbm>>
      tpu.enqueue_dma source(%dma_start3A_3484 : memref<50x128xi32, #tpu.memory_space<hbm>>) target(%arg6 : memref<50x128xi32, #tpu.memory_space<vmem>>) target_semaphore(%run_scoped3A : memref<!tpu.dma_semaphore, #tpu.memory_space<semaphore_mem>>)
      %dma_wait3A_3485 = arith.constant 0 : i32
      %dma_wait3A_3486 = tpu.memref_slice %arg2[%dma_wait3A_3485, %mul3A_2] : memref<50x4096xi32, #tpu.memory_space<hbm>> -> memref<50x128xi32, #tpu.memory_space<hbm>>
      %dma_wait3A_3487 = arith.constant 0 : i32
      %dma_wait3A_3488 = tpu.memref_slice %arg2[%dma_wait3A_3487, %mul3A_2] : memref<50x4096xi32, #tpu.memory_space<hbm>> -> memref<50x128xi32, #tpu.memory_space<hbm>>
      tpu.wait_dma2 semaphore(%run_scoped3A : memref<!tpu.dma_semaphore, #tpu.memory_space<semaphore_mem>>) src(%dma_wait3A_3488 : memref<50x128xi32, #tpu.memory_space<hbm>>) dst(%arg6 : memref<50x128xi32, #tpu.memory_space<vmem>>)
      tpu.yield
    }) : () -> ()
    "tpu.region"() ({
      %run_scoped3A = tpu.sem_alloc : memref<!tpu.dma_semaphore, #tpu.memory_space<semaphore_mem>>
      tpu.enqueue_dma source(%arg4 : memref<16xf32, #tpu.memory_space<hbm>>) target(%arg8 : memref<16xf32, #tpu.memory_space<vmem>>) target_semaphore(%run_scoped3A : memref<!tpu.dma_semaphore, #tpu.memory_space<semaphore_mem>>)
      tpu.wait_dma2 semaphore(%run_scoped3A : memref<!tpu.dma_semaphore, #tpu.memory_space<semaphore_mem>>) src(%arg4 : memref<16xf32, #tpu.memory_space<hbm>>) dst(%arg8 : memref<16xf32, #tpu.memory_space<vmem>>)
      tpu.yield
    }) : () -> ()
    %get3A = arith.constant 0 : index
    %get3A_3 = tpu.vector_load %arg8[%get3A] {strides = array<i32>} : memref<16xf32, #tpu.memory_space<vmem>>, vector<16xf32>,
    %get3A_4 = vector.shape_cast %get3A_3 : vector<16xf32> to vector<16xf32>
    %dma_start3A = arith.constant 0 : i32
    %dma_start3A_5 = arith.constant 0 : i32
    %dma_start3A_6 = arith.constant 0 : i32
    %dma_start3A_7 = tpu.memref_slice %arg7[%dma_start3A_5, %dma_start3A_6] : memref<50x128xf32, #tpu.memory_space<vmem>> -> memref<1x128xf32, #tpu.memory_space<vmem>>
    %dma_start3A_8 = tpu.memref_squeeze %dma_start3A_7 : memref<1x128xf32, #tpu.memory_space<vmem>> -> memref<128xf32, #tpu.memory_space<vmem>>
    %dma_start3A_9 = arith.constant 0 : i32
    %dma_start3A_10 = tpu.memref_slice %arg6[%dma_start3A, %dma_start3A_9] : memref<50x128xi32, #tpu.memory_space<vmem>> -> memref<1x128xi32, #tpu.memory_space<vmem>>
    %dma_start3A_11 = tpu.memref_squeeze %dma_start3A_10 : memref<1x128xi32, #tpu.memory_space<vmem>> -> memref<128xi32, #tpu.memory_space<vmem>>
    %dma_start3A_12 = arith.constant 0 : i32
    %dma_start3A_13 = tpu.memref_slice %arg3[%dma_start3A_12] : memref<1048576xf32, #tpu.memory_space<hbm>> -> memref<1048576xf32, #tpu.memory_space<hbm>>
    tpu.enqueue_indirect_dma source(%dma_start3A_13 : memref<1048576xf32, #tpu.memory_space<hbm>>) target(%dma_start3A_8 : memref<128xf32, #tpu.memory_space<vmem>>) offsets(%dma_start3A_11 : memref<128xi32, #tpu.memory_space<vmem>>) semaphore(%arg10 : memref<!tpu.dma_semaphore, #tpu.memory_space<semaphore_mem>>)
    %dma_start3A_14 = arith.constant 1 : i32
    %dma_start3A_15 = arith.constant 1 : i32
    %dma_start3A_16 = arith.constant 0 : i32
    %dma_start3A_17 = tpu.memref_slice %arg7[%dma_start3A_15, %dma_start3A_16] : memref<50x128xf32, #tpu.memory_space<vmem>> -> memref<1x128xf32, #tpu.memory_space<vmem>>
    %dma_start3A_18 = tpu.memref_squeeze %dma_start3A_17 : memref<1x128xf32, #tpu.memory_space<vmem>> -> memref<128xf32, #tpu.memory_space<vmem>>
    %dma_start3A_19 = arith.constant 0 : i32
    %dma_start3A_20 = tpu.memref_slice %arg6[%dma_start3A_14, %dma_start3A_19] : memref<50x128xi32, #tpu.memory_space<vmem>> -> memref<1x128xi32, #tpu.memory_space<vmem>>
    %dma_start3A_21 = tpu.memref_squeeze %dma_start3A_20 : memref<1x128xi32, #tpu.memory_space<vmem>> -> memref<128xi32, #tpu.memory_space<vmem>>
    %dma_start3A_22 = arith.constant 0 : i32
    %dma_start3A_23 = tpu.memref_slice %arg3[%dma_start3A_22] : memref<1048576xf32, #tpu.memory_space<hbm>> -> memref<1048576xf32, #tpu.memory_space<hbm>>
    tpu.enqueue_indirect_dma source(%dma_start3A_23 : memref<1048576xf32, #tpu.memory_space<hbm>>) target(%dma_start3A_18 : memref<128xf32, #tpu.memory_space<vmem>>) offsets(%dma_start3A_21 : memref<128xi32, #tpu.memory_space<vmem>>) semaphore(%arg10 : memref<!tpu.dma_semaphore, #tpu.memory_space<semaphore_mem>>)
    %dma_start3A_24 = arith.constant 2 : i32
    %dma_start3A_25 = arith.constant 2 : i32
    %dma_start3A_26 = arith.constant 0 : i32
    %dma_start3A_27 = tpu.memref_slice %arg7[%dma_start3A_25, %dma_start3A_26] : memref<50x128xf32, #tpu.memory_space<vmem>> -> memref<1x128xf32, #tpu.memory_space<vmem>>
    %dma_start3A_28 = tpu.memref_squeeze %dma_start3A_27 : memref<1x128xf32, #tpu.memory_space<vmem>> -> memref<128xf32, #tpu.memory_space<vmem>>
    %dma_start3A_29 = arith.constant 0 : i32
    %dma_start3A_30 = tpu.memref_slice %arg6[%dma_start3A_24, %dma_start3A_29] : memref<50x128xi32, #tpu.memory_space<vmem>> -> memref<1x128xi32, #tpu.memory_space<vmem>>
    %dma_start3A_31 = tpu.memref_squeeze %dma_start3A_30 : memref<1x128xi32, #tpu.memory_space<vmem>> -> memref<128xi32, #tpu.memory_space<vmem>>
    %dma_start3A_32 = arith.constant 0 : i32
    %dma_start3A_33 = tpu.memref_slice %arg3[%dma_start3A_32] : memref<1048576xf32, #tpu.memory_space<hbm>> -> memref<1048576xf32, #tpu.memory_space<hbm>>
    tpu.enqueue_indirect_dma source(%dma_start3A_33 : memref<1048576xf32, #tpu.memory_space<hbm>>) target(%dma_start3A_28 : memref<128xf32, #tpu.memory_space<vmem>>) offsets(%dma_start3A_31 : memref<128xi32, #tpu.memory_space<vmem>>) semaphore(%arg10 : memref<!tpu.dma_semaphore, #tpu.memory_space<semaphore_mem>>)
    %dma_start3A_34 = arith.constant 3 : i32
    %dma_start3A_35 = arith.constant 3 : i32
    %dma_start3A_36 = arith.constant 0 : i32
    %dma_start3A_37 = tpu.memref_slice %arg7[%dma_start3A_35, %dma_start3A_36] : memref<50x128xf32, #tpu.memory_space<vmem>> -> memref<1x128xf32, #tpu.memory_space<vmem>>
    %dma_start3A_38 = tpu.memref_squeeze %dma_start3A_37 : memref<1x128xf32, #tpu.memory_space<vmem>> -> memref<128xf32, #tpu.memory_space<vmem>>
    %dma_start3A_39 = arith.constant 0 : i32
    %dma_start3A_40 = tpu.memref_slice %arg6[%dma_start3A_34, %dma_start3A_39] : memref<50x128xi32, #tpu.memory_space<vmem>> -> memref<1x128xi32, #tpu.memory_space<vmem>>
    %dma_start3A_41 = tpu.memref_squeeze %dma_start3A_40 : memref<1x128xi32, #tpu.memory_space<vmem>> -> memref<128xi32, #tpu.memory_space<vmem>>
    %dma_start3A_42 = arith.constant 0 : i32
    %dma_start3A_43 = tpu.memref_slice %arg3[%dma_start3A_42] : memref<1048576xf32, #tpu.memory_space<hbm>> -> memref<1048576xf32, #tpu.memory_space<hbm>>
    tpu.enqueue_indirect_dma source(%dma_start3A_43 : memref<1048576xf32, #tpu.memory_space<hbm>>) target(%dma_start3A_38 : memref<128xf32, #tpu.memory_space<vmem>>) offsets(%dma_start3A_41 : memref<128xi32, #tpu.memory_space<vmem>>) semaphore(%arg10 : memref<!tpu.dma_semaphore, #tpu.memory_space<semaphore_mem>>)
    %dma_start3A_44 = arith.constant 4 : i32
    %dma_start3A_45 = arith.constant 4 : i32
    %dma_start3A_46 = arith.constant 0 : i32
    %dma_start3A_47 = tpu.memref_slice %arg7[%dma_start3A_45, %dma_start3A_46] : memref<50x128xf32, #tpu.memory_space<vmem>> -> memref<1x128xf32, #tpu.memory_space<vmem>>
    %dma_start3A_48 = tpu.memref_squeeze %dma_start3A_47 : memref<1x128xf32, #tpu.memory_space<vmem>> -> memref<128xf32, #tpu.memory_space<vmem>>
    %dma_start3A_49 = arith.constant 0 : i32
    %dma_start3A_50 = tpu.memref_slice %arg6[%dma_start3A_44, %dma_start3A_49] : memref<50x128xi32, #tpu.memory_space<vmem>> -> memref<1x128xi32, #tpu.memory_space<vmem>>
    %dma_start3A_51 = tpu.memref_squeeze %dma_start3A_50 : memref<1x128xi32, #tpu.memory_space<vmem>> -> memref<128xi32, #tpu.memory_space<vmem>>
    %dma_start3A_52 = arith.constant 0 : i32
    %dma_start3A_53 = tpu.memref_slice %arg3[%dma_start3A_52] : memref<1048576xf32, #tpu.memory_space<hbm>> -> memref<1048576xf32, #tpu.memory_space<hbm>>
    tpu.enqueue_indirect_dma source(%dma_start3A_53 : memref<1048576xf32, #tpu.memory_space<hbm>>) target(%dma_start3A_48 : memref<128xf32, #tpu.memory_space<vmem>>) offsets(%dma_start3A_51 : memref<128xi32, #tpu.memory_space<vmem>>) semaphore(%arg10 : memref<!tpu.dma_semaphore, #tpu.memory_space<semaphore_mem>>)
    %dma_start3A_54 = arith.constant 5 : i32
    %dma_start3A_55 = arith.constant 5 : i32
    %dma_start3A_56 = arith.constant 0 : i32
    %dma_start3A_57 = tpu.memref_slice %arg7[%dma_start3A_55, %dma_start3A_56] : memref<50x128xf32, #tpu.memory_space<vmem>> -> memref<1x128xf32, #tpu.memory_space<vmem>>
    %dma_start3A_58 = tpu.memref_squeeze %dma_start3A_57 : memref<1x128xf32, #tpu.memory_space<vmem>> -> memref<128xf32, #tpu.memory_space<vmem>>
    %dma_start3A_59 = arith.constant 0 : i32
    %dma_start3A_60 = tpu.memref_slice %arg6[%dma_start3A_54, %dma_start3A_59] : memref<50x128xi32, #tpu.memory_space<vmem>> -> memref<1x128xi32, #tpu.memory_space<vmem>>
    %dma_start3A_61 = tpu.memref_squeeze %dma_start3A_60 : memref<1x128xi32, #tpu.memory_space<vmem>> -> memref<128xi32, #tpu.memory_space<vmem>>
    %dma_start3A_62 = arith.constant 0 : i32
    %dma_start3A_63 = tpu.memref_slice %arg3[%dma_start3A_62] : memref<1048576xf32, #tpu.memory_space<hbm>> -> memref<1048576xf32, #tpu.memory_space<hbm>>
    tpu.enqueue_indirect_dma source(%dma_start3A_63 : memref<1048576xf32, #tpu.memory_space<hbm>>) target(%dma_start3A_58 : memref<128xf32, #tpu.memory_space<vmem>>) offsets(%dma_start3A_61 : memref<128xi32, #tpu.memory_space<vmem>>) semaphore(%arg10 : memref<!tpu.dma_semaphore, #tpu.memory_space<semaphore_mem>>)
    %dma_start3A_64 = arith.constant 6 : i32
    %dma_start3A_65 = arith.constant 6 : i32
    %dma_start3A_66 = arith.constant 0 : i32
    %dma_start3A_67 = tpu.memref_slice %arg7[%dma_start3A_65, %dma_start3A_66] : memref<50x128xf32, #tpu.memory_space<vmem>> -> memref<1x128xf32, #tpu.memory_space<vmem>>
    %dma_start3A_68 = tpu.memref_squeeze %dma_start3A_67 : memref<1x128xf32, #tpu.memory_space<vmem>> -> memref<128xf32, #tpu.memory_space<vmem>>
    %dma_start3A_69 = arith.constant 0 : i32
    %dma_start3A_70 = tpu.memref_slice %arg6[%dma_start3A_64, %dma_start3A_69] : memref<50x128xi32, #tpu.memory_space<vmem>> -> memref<1x128xi32, #tpu.memory_space<vmem>>
    %dma_start3A_71 = tpu.memref_squeeze %dma_start3A_70 : memref<1x128xi32, #tpu.memory_space<vmem>> -> memref<128xi32, #tpu.memory_space<vmem>>
    %dma_start3A_72 = arith.constant 0 : i32
    %dma_start3A_73 = tpu.memref_slice %arg3[%dma_start3A_72] : memref<1048576xf32, #tpu.memory_space<hbm>> -> memref<1048576xf32, #tpu.memory_space<hbm>>
    tpu.enqueue_indirect_dma source(%dma_start3A_73 : memref<1048576xf32, #tpu.memory_space<hbm>>) target(%dma_start3A_68 : memref<128xf32, #tpu.memory_space<vmem>>) offsets(%dma_start3A_71 : memref<128xi32, #tpu.memory_space<vmem>>) semaphore(%arg10 : memref<!tpu.dma_semaphore, #tpu.memory_space<semaphore_mem>>)
    %dma_start3A_74 = arith.constant 7 : i32
    %dma_start3A_75 = arith.constant 7 : i32
    %dma_start3A_76 = arith.constant 0 : i32
    %dma_start3A_77 = tpu.memref_slice %arg7[%dma_start3A_75, %dma_start3A_76] : memref<50x128xf32, #tpu.memory_space<vmem>> -> memref<1x128xf32, #tpu.memory_space<vmem>>
    %dma_start3A_78 = tpu.memref_squeeze %dma_start3A_77 : memref<1x128xf32, #tpu.memory_space<vmem>> -> memref<128xf32, #tpu.memory_space<vmem>>
    %dma_start3A_79 = arith.constant 0 : i32
    %dma_start3A_80 = tpu.memref_slice %arg6[%dma_start3A_74, %dma_start3A_79] : memref<50x128xi32, #tpu.memory_space<vmem>> -> memref<1x128xi32, #tpu.memory_space<vmem>>
    %dma_start3A_81 = tpu.memref_squeeze %dma_start3A_80 : memref<1x128xi32, #tpu.memory_space<vmem>> -> memref<128xi32, #tpu.memory_space<vmem>>
    %dma_start3A_82 = arith.constant 0 : i32
    %dma_start3A_83 = tpu.memref_slice %arg3[%dma_start3A_82] : memref<1048576xf32, #tpu.memory_space<hbm>> -> memref<1048576xf32, #tpu.memory_space<hbm>>
    tpu.enqueue_indirect_dma source(%dma_start3A_83 : memref<1048576xf32, #tpu.memory_space<hbm>>) target(%dma_start3A_78 : memref<128xf32, #tpu.memory_space<vmem>>) offsets(%dma_start3A_81 : memref<128xi32, #tpu.memory_space<vmem>>) semaphore(%arg10 : memref<!tpu.dma_semaphore, #tpu.memory_space<semaphore_mem>>)
    %dma_start3A_84 = arith.constant 8 : i32
    %dma_start3A_85 = arith.constant 8 : i32
    %dma_start3A_86 = arith.constant 0 : i32
    %dma_start3A_87 = tpu.memref_slice %arg7[%dma_start3A_85, %dma_start3A_86] : memref<50x128xf32, #tpu.memory_space<vmem>> -> memref<1x128xf32, #tpu.memory_space<vmem>>
    %dma_start3A_88 = tpu.memref_squeeze %dma_start3A_87 : memref<1x128xf32, #tpu.memory_space<vmem>> -> memref<128xf32, #tpu.memory_space<vmem>>
    %dma_start3A_89 = arith.constant 0 : i32
    %dma_start3A_90 = tpu.memref_slice %arg6[%dma_start3A_84, %dma_start3A_89] : memref<50x128xi32, #tpu.memory_space<vmem>> -> memref<1x128xi32, #tpu.memory_space<vmem>>
    %dma_start3A_91 = tpu.memref_squeeze %dma_start3A_90 : memref<1x128xi32, #tpu.memory_space<vmem>> -> memref<128xi32, #tpu.memory_space<vmem>>
    %dma_start3A_92 = arith.constant 0 : i32
    %dma_start3A_93 = tpu.memref_slice %arg3[%dma_start3A_92] : memref<1048576xf32, #tpu.memory_space<hbm>> -> memref<1048576xf32, #tpu.memory_space<hbm>>
    tpu.enqueue_indirect_dma source(%dma_start3A_93 : memref<1048576xf32, #tpu.memory_space<hbm>>) target(%dma_start3A_88 : memref<128xf32, #tpu.memory_space<vmem>>) offsets(%dma_start3A_91 : memref<128xi32, #tpu.memory_space<vmem>>) semaphore(%arg10 : memref<!tpu.dma_semaphore, #tpu.memory_space<semaphore_mem>>)
    %dma_start3A_94 = arith.constant 9 : i32
    %dma_start3A_95 = arith.constant 9 : i32
    %dma_start3A_96 = arith.constant 0 : i32
    %dma_start3A_97 = tpu.memref_slice %arg7[%dma_start3A_95, %dma_start3A_96] : memref<50x128xf32, #tpu.memory_space<vmem>> -> memref<1x128xf32, #tpu.memory_space<vmem>>
    %dma_start3A_98 = tpu.memref_squeeze %dma_start3A_97 : memref<1x128xf32, #tpu.memory_space<vmem>> -> memref<128xf32, #tpu.memory_space<vmem>>
    %dma_start3A_99 = arith.constant 0 : i32
    %dma_start3A_100 = tpu.memref_slice %arg6[%dma_start3A_94, %dma_start3A_99] : memref<50x128xi32, #tpu.memory_space<vmem>> -> memref<1x128xi32, #tpu.memory_space<vmem>>
    %dma_start3A_101 = tpu.memref_squeeze %dma_start3A_100 : memref<1x128xi32, #tpu.memory_space<vmem>> -> memref<128xi32, #tpu.memory_space<vmem>>
    %dma_start3A_102 = arith.constant 0 : i32
    %dma_start3A_103 = tpu.memref_slice %arg3[%dma_start3A_102] : memref<1048576xf32, #tpu.memory_space<hbm>> -> memref<1048576xf32, #tpu.memory_space<hbm>>
    tpu.enqueue_indirect_dma source(%dma_start3A_103 : memref<1048576xf32, #tpu.memory_space<hbm>>) target(%dma_start3A_98 : memref<128xf32, #tpu.memory_space<vmem>>) offsets(%dma_start3A_101 : memref<128xi32, #tpu.memory_space<vmem>>) semaphore(%arg10 : memref<!tpu.dma_semaphore, #tpu.memory_space<semaphore_mem>>)
    %dma_start3A_104 = arith.constant 10 : i32
    %dma_start3A_105 = arith.constant 10 : i32
    %dma_start3A_106 = arith.constant 0 : i32
    %dma_start3A_107 = tpu.memref_slice %arg7[%dma_start3A_105, %dma_start3A_106] : memref<50x128xf32, #tpu.memory_space<vmem>> -> memref<1x128xf32, #tpu.memory_space<vmem>>
    %dma_start3A_108 = tpu.memref_squeeze %dma_start3A_107 : memref<1x128xf32, #tpu.memory_space<vmem>> -> memref<128xf32, #tpu.memory_space<vmem>>
    %dma_start3A_109 = arith.constant 0 : i32
    %dma_start3A_110 = tpu.memref_slice %arg6[%dma_start3A_104, %dma_start3A_109] : memref<50x128xi32, #tpu.memory_space<vmem>> -> memref<1x128xi32, #tpu.memory_space<vmem>>
    %dma_start3A_111 = tpu.memref_squeeze %dma_start3A_110 : memref<1x128xi32, #tpu.memory_space<vmem>> -> memref<128xi32, #tpu.memory_space<vmem>>
    %dma_start3A_112 = arith.constant 0 : i32
    %dma_start3A_113 = tpu.memref_slice %arg3[%dma_start3A_112] : memref<1048576xf32, #tpu.memory_space<hbm>> -> memref<1048576xf32, #tpu.memory_space<hbm>>
    tpu.enqueue_indirect_dma source(%dma_start3A_113 : memref<1048576xf32, #tpu.memory_space<hbm>>) target(%dma_start3A_108 : memref<128xf32, #tpu.memory_space<vmem>>) offsets(%dma_start3A_111 : memref<128xi32, #tpu.memory_space<vmem>>) semaphore(%arg10 : memref<!tpu.dma_semaphore, #tpu.memory_space<semaphore_mem>>)
    %dma_start3A_114 = arith.constant 11 : i32
    %dma_start3A_115 = arith.constant 11 : i32
    %dma_start3A_116 = arith.constant 0 : i32
    %dma_start3A_117 = tpu.memref_slice %arg7[%dma_start3A_115, %dma_start3A_116] : memref<50x128xf32, #tpu.memory_space<vmem>> -> memref<1x128xf32, #tpu.memory_space<vmem>>
    %dma_start3A_118 = tpu.memref_squeeze %dma_start3A_117 : memref<1x128xf32, #tpu.memory_space<vmem>> -> memref<128xf32, #tpu.memory_space<vmem>>
    %dma_start3A_119 = arith.constant 0 : i32
    %dma_start3A_120 = tpu.memref_slice %arg6[%dma_start3A_114, %dma_start3A_119] : memref<50x128xi32, #tpu.memory_space<vmem>> -> memref<1x128xi32, #tpu.memory_space<vmem>>
    %dma_start3A_121 = tpu.memref_squeeze %dma_start3A_120 : memref<1x128xi32, #tpu.memory_space<vmem>> -> memref<128xi32, #tpu.memory_space<vmem>>
    %dma_start3A_122 = arith.constant 0 : i32
    %dma_start3A_123 = tpu.memref_slice %arg3[%dma_start3A_122] : memref<1048576xf32, #tpu.memory_space<hbm>> -> memref<1048576xf32, #tpu.memory_space<hbm>>
    tpu.enqueue_indirect_dma source(%dma_start3A_123 : memref<1048576xf32, #tpu.memory_space<hbm>>) target(%dma_start3A_118 : memref<128xf32, #tpu.memory_space<vmem>>) offsets(%dma_start3A_121 : memref<128xi32, #tpu.memory_space<vmem>>) semaphore(%arg10 : memref<!tpu.dma_semaphore, #tpu.memory_space<semaphore_mem>>)
    %dma_start3A_124 = arith.constant 12 : i32
    %dma_start3A_125 = arith.constant 12 : i32
    %dma_start3A_126 = arith.constant 0 : i32
    %dma_start3A_127 = tpu.memref_slice %arg7[%dma_start3A_125, %dma_start3A_126] : memref<50x128xf32, #tpu.memory_space<vmem>> -> memref<1x128xf32, #tpu.memory_space<vmem>>
    %dma_start3A_128 = tpu.memref_squeeze %dma_start3A_127 : memref<1x128xf32, #tpu.memory_space<vmem>> -> memref<128xf32, #tpu.memory_space<vmem>>
    %dma_start3A_129 = arith.constant 0 : i32
    %dma_start3A_130 = tpu.memref_slice %arg6[%dma_start3A_124, %dma_start3A_129] : memref<50x128xi32, #tpu.memory_space<vmem>> -> memref<1x128xi32, #tpu.memory_space<vmem>>
    %dma_start3A_131 = tpu.memref_squeeze %dma_start3A_130 : memref<1x128xi32, #tpu.memory_space<vmem>> -> memref<128xi32, #tpu.memory_space<vmem>>
    %dma_start3A_132 = arith.constant 0 : i32
    %dma_start3A_133 = tpu.memref_slice %arg3[%dma_start3A_132] : memref<1048576xf32, #tpu.memory_space<hbm>> -> memref<1048576xf32, #tpu.memory_space<hbm>>
    tpu.enqueue_indirect_dma source(%dma_start3A_133 : memref<1048576xf32, #tpu.memory_space<hbm>>) target(%dma_start3A_128 : memref<128xf32, #tpu.memory_space<vmem>>) offsets(%dma_start3A_131 : memref<128xi32, #tpu.memory_space<vmem>>) semaphore(%arg10 : memref<!tpu.dma_semaphore, #tpu.memory_space<semaphore_mem>>)
    %dma_start3A_134 = arith.constant 13 : i32
    %dma_start3A_135 = arith.constant 13 : i32
    %dma_start3A_136 = arith.constant 0 : i32
    %dma_start3A_137 = tpu.memref_slice %arg7[%dma_start3A_135, %dma_start3A_136] : memref<50x128xf32, #tpu.memory_space<vmem>> -> memref<1x128xf32, #tpu.memory_space<vmem>>
    %dma_start3A_138 = tpu.memref_squeeze %dma_start3A_137 : memref<1x128xf32, #tpu.memory_space<vmem>> -> memref<128xf32, #tpu.memory_space<vmem>>
    %dma_start3A_139 = arith.constant 0 : i32
    %dma_start3A_140 = tpu.memref_slice %arg6[%dma_start3A_134, %dma_start3A_139] : memref<50x128xi32, #tpu.memory_space<vmem>> -> memref<1x128xi32, #tpu.memory_space<vmem>>
    %dma_start3A_141 = tpu.memref_squeeze %dma_start3A_140 : memref<1x128xi32, #tpu.memory_space<vmem>> -> memref<128xi32, #tpu.memory_space<vmem>>
    %dma_start3A_142 = arith.constant 0 : i32
    %dma_start3A_143 = tpu.memref_slice %arg3[%dma_start3A_142] : memref<1048576xf32, #tpu.memory_space<hbm>> -> memref<1048576xf32, #tpu.memory_space<hbm>>
    tpu.enqueue_indirect_dma source(%dma_start3A_143 : memref<1048576xf32, #tpu.memory_space<hbm>>) target(%dma_start3A_138 : memref<128xf32, #tpu.memory_space<vmem>>) offsets(%dma_start3A_141 : memref<128xi32, #tpu.memory_space<vmem>>) semaphore(%arg10 : memref<!tpu.dma_semaphore, #tpu.memory_space<semaphore_mem>>)
    %dma_start3A_144 = arith.constant 14 : i32
    %dma_start3A_145 = arith.constant 14 : i32
    %dma_start3A_146 = arith.constant 0 : i32
    %dma_start3A_147 = tpu.memref_slice %arg7[%dma_start3A_145, %dma_start3A_146] : memref<50x128xf32, #tpu.memory_space<vmem>> -> memref<1x128xf32, #tpu.memory_space<vmem>>
    %dma_start3A_148 = tpu.memref_squeeze %dma_start3A_147 : memref<1x128xf32, #tpu.memory_space<vmem>> -> memref<128xf32, #tpu.memory_space<vmem>>
    %dma_start3A_149 = arith.constant 0 : i32
    %dma_start3A_150 = tpu.memref_slice %arg6[%dma_start3A_144, %dma_start3A_149] : memref<50x128xi32, #tpu.memory_space<vmem>> -> memref<1x128xi32, #tpu.memory_space<vmem>>
    %dma_start3A_151 = tpu.memref_squeeze %dma_start3A_150 : memref<1x128xi32, #tpu.memory_space<vmem>> -> memref<128xi32, #tpu.memory_space<vmem>>
    %dma_start3A_152 = arith.constant 0 : i32
    %dma_start3A_153 = tpu.memref_slice %arg3[%dma_start3A_152] : memref<1048576xf32, #tpu.memory_space<hbm>> -> memref<1048576xf32, #tpu.memory_space<hbm>>
    tpu.enqueue_indirect_dma source(%dma_start3A_153 : memref<1048576xf32, #tpu.memory_space<hbm>>) target(%dma_start3A_148 : memref<128xf32, #tpu.memory_space<vmem>>) offsets(%dma_start3A_151 : memref<128xi32, #tpu.memory_space<vmem>>) semaphore(%arg10 : memref<!tpu.dma_semaphore, #tpu.memory_space<semaphore_mem>>)
    %dma_start3A_154 = arith.constant 15 : i32
    %dma_start3A_155 = arith.constant 15 : i32
    %dma_start3A_156 = arith.constant 0 : i32
    %dma_start3A_157 = tpu.memref_slice %arg7[%dma_start3A_155, %dma_start3A_156] : memref<50x128xf32, #tpu.memory_space<vmem>> -> memref<1x128xf32, #tpu.memory_space<vmem>>
    %dma_start3A_158 = tpu.memref_squeeze %dma_start3A_157 : memref<1x128xf32, #tpu.memory_space<vmem>> -> memref<128xf32, #tpu.memory_space<vmem>>
    %dma_start3A_159 = arith.constant 0 : i32
    %dma_start3A_160 = tpu.memref_slice %arg6[%dma_start3A_154, %dma_start3A_159] : memref<50x128xi32, #tpu.memory_space<vmem>> -> memref<1x128xi32, #tpu.memory_space<vmem>>
    %dma_start3A_161 = tpu.memref_squeeze %dma_start3A_160 : memref<1x128xi32, #tpu.memory_space<vmem>> -> memref<128xi32, #tpu.memory_space<vmem>>
    %dma_start3A_162 = arith.constant 0 : i32
    %dma_start3A_163 = tpu.memref_slice %arg3[%dma_start3A_162] : memref<1048576xf32, #tpu.memory_space<hbm>> -> memref<1048576xf32, #tpu.memory_space<hbm>>
    tpu.enqueue_indirect_dma source(%dma_start3A_163 : memref<1048576xf32, #tpu.memory_space<hbm>>) target(%dma_start3A_158 : memref<128xf32, #tpu.memory_space<vmem>>) offsets(%dma_start3A_161 : memref<128xi32, #tpu.memory_space<vmem>>) semaphore(%arg10 : memref<!tpu.dma_semaphore, #tpu.memory_space<semaphore_mem>>)
    %dma_start3A_164 = arith.constant 16 : i32
    %dma_start3A_165 = arith.constant 16 : i32
    %dma_start3A_166 = arith.constant 0 : i32
    %dma_start3A_167 = tpu.memref_slice %arg7[%dma_start3A_165, %dma_start3A_166] : memref<50x128xf32, #tpu.memory_space<vmem>> -> memref<1x128xf32, #tpu.memory_space<vmem>>
    %dma_start3A_168 = tpu.memref_squeeze %dma_start3A_167 : memref<1x128xf32, #tpu.memory_space<vmem>> -> memref<128xf32, #tpu.memory_space<vmem>>
    %dma_start3A_169 = arith.constant 0 : i32
    %dma_start3A_170 = tpu.memref_slice %arg6[%dma_start3A_164, %dma_start3A_169] : memref<50x128xi32, #tpu.memory_space<vmem>> -> memref<1x128xi32, #tpu.memory_space<vmem>>
    %dma_start3A_171 = tpu.memref_squeeze %dma_start3A_170 : memref<1x128xi32, #tpu.memory_space<vmem>> -> memref<128xi32, #tpu.memory_space<vmem>>
    %dma_start3A_172 = arith.constant 0 : i32
    %dma_start3A_173 = tpu.memref_slice %arg3[%dma_start3A_172] : memref<1048576xf32, #tpu.memory_space<hbm>> -> memref<1048576xf32, #tpu.memory_space<hbm>>
    tpu.enqueue_indirect_dma source(%dma_start3A_173 : memref<1048576xf32, #tpu.memory_space<hbm>>) target(%dma_start3A_168 : memref<128xf32, #tpu.memory_space<vmem>>) offsets(%dma_start3A_171 : memref<128xi32, #tpu.memory_space<vmem>>) semaphore(%arg10 : memref<!tpu.dma_semaphore, #tpu.memory_space<semaphore_mem>>)
    %dma_start3A_174 = arith.constant 17 : i32
    %dma_start3A_175 = arith.constant 17 : i32
    %dma_start3A_176 = arith.constant 0 : i32
    %dma_start3A_177 = tpu.memref_slice %arg7[%dma_start3A_175, %dma_start3A_176] : memref<50x128xf32, #tpu.memory_space<vmem>> -> memref<1x128xf32, #tpu.memory_space<vmem>>
    %dma_start3A_178 = tpu.memref_squeeze %dma_start3A_177 : memref<1x128xf32, #tpu.memory_space<vmem>> -> memref<128xf32, #tpu.memory_space<vmem>>
    %dma_start3A_179 = arith.constant 0 : i32
    %dma_start3A_180 = tpu.memref_slice %arg6[%dma_start3A_174, %dma_start3A_179] : memref<50x128xi32, #tpu.memory_space<vmem>> -> memref<1x128xi32, #tpu.memory_space<vmem>>
    %dma_start3A_181 = tpu.memref_squeeze %dma_start3A_180 : memref<1x128xi32, #tpu.memory_space<vmem>> -> memref<128xi32, #tpu.memory_space<vmem>>
    %dma_start3A_182 = arith.constant 0 : i32
    %dma_start3A_183 = tpu.memref_slice %arg3[%dma_start3A_182] : memref<1048576xf32, #tpu.memory_space<hbm>> -> memref<1048576xf32, #tpu.memory_space<hbm>>
    tpu.enqueue_indirect_dma source(%dma_start3A_183 : memref<1048576xf32, #tpu.memory_space<hbm>>) target(%dma_start3A_178 : memref<128xf32, #tpu.memory_space<vmem>>) offsets(%dma_start3A_181 : memref<128xi32, #tpu.memory_space<vmem>>) semaphore(%arg10 : memref<!tpu.dma_semaphore, #tpu.memory_space<semaphore_mem>>)
    %dma_start3A_184 = arith.constant 18 : i32
    %dma_start3A_185 = arith.constant 18 : i32
    %dma_start3A_186 = arith.constant 0 : i32
    %dma_start3A_187 = tpu.memref_slice %arg7[%dma_start3A_185, %dma_start3A_186] : memref<50x128xf32, #tpu.memory_space<vmem>> -> memref<1x128xf32, #tpu.memory_space<vmem>>
    %dma_start3A_188 = tpu.memref_squeeze %dma_start3A_187 : memref<1x128xf32, #tpu.memory_space<vmem>> -> memref<128xf32, #tpu.memory_space<vmem>>
    %dma_start3A_189 = arith.constant 0 : i32
    %dma_start3A_190 = tpu.memref_slice %arg6[%dma_start3A_184, %dma_start3A_189] : memref<50x128xi32, #tpu.memory_space<vmem>> -> memref<1x128xi32, #tpu.memory_space<vmem>>
    %dma_start3A_191 = tpu.memref_squeeze %dma_start3A_190 : memref<1x128xi32, #tpu.memory_space<vmem>> -> memref<128xi32, #tpu.memory_space<vmem>>
    %dma_start3A_192 = arith.constant 0 : i32
    %dma_start3A_193 = tpu.memref_slice %arg3[%dma_start3A_192] : memref<1048576xf32, #tpu.memory_space<hbm>> -> memref<1048576xf32, #tpu.memory_space<hbm>>
    tpu.enqueue_indirect_dma source(%dma_start3A_193 : memref<1048576xf32, #tpu.memory_space<hbm>>) target(%dma_start3A_188 : memref<128xf32, #tpu.memory_space<vmem>>) offsets(%dma_start3A_191 : memref<128xi32, #tpu.memory_space<vmem>>) semaphore(%arg10 : memref<!tpu.dma_semaphore, #tpu.memory_space<semaphore_mem>>)
    %dma_start3A_194 = arith.constant 19 : i32
    %dma_start3A_195 = arith.constant 19 : i32
    %dma_start3A_196 = arith.constant 0 : i32
    %dma_start3A_197 = tpu.memref_slice %arg7[%dma_start3A_195, %dma_start3A_196] : memref<50x128xf32, #tpu.memory_space<vmem>> -> memref<1x128xf32, #tpu.memory_space<vmem>>
    %dma_start3A_198 = tpu.memref_squeeze %dma_start3A_197 : memref<1x128xf32, #tpu.memory_space<vmem>> -> memref<128xf32, #tpu.memory_space<vmem>>
    %dma_start3A_199 = arith.constant 0 : i32
    %dma_start3A_200 = tpu.memref_slice %arg6[%dma_start3A_194, %dma_start3A_199] : memref<50x128xi32, #tpu.memory_space<vmem>> -> memref<1x128xi32, #tpu.memory_space<vmem>>
    %dma_start3A_201 = tpu.memref_squeeze %dma_start3A_200 : memref<1x128xi32, #tpu.memory_space<vmem>> -> memref<128xi32, #tpu.memory_space<vmem>>
    %dma_start3A_202 = arith.constant 0 : i32
    %dma_start3A_203 = tpu.memref_slice %arg3[%dma_start3A_202] : memref<1048576xf32, #tpu.memory_space<hbm>> -> memref<1048576xf32, #tpu.memory_space<hbm>>
    tpu.enqueue_indirect_dma source(%dma_start3A_203 : memref<1048576xf32, #tpu.memory_space<hbm>>) target(%dma_start3A_198 : memref<128xf32, #tpu.memory_space<vmem>>) offsets(%dma_start3A_201 : memref<128xi32, #tpu.memory_space<vmem>>) semaphore(%arg10 : memref<!tpu.dma_semaphore, #tpu.memory_space<semaphore_mem>>)
    %dma_start3A_204 = arith.constant 20 : i32
    %dma_start3A_205 = arith.constant 20 : i32
    %dma_start3A_206 = arith.constant 0 : i32
    %dma_start3A_207 = tpu.memref_slice %arg7[%dma_start3A_205, %dma_start3A_206] : memref<50x128xf32, #tpu.memory_space<vmem>> -> memref<1x128xf32, #tpu.memory_space<vmem>>
    %dma_start3A_208 = tpu.memref_squeeze %dma_start3A_207 : memref<1x128xf32, #tpu.memory_space<vmem>> -> memref<128xf32, #tpu.memory_space<vmem>>
    %dma_start3A_209 = arith.constant 0 : i32
    %dma_start3A_210 = tpu.memref_slice %arg6[%dma_start3A_204, %dma_start3A_209] : memref<50x128xi32, #tpu.memory_space<vmem>> -> memref<1x128xi32, #tpu.memory_space<vmem>>
    %dma_start3A_211 = tpu.memref_squeeze %dma_start3A_210 : memref<1x128xi32, #tpu.memory_space<vmem>> -> memref<128xi32, #tpu.memory_space<vmem>>
    %dma_start3A_212 = arith.constant 0 : i32
    %dma_start3A_213 = tpu.memref_slice %arg3[%dma_start3A_212] : memref<1048576xf32, #tpu.memory_space<hbm>> -> memref<1048576xf32, #tpu.memory_space<hbm>>
    tpu.enqueue_indirect_dma source(%dma_start3A_213 : memref<1048576xf32, #tpu.memory_space<hbm>>) target(%dma_start3A_208 : memref<128xf32, #tpu.memory_space<vmem>>) offsets(%dma_start3A_211 : memref<128xi32, #tpu.memory_space<vmem>>) semaphore(%arg10 : memref<!tpu.dma_semaphore, #tpu.memory_space<semaphore_mem>>)
    %dma_start3A_214 = arith.constant 21 : i32
    %dma_start3A_215 = arith.constant 21 : i32
    %dma_start3A_216 = arith.constant 0 : i32
    %dma_start3A_217 = tpu.memref_slice %arg7[%dma_start3A_215, %dma_start3A_216] : memref<50x128xf32, #tpu.memory_space<vmem>> -> memref<1x128xf32, #tpu.memory_space<vmem>>
    %dma_start3A_218 = tpu.memref_squeeze %dma_start3A_217 : memref<1x128xf32, #tpu.memory_space<vmem>> -> memref<128xf32, #tpu.memory_space<vmem>>
    %dma_start3A_219 = arith.constant 0 : i32
    %dma_start3A_220 = tpu.memref_slice %arg6[%dma_start3A_214, %dma_start3A_219] : memref<50x128xi32, #tpu.memory_space<vmem>> -> memref<1x128xi32, #tpu.memory_space<vmem>>
    %dma_start3A_221 = tpu.memref_squeeze %dma_start3A_220 : memref<1x128xi32, #tpu.memory_space<vmem>> -> memref<128xi32, #tpu.memory_space<vmem>>
    %dma_start3A_222 = arith.constant 0 : i32
    %dma_start3A_223 = tpu.memref_slice %arg3[%dma_start3A_222] : memref<1048576xf32, #tpu.memory_space<hbm>> -> memref<1048576xf32, #tpu.memory_space<hbm>>
    tpu.enqueue_indirect_dma source(%dma_start3A_223 : memref<1048576xf32, #tpu.memory_space<hbm>>) target(%dma_start3A_218 : memref<128xf32, #tpu.memory_space<vmem>>) offsets(%dma_start3A_221 : memref<128xi32, #tpu.memory_space<vmem>>) semaphore(%arg10 : memref<!tpu.dma_semaphore, #tpu.memory_space<semaphore_mem>>)
    %dma_start3A_224 = arith.constant 22 : i32
    %dma_start3A_225 = arith.constant 22 : i32
    %dma_start3A_226 = arith.constant 0 : i32
    %dma_start3A_227 = tpu.memref_slice %arg7[%dma_start3A_225, %dma_start3A_226] : memref<50x128xf32, #tpu.memory_space<vmem>> -> memref<1x128xf32, #tpu.memory_space<vmem>>
    %dma_start3A_228 = tpu.memref_squeeze %dma_start3A_227 : memref<1x128xf32, #tpu.memory_space<vmem>> -> memref<128xf32, #tpu.memory_space<vmem>>
    %dma_start3A_229 = arith.constant 0 : i32
    %dma_start3A_230 = tpu.memref_slice %arg6[%dma_start3A_224, %dma_start3A_229] : memref<50x128xi32, #tpu.memory_space<vmem>> -> memref<1x128xi32, #tpu.memory_space<vmem>>
    %dma_start3A_231 = tpu.memref_squeeze %dma_start3A_230 : memref<1x128xi32, #tpu.memory_space<vmem>> -> memref<128xi32, #tpu.memory_space<vmem>>
    %dma_start3A_232 = arith.constant 0 : i32
    %dma_start3A_233 = tpu.memref_slice %arg3[%dma_start3A_232] : memref<1048576xf32, #tpu.memory_space<hbm>> -> memref<1048576xf32, #tpu.memory_space<hbm>>
    tpu.enqueue_indirect_dma source(%dma_start3A_233 : memref<1048576xf32, #tpu.memory_space<hbm>>) target(%dma_start3A_228 : memref<128xf32, #tpu.memory_space<vmem>>) offsets(%dma_start3A_231 : memref<128xi32, #tpu.memory_space<vmem>>) semaphore(%arg10 : memref<!tpu.dma_semaphore, #tpu.memory_space<semaphore_mem>>)
    %dma_start3A_234 = arith.constant 23 : i32
    %dma_start3A_235 = arith.constant 23 : i32
    %dma_start3A_236 = arith.constant 0 : i32
    %dma_start3A_237 = tpu.memref_slice %arg7[%dma_start3A_235, %dma_start3A_236] : memref<50x128xf32, #tpu.memory_space<vmem>> -> memref<1x128xf32, #tpu.memory_space<vmem>>
    %dma_start3A_238 = tpu.memref_squeeze %dma_start3A_237 : memref<1x128xf32, #tpu.memory_space<vmem>> -> memref<128xf32, #tpu.memory_space<vmem>>
    %dma_start3A_239 = arith.constant 0 : i32
    %dma_start3A_240 = tpu.memref_slice %arg6[%dma_start3A_234, %dma_start3A_239] : memref<50x128xi32, #tpu.memory_space<vmem>> -> memref<1x128xi32, #tpu.memory_space<vmem>>
    %dma_start3A_241 = tpu.memref_squeeze %dma_start3A_240 : memref<1x128xi32, #tpu.memory_space<vmem>> -> memref<128xi32, #tpu.memory_space<vmem>>
    %dma_start3A_242 = arith.constant 0 : i32
    %dma_start3A_243 = tpu.memref_slice %arg3[%dma_start3A_242] : memref<1048576xf32, #tpu.memory_space<hbm>> -> memref<1048576xf32, #tpu.memory_space<hbm>>
    tpu.enqueue_indirect_dma source(%dma_start3A_243 : memref<1048576xf32, #tpu.memory_space<hbm>>) target(%dma_start3A_238 : memref<128xf32, #tpu.memory_space<vmem>>) offsets(%dma_start3A_241 : memref<128xi32, #tpu.memory_space<vmem>>) semaphore(%arg10 : memref<!tpu.dma_semaphore, #tpu.memory_space<semaphore_mem>>)
    %dma_start3A_244 = arith.constant 24 : i32
    %dma_start3A_245 = arith.constant 24 : i32
    %dma_start3A_246 = arith.constant 0 : i32
    %dma_start3A_247 = tpu.memref_slice %arg7[%dma_start3A_245, %dma_start3A_246] : memref<50x128xf32, #tpu.memory_space<vmem>> -> memref<1x128xf32, #tpu.memory_space<vmem>>
    %dma_start3A_248 = tpu.memref_squeeze %dma_start3A_247 : memref<1x128xf32, #tpu.memory_space<vmem>> -> memref<128xf32, #tpu.memory_space<vmem>>
    %dma_start3A_249 = arith.constant 0 : i32
    %dma_start3A_250 = tpu.memref_slice %arg6[%dma_start3A_244, %dma_start3A_249] : memref<50x128xi32, #tpu.memory_space<vmem>> -> memref<1x128xi32, #tpu.memory_space<vmem>>
    %dma_start3A_251 = tpu.memref_squeeze %dma_start3A_250 : memref<1x128xi32, #tpu.memory_space<vmem>> -> memref<128xi32, #tpu.memory_space<vmem>>
    %dma_start3A_252 = arith.constant 0 : i32
    %dma_start3A_253 = tpu.memref_slice %arg3[%dma_start3A_252] : memref<1048576xf32, #tpu.memory_space<hbm>> -> memref<1048576xf32, #tpu.memory_space<hbm>>
    tpu.enqueue_indirect_dma source(%dma_start3A_253 : memref<1048576xf32, #tpu.memory_space<hbm>>) target(%dma_start3A_248 : memref<128xf32, #tpu.memory_space<vmem>>) offsets(%dma_start3A_251 : memref<128xi32, #tpu.memory_space<vmem>>) semaphore(%arg10 : memref<!tpu.dma_semaphore, #tpu.memory_space<semaphore_mem>>)
    %dma_start3A_254 = arith.constant 25 : i32
    %dma_start3A_255 = arith.constant 25 : i32
    %dma_start3A_256 = arith.constant 0 : i32
    %dma_start3A_257 = tpu.memref_slice %arg7[%dma_start3A_255, %dma_start3A_256] : memref<50x128xf32, #tpu.memory_space<vmem>> -> memref<1x128xf32, #tpu.memory_space<vmem>>
    %dma_start3A_258 = tpu.memref_squeeze %dma_start3A_257 : memref<1x128xf32, #tpu.memory_space<vmem>> -> memref<128xf32, #tpu.memory_space<vmem>>
    %dma_start3A_259 = arith.constant 0 : i32
    %dma_start3A_260 = tpu.memref_slice %arg6[%dma_start3A_254, %dma_start3A_259] : memref<50x128xi32, #tpu.memory_space<vmem>> -> memref<1x128xi32, #tpu.memory_space<vmem>>
    %dma_start3A_261 = tpu.memref_squeeze %dma_start3A_260 : memref<1x128xi32, #tpu.memory_space<vmem>> -> memref<128xi32, #tpu.memory_space<vmem>>
    %dma_start3A_262 = arith.constant 0 : i32
    %dma_start3A_263 = tpu.memref_slice %arg3[%dma_start3A_262] : memref<1048576xf32, #tpu.memory_space<hbm>> -> memref<1048576xf32, #tpu.memory_space<hbm>>
    tpu.enqueue_indirect_dma source(%dma_start3A_263 : memref<1048576xf32, #tpu.memory_space<hbm>>) target(%dma_start3A_258 : memref<128xf32, #tpu.memory_space<vmem>>) offsets(%dma_start3A_261 : memref<128xi32, #tpu.memory_space<vmem>>) semaphore(%arg10 : memref<!tpu.dma_semaphore, #tpu.memory_space<semaphore_mem>>)
    %dma_start3A_264 = arith.constant 26 : i32
    %dma_start3A_265 = arith.constant 26 : i32
    %dma_start3A_266 = arith.constant 0 : i32
    %dma_start3A_267 = tpu.memref_slice %arg7[%dma_start3A_265, %dma_start3A_266] : memref<50x128xf32, #tpu.memory_space<vmem>> -> memref<1x128xf32, #tpu.memory_space<vmem>>
    %dma_start3A_268 = tpu.memref_squeeze %dma_start3A_267 : memref<1x128xf32, #tpu.memory_space<vmem>> -> memref<128xf32, #tpu.memory_space<vmem>>
    %dma_start3A_269 = arith.constant 0 : i32
    %dma_start3A_270 = tpu.memref_slice %arg6[%dma_start3A_264, %dma_start3A_269] : memref<50x128xi32, #tpu.memory_space<vmem>> -> memref<1x128xi32, #tpu.memory_space<vmem>>
    %dma_start3A_271 = tpu.memref_squeeze %dma_start3A_270 : memref<1x128xi32, #tpu.memory_space<vmem>> -> memref<128xi32, #tpu.memory_space<vmem>>
    %dma_start3A_272 = arith.constant 0 : i32
    %dma_start3A_273 = tpu.memref_slice %arg3[%dma_start3A_272] : memref<1048576xf32, #tpu.memory_space<hbm>> -> memref<1048576xf32, #tpu.memory_space<hbm>>
    tpu.enqueue_indirect_dma source(%dma_start3A_273 : memref<1048576xf32, #tpu.memory_space<hbm>>) target(%dma_start3A_268 : memref<128xf32, #tpu.memory_space<vmem>>) offsets(%dma_start3A_271 : memref<128xi32, #tpu.memory_space<vmem>>) semaphore(%arg10 : memref<!tpu.dma_semaphore, #tpu.memory_space<semaphore_mem>>)
    %dma_start3A_274 = arith.constant 27 : i32
    %dma_start3A_275 = arith.constant 27 : i32
    %dma_start3A_276 = arith.constant 0 : i32
    %dma_start3A_277 = tpu.memref_slice %arg7[%dma_start3A_275, %dma_start3A_276] : memref<50x128xf32, #tpu.memory_space<vmem>> -> memref<1x128xf32, #tpu.memory_space<vmem>>
    %dma_start3A_278 = tpu.memref_squeeze %dma_start3A_277 : memref<1x128xf32, #tpu.memory_space<vmem>> -> memref<128xf32, #tpu.memory_space<vmem>>
    %dma_start3A_279 = arith.constant 0 : i32
    %dma_start3A_280 = tpu.memref_slice %arg6[%dma_start3A_274, %dma_start3A_279] : memref<50x128xi32, #tpu.memory_space<vmem>> -> memref<1x128xi32, #tpu.memory_space<vmem>>
    %dma_start3A_281 = tpu.memref_squeeze %dma_start3A_280 : memref<1x128xi32, #tpu.memory_space<vmem>> -> memref<128xi32, #tpu.memory_space<vmem>>
    %dma_start3A_282 = arith.constant 0 : i32
    %dma_start3A_283 = tpu.memref_slice %arg3[%dma_start3A_282] : memref<1048576xf32, #tpu.memory_space<hbm>> -> memref<1048576xf32, #tpu.memory_space<hbm>>
    tpu.enqueue_indirect_dma source(%dma_start3A_283 : memref<1048576xf32, #tpu.memory_space<hbm>>) target(%dma_start3A_278 : memref<128xf32, #tpu.memory_space<vmem>>) offsets(%dma_start3A_281 : memref<128xi32, #tpu.memory_space<vmem>>) semaphore(%arg10 : memref<!tpu.dma_semaphore, #tpu.memory_space<semaphore_mem>>)
    %dma_start3A_284 = arith.constant 28 : i32
    %dma_start3A_285 = arith.constant 28 : i32
    %dma_start3A_286 = arith.constant 0 : i32
    %dma_start3A_287 = tpu.memref_slice %arg7[%dma_start3A_285, %dma_start3A_286] : memref<50x128xf32, #tpu.memory_space<vmem>> -> memref<1x128xf32, #tpu.memory_space<vmem>>
    %dma_start3A_288 = tpu.memref_squeeze %dma_start3A_287 : memref<1x128xf32, #tpu.memory_space<vmem>> -> memref<128xf32, #tpu.memory_space<vmem>>
    %dma_start3A_289 = arith.constant 0 : i32
    %dma_start3A_290 = tpu.memref_slice %arg6[%dma_start3A_284, %dma_start3A_289] : memref<50x128xi32, #tpu.memory_space<vmem>> -> memref<1x128xi32, #tpu.memory_space<vmem>>
    %dma_start3A_291 = tpu.memref_squeeze %dma_start3A_290 : memref<1x128xi32, #tpu.memory_space<vmem>> -> memref<128xi32, #tpu.memory_space<vmem>>
    %dma_start3A_292 = arith.constant 0 : i32
    %dma_start3A_293 = tpu.memref_slice %arg3[%dma_start3A_292] : memref<1048576xf32, #tpu.memory_space<hbm>> -> memref<1048576xf32, #tpu.memory_space<hbm>>
    tpu.enqueue_indirect_dma source(%dma_start3A_293 : memref<1048576xf32, #tpu.memory_space<hbm>>) target(%dma_start3A_288 : memref<128xf32, #tpu.memory_space<vmem>>) offsets(%dma_start3A_291 : memref<128xi32, #tpu.memory_space<vmem>>) semaphore(%arg10 : memref<!tpu.dma_semaphore, #tpu.memory_space<semaphore_mem>>)
    %dma_start3A_294 = arith.constant 29 : i32
    %dma_start3A_295 = arith.constant 29 : i32
    %dma_start3A_296 = arith.constant 0 : i32
    %dma_start3A_297 = tpu.memref_slice %arg7[%dma_start3A_295, %dma_start3A_296] : memref<50x128xf32, #tpu.memory_space<vmem>> -> memref<1x128xf32, #tpu.memory_space<vmem>>
    %dma_start3A_298 = tpu.memref_squeeze %dma_start3A_297 : memref<1x128xf32, #tpu.memory_space<vmem>> -> memref<128xf32, #tpu.memory_space<vmem>>
    %dma_start3A_299 = arith.constant 0 : i32
    %dma_start3A_300 = tpu.memref_slice %arg6[%dma_start3A_294, %dma_start3A_299] : memref<50x128xi32, #tpu.memory_space<vmem>> -> memref<1x128xi32, #tpu.memory_space<vmem>>
    %dma_start3A_301 = tpu.memref_squeeze %dma_start3A_300 : memref<1x128xi32, #tpu.memory_space<vmem>> -> memref<128xi32, #tpu.memory_space<vmem>>
    %dma_start3A_302 = arith.constant 0 : i32
    %dma_start3A_303 = tpu.memref_slice %arg3[%dma_start3A_302] : memref<1048576xf32, #tpu.memory_space<hbm>> -> memref<1048576xf32, #tpu.memory_space<hbm>>
    tpu.enqueue_indirect_dma source(%dma_start3A_303 : memref<1048576xf32, #tpu.memory_space<hbm>>) target(%dma_start3A_298 : memref<128xf32, #tpu.memory_space<vmem>>) offsets(%dma_start3A_301 : memref<128xi32, #tpu.memory_space<vmem>>) semaphore(%arg10 : memref<!tpu.dma_semaphore, #tpu.memory_space<semaphore_mem>>)
    %dma_start3A_304 = arith.constant 30 : i32
    %dma_start3A_305 = arith.constant 30 : i32
    %dma_start3A_306 = arith.constant 0 : i32
    %dma_start3A_307 = tpu.memref_slice %arg7[%dma_start3A_305, %dma_start3A_306] : memref<50x128xf32, #tpu.memory_space<vmem>> -> memref<1x128xf32, #tpu.memory_space<vmem>>
    %dma_start3A_308 = tpu.memref_squeeze %dma_start3A_307 : memref<1x128xf32, #tpu.memory_space<vmem>> -> memref<128xf32, #tpu.memory_space<vmem>>
    %dma_start3A_309 = arith.constant 0 : i32
    %dma_start3A_310 = tpu.memref_slice %arg6[%dma_start3A_304, %dma_start3A_309] : memref<50x128xi32, #tpu.memory_space<vmem>> -> memref<1x128xi32, #tpu.memory_space<vmem>>
    %dma_start3A_311 = tpu.memref_squeeze %dma_start3A_310 : memref<1x128xi32, #tpu.memory_space<vmem>> -> memref<128xi32, #tpu.memory_space<vmem>>
    %dma_start3A_312 = arith.constant 0 : i32
    %dma_start3A_313 = tpu.memref_slice %arg3[%dma_start3A_312] : memref<1048576xf32, #tpu.memory_space<hbm>> -> memref<1048576xf32, #tpu.memory_space<hbm>>
    tpu.enqueue_indirect_dma source(%dma_start3A_313 : memref<1048576xf32, #tpu.memory_space<hbm>>) target(%dma_start3A_308 : memref<128xf32, #tpu.memory_space<vmem>>) offsets(%dma_start3A_311 : memref<128xi32, #tpu.memory_space<vmem>>) semaphore(%arg10 : memref<!tpu.dma_semaphore, #tpu.memory_space<semaphore_mem>>)
    %dma_start3A_314 = arith.constant 31 : i32
    %dma_start3A_315 = arith.constant 31 : i32
    %dma_start3A_316 = arith.constant 0 : i32
    %dma_start3A_317 = tpu.memref_slice %arg7[%dma_start3A_315, %dma_start3A_316] : memref<50x128xf32, #tpu.memory_space<vmem>> -> memref<1x128xf32, #tpu.memory_space<vmem>>
    %dma_start3A_318 = tpu.memref_squeeze %dma_start3A_317 : memref<1x128xf32, #tpu.memory_space<vmem>> -> memref<128xf32, #tpu.memory_space<vmem>>
    %dma_start3A_319 = arith.constant 0 : i32
    %dma_start3A_320 = tpu.memref_slice %arg6[%dma_start3A_314, %dma_start3A_319] : memref<50x128xi32, #tpu.memory_space<vmem>> -> memref<1x128xi32, #tpu.memory_space<vmem>>
    %dma_start3A_321 = tpu.memref_squeeze %dma_start3A_320 : memref<1x128xi32, #tpu.memory_space<vmem>> -> memref<128xi32, #tpu.memory_space<vmem>>
    %dma_start3A_322 = arith.constant 0 : i32
    %dma_start3A_323 = tpu.memref_slice %arg3[%dma_start3A_322] : memref<1048576xf32, #tpu.memory_space<hbm>> -> memref<1048576xf32, #tpu.memory_space<hbm>>
    tpu.enqueue_indirect_dma source(%dma_start3A_323 : memref<1048576xf32, #tpu.memory_space<hbm>>) target(%dma_start3A_318 : memref<128xf32, #tpu.memory_space<vmem>>) offsets(%dma_start3A_321 : memref<128xi32, #tpu.memory_space<vmem>>) semaphore(%arg10 : memref<!tpu.dma_semaphore, #tpu.memory_space<semaphore_mem>>)
    %dma_start3A_324 = arith.constant 32 : i32
    %dma_start3A_325 = arith.constant 32 : i32
    %dma_start3A_326 = arith.constant 0 : i32
    %dma_start3A_327 = tpu.memref_slice %arg7[%dma_start3A_325, %dma_start3A_326] : memref<50x128xf32, #tpu.memory_space<vmem>> -> memref<1x128xf32, #tpu.memory_space<vmem>>
    %dma_start3A_328 = tpu.memref_squeeze %dma_start3A_327 : memref<1x128xf32, #tpu.memory_space<vmem>> -> memref<128xf32, #tpu.memory_space<vmem>>
    %dma_start3A_329 = arith.constant 0 : i32
    %dma_start3A_330 = tpu.memref_slice %arg6[%dma_start3A_324, %dma_start3A_329] : memref<50x128xi32, #tpu.memory_space<vmem>> -> memref<1x128xi32, #tpu.memory_space<vmem>>
    %dma_start3A_331 = tpu.memref_squeeze %dma_start3A_330 : memref<1x128xi32, #tpu.memory_space<vmem>> -> memref<128xi32, #tpu.memory_space<vmem>>
    %dma_start3A_332 = arith.constant 0 : i32
    %dma_start3A_333 = tpu.memref_slice %arg3[%dma_start3A_332] : memref<1048576xf32, #tpu.memory_space<hbm>> -> memref<1048576xf32, #tpu.memory_space<hbm>>
    tpu.enqueue_indirect_dma source(%dma_start3A_333 : memref<1048576xf32, #tpu.memory_space<hbm>>) target(%dma_start3A_328 : memref<128xf32, #tpu.memory_space<vmem>>) offsets(%dma_start3A_331 : memref<128xi32, #tpu.memory_space<vmem>>) semaphore(%arg10 : memref<!tpu.dma_semaphore, #tpu.memory_space<semaphore_mem>>)
    %dma_start3A_334 = arith.constant 33 : i32
    %dma_start3A_335 = arith.constant 33 : i32
    %dma_start3A_336 = arith.constant 0 : i32
    %dma_start3A_337 = tpu.memref_slice %arg7[%dma_start3A_335, %dma_start3A_336] : memref<50x128xf32, #tpu.memory_space<vmem>> -> memref<1x128xf32, #tpu.memory_space<vmem>>
    %dma_start3A_338 = tpu.memref_squeeze %dma_start3A_337 : memref<1x128xf32, #tpu.memory_space<vmem>> -> memref<128xf32, #tpu.memory_space<vmem>>
    %dma_start3A_339 = arith.constant 0 : i32
    %dma_start3A_340 = tpu.memref_slice %arg6[%dma_start3A_334, %dma_start3A_339] : memref<50x128xi32, #tpu.memory_space<vmem>> -> memref<1x128xi32, #tpu.memory_space<vmem>>
    %dma_start3A_341 = tpu.memref_squeeze %dma_start3A_340 : memref<1x128xi32, #tpu.memory_space<vmem>> -> memref<128xi32, #tpu.memory_space<vmem>>
    %dma_start3A_342 = arith.constant 0 : i32
    %dma_start3A_343 = tpu.memref_slice %arg3[%dma_start3A_342] : memref<1048576xf32, #tpu.memory_space<hbm>> -> memref<1048576xf32, #tpu.memory_space<hbm>>
    tpu.enqueue_indirect_dma source(%dma_start3A_343 : memref<1048576xf32, #tpu.memory_space<hbm>>) target(%dma_start3A_338 : memref<128xf32, #tpu.memory_space<vmem>>) offsets(%dma_start3A_341 : memref<128xi32, #tpu.memory_space<vmem>>) semaphore(%arg10 : memref<!tpu.dma_semaphore, #tpu.memory_space<semaphore_mem>>)
    %dma_start3A_344 = arith.constant 34 : i32
    %dma_start3A_345 = arith.constant 34 : i32
    %dma_start3A_346 = arith.constant 0 : i32
    %dma_start3A_347 = tpu.memref_slice %arg7[%dma_start3A_345, %dma_start3A_346] : memref<50x128xf32, #tpu.memory_space<vmem>> -> memref<1x128xf32, #tpu.memory_space<vmem>>
    %dma_start3A_348 = tpu.memref_squeeze %dma_start3A_347 : memref<1x128xf32, #tpu.memory_space<vmem>> -> memref<128xf32, #tpu.memory_space<vmem>>
    %dma_start3A_349 = arith.constant 0 : i32
    %dma_start3A_350 = tpu.memref_slice %arg6[%dma_start3A_344, %dma_start3A_349] : memref<50x128xi32, #tpu.memory_space<vmem>> -> memref<1x128xi32, #tpu.memory_space<vmem>>
    %dma_start3A_351 = tpu.memref_squeeze %dma_start3A_350 : memref<1x128xi32, #tpu.memory_space<vmem>> -> memref<128xi32, #tpu.memory_space<vmem>>
    %dma_start3A_352 = arith.constant 0 : i32
    %dma_start3A_353 = tpu.memref_slice %arg3[%dma_start3A_352] : memref<1048576xf32, #tpu.memory_space<hbm>> -> memref<1048576xf32, #tpu.memory_space<hbm>>
    tpu.enqueue_indirect_dma source(%dma_start3A_353 : memref<1048576xf32, #tpu.memory_space<hbm>>) target(%dma_start3A_348 : memref<128xf32, #tpu.memory_space<vmem>>) offsets(%dma_start3A_351 : memref<128xi32, #tpu.memory_space<vmem>>) semaphore(%arg10 : memref<!tpu.dma_semaphore, #tpu.memory_space<semaphore_mem>>)
    %dma_start3A_354 = arith.constant 35 : i32
    %dma_start3A_355 = arith.constant 35 : i32
    %dma_start3A_356 = arith.constant 0 : i32
    %dma_start3A_357 = tpu.memref_slice %arg7[%dma_start3A_355, %dma_start3A_356] : memref<50x128xf32, #tpu.memory_space<vmem>> -> memref<1x128xf32, #tpu.memory_space<vmem>>
    %dma_start3A_358 = tpu.memref_squeeze %dma_start3A_357 : memref<1x128xf32, #tpu.memory_space<vmem>> -> memref<128xf32, #tpu.memory_space<vmem>>
    %dma_start3A_359 = arith.constant 0 : i32
    %dma_start3A_360 = tpu.memref_slice %arg6[%dma_start3A_354, %dma_start3A_359] : memref<50x128xi32, #tpu.memory_space<vmem>> -> memref<1x128xi32, #tpu.memory_space<vmem>>
    %dma_start3A_361 = tpu.memref_squeeze %dma_start3A_360 : memref<1x128xi32, #tpu.memory_space<vmem>> -> memref<128xi32, #tpu.memory_space<vmem>>
    %dma_start3A_362 = arith.constant 0 : i32
    %dma_start3A_363 = tpu.memref_slice %arg3[%dma_start3A_362] : memref<1048576xf32, #tpu.memory_space<hbm>> -> memref<1048576xf32, #tpu.memory_space<hbm>>
    tpu.enqueue_indirect_dma source(%dma_start3A_363 : memref<1048576xf32, #tpu.memory_space<hbm>>) target(%dma_start3A_358 : memref<128xf32, #tpu.memory_space<vmem>>) offsets(%dma_start3A_361 : memref<128xi32, #tpu.memory_space<vmem>>) semaphore(%arg10 : memref<!tpu.dma_semaphore, #tpu.memory_space<semaphore_mem>>)
    %dma_start3A_364 = arith.constant 36 : i32
    %dma_start3A_365 = arith.constant 36 : i32
    %dma_start3A_366 = arith.constant 0 : i32
    %dma_start3A_367 = tpu.memref_slice %arg7[%dma_start3A_365, %dma_start3A_366] : memref<50x128xf32, #tpu.memory_space<vmem>> -> memref<1x128xf32, #tpu.memory_space<vmem>>
    %dma_start3A_368 = tpu.memref_squeeze %dma_start3A_367 : memref<1x128xf32, #tpu.memory_space<vmem>> -> memref<128xf32, #tpu.memory_space<vmem>>
    %dma_start3A_369 = arith.constant 0 : i32
    %dma_start3A_370 = tpu.memref_slice %arg6[%dma_start3A_364, %dma_start3A_369] : memref<50x128xi32, #tpu.memory_space<vmem>> -> memref<1x128xi32, #tpu.memory_space<vmem>>
    %dma_start3A_371 = tpu.memref_squeeze %dma_start3A_370 : memref<1x128xi32, #tpu.memory_space<vmem>> -> memref<128xi32, #tpu.memory_space<vmem>>
    %dma_start3A_372 = arith.constant 0 : i32
    %dma_start3A_373 = tpu.memref_slice %arg3[%dma_start3A_372] : memref<1048576xf32, #tpu.memory_space<hbm>> -> memref<1048576xf32, #tpu.memory_space<hbm>>
    tpu.enqueue_indirect_dma source(%dma_start3A_373 : memref<1048576xf32, #tpu.memory_space<hbm>>) target(%dma_start3A_368 : memref<128xf32, #tpu.memory_space<vmem>>) offsets(%dma_start3A_371 : memref<128xi32, #tpu.memory_space<vmem>>) semaphore(%arg10 : memref<!tpu.dma_semaphore, #tpu.memory_space<semaphore_mem>>)
    %dma_start3A_374 = arith.constant 37 : i32
    %dma_start3A_375 = arith.constant 37 : i32
    %dma_start3A_376 = arith.constant 0 : i32
    %dma_start3A_377 = tpu.memref_slice %arg7[%dma_start3A_375, %dma_start3A_376] : memref<50x128xf32, #tpu.memory_space<vmem>> -> memref<1x128xf32, #tpu.memory_space<vmem>>
    %dma_start3A_378 = tpu.memref_squeeze %dma_start3A_377 : memref<1x128xf32, #tpu.memory_space<vmem>> -> memref<128xf32, #tpu.memory_space<vmem>>
    %dma_start3A_379 = arith.constant 0 : i32
    %dma_start3A_380 = tpu.memref_slice %arg6[%dma_start3A_374, %dma_start3A_379] : memref<50x128xi32, #tpu.memory_space<vmem>> -> memref<1x128xi32, #tpu.memory_space<vmem>>
    %dma_start3A_381 = tpu.memref_squeeze %dma_start3A_380 : memref<1x128xi32, #tpu.memory_space<vmem>> -> memref<128xi32, #tpu.memory_space<vmem>>
    %dma_start3A_382 = arith.constant 0 : i32
    %dma_start3A_383 = tpu.memref_slice %arg3[%dma_start3A_382] : memref<1048576xf32, #tpu.memory_space<hbm>> -> memref<1048576xf32, #tpu.memory_space<hbm>>
    tpu.enqueue_indirect_dma source(%dma_start3A_383 : memref<1048576xf32, #tpu.memory_space<hbm>>) target(%dma_start3A_378 : memref<128xf32, #tpu.memory_space<vmem>>) offsets(%dma_start3A_381 : memref<128xi32, #tpu.memory_space<vmem>>) semaphore(%arg10 : memref<!tpu.dma_semaphore, #tpu.memory_space<semaphore_mem>>)
    %dma_start3A_384 = arith.constant 38 : i32
    %dma_start3A_385 = arith.constant 38 : i32
    %dma_start3A_386 = arith.constant 0 : i32
    %dma_start3A_387 = tpu.memref_slice %arg7[%dma_start3A_385, %dma_start3A_386] : memref<50x128xf32, #tpu.memory_space<vmem>> -> memref<1x128xf32, #tpu.memory_space<vmem>>
    %dma_start3A_388 = tpu.memref_squeeze %dma_start3A_387 : memref<1x128xf32, #tpu.memory_space<vmem>> -> memref<128xf32, #tpu.memory_space<vmem>>
    %dma_start3A_389 = arith.constant 0 : i32
    %dma_start3A_390 = tpu.memref_slice %arg6[%dma_start3A_384, %dma_start3A_389] : memref<50x128xi32, #tpu.memory_space<vmem>> -> memref<1x128xi32, #tpu.memory_space<vmem>>
    %dma_start3A_391 = tpu.memref_squeeze %dma_start3A_390 : memref<1x128xi32, #tpu.memory_space<vmem>> -> memref<128xi32, #tpu.memory_space<vmem>>
    %dma_start3A_392 = arith.constant 0 : i32
    %dma_start3A_393 = tpu.memref_slice %arg3[%dma_start3A_392] : memref<1048576xf32, #tpu.memory_space<hbm>> -> memref<1048576xf32, #tpu.memory_space<hbm>>
    tpu.enqueue_indirect_dma source(%dma_start3A_393 : memref<1048576xf32, #tpu.memory_space<hbm>>) target(%dma_start3A_388 : memref<128xf32, #tpu.memory_space<vmem>>) offsets(%dma_start3A_391 : memref<128xi32, #tpu.memory_space<vmem>>) semaphore(%arg10 : memref<!tpu.dma_semaphore, #tpu.memory_space<semaphore_mem>>)
    %dma_start3A_394 = arith.constant 39 : i32
    %dma_start3A_395 = arith.constant 39 : i32
    %dma_start3A_396 = arith.constant 0 : i32
    %dma_start3A_397 = tpu.memref_slice %arg7[%dma_start3A_395, %dma_start3A_396] : memref<50x128xf32, #tpu.memory_space<vmem>> -> memref<1x128xf32, #tpu.memory_space<vmem>>
    %dma_start3A_398 = tpu.memref_squeeze %dma_start3A_397 : memref<1x128xf32, #tpu.memory_space<vmem>> -> memref<128xf32, #tpu.memory_space<vmem>>
    %dma_start3A_399 = arith.constant 0 : i32
    %dma_start3A_400 = tpu.memref_slice %arg6[%dma_start3A_394, %dma_start3A_399] : memref<50x128xi32, #tpu.memory_space<vmem>> -> memref<1x128xi32, #tpu.memory_space<vmem>>
    %dma_start3A_401 = tpu.memref_squeeze %dma_start3A_400 : memref<1x128xi32, #tpu.memory_space<vmem>> -> memref<128xi32, #tpu.memory_space<vmem>>
    %dma_start3A_402 = arith.constant 0 : i32
    %dma_start3A_403 = tpu.memref_slice %arg3[%dma_start3A_402] : memref<1048576xf32, #tpu.memory_space<hbm>> -> memref<1048576xf32, #tpu.memory_space<hbm>>
    tpu.enqueue_indirect_dma source(%dma_start3A_403 : memref<1048576xf32, #tpu.memory_space<hbm>>) target(%dma_start3A_398 : memref<128xf32, #tpu.memory_space<vmem>>) offsets(%dma_start3A_401 : memref<128xi32, #tpu.memory_space<vmem>>) semaphore(%arg10 : memref<!tpu.dma_semaphore, #tpu.memory_space<semaphore_mem>>)
    %dma_start3A_404 = arith.constant 40 : i32
    %dma_start3A_405 = arith.constant 40 : i32
    %dma_start3A_406 = arith.constant 0 : i32
    %dma_start3A_407 = tpu.memref_slice %arg7[%dma_start3A_405, %dma_start3A_406] : memref<50x128xf32, #tpu.memory_space<vmem>> -> memref<1x128xf32, #tpu.memory_space<vmem>>
    %dma_start3A_408 = tpu.memref_squeeze %dma_start3A_407 : memref<1x128xf32, #tpu.memory_space<vmem>> -> memref<128xf32, #tpu.memory_space<vmem>>
    %dma_start3A_409 = arith.constant 0 : i32
    %dma_start3A_410 = tpu.memref_slice %arg6[%dma_start3A_404, %dma_start3A_409] : memref<50x128xi32, #tpu.memory_space<vmem>> -> memref<1x128xi32, #tpu.memory_space<vmem>>
    %dma_start3A_411 = tpu.memref_squeeze %dma_start3A_410 : memref<1x128xi32, #tpu.memory_space<vmem>> -> memref<128xi32, #tpu.memory_space<vmem>>
    %dma_start3A_412 = arith.constant 0 : i32
    %dma_start3A_413 = tpu.memref_slice %arg3[%dma_start3A_412] : memref<1048576xf32, #tpu.memory_space<hbm>> -> memref<1048576xf32, #tpu.memory_space<hbm>>
    tpu.enqueue_indirect_dma source(%dma_start3A_413 : memref<1048576xf32, #tpu.memory_space<hbm>>) target(%dma_start3A_408 : memref<128xf32, #tpu.memory_space<vmem>>) offsets(%dma_start3A_411 : memref<128xi32, #tpu.memory_space<vmem>>) semaphore(%arg10 : memref<!tpu.dma_semaphore, #tpu.memory_space<semaphore_mem>>)
    %dma_start3A_414 = arith.constant 41 : i32
    %dma_start3A_415 = arith.constant 41 : i32
    %dma_start3A_416 = arith.constant 0 : i32
    %dma_start3A_417 = tpu.memref_slice %arg7[%dma_start3A_415, %dma_start3A_416] : memref<50x128xf32, #tpu.memory_space<vmem>> -> memref<1x128xf32, #tpu.memory_space<vmem>>
    %dma_start3A_418 = tpu.memref_squeeze %dma_start3A_417 : memref<1x128xf32, #tpu.memory_space<vmem>> -> memref<128xf32, #tpu.memory_space<vmem>>
    %dma_start3A_419 = arith.constant 0 : i32
    %dma_start3A_420 = tpu.memref_slice %arg6[%dma_start3A_414, %dma_start3A_419] : memref<50x128xi32, #tpu.memory_space<vmem>> -> memref<1x128xi32, #tpu.memory_space<vmem>>
    %dma_start3A_421 = tpu.memref_squeeze %dma_start3A_420 : memref<1x128xi32, #tpu.memory_space<vmem>> -> memref<128xi32, #tpu.memory_space<vmem>>
    %dma_start3A_422 = arith.constant 0 : i32
    %dma_start3A_423 = tpu.memref_slice %arg3[%dma_start3A_422] : memref<1048576xf32, #tpu.memory_space<hbm>> -> memref<1048576xf32, #tpu.memory_space<hbm>>
    tpu.enqueue_indirect_dma source(%dma_start3A_423 : memref<1048576xf32, #tpu.memory_space<hbm>>) target(%dma_start3A_418 : memref<128xf32, #tpu.memory_space<vmem>>) offsets(%dma_start3A_421 : memref<128xi32, #tpu.memory_space<vmem>>) semaphore(%arg10 : memref<!tpu.dma_semaphore, #tpu.memory_space<semaphore_mem>>)
    %dma_start3A_424 = arith.constant 42 : i32
    %dma_start3A_425 = arith.constant 42 : i32
    %dma_start3A_426 = arith.constant 0 : i32
    %dma_start3A_427 = tpu.memref_slice %arg7[%dma_start3A_425, %dma_start3A_426] : memref<50x128xf32, #tpu.memory_space<vmem>> -> memref<1x128xf32, #tpu.memory_space<vmem>>
    %dma_start3A_428 = tpu.memref_squeeze %dma_start3A_427 : memref<1x128xf32, #tpu.memory_space<vmem>> -> memref<128xf32, #tpu.memory_space<vmem>>
    %dma_start3A_429 = arith.constant 0 : i32
    %dma_start3A_430 = tpu.memref_slice %arg6[%dma_start3A_424, %dma_start3A_429] : memref<50x128xi32, #tpu.memory_space<vmem>> -> memref<1x128xi32, #tpu.memory_space<vmem>>
    %dma_start3A_431 = tpu.memref_squeeze %dma_start3A_430 : memref<1x128xi32, #tpu.memory_space<vmem>> -> memref<128xi32, #tpu.memory_space<vmem>>
    %dma_start3A_432 = arith.constant 0 : i32
    %dma_start3A_433 = tpu.memref_slice %arg3[%dma_start3A_432] : memref<1048576xf32, #tpu.memory_space<hbm>> -> memref<1048576xf32, #tpu.memory_space<hbm>>
    tpu.enqueue_indirect_dma source(%dma_start3A_433 : memref<1048576xf32, #tpu.memory_space<hbm>>) target(%dma_start3A_428 : memref<128xf32, #tpu.memory_space<vmem>>) offsets(%dma_start3A_431 : memref<128xi32, #tpu.memory_space<vmem>>) semaphore(%arg10 : memref<!tpu.dma_semaphore, #tpu.memory_space<semaphore_mem>>)
    %dma_start3A_434 = arith.constant 43 : i32
    %dma_start3A_435 = arith.constant 43 : i32
    %dma_start3A_436 = arith.constant 0 : i32
    %dma_start3A_437 = tpu.memref_slice %arg7[%dma_start3A_435, %dma_start3A_436] : memref<50x128xf32, #tpu.memory_space<vmem>> -> memref<1x128xf32, #tpu.memory_space<vmem>>
    %dma_start3A_438 = tpu.memref_squeeze %dma_start3A_437 : memref<1x128xf32, #tpu.memory_space<vmem>> -> memref<128xf32, #tpu.memory_space<vmem>>
    %dma_start3A_439 = arith.constant 0 : i32
    %dma_start3A_440 = tpu.memref_slice %arg6[%dma_start3A_434, %dma_start3A_439] : memref<50x128xi32, #tpu.memory_space<vmem>> -> memref<1x128xi32, #tpu.memory_space<vmem>>
    %dma_start3A_441 = tpu.memref_squeeze %dma_start3A_440 : memref<1x128xi32, #tpu.memory_space<vmem>> -> memref<128xi32, #tpu.memory_space<vmem>>
    %dma_start3A_442 = arith.constant 0 : i32
    %dma_start3A_443 = tpu.memref_slice %arg3[%dma_start3A_442] : memref<1048576xf32, #tpu.memory_space<hbm>> -> memref<1048576xf32, #tpu.memory_space<hbm>>
    tpu.enqueue_indirect_dma source(%dma_start3A_443 : memref<1048576xf32, #tpu.memory_space<hbm>>) target(%dma_start3A_438 : memref<128xf32, #tpu.memory_space<vmem>>) offsets(%dma_start3A_441 : memref<128xi32, #tpu.memory_space<vmem>>) semaphore(%arg10 : memref<!tpu.dma_semaphore, #tpu.memory_space<semaphore_mem>>)
    %dma_start3A_444 = arith.constant 44 : i32
    %dma_start3A_445 = arith.constant 44 : i32
    %dma_start3A_446 = arith.constant 0 : i32
    %dma_start3A_447 = tpu.memref_slice %arg7[%dma_start3A_445, %dma_start3A_446] : memref<50x128xf32, #tpu.memory_space<vmem>> -> memref<1x128xf32, #tpu.memory_space<vmem>>
    %dma_start3A_448 = tpu.memref_squeeze %dma_start3A_447 : memref<1x128xf32, #tpu.memory_space<vmem>> -> memref<128xf32, #tpu.memory_space<vmem>>
    %dma_start3A_449 = arith.constant 0 : i32
    %dma_start3A_450 = tpu.memref_slice %arg6[%dma_start3A_444, %dma_start3A_449] : memref<50x128xi32, #tpu.memory_space<vmem>> -> memref<1x128xi32, #tpu.memory_space<vmem>>
    %dma_start3A_451 = tpu.memref_squeeze %dma_start3A_450 : memref<1x128xi32, #tpu.memory_space<vmem>> -> memref<128xi32, #tpu.memory_space<vmem>>
    %dma_start3A_452 = arith.constant 0 : i32
    %dma_start3A_453 = tpu.memref_slice %arg3[%dma_start3A_452] : memref<1048576xf32, #tpu.memory_space<hbm>> -> memref<1048576xf32, #tpu.memory_space<hbm>>
    tpu.enqueue_indirect_dma source(%dma_start3A_453 : memref<1048576xf32, #tpu.memory_space<hbm>>) target(%dma_start3A_448 : memref<128xf32, #tpu.memory_space<vmem>>) offsets(%dma_start3A_451 : memref<128xi32, #tpu.memory_space<vmem>>) semaphore(%arg10 : memref<!tpu.dma_semaphore, #tpu.memory_space<semaphore_mem>>)
    %dma_start3A_454 = arith.constant 45 : i32
    %dma_start3A_455 = arith.constant 45 : i32
    %dma_start3A_456 = arith.constant 0 : i32
    %dma_start3A_457 = tpu.memref_slice %arg7[%dma_start3A_455, %dma_start3A_456] : memref<50x128xf32, #tpu.memory_space<vmem>> -> memref<1x128xf32, #tpu.memory_space<vmem>>
    %dma_start3A_458 = tpu.memref_squeeze %dma_start3A_457 : memref<1x128xf32, #tpu.memory_space<vmem>> -> memref<128xf32, #tpu.memory_space<vmem>>
    %dma_start3A_459 = arith.constant 0 : i32
    %dma_start3A_460 = tpu.memref_slice %arg6[%dma_start3A_454, %dma_start3A_459] : memref<50x128xi32, #tpu.memory_space<vmem>> -> memref<1x128xi32, #tpu.memory_space<vmem>>
    %dma_start3A_461 = tpu.memref_squeeze %dma_start3A_460 : memref<1x128xi32, #tpu.memory_space<vmem>> -> memref<128xi32, #tpu.memory_space<vmem>>
    %dma_start3A_462 = arith.constant 0 : i32
    %dma_start3A_463 = tpu.memref_slice %arg3[%dma_start3A_462] : memref<1048576xf32, #tpu.memory_space<hbm>> -> memref<1048576xf32, #tpu.memory_space<hbm>>
    tpu.enqueue_indirect_dma source(%dma_start3A_463 : memref<1048576xf32, #tpu.memory_space<hbm>>) target(%dma_start3A_458 : memref<128xf32, #tpu.memory_space<vmem>>) offsets(%dma_start3A_461 : memref<128xi32, #tpu.memory_space<vmem>>) semaphore(%arg10 : memref<!tpu.dma_semaphore, #tpu.memory_space<semaphore_mem>>)
    %dma_start3A_464 = arith.constant 46 : i32
    %dma_start3A_465 = arith.constant 46 : i32
    %dma_start3A_466 = arith.constant 0 : i32
    %dma_start3A_467 = tpu.memref_slice %arg7[%dma_start3A_465, %dma_start3A_466] : memref<50x128xf32, #tpu.memory_space<vmem>> -> memref<1x128xf32, #tpu.memory_space<vmem>>
    %dma_start3A_468 = tpu.memref_squeeze %dma_start3A_467 : memref<1x128xf32, #tpu.memory_space<vmem>> -> memref<128xf32, #tpu.memory_space<vmem>>
    %dma_start3A_469 = arith.constant 0 : i32
    %dma_start3A_470 = tpu.memref_slice %arg6[%dma_start3A_464, %dma_start3A_469] : memref<50x128xi32, #tpu.memory_space<vmem>> -> memref<1x128xi32, #tpu.memory_space<vmem>>
    %dma_start3A_471 = tpu.memref_squeeze %dma_start3A_470 : memref<1x128xi32, #tpu.memory_space<vmem>> -> memref<128xi32, #tpu.memory_space<vmem>>
    %dma_start3A_472 = arith.constant 0 : i32
    %dma_start3A_473 = tpu.memref_slice %arg3[%dma_start3A_472] : memref<1048576xf32, #tpu.memory_space<hbm>> -> memref<1048576xf32, #tpu.memory_space<hbm>>
    tpu.enqueue_indirect_dma source(%dma_start3A_473 : memref<1048576xf32, #tpu.memory_space<hbm>>) target(%dma_start3A_468 : memref<128xf32, #tpu.memory_space<vmem>>) offsets(%dma_start3A_471 : memref<128xi32, #tpu.memory_space<vmem>>) semaphore(%arg10 : memref<!tpu.dma_semaphore, #tpu.memory_space<semaphore_mem>>)
    %dma_start3A_474 = arith.constant 47 : i32
    %dma_start3A_475 = arith.constant 47 : i32
    %dma_start3A_476 = arith.constant 0 : i32
    %dma_start3A_477 = tpu.memref_slice %arg7[%dma_start3A_475, %dma_start3A_476] : memref<50x128xf32, #tpu.memory_space<vmem>> -> memref<1x128xf32, #tpu.memory_space<vmem>>
    %dma_start3A_478 = tpu.memref_squeeze %dma_start3A_477 : memref<1x128xf32, #tpu.memory_space<vmem>> -> memref<128xf32, #tpu.memory_space<vmem>>
    %dma_start3A_479 = arith.constant 0 : i32
    %dma_start3A_480 = tpu.memref_slice %arg6[%dma_start3A_474, %dma_start3A_479] : memref<50x128xi32, #tpu.memory_space<vmem>> -> memref<1x128xi32, #tpu.memory_space<vmem>>
    %dma_start3A_481 = tpu.memref_squeeze %dma_start3A_480 : memref<1x128xi32, #tpu.memory_space<vmem>> -> memref<128xi32, #tpu.memory_space<vmem>>
    %dma_start3A_482 = arith.constant 0 : i32
    %dma_start3A_483 = tpu.memref_slice %arg3[%dma_start3A_482] : memref<1048576xf32, #tpu.memory_space<hbm>> -> memref<1048576xf32, #tpu.memory_space<hbm>>
    tpu.enqueue_indirect_dma source(%dma_start3A_483 : memref<1048576xf32, #tpu.memory_space<hbm>>) target(%dma_start3A_478 : memref<128xf32, #tpu.memory_space<vmem>>) offsets(%dma_start3A_481 : memref<128xi32, #tpu.memory_space<vmem>>) semaphore(%arg10 : memref<!tpu.dma_semaphore, #tpu.memory_space<semaphore_mem>>)
    %dma_start3A_484 = arith.constant 48 : i32
    %dma_start3A_485 = arith.constant 48 : i32
    %dma_start3A_486 = arith.constant 0 : i32
    %dma_start3A_487 = tpu.memref_slice %arg7[%dma_start3A_485, %dma_start3A_486] : memref<50x128xf32, #tpu.memory_space<vmem>> -> memref<1x128xf32, #tpu.memory_space<vmem>>
    %dma_start3A_488 = tpu.memref_squeeze %dma_start3A_487 : memref<1x128xf32, #tpu.memory_space<vmem>> -> memref<128xf32, #tpu.memory_space<vmem>>
    %dma_start3A_489 = arith.constant 0 : i32
    %dma_start3A_490 = tpu.memref_slice %arg6[%dma_start3A_484, %dma_start3A_489] : memref<50x128xi32, #tpu.memory_space<vmem>> -> memref<1x128xi32, #tpu.memory_space<vmem>>
    %dma_start3A_491 = tpu.memref_squeeze %dma_start3A_490 : memref<1x128xi32, #tpu.memory_space<vmem>> -> memref<128xi32, #tpu.memory_space<vmem>>
    %dma_start3A_492 = arith.constant 0 : i32
    %dma_start3A_493 = tpu.memref_slice %arg3[%dma_start3A_492] : memref<1048576xf32, #tpu.memory_space<hbm>> -> memref<1048576xf32, #tpu.memory_space<hbm>>
    tpu.enqueue_indirect_dma source(%dma_start3A_493 : memref<1048576xf32, #tpu.memory_space<hbm>>) target(%dma_start3A_488 : memref<128xf32, #tpu.memory_space<vmem>>) offsets(%dma_start3A_491 : memref<128xi32, #tpu.memory_space<vmem>>) semaphore(%arg10 : memref<!tpu.dma_semaphore, #tpu.memory_space<semaphore_mem>>)
    %dma_start3A_494 = arith.constant 49 : i32
    %dma_start3A_495 = arith.constant 49 : i32
    %dma_start3A_496 = arith.constant 0 : i32
    %dma_start3A_497 = tpu.memref_slice %arg7[%dma_start3A_495, %dma_start3A_496] : memref<50x128xf32, #tpu.memory_space<vmem>> -> memref<1x128xf32, #tpu.memory_space<vmem>>
    %dma_start3A_498 = tpu.memref_squeeze %dma_start3A_497 : memref<1x128xf32, #tpu.memory_space<vmem>> -> memref<128xf32, #tpu.memory_space<vmem>>
    %dma_start3A_499 = arith.constant 0 : i32
    %dma_start3A_500 = tpu.memref_slice %arg6[%dma_start3A_494, %dma_start3A_499] : memref<50x128xi32, #tpu.memory_space<vmem>> -> memref<1x128xi32, #tpu.memory_space<vmem>>
    %dma_start3A_501 = tpu.memref_squeeze %dma_start3A_500 : memref<1x128xi32, #tpu.memory_space<vmem>> -> memref<128xi32, #tpu.memory_space<vmem>>
    %dma_start3A_502 = arith.constant 0 : i32
    %dma_start3A_503 = tpu.memref_slice %arg3[%dma_start3A_502] : memref<1048576xf32, #tpu.memory_space<hbm>> -> memref<1048576xf32, #tpu.memory_space<hbm>>
    tpu.enqueue_indirect_dma source(%dma_start3A_503 : memref<1048576xf32, #tpu.memory_space<hbm>>) target(%dma_start3A_498 : memref<128xf32, #tpu.memory_space<vmem>>) offsets(%dma_start3A_501 : memref<128xi32, #tpu.memory_space<vmem>>) semaphore(%arg10 : memref<!tpu.dma_semaphore, #tpu.memory_space<semaphore_mem>>)
    %broadcast_in_dim3A = arith.constant 0.000000e+00 : f32
    %broadcast_in_dim3A_504 = vector.broadcast %broadcast_in_dim3A : f32 to vector<16xf32>
    %broadcast_in_dim3A_505 = arith.constant 0.000000e+00 : f32
    %broadcast_in_dim3A_506 = vector.broadcast %broadcast_in_dim3A_505 : f32 to vector<16xf32>
    %broadcast_in_dim3A_507 = arith.constant 0.000000e+00 : f32
    %broadcast_in_dim3A_508 = vector.broadcast %broadcast_in_dim3A_507 : f32 to vector<16xf32>
    %broadcast_in_dim3A_509 = arith.constant 0.000000e+00 : f32
    %broadcast_in_dim3A_510 = vector.broadcast %broadcast_in_dim3A_509 : f32 to vector<16xf32>
    %broadcast_in_dim3A_511 = arith.constant 0.000000e+00 : f32
    %broadcast_in_dim3A_512 = vector.broadcast %broadcast_in_dim3A_511 : f32 to vector<16xf32>
    %broadcast_in_dim3A_513 = arith.constant 0.000000e+00 : f32
    %broadcast_in_dim3A_514 = vector.broadcast %broadcast_in_dim3A_513 : f32 to vector<16xf32>
    %broadcast_in_dim3A_515 = arith.constant 0.000000e+00 : f32
    %broadcast_in_dim3A_516 = vector.broadcast %broadcast_in_dim3A_515 : f32 to vector<16xf32>
    %broadcast_in_dim3A_517 = arith.constant 0.000000e+00 : f32
    %broadcast_in_dim3A_518 = vector.broadcast %broadcast_in_dim3A_517 : f32 to vector<16xf32>
    %dma_wait3A = arith.constant 0 : i32
    %dma_wait3A_519 = arith.constant 0 : i32
    %dma_wait3A_520 = arith.constant 0 : i32
    %dma_wait3A_521 = tpu.memref_slice %arg7[%dma_wait3A_519, %dma_wait3A_520] : memref<50x128xf32, #tpu.memory_space<vmem>> -> memref<1x128xf32, #tpu.memory_space<vmem>>
    %dma_wait3A_522 = tpu.memref_squeeze %dma_wait3A_521 : memref<1x128xf32, #tpu.memory_space<vmem>> -> memref<128xf32, #tpu.memory_space<vmem>>
    %dma_wait3A_523 = arith.constant 0 : i32
    %dma_wait3A_524 = tpu.memref_slice %arg6[%dma_wait3A, %dma_wait3A_523] : memref<50x128xi32, #tpu.memory_space<vmem>> -> memref<1x128xi32, #tpu.memory_space<vmem>>
    %dma_wait3A_525 = tpu.memref_squeeze %dma_wait3A_524 : memref<1x128xi32, #tpu.memory_space<vmem>> -> memref<128xi32, #tpu.memory_space<vmem>>
    %dma_wait3A_526 = arith.constant 0 : i32
    %dma_wait3A_527 = tpu.memref_slice %arg3[%dma_wait3A_526] : memref<1048576xf32, #tpu.memory_space<hbm>> -> memref<1048576xf32, #tpu.memory_space<hbm>>
    tpu.wait_indirect_dma semaphore(%arg10 : memref<!tpu.dma_semaphore, #tpu.memory_space<semaphore_mem>>) src(%dma_wait3A_527 : memref<1048576xf32, #tpu.memory_space<hbm>>) dst(%dma_wait3A_522 : memref<128xf32, #tpu.memory_space<vmem>>)
    %get3A_528 = arith.constant 0 : i32
    %get3A_529 = arith.index_cast %get3A_528 : i32 to index
    %get3A_530 = arith.constant 0 : index
    %get3A_531 = tpu.vector_load %arg7[%get3A_529, %get3A_530] {strides = array<i32>} : memref<50x128xf32, #tpu.memory_space<vmem>>, vector<1x16xf32>,
    %get3A_532 = vector.shape_cast %get3A_531 : vector<1x16xf32> to vector<16xf32>
    %add3A_533 = arith.addf %broadcast_in_dim3A_504, %get3A_532 : vector<16xf32>
    %get3A_534 = arith.constant 0 : i32
    %get3A_535 = arith.index_cast %get3A_534 : i32 to index
    %get3A_536 = arith.constant 16 : index
    %get3A_537 = tpu.vector_load %arg7[%get3A_535, %get3A_536] {strides = array<i32>} : memref<50x128xf32, #tpu.memory_space<vmem>>, vector<1x16xf32>,
    %get3A_538 = vector.shape_cast %get3A_537 : vector<1x16xf32> to vector<16xf32>
    %add3A_539 = arith.addf %broadcast_in_dim3A_506, %get3A_538 : vector<16xf32>
    %get3A_540 = arith.constant 0 : i32
    %get3A_541 = arith.index_cast %get3A_540 : i32 to index
    %get3A_542 = arith.constant 32 : index
    %get3A_543 = tpu.vector_load %arg7[%get3A_541, %get3A_542] {strides = array<i32>} : memref<50x128xf32, #tpu.memory_space<vmem>>, vector<1x16xf32>,
    %get3A_544 = vector.shape_cast %get3A_543 : vector<1x16xf32> to vector<16xf32>
    %add3A_545 = arith.addf %broadcast_in_dim3A_508, %get3A_544 : vector<16xf32>
    %get3A_546 = arith.constant 0 : i32
    %get3A_547 = arith.index_cast %get3A_546 : i32 to index
    %get3A_548 = arith.constant 48 : index
    %get3A_549 = tpu.vector_load %arg7[%get3A_547, %get3A_548] {strides = array<i32>} : memref<50x128xf32, #tpu.memory_space<vmem>>, vector<1x16xf32>,
    %get3A_550 = vector.shape_cast %get3A_549 : vector<1x16xf32> to vector<16xf32>
    %add3A_551 = arith.addf %broadcast_in_dim3A_510, %get3A_550 : vector<16xf32>
    %get3A_552 = arith.constant 0 : i32
    %get3A_553 = arith.index_cast %get3A_552 : i32 to index
    %get3A_554 = arith.constant 64 : index
    %get3A_555 = tpu.vector_load %arg7[%get3A_553, %get3A_554] {strides = array<i32>} : memref<50x128xf32, #tpu.memory_space<vmem>>, vector<1x16xf32>,
    %get3A_556 = vector.shape_cast %get3A_555 : vector<1x16xf32> to vector<16xf32>
    %add3A_557 = arith.addf %broadcast_in_dim3A_512, %get3A_556 : vector<16xf32>
    %get3A_558 = arith.constant 0 : i32
    %get3A_559 = arith.index_cast %get3A_558 : i32 to index
    %get3A_560 = arith.constant 80 : index
    %get3A_561 = tpu.vector_load %arg7[%get3A_559, %get3A_560] {strides = array<i32>} : memref<50x128xf32, #tpu.memory_space<vmem>>, vector<1x16xf32>,
    %get3A_562 = vector.shape_cast %get3A_561 : vector<1x16xf32> to vector<16xf32>
    %add3A_563 = arith.addf %broadcast_in_dim3A_514, %get3A_562 : vector<16xf32>
    %get3A_564 = arith.constant 0 : i32
    %get3A_565 = arith.index_cast %get3A_564 : i32 to index
    %get3A_566 = arith.constant 96 : index
    %get3A_567 = tpu.vector_load %arg7[%get3A_565, %get3A_566] {strides = array<i32>} : memref<50x128xf32, #tpu.memory_space<vmem>>, vector<1x16xf32>,
    %get3A_568 = vector.shape_cast %get3A_567 : vector<1x16xf32> to vector<16xf32>
    %add3A_569 = arith.addf %broadcast_in_dim3A_516, %get3A_568 : vector<16xf32>
    %get3A_570 = arith.constant 0 : i32
    %get3A_571 = arith.index_cast %get3A_570 : i32 to index
    %get3A_572 = arith.constant 112 : index
    %get3A_573 = tpu.vector_load %arg7[%get3A_571, %get3A_572] {strides = array<i32>} : memref<50x128xf32, #tpu.memory_space<vmem>>, vector<1x16xf32>,
    %get3A_574 = vector.shape_cast %get3A_573 : vector<1x16xf32> to vector<16xf32>
    %add3A_575 = arith.addf %broadcast_in_dim3A_518, %get3A_574 : vector<16xf32>
    %dma_wait3A_576 = arith.constant 1 : i32
    %dma_wait3A_577 = arith.constant 1 : i32
    %dma_wait3A_578 = arith.constant 0 : i32
    %dma_wait3A_579 = tpu.memref_slice %arg7[%dma_wait3A_577, %dma_wait3A_578] : memref<50x128xf32, #tpu.memory_space<vmem>> -> memref<1x128xf32, #tpu.memory_space<vmem>>
    %dma_wait3A_580 = tpu.memref_squeeze %dma_wait3A_579 : memref<1x128xf32, #tpu.memory_space<vmem>> -> memref<128xf32, #tpu.memory_space<vmem>>
    %dma_wait3A_581 = arith.constant 0 : i32
    %dma_wait3A_582 = tpu.memref_slice %arg6[%dma_wait3A_576, %dma_wait3A_581] : memref<50x128xi32, #tpu.memory_space<vmem>> -> memref<1x128xi32, #tpu.memory_space<vmem>>
    %dma_wait3A_583 = tpu.memref_squeeze %dma_wait3A_582 : memref<1x128xi32, #tpu.memory_space<vmem>> -> memref<128xi32, #tpu.memory_space<vmem>>
    %dma_wait3A_584 = arith.constant 0 : i32
    %dma_wait3A_585 = tpu.memref_slice %arg3[%dma_wait3A_584] : memref<1048576xf32, #tpu.memory_space<hbm>> -> memref<1048576xf32, #tpu.memory_space<hbm>>
    tpu.wait_indirect_dma semaphore(%arg10 : memref<!tpu.dma_semaphore, #tpu.memory_space<semaphore_mem>>) src(%dma_wait3A_585 : memref<1048576xf32, #tpu.memory_space<hbm>>) dst(%dma_wait3A_580 : memref<128xf32, #tpu.memory_space<vmem>>)
    %get3A_586 = arith.constant 1 : i32
    %get3A_587 = arith.index_cast %get3A_586 : i32 to index
    %get3A_588 = arith.constant 0 : index
    %get3A_589 = tpu.vector_load %arg7[%get3A_587, %get3A_588] {strides = array<i32>} : memref<50x128xf32, #tpu.memory_space<vmem>>, vector<1x16xf32>,
    %get3A_590 = vector.shape_cast %get3A_589 : vector<1x16xf32> to vector<16xf32>
    %add3A_591 = arith.addf %add3A_533, %get3A_590 : vector<16xf32>
    %get3A_592 = arith.constant 1 : i32
    %get3A_593 = arith.index_cast %get3A_592 : i32 to index
    %get3A_594 = arith.constant 16 : index
    %get3A_595 = tpu.vector_load %arg7[%get3A_593, %get3A_594] {strides = array<i32>} : memref<50x128xf32, #tpu.memory_space<vmem>>, vector<1x16xf32>,
    %get3A_596 = vector.shape_cast %get3A_595 : vector<1x16xf32> to vector<16xf32>
    %add3A_597 = arith.addf %add3A_539, %get3A_596 : vector<16xf32>
    %get3A_598 = arith.constant 1 : i32
    %get3A_599 = arith.index_cast %get3A_598 : i32 to index
    %get3A_600 = arith.constant 32 : index
    %get3A_601 = tpu.vector_load %arg7[%get3A_599, %get3A_600] {strides = array<i32>} : memref<50x128xf32, #tpu.memory_space<vmem>>, vector<1x16xf32>,
    %get3A_602 = vector.shape_cast %get3A_601 : vector<1x16xf32> to vector<16xf32>
    %add3A_603 = arith.addf %add3A_545, %get3A_602 : vector<16xf32>
    %get3A_604 = arith.constant 1 : i32
    %get3A_605 = arith.index_cast %get3A_604 : i32 to index
    %get3A_606 = arith.constant 48 : index
    %get3A_607 = tpu.vector_load %arg7[%get3A_605, %get3A_606] {strides = array<i32>} : memref<50x128xf32, #tpu.memory_space<vmem>>, vector<1x16xf32>,
    %get3A_608 = vector.shape_cast %get3A_607 : vector<1x16xf32> to vector<16xf32>
    %add3A_609 = arith.addf %add3A_551, %get3A_608 : vector<16xf32>
    %get3A_610 = arith.constant 1 : i32
    %get3A_611 = arith.index_cast %get3A_610 : i32 to index
    %get3A_612 = arith.constant 64 : index
    %get3A_613 = tpu.vector_load %arg7[%get3A_611, %get3A_612] {strides = array<i32>} : memref<50x128xf32, #tpu.memory_space<vmem>>, vector<1x16xf32>,
    %get3A_614 = vector.shape_cast %get3A_613 : vector<1x16xf32> to vector<16xf32>
    %add3A_615 = arith.addf %add3A_557, %get3A_614 : vector<16xf32>
    %get3A_616 = arith.constant 1 : i32
    %get3A_617 = arith.index_cast %get3A_616 : i32 to index
    %get3A_618 = arith.constant 80 : index
    %get3A_619 = tpu.vector_load %arg7[%get3A_617, %get3A_618] {strides = array<i32>} : memref<50x128xf32, #tpu.memory_space<vmem>>, vector<1x16xf32>,
    %get3A_620 = vector.shape_cast %get3A_619 : vector<1x16xf32> to vector<16xf32>
    %add3A_621 = arith.addf %add3A_563, %get3A_620 : vector<16xf32>
    %get3A_622 = arith.constant 1 : i32
    %get3A_623 = arith.index_cast %get3A_622 : i32 to index
    %get3A_624 = arith.constant 96 : index
    %get3A_625 = tpu.vector_load %arg7[%get3A_623, %get3A_624] {strides = array<i32>} : memref<50x128xf32, #tpu.memory_space<vmem>>, vector<1x16xf32>,
    %get3A_626 = vector.shape_cast %get3A_625 : vector<1x16xf32> to vector<16xf32>
    %add3A_627 = arith.addf %add3A_569, %get3A_626 : vector<16xf32>
    %get3A_628 = arith.constant 1 : i32
    %get3A_629 = arith.index_cast %get3A_628 : i32 to index
    %get3A_630 = arith.constant 112 : index
    %get3A_631 = tpu.vector_load %arg7[%get3A_629, %get3A_630] {strides = array<i32>} : memref<50x128xf32, #tpu.memory_space<vmem>>, vector<1x16xf32>,
    %get3A_632 = vector.shape_cast %get3A_631 : vector<1x16xf32> to vector<16xf32>
    %add3A_633 = arith.addf %add3A_575, %get3A_632 : vector<16xf32>
    %dma_wait3A_634 = arith.constant 2 : i32
    %dma_wait3A_635 = arith.constant 2 : i32
    %dma_wait3A_636 = arith.constant 0 : i32
    %dma_wait3A_637 = tpu.memref_slice %arg7[%dma_wait3A_635, %dma_wait3A_636] : memref<50x128xf32, #tpu.memory_space<vmem>> -> memref<1x128xf32, #tpu.memory_space<vmem>>
    %dma_wait3A_638 = tpu.memref_squeeze %dma_wait3A_637 : memref<1x128xf32, #tpu.memory_space<vmem>> -> memref<128xf32, #tpu.memory_space<vmem>>
    %dma_wait3A_639 = arith.constant 0 : i32
    %dma_wait3A_640 = tpu.memref_slice %arg6[%dma_wait3A_634, %dma_wait3A_639] : memref<50x128xi32, #tpu.memory_space<vmem>> -> memref<1x128xi32, #tpu.memory_space<vmem>>
    %dma_wait3A_641 = tpu.memref_squeeze %dma_wait3A_640 : memref<1x128xi32, #tpu.memory_space<vmem>> -> memref<128xi32, #tpu.memory_space<vmem>>
    %dma_wait3A_642 = arith.constant 0 : i32
    %dma_wait3A_643 = tpu.memref_slice %arg3[%dma_wait3A_642] : memref<1048576xf32, #tpu.memory_space<hbm>> -> memref<1048576xf32, #tpu.memory_space<hbm>>
    tpu.wait_indirect_dma semaphore(%arg10 : memref<!tpu.dma_semaphore, #tpu.memory_space<semaphore_mem>>) src(%dma_wait3A_643 : memref<1048576xf32, #tpu.memory_space<hbm>>) dst(%dma_wait3A_638 : memref<128xf32, #tpu.memory_space<vmem>>)
    %get3A_644 = arith.constant 2 : i32
    %get3A_645 = arith.index_cast %get3A_644 : i32 to index
    %get3A_646 = arith.constant 0 : index
    %get3A_647 = tpu.vector_load %arg7[%get3A_645, %get3A_646] {strides = array<i32>} : memref<50x128xf32, #tpu.memory_space<vmem>>, vector<1x16xf32>,
    %get3A_648 = vector.shape_cast %get3A_647 : vector<1x16xf32> to vector<16xf32>
    %add3A_649 = arith.addf %add3A_591, %get3A_648 : vector<16xf32>
    %get3A_650 = arith.constant 2 : i32
    %get3A_651 = arith.index_cast %get3A_650 : i32 to index
    %get3A_652 = arith.constant 16 : index
    %get3A_653 = tpu.vector_load %arg7[%get3A_651, %get3A_652] {strides = array<i32>} : memref<50x128xf32, #tpu.memory_space<vmem>>, vector<1x16xf32>,
    %get3A_654 = vector.shape_cast %get3A_653 : vector<1x16xf32> to vector<16xf32>
    %add3A_655 = arith.addf %add3A_597, %get3A_654 : vector<16xf32>
    %get3A_656 = arith.constant 2 : i32
    %get3A_657 = arith.index_cast %get3A_656 : i32 to index
    %get3A_658 = arith.constant 32 : index
    %get3A_659 = tpu.vector_load %arg7[%get3A_657, %get3A_658] {strides = array<i32>} : memref<50x128xf32, #tpu.memory_space<vmem>>, vector<1x16xf32>,
    %get3A_660 = vector.shape_cast %get3A_659 : vector<1x16xf32> to vector<16xf32>
    %add3A_661 = arith.addf %add3A_603, %get3A_660 : vector<16xf32>
    %get3A_662 = arith.constant 2 : i32
    %get3A_663 = arith.index_cast %get3A_662 : i32 to index
    %get3A_664 = arith.constant 48 : index
    %get3A_665 = tpu.vector_load %arg7[%get3A_663, %get3A_664] {strides = array<i32>} : memref<50x128xf32, #tpu.memory_space<vmem>>, vector<1x16xf32>,
    %get3A_666 = vector.shape_cast %get3A_665 : vector<1x16xf32> to vector<16xf32>
    %add3A_667 = arith.addf %add3A_609, %get3A_666 : vector<16xf32>
    %get3A_668 = arith.constant 2 : i32
    %get3A_669 = arith.index_cast %get3A_668 : i32 to index
    %get3A_670 = arith.constant 64 : index
    %get3A_671 = tpu.vector_load %arg7[%get3A_669, %get3A_670] {strides = array<i32>} : memref<50x128xf32, #tpu.memory_space<vmem>>, vector<1x16xf32>,
    %get3A_672 = vector.shape_cast %get3A_671 : vector<1x16xf32> to vector<16xf32>
    %add3A_673 = arith.addf %add3A_615, %get3A_672 : vector<16xf32>
    %get3A_674 = arith.constant 2 : i32
    %get3A_675 = arith.index_cast %get3A_674 : i32 to index
    %get3A_676 = arith.constant 80 : index
    %get3A_677 = tpu.vector_load %arg7[%get3A_675, %get3A_676] {strides = array<i32>} : memref<50x128xf32, #tpu.memory_space<vmem>>, vector<1x16xf32>,
    %get3A_678 = vector.shape_cast %get3A_677 : vector<1x16xf32> to vector<16xf32>
    %add3A_679 = arith.addf %add3A_621, %get3A_678 : vector<16xf32>
    %get3A_680 = arith.constant 2 : i32
    %get3A_681 = arith.index_cast %get3A_680 : i32 to index
    %get3A_682 = arith.constant 96 : index
    %get3A_683 = tpu.vector_load %arg7[%get3A_681, %get3A_682] {strides = array<i32>} : memref<50x128xf32, #tpu.memory_space<vmem>>, vector<1x16xf32>,
    %get3A_684 = vector.shape_cast %get3A_683 : vector<1x16xf32> to vector<16xf32>
    %add3A_685 = arith.addf %add3A_627, %get3A_684 : vector<16xf32>
    %get3A_686 = arith.constant 2 : i32
    %get3A_687 = arith.index_cast %get3A_686 : i32 to index
    %get3A_688 = arith.constant 112 : index
    %get3A_689 = tpu.vector_load %arg7[%get3A_687, %get3A_688] {strides = array<i32>} : memref<50x128xf32, #tpu.memory_space<vmem>>, vector<1x16xf32>,
    %get3A_690 = vector.shape_cast %get3A_689 : vector<1x16xf32> to vector<16xf32>
    %add3A_691 = arith.addf %add3A_633, %get3A_690 : vector<16xf32>
    %dma_wait3A_692 = arith.constant 3 : i32
    %dma_wait3A_693 = arith.constant 3 : i32
    %dma_wait3A_694 = arith.constant 0 : i32
    %dma_wait3A_695 = tpu.memref_slice %arg7[%dma_wait3A_693, %dma_wait3A_694] : memref<50x128xf32, #tpu.memory_space<vmem>> -> memref<1x128xf32, #tpu.memory_space<vmem>>
    %dma_wait3A_696 = tpu.memref_squeeze %dma_wait3A_695 : memref<1x128xf32, #tpu.memory_space<vmem>> -> memref<128xf32, #tpu.memory_space<vmem>>
    %dma_wait3A_697 = arith.constant 0 : i32
    %dma_wait3A_698 = tpu.memref_slice %arg6[%dma_wait3A_692, %dma_wait3A_697] : memref<50x128xi32, #tpu.memory_space<vmem>> -> memref<1x128xi32, #tpu.memory_space<vmem>>
    %dma_wait3A_699 = tpu.memref_squeeze %dma_wait3A_698 : memref<1x128xi32, #tpu.memory_space<vmem>> -> memref<128xi32, #tpu.memory_space<vmem>>
    %dma_wait3A_700 = arith.constant 0 : i32
    %dma_wait3A_701 = tpu.memref_slice %arg3[%dma_wait3A_700] : memref<1048576xf32, #tpu.memory_space<hbm>> -> memref<1048576xf32, #tpu.memory_space<hbm>>
    tpu.wait_indirect_dma semaphore(%arg10 : memref<!tpu.dma_semaphore, #tpu.memory_space<semaphore_mem>>) src(%dma_wait3A_701 : memref<1048576xf32, #tpu.memory_space<hbm>>) dst(%dma_wait3A_696 : memref<128xf32, #tpu.memory_space<vmem>>)
    %get3A_702 = arith.constant 3 : i32
    %get3A_703 = arith.index_cast %get3A_702 : i32 to index
    %get3A_704 = arith.constant 0 : index
    %get3A_705 = tpu.vector_load %arg7[%get3A_703, %get3A_704] {strides = array<i32>} : memref<50x128xf32, #tpu.memory_space<vmem>>, vector<1x16xf32>,
    %get3A_706 = vector.shape_cast %get3A_705 : vector<1x16xf32> to vector<16xf32>
    %add3A_707 = arith.addf %add3A_649, %get3A_706 : vector<16xf32>
    %get3A_708 = arith.constant 3 : i32
    %get3A_709 = arith.index_cast %get3A_708 : i32 to index
    %get3A_710 = arith.constant 16 : index
    %get3A_711 = tpu.vector_load %arg7[%get3A_709, %get3A_710] {strides = array<i32>} : memref<50x128xf32, #tpu.memory_space<vmem>>, vector<1x16xf32>,
    %get3A_712 = vector.shape_cast %get3A_711 : vector<1x16xf32> to vector<16xf32>
    %add3A_713 = arith.addf %add3A_655, %get3A_712 : vector<16xf32>
    %get3A_714 = arith.constant 3 : i32
    %get3A_715 = arith.index_cast %get3A_714 : i32 to index
    %get3A_716 = arith.constant 32 : index
    %get3A_717 = tpu.vector_load %arg7[%get3A_715, %get3A_716] {strides = array<i32>} : memref<50x128xf32, #tpu.memory_space<vmem>>, vector<1x16xf32>,
    %get3A_718 = vector.shape_cast %get3A_717 : vector<1x16xf32> to vector<16xf32>
    %add3A_719 = arith.addf %add3A_661, %get3A_718 : vector<16xf32>
    %get3A_720 = arith.constant 3 : i32
    %get3A_721 = arith.index_cast %get3A_720 : i32 to index
    %get3A_722 = arith.constant 48 : index
    %get3A_723 = tpu.vector_load %arg7[%get3A_721, %get3A_722] {strides = array<i32>} : memref<50x128xf32, #tpu.memory_space<vmem>>, vector<1x16xf32>,
    %get3A_724 = vector.shape_cast %get3A_723 : vector<1x16xf32> to vector<16xf32>
    %add3A_725 = arith.addf %add3A_667, %get3A_724 : vector<16xf32>
    %get3A_726 = arith.constant 3 : i32
    %get3A_727 = arith.index_cast %get3A_726 : i32 to index
    %get3A_728 = arith.constant 64 : index
    %get3A_729 = tpu.vector_load %arg7[%get3A_727, %get3A_728] {strides = array<i32>} : memref<50x128xf32, #tpu.memory_space<vmem>>, vector<1x16xf32>,
    %get3A_730 = vector.shape_cast %get3A_729 : vector<1x16xf32> to vector<16xf32>
    %add3A_731 = arith.addf %add3A_673, %get3A_730 : vector<16xf32>
    %get3A_732 = arith.constant 3 : i32
    %get3A_733 = arith.index_cast %get3A_732 : i32 to index
    %get3A_734 = arith.constant 80 : index
    %get3A_735 = tpu.vector_load %arg7[%get3A_733, %get3A_734] {strides = array<i32>} : memref<50x128xf32, #tpu.memory_space<vmem>>, vector<1x16xf32>,
    %get3A_736 = vector.shape_cast %get3A_735 : vector<1x16xf32> to vector<16xf32>
    %add3A_737 = arith.addf %add3A_679, %get3A_736 : vector<16xf32>
    %get3A_738 = arith.constant 3 : i32
    %get3A_739 = arith.index_cast %get3A_738 : i32 to index
    %get3A_740 = arith.constant 96 : index
    %get3A_741 = tpu.vector_load %arg7[%get3A_739, %get3A_740] {strides = array<i32>} : memref<50x128xf32, #tpu.memory_space<vmem>>, vector<1x16xf32>,
    %get3A_742 = vector.shape_cast %get3A_741 : vector<1x16xf32> to vector<16xf32>
    %add3A_743 = arith.addf %add3A_685, %get3A_742 : vector<16xf32>
    %get3A_744 = arith.constant 3 : i32
    %get3A_745 = arith.index_cast %get3A_744 : i32 to index
    %get3A_746 = arith.constant 112 : index
    %get3A_747 = tpu.vector_load %arg7[%get3A_745, %get3A_746] {strides = array<i32>} : memref<50x128xf32, #tpu.memory_space<vmem>>, vector<1x16xf32>,
    %get3A_748 = vector.shape_cast %get3A_747 : vector<1x16xf32> to vector<16xf32>
    %add3A_749 = arith.addf %add3A_691, %get3A_748 : vector<16xf32>
    %dma_wait3A_750 = arith.constant 4 : i32
    %dma_wait3A_751 = arith.constant 4 : i32
    %dma_wait3A_752 = arith.constant 0 : i32
    %dma_wait3A_753 = tpu.memref_slice %arg7[%dma_wait3A_751, %dma_wait3A_752] : memref<50x128xf32, #tpu.memory_space<vmem>> -> memref<1x128xf32, #tpu.memory_space<vmem>>
    %dma_wait3A_754 = tpu.memref_squeeze %dma_wait3A_753 : memref<1x128xf32, #tpu.memory_space<vmem>> -> memref<128xf32, #tpu.memory_space<vmem>>
    %dma_wait3A_755 = arith.constant 0 : i32
    %dma_wait3A_756 = tpu.memref_slice %arg6[%dma_wait3A_750, %dma_wait3A_755] : memref<50x128xi32, #tpu.memory_space<vmem>> -> memref<1x128xi32, #tpu.memory_space<vmem>>
    %dma_wait3A_757 = tpu.memref_squeeze %dma_wait3A_756 : memref<1x128xi32, #tpu.memory_space<vmem>> -> memref<128xi32, #tpu.memory_space<vmem>>
    %dma_wait3A_758 = arith.constant 0 : i32
    %dma_wait3A_759 = tpu.memref_slice %arg3[%dma_wait3A_758] : memref<1048576xf32, #tpu.memory_space<hbm>> -> memref<1048576xf32, #tpu.memory_space<hbm>>
    tpu.wait_indirect_dma semaphore(%arg10 : memref<!tpu.dma_semaphore, #tpu.memory_space<semaphore_mem>>) src(%dma_wait3A_759 : memref<1048576xf32, #tpu.memory_space<hbm>>) dst(%dma_wait3A_754 : memref<128xf32, #tpu.memory_space<vmem>>)
    %get3A_760 = arith.constant 4 : i32
    %get3A_761 = arith.index_cast %get3A_760 : i32 to index
    %get3A_762 = arith.constant 0 : index
    %get3A_763 = tpu.vector_load %arg7[%get3A_761, %get3A_762] {strides = array<i32>} : memref<50x128xf32, #tpu.memory_space<vmem>>, vector<1x16xf32>,
    %get3A_764 = vector.shape_cast %get3A_763 : vector<1x16xf32> to vector<16xf32>
    %add3A_765 = arith.addf %add3A_707, %get3A_764 : vector<16xf32>
    %get3A_766 = arith.constant 4 : i32
    %get3A_767 = arith.index_cast %get3A_766 : i32 to index
    %get3A_768 = arith.constant 16 : index
    %get3A_769 = tpu.vector_load %arg7[%get3A_767, %get3A_768] {strides = array<i32>} : memref<50x128xf32, #tpu.memory_space<vmem>>, vector<1x16xf32>,
    %get3A_770 = vector.shape_cast %get3A_769 : vector<1x16xf32> to vector<16xf32>
    %add3A_771 = arith.addf %add3A_713, %get3A_770 : vector<16xf32>
    %get3A_772 = arith.constant 4 : i32
    %get3A_773 = arith.index_cast %get3A_772 : i32 to index
    %get3A_774 = arith.constant 32 : index
    %get3A_775 = tpu.vector_load %arg7[%get3A_773, %get3A_774] {strides = array<i32>} : memref<50x128xf32, #tpu.memory_space<vmem>>, vector<1x16xf32>,
    %get3A_776 = vector.shape_cast %get3A_775 : vector<1x16xf32> to vector<16xf32>
    %add3A_777 = arith.addf %add3A_719, %get3A_776 : vector<16xf32>
    %get3A_778 = arith.constant 4 : i32
    %get3A_779 = arith.index_cast %get3A_778 : i32 to index
    %get3A_780 = arith.constant 48 : index
    %get3A_781 = tpu.vector_load %arg7[%get3A_779, %get3A_780] {strides = array<i32>} : memref<50x128xf32, #tpu.memory_space<vmem>>, vector<1x16xf32>,
    %get3A_782 = vector.shape_cast %get3A_781 : vector<1x16xf32> to vector<16xf32>
    %add3A_783 = arith.addf %add3A_725, %get3A_782 : vector<16xf32>
    %get3A_784 = arith.constant 4 : i32
    %get3A_785 = arith.index_cast %get3A_784 : i32 to index
    %get3A_786 = arith.constant 64 : index
    %get3A_787 = tpu.vector_load %arg7[%get3A_785, %get3A_786] {strides = array<i32>} : memref<50x128xf32, #tpu.memory_space<vmem>>, vector<1x16xf32>,
    %get3A_788 = vector.shape_cast %get3A_787 : vector<1x16xf32> to vector<16xf32>
    %add3A_789 = arith.addf %add3A_731, %get3A_788 : vector<16xf32>
    %get3A_790 = arith.constant 4 : i32
    %get3A_791 = arith.index_cast %get3A_790 : i32 to index
    %get3A_792 = arith.constant 80 : index
    %get3A_793 = tpu.vector_load %arg7[%get3A_791, %get3A_792] {strides = array<i32>} : memref<50x128xf32, #tpu.memory_space<vmem>>, vector<1x16xf32>,
    %get3A_794 = vector.shape_cast %get3A_793 : vector<1x16xf32> to vector<16xf32>
    %add3A_795 = arith.addf %add3A_737, %get3A_794 : vector<16xf32>
    %get3A_796 = arith.constant 4 : i32
    %get3A_797 = arith.index_cast %get3A_796 : i32 to index
    %get3A_798 = arith.constant 96 : index
    %get3A_799 = tpu.vector_load %arg7[%get3A_797, %get3A_798] {strides = array<i32>} : memref<50x128xf32, #tpu.memory_space<vmem>>, vector<1x16xf32>,
    %get3A_800 = vector.shape_cast %get3A_799 : vector<1x16xf32> to vector<16xf32>
    %add3A_801 = arith.addf %add3A_743, %get3A_800 : vector<16xf32>
    %get3A_802 = arith.constant 4 : i32
    %get3A_803 = arith.index_cast %get3A_802 : i32 to index
    %get3A_804 = arith.constant 112 : index
    %get3A_805 = tpu.vector_load %arg7[%get3A_803, %get3A_804] {strides = array<i32>} : memref<50x128xf32, #tpu.memory_space<vmem>>, vector<1x16xf32>,
    %get3A_806 = vector.shape_cast %get3A_805 : vector<1x16xf32> to vector<16xf32>
    %add3A_807 = arith.addf %add3A_749, %get3A_806 : vector<16xf32>
    %dma_wait3A_808 = arith.constant 5 : i32
    %dma_wait3A_809 = arith.constant 5 : i32
    %dma_wait3A_810 = arith.constant 0 : i32
    %dma_wait3A_811 = tpu.memref_slice %arg7[%dma_wait3A_809, %dma_wait3A_810] : memref<50x128xf32, #tpu.memory_space<vmem>> -> memref<1x128xf32, #tpu.memory_space<vmem>>
    %dma_wait3A_812 = tpu.memref_squeeze %dma_wait3A_811 : memref<1x128xf32, #tpu.memory_space<vmem>> -> memref<128xf32, #tpu.memory_space<vmem>>
    %dma_wait3A_813 = arith.constant 0 : i32
    %dma_wait3A_814 = tpu.memref_slice %arg6[%dma_wait3A_808, %dma_wait3A_813] : memref<50x128xi32, #tpu.memory_space<vmem>> -> memref<1x128xi32, #tpu.memory_space<vmem>>
    %dma_wait3A_815 = tpu.memref_squeeze %dma_wait3A_814 : memref<1x128xi32, #tpu.memory_space<vmem>> -> memref<128xi32, #tpu.memory_space<vmem>>
    %dma_wait3A_816 = arith.constant 0 : i32
    %dma_wait3A_817 = tpu.memref_slice %arg3[%dma_wait3A_816] : memref<1048576xf32, #tpu.memory_space<hbm>> -> memref<1048576xf32, #tpu.memory_space<hbm>>
    tpu.wait_indirect_dma semaphore(%arg10 : memref<!tpu.dma_semaphore, #tpu.memory_space<semaphore_mem>>) src(%dma_wait3A_817 : memref<1048576xf32, #tpu.memory_space<hbm>>) dst(%dma_wait3A_812 : memref<128xf32, #tpu.memory_space<vmem>>)
    %get3A_818 = arith.constant 5 : i32
    %get3A_819 = arith.index_cast %get3A_818 : i32 to index
    %get3A_820 = arith.constant 0 : index
    %get3A_821 = tpu.vector_load %arg7[%get3A_819, %get3A_820] {strides = array<i32>} : memref<50x128xf32, #tpu.memory_space<vmem>>, vector<1x16xf32>,
    %get3A_822 = vector.shape_cast %get3A_821 : vector<1x16xf32> to vector<16xf32>
    %add3A_823 = arith.addf %add3A_765, %get3A_822 : vector<16xf32>
    %get3A_824 = arith.constant 5 : i32
    %get3A_825 = arith.index_cast %get3A_824 : i32 to index
    %get3A_826 = arith.constant 16 : index
    %get3A_827 = tpu.vector_load %arg7[%get3A_825, %get3A_826] {strides = array<i32>} : memref<50x128xf32, #tpu.memory_space<vmem>>, vector<1x16xf32>,
    %get3A_828 = vector.shape_cast %get3A_827 : vector<1x16xf32> to vector<16xf32>
    %add3A_829 = arith.addf %add3A_771, %get3A_828 : vector<16xf32>
    %get3A_830 = arith.constant 5 : i32
    %get3A_831 = arith.index_cast %get3A_830 : i32 to index
    %get3A_832 = arith.constant 32 : index
    %get3A_833 = tpu.vector_load %arg7[%get3A_831, %get3A_832] {strides = array<i32>} : memref<50x128xf32, #tpu.memory_space<vmem>>, vector<1x16xf32>,
    %get3A_834 = vector.shape_cast %get3A_833 : vector<1x16xf32> to vector<16xf32>
    %add3A_835 = arith.addf %add3A_777, %get3A_834 : vector<16xf32>
    %get3A_836 = arith.constant 5 : i32
    %get3A_837 = arith.index_cast %get3A_836 : i32 to index
    %get3A_838 = arith.constant 48 : index
    %get3A_839 = tpu.vector_load %arg7[%get3A_837, %get3A_838] {strides = array<i32>} : memref<50x128xf32, #tpu.memory_space<vmem>>, vector<1x16xf32>,
    %get3A_840 = vector.shape_cast %get3A_839 : vector<1x16xf32> to vector<16xf32>
    %add3A_841 = arith.addf %add3A_783, %get3A_840 : vector<16xf32>
    %get3A_842 = arith.constant 5 : i32
    %get3A_843 = arith.index_cast %get3A_842 : i32 to index
    %get3A_844 = arith.constant 64 : index
    %get3A_845 = tpu.vector_load %arg7[%get3A_843, %get3A_844] {strides = array<i32>} : memref<50x128xf32, #tpu.memory_space<vmem>>, vector<1x16xf32>,
    %get3A_846 = vector.shape_cast %get3A_845 : vector<1x16xf32> to vector<16xf32>
    %add3A_847 = arith.addf %add3A_789, %get3A_846 : vector<16xf32>
    %get3A_848 = arith.constant 5 : i32
    %get3A_849 = arith.index_cast %get3A_848 : i32 to index
    %get3A_850 = arith.constant 80 : index
    %get3A_851 = tpu.vector_load %arg7[%get3A_849, %get3A_850] {strides = array<i32>} : memref<50x128xf32, #tpu.memory_space<vmem>>, vector<1x16xf32>,
    %get3A_852 = vector.shape_cast %get3A_851 : vector<1x16xf32> to vector<16xf32>
    %add3A_853 = arith.addf %add3A_795, %get3A_852 : vector<16xf32>
    %get3A_854 = arith.constant 5 : i32
    %get3A_855 = arith.index_cast %get3A_854 : i32 to index
    %get3A_856 = arith.constant 96 : index
    %get3A_857 = tpu.vector_load %arg7[%get3A_855, %get3A_856] {strides = array<i32>} : memref<50x128xf32, #tpu.memory_space<vmem>>, vector<1x16xf32>,
    %get3A_858 = vector.shape_cast %get3A_857 : vector<1x16xf32> to vector<16xf32>
    %add3A_859 = arith.addf %add3A_801, %get3A_858 : vector<16xf32>
    %get3A_860 = arith.constant 5 : i32
    %get3A_861 = arith.index_cast %get3A_860 : i32 to index
    %get3A_862 = arith.constant 112 : index
    %get3A_863 = tpu.vector_load %arg7[%get3A_861, %get3A_862] {strides = array<i32>} : memref<50x128xf32, #tpu.memory_space<vmem>>, vector<1x16xf32>,
    %get3A_864 = vector.shape_cast %get3A_863 : vector<1x16xf32> to vector<16xf32>
    %add3A_865 = arith.addf %add3A_807, %get3A_864 : vector<16xf32>
    %dma_wait3A_866 = arith.constant 6 : i32
    %dma_wait3A_867 = arith.constant 6 : i32
    %dma_wait3A_868 = arith.constant 0 : i32
    %dma_wait3A_869 = tpu.memref_slice %arg7[%dma_wait3A_867, %dma_wait3A_868] : memref<50x128xf32, #tpu.memory_space<vmem>> -> memref<1x128xf32, #tpu.memory_space<vmem>>
    %dma_wait3A_870 = tpu.memref_squeeze %dma_wait3A_869 : memref<1x128xf32, #tpu.memory_space<vmem>> -> memref<128xf32, #tpu.memory_space<vmem>>
    %dma_wait3A_871 = arith.constant 0 : i32
    %dma_wait3A_872 = tpu.memref_slice %arg6[%dma_wait3A_866, %dma_wait3A_871] : memref<50x128xi32, #tpu.memory_space<vmem>> -> memref<1x128xi32, #tpu.memory_space<vmem>>
    %dma_wait3A_873 = tpu.memref_squeeze %dma_wait3A_872 : memref<1x128xi32, #tpu.memory_space<vmem>> -> memref<128xi32, #tpu.memory_space<vmem>>
    %dma_wait3A_874 = arith.constant 0 : i32
    %dma_wait3A_875 = tpu.memref_slice %arg3[%dma_wait3A_874] : memref<1048576xf32, #tpu.memory_space<hbm>> -> memref<1048576xf32, #tpu.memory_space<hbm>>
    tpu.wait_indirect_dma semaphore(%arg10 : memref<!tpu.dma_semaphore, #tpu.memory_space<semaphore_mem>>) src(%dma_wait3A_875 : memref<1048576xf32, #tpu.memory_space<hbm>>) dst(%dma_wait3A_870 : memref<128xf32, #tpu.memory_space<vmem>>)
    %get3A_876 = arith.constant 6 : i32
    %get3A_877 = arith.index_cast %get3A_876 : i32 to index
    %get3A_878 = arith.constant 0 : index
    %get3A_879 = tpu.vector_load %arg7[%get3A_877, %get3A_878] {strides = array<i32>} : memref<50x128xf32, #tpu.memory_space<vmem>>, vector<1x16xf32>,
    %get3A_880 = vector.shape_cast %get3A_879 : vector<1x16xf32> to vector<16xf32>
    %add3A_881 = arith.addf %add3A_823, %get3A_880 : vector<16xf32>
    %get3A_882 = arith.constant 6 : i32
    %get3A_883 = arith.index_cast %get3A_882 : i32 to index
    %get3A_884 = arith.constant 16 : index
    %get3A_885 = tpu.vector_load %arg7[%get3A_883, %get3A_884] {strides = array<i32>} : memref<50x128xf32, #tpu.memory_space<vmem>>, vector<1x16xf32>,
    %get3A_886 = vector.shape_cast %get3A_885 : vector<1x16xf32> to vector<16xf32>
    %add3A_887 = arith.addf %add3A_829, %get3A_886 : vector<16xf32>
    %get3A_888 = arith.constant 6 : i32
    %get3A_889 = arith.index_cast %get3A_888 : i32 to index
    %get3A_890 = arith.constant 32 : index
    %get3A_891 = tpu.vector_load %arg7[%get3A_889, %get3A_890] {strides = array<i32>} : memref<50x128xf32, #tpu.memory_space<vmem>>, vector<1x16xf32>,
    %get3A_892 = vector.shape_cast %get3A_891 : vector<1x16xf32> to vector<16xf32>
    %add3A_893 = arith.addf %add3A_835, %get3A_892 : vector<16xf32>
    %get3A_894 = arith.constant 6 : i32
    %get3A_895 = arith.index_cast %get3A_894 : i32 to index
    %get3A_896 = arith.constant 48 : index
    %get3A_897 = tpu.vector_load %arg7[%get3A_895, %get3A_896] {strides = array<i32>} : memref<50x128xf32, #tpu.memory_space<vmem>>, vector<1x16xf32>,
    %get3A_898 = vector.shape_cast %get3A_897 : vector<1x16xf32> to vector<16xf32>
    %add3A_899 = arith.addf %add3A_841, %get3A_898 : vector<16xf32>
    %get3A_900 = arith.constant 6 : i32
    %get3A_901 = arith.index_cast %get3A_900 : i32 to index
    %get3A_902 = arith.constant 64 : index
    %get3A_903 = tpu.vector_load %arg7[%get3A_901, %get3A_902] {strides = array<i32>} : memref<50x128xf32, #tpu.memory_space<vmem>>, vector<1x16xf32>,
    %get3A_904 = vector.shape_cast %get3A_903 : vector<1x16xf32> to vector<16xf32>
    %add3A_905 = arith.addf %add3A_847, %get3A_904 : vector<16xf32>
    %get3A_906 = arith.constant 6 : i32
    %get3A_907 = arith.index_cast %get3A_906 : i32 to index
    %get3A_908 = arith.constant 80 : index
    %get3A_909 = tpu.vector_load %arg7[%get3A_907, %get3A_908] {strides = array<i32>} : memref<50x128xf32, #tpu.memory_space<vmem>>, vector<1x16xf32>,
    %get3A_910 = vector.shape_cast %get3A_909 : vector<1x16xf32> to vector<16xf32>
    %add3A_911 = arith.addf %add3A_853, %get3A_910 : vector<16xf32>
    %get3A_912 = arith.constant 6 : i32
    %get3A_913 = arith.index_cast %get3A_912 : i32 to index
    %get3A_914 = arith.constant 96 : index
    %get3A_915 = tpu.vector_load %arg7[%get3A_913, %get3A_914] {strides = array<i32>} : memref<50x128xf32, #tpu.memory_space<vmem>>, vector<1x16xf32>,
    %get3A_916 = vector.shape_cast %get3A_915 : vector<1x16xf32> to vector<16xf32>
    %add3A_917 = arith.addf %add3A_859, %get3A_916 : vector<16xf32>
    %get3A_918 = arith.constant 6 : i32
    %get3A_919 = arith.index_cast %get3A_918 : i32 to index
    %get3A_920 = arith.constant 112 : index
    %get3A_921 = tpu.vector_load %arg7[%get3A_919, %get3A_920] {strides = array<i32>} : memref<50x128xf32, #tpu.memory_space<vmem>>, vector<1x16xf32>,
    %get3A_922 = vector.shape_cast %get3A_921 : vector<1x16xf32> to vector<16xf32>
    %add3A_923 = arith.addf %add3A_865, %get3A_922 : vector<16xf32>
    %dma_wait3A_924 = arith.constant 7 : i32
    %dma_wait3A_925 = arith.constant 7 : i32
    %dma_wait3A_926 = arith.constant 0 : i32
    %dma_wait3A_927 = tpu.memref_slice %arg7[%dma_wait3A_925, %dma_wait3A_926] : memref<50x128xf32, #tpu.memory_space<vmem>> -> memref<1x128xf32, #tpu.memory_space<vmem>>
    %dma_wait3A_928 = tpu.memref_squeeze %dma_wait3A_927 : memref<1x128xf32, #tpu.memory_space<vmem>> -> memref<128xf32, #tpu.memory_space<vmem>>
    %dma_wait3A_929 = arith.constant 0 : i32
    %dma_wait3A_930 = tpu.memref_slice %arg6[%dma_wait3A_924, %dma_wait3A_929] : memref<50x128xi32, #tpu.memory_space<vmem>> -> memref<1x128xi32, #tpu.memory_space<vmem>>
    %dma_wait3A_931 = tpu.memref_squeeze %dma_wait3A_930 : memref<1x128xi32, #tpu.memory_space<vmem>> -> memref<128xi32, #tpu.memory_space<vmem>>
    %dma_wait3A_932 = arith.constant 0 : i32
    %dma_wait3A_933 = tpu.memref_slice %arg3[%dma_wait3A_932] : memref<1048576xf32, #tpu.memory_space<hbm>> -> memref<1048576xf32, #tpu.memory_space<hbm>>
    tpu.wait_indirect_dma semaphore(%arg10 : memref<!tpu.dma_semaphore, #tpu.memory_space<semaphore_mem>>) src(%dma_wait3A_933 : memref<1048576xf32, #tpu.memory_space<hbm>>) dst(%dma_wait3A_928 : memref<128xf32, #tpu.memory_space<vmem>>)
    %get3A_934 = arith.constant 7 : i32
    %get3A_935 = arith.index_cast %get3A_934 : i32 to index
    %get3A_936 = arith.constant 0 : index
    %get3A_937 = tpu.vector_load %arg7[%get3A_935, %get3A_936] {strides = array<i32>} : memref<50x128xf32, #tpu.memory_space<vmem>>, vector<1x16xf32>,
    %get3A_938 = vector.shape_cast %get3A_937 : vector<1x16xf32> to vector<16xf32>
    %add3A_939 = arith.addf %add3A_881, %get3A_938 : vector<16xf32>
    %get3A_940 = arith.constant 7 : i32
    %get3A_941 = arith.index_cast %get3A_940 : i32 to index
    %get3A_942 = arith.constant 16 : index
    %get3A_943 = tpu.vector_load %arg7[%get3A_941, %get3A_942] {strides = array<i32>} : memref<50x128xf32, #tpu.memory_space<vmem>>, vector<1x16xf32>,
    %get3A_944 = vector.shape_cast %get3A_943 : vector<1x16xf32> to vector<16xf32>
    %add3A_945 = arith.addf %add3A_887, %get3A_944 : vector<16xf32>
    %get3A_946 = arith.constant 7 : i32
    %get3A_947 = arith.index_cast %get3A_946 : i32 to index
    %get3A_948 = arith.constant 32 : index
    %get3A_949 = tpu.vector_load %arg7[%get3A_947, %get3A_948] {strides = array<i32>} : memref<50x128xf32, #tpu.memory_space<vmem>>, vector<1x16xf32>,
    %get3A_950 = vector.shape_cast %get3A_949 : vector<1x16xf32> to vector<16xf32>
    %add3A_951 = arith.addf %add3A_893, %get3A_950 : vector<16xf32>
    %get3A_952 = arith.constant 7 : i32
    %get3A_953 = arith.index_cast %get3A_952 : i32 to index
    %get3A_954 = arith.constant 48 : index
    %get3A_955 = tpu.vector_load %arg7[%get3A_953, %get3A_954] {strides = array<i32>} : memref<50x128xf32, #tpu.memory_space<vmem>>, vector<1x16xf32>,
    %get3A_956 = vector.shape_cast %get3A_955 : vector<1x16xf32> to vector<16xf32>
    %add3A_957 = arith.addf %add3A_899, %get3A_956 : vector<16xf32>
    %get3A_958 = arith.constant 7 : i32
    %get3A_959 = arith.index_cast %get3A_958 : i32 to index
    %get3A_960 = arith.constant 64 : index
    %get3A_961 = tpu.vector_load %arg7[%get3A_959, %get3A_960] {strides = array<i32>} : memref<50x128xf32, #tpu.memory_space<vmem>>, vector<1x16xf32>,
    %get3A_962 = vector.shape_cast %get3A_961 : vector<1x16xf32> to vector<16xf32>
    %add3A_963 = arith.addf %add3A_905, %get3A_962 : vector<16xf32>
    %get3A_964 = arith.constant 7 : i32
    %get3A_965 = arith.index_cast %get3A_964 : i32 to index
    %get3A_966 = arith.constant 80 : index
    %get3A_967 = tpu.vector_load %arg7[%get3A_965, %get3A_966] {strides = array<i32>} : memref<50x128xf32, #tpu.memory_space<vmem>>, vector<1x16xf32>,
    %get3A_968 = vector.shape_cast %get3A_967 : vector<1x16xf32> to vector<16xf32>
    %add3A_969 = arith.addf %add3A_911, %get3A_968 : vector<16xf32>
    %get3A_970 = arith.constant 7 : i32
    %get3A_971 = arith.index_cast %get3A_970 : i32 to index
    %get3A_972 = arith.constant 96 : index
    %get3A_973 = tpu.vector_load %arg7[%get3A_971, %get3A_972] {strides = array<i32>} : memref<50x128xf32, #tpu.memory_space<vmem>>, vector<1x16xf32>,
    %get3A_974 = vector.shape_cast %get3A_973 : vector<1x16xf32> to vector<16xf32>
    %add3A_975 = arith.addf %add3A_917, %get3A_974 : vector<16xf32>
    %get3A_976 = arith.constant 7 : i32
    %get3A_977 = arith.index_cast %get3A_976 : i32 to index
    %get3A_978 = arith.constant 112 : index
    %get3A_979 = tpu.vector_load %arg7[%get3A_977, %get3A_978] {strides = array<i32>} : memref<50x128xf32, #tpu.memory_space<vmem>>, vector<1x16xf32>,
    %get3A_980 = vector.shape_cast %get3A_979 : vector<1x16xf32> to vector<16xf32>
    %add3A_981 = arith.addf %add3A_923, %get3A_980 : vector<16xf32>
    %dma_wait3A_982 = arith.constant 8 : i32
    %dma_wait3A_983 = arith.constant 8 : i32
    %dma_wait3A_984 = arith.constant 0 : i32
    %dma_wait3A_985 = tpu.memref_slice %arg7[%dma_wait3A_983, %dma_wait3A_984] : memref<50x128xf32, #tpu.memory_space<vmem>> -> memref<1x128xf32, #tpu.memory_space<vmem>>
    %dma_wait3A_986 = tpu.memref_squeeze %dma_wait3A_985 : memref<1x128xf32, #tpu.memory_space<vmem>> -> memref<128xf32, #tpu.memory_space<vmem>>
    %dma_wait3A_987 = arith.constant 0 : i32
    %dma_wait3A_988 = tpu.memref_slice %arg6[%dma_wait3A_982, %dma_wait3A_987] : memref<50x128xi32, #tpu.memory_space<vmem>> -> memref<1x128xi32, #tpu.memory_space<vmem>>
    %dma_wait3A_989 = tpu.memref_squeeze %dma_wait3A_988 : memref<1x128xi32, #tpu.memory_space<vmem>> -> memref<128xi32, #tpu.memory_space<vmem>>
    %dma_wait3A_990 = arith.constant 0 : i32
    %dma_wait3A_991 = tpu.memref_slice %arg3[%dma_wait3A_990] : memref<1048576xf32, #tpu.memory_space<hbm>> -> memref<1048576xf32, #tpu.memory_space<hbm>>
    tpu.wait_indirect_dma semaphore(%arg10 : memref<!tpu.dma_semaphore, #tpu.memory_space<semaphore_mem>>) src(%dma_wait3A_991 : memref<1048576xf32, #tpu.memory_space<hbm>>) dst(%dma_wait3A_986 : memref<128xf32, #tpu.memory_space<vmem>>)
    %get3A_992 = arith.constant 8 : i32
    %get3A_993 = arith.index_cast %get3A_992 : i32 to index
    %get3A_994 = arith.constant 0 : index
    %get3A_995 = tpu.vector_load %arg7[%get3A_993, %get3A_994] {strides = array<i32>} : memref<50x128xf32, #tpu.memory_space<vmem>>, vector<1x16xf32>,
    %get3A_996 = vector.shape_cast %get3A_995 : vector<1x16xf32> to vector<16xf32>
    %add3A_997 = arith.addf %add3A_939, %get3A_996 : vector<16xf32>
    %get3A_998 = arith.constant 8 : i32
    %get3A_999 = arith.index_cast %get3A_998 : i32 to index
    %get3A_1000 = arith.constant 16 : index
    %get3A_1001 = tpu.vector_load %arg7[%get3A_999, %get3A_1000] {strides = array<i32>} : memref<50x128xf32, #tpu.memory_space<vmem>>, vector<1x16xf32>,
    %get3A_1002 = vector.shape_cast %get3A_1001 : vector<1x16xf32> to vector<16xf32>
    %add3A_1003 = arith.addf %add3A_945, %get3A_1002 : vector<16xf32>
    %get3A_1004 = arith.constant 8 : i32
    %get3A_1005 = arith.index_cast %get3A_1004 : i32 to index
    %get3A_1006 = arith.constant 32 : index
    %get3A_1007 = tpu.vector_load %arg7[%get3A_1005, %get3A_1006] {strides = array<i32>} : memref<50x128xf32, #tpu.memory_space<vmem>>, vector<1x16xf32>,
    %get3A_1008 = vector.shape_cast %get3A_1007 : vector<1x16xf32> to vector<16xf32>
    %add3A_1009 = arith.addf %add3A_951, %get3A_1008 : vector<16xf32>
    %get3A_1010 = arith.constant 8 : i32
    %get3A_1011 = arith.index_cast %get3A_1010 : i32 to index
    %get3A_1012 = arith.constant 48 : index
    %get3A_1013 = tpu.vector_load %arg7[%get3A_1011, %get3A_1012] {strides = array<i32>} : memref<50x128xf32, #tpu.memory_space<vmem>>, vector<1x16xf32>,
    %get3A_1014 = vector.shape_cast %get3A_1013 : vector<1x16xf32> to vector<16xf32>
    %add3A_1015 = arith.addf %add3A_957, %get3A_1014 : vector<16xf32>
    %get3A_1016 = arith.constant 8 : i32
    %get3A_1017 = arith.index_cast %get3A_1016 : i32 to index
    %get3A_1018 = arith.constant 64 : index
    %get3A_1019 = tpu.vector_load %arg7[%get3A_1017, %get3A_1018] {strides = array<i32>} : memref<50x128xf32, #tpu.memory_space<vmem>>, vector<1x16xf32>,
    %get3A_1020 = vector.shape_cast %get3A_1019 : vector<1x16xf32> to vector<16xf32>
    %add3A_1021 = arith.addf %add3A_963, %get3A_1020 : vector<16xf32>
    %get3A_1022 = arith.constant 8 : i32
    %get3A_1023 = arith.index_cast %get3A_1022 : i32 to index
    %get3A_1024 = arith.constant 80 : index
    %get3A_1025 = tpu.vector_load %arg7[%get3A_1023, %get3A_1024] {strides = array<i32>} : memref<50x128xf32, #tpu.memory_space<vmem>>, vector<1x16xf32>,
    %get3A_1026 = vector.shape_cast %get3A_1025 : vector<1x16xf32> to vector<16xf32>
    %add3A_1027 = arith.addf %add3A_969, %get3A_1026 : vector<16xf32>
    %get3A_1028 = arith.constant 8 : i32
    %get3A_1029 = arith.index_cast %get3A_1028 : i32 to index
    %get3A_1030 = arith.constant 96 : index
    %get3A_1031 = tpu.vector_load %arg7[%get3A_1029, %get3A_1030] {strides = array<i32>} : memref<50x128xf32, #tpu.memory_space<vmem>>, vector<1x16xf32>,
    %get3A_1032 = vector.shape_cast %get3A_1031 : vector<1x16xf32> to vector<16xf32>
    %add3A_1033 = arith.addf %add3A_975, %get3A_1032 : vector<16xf32>
    %get3A_1034 = arith.constant 8 : i32
    %get3A_1035 = arith.index_cast %get3A_1034 : i32 to index
    %get3A_1036 = arith.constant 112 : index
    %get3A_1037 = tpu.vector_load %arg7[%get3A_1035, %get3A_1036] {strides = array<i32>} : memref<50x128xf32, #tpu.memory_space<vmem>>, vector<1x16xf32>,
    %get3A_1038 = vector.shape_cast %get3A_1037 : vector<1x16xf32> to vector<16xf32>
    %add3A_1039 = arith.addf %add3A_981, %get3A_1038 : vector<16xf32>
    %dma_wait3A_1040 = arith.constant 9 : i32
    %dma_wait3A_1041 = arith.constant 9 : i32
    %dma_wait3A_1042 = arith.constant 0 : i32
    %dma_wait3A_1043 = tpu.memref_slice %arg7[%dma_wait3A_1041, %dma_wait3A_1042] : memref<50x128xf32, #tpu.memory_space<vmem>> -> memref<1x128xf32, #tpu.memory_space<vmem>>
    %dma_wait3A_1044 = tpu.memref_squeeze %dma_wait3A_1043 : memref<1x128xf32, #tpu.memory_space<vmem>> -> memref<128xf32, #tpu.memory_space<vmem>>
    %dma_wait3A_1045 = arith.constant 0 : i32
    %dma_wait3A_1046 = tpu.memref_slice %arg6[%dma_wait3A_1040, %dma_wait3A_1045] : memref<50x128xi32, #tpu.memory_space<vmem>> -> memref<1x128xi32, #tpu.memory_space<vmem>>
    %dma_wait3A_1047 = tpu.memref_squeeze %dma_wait3A_1046 : memref<1x128xi32, #tpu.memory_space<vmem>> -> memref<128xi32, #tpu.memory_space<vmem>>
    %dma_wait3A_1048 = arith.constant 0 : i32
    %dma_wait3A_1049 = tpu.memref_slice %arg3[%dma_wait3A_1048] : memref<1048576xf32, #tpu.memory_space<hbm>> -> memref<1048576xf32, #tpu.memory_space<hbm>>
    tpu.wait_indirect_dma semaphore(%arg10 : memref<!tpu.dma_semaphore, #tpu.memory_space<semaphore_mem>>) src(%dma_wait3A_1049 : memref<1048576xf32, #tpu.memory_space<hbm>>) dst(%dma_wait3A_1044 : memref<128xf32, #tpu.memory_space<vmem>>)
    %get3A_1050 = arith.constant 9 : i32
    %get3A_1051 = arith.index_cast %get3A_1050 : i32 to index
    %get3A_1052 = arith.constant 0 : index
    %get3A_1053 = tpu.vector_load %arg7[%get3A_1051, %get3A_1052] {strides = array<i32>} : memref<50x128xf32, #tpu.memory_space<vmem>>, vector<1x16xf32>,
    %get3A_1054 = vector.shape_cast %get3A_1053 : vector<1x16xf32> to vector<16xf32>
    %add3A_1055 = arith.addf %add3A_997, %get3A_1054 : vector<16xf32>
    %get3A_1056 = arith.constant 9 : i32
    %get3A_1057 = arith.index_cast %get3A_1056 : i32 to index
    %get3A_1058 = arith.constant 16 : index
    %get3A_1059 = tpu.vector_load %arg7[%get3A_1057, %get3A_1058] {strides = array<i32>} : memref<50x128xf32, #tpu.memory_space<vmem>>, vector<1x16xf32>,
    %get3A_1060 = vector.shape_cast %get3A_1059 : vector<1x16xf32> to vector<16xf32>
    %add3A_1061 = arith.addf %add3A_1003, %get3A_1060 : vector<16xf32>
    %get3A_1062 = arith.constant 9 : i32
    %get3A_1063 = arith.index_cast %get3A_1062 : i32 to index
    %get3A_1064 = arith.constant 32 : index
    %get3A_1065 = tpu.vector_load %arg7[%get3A_1063, %get3A_1064] {strides = array<i32>} : memref<50x128xf32, #tpu.memory_space<vmem>>, vector<1x16xf32>,
    %get3A_1066 = vector.shape_cast %get3A_1065 : vector<1x16xf32> to vector<16xf32>
    %add3A_1067 = arith.addf %add3A_1009, %get3A_1066 : vector<16xf32>
    %get3A_1068 = arith.constant 9 : i32
    %get3A_1069 = arith.index_cast %get3A_1068 : i32 to index
    %get3A_1070 = arith.constant 48 : index
    %get3A_1071 = tpu.vector_load %arg7[%get3A_1069, %get3A_1070] {strides = array<i32>} : memref<50x128xf32, #tpu.memory_space<vmem>>, vector<1x16xf32>,
    %get3A_1072 = vector.shape_cast %get3A_1071 : vector<1x16xf32> to vector<16xf32>
    %add3A_1073 = arith.addf %add3A_1015, %get3A_1072 : vector<16xf32>
    %get3A_1074 = arith.constant 9 : i32
    %get3A_1075 = arith.index_cast %get3A_1074 : i32 to index
    %get3A_1076 = arith.constant 64 : index
    %get3A_1077 = tpu.vector_load %arg7[%get3A_1075, %get3A_1076] {strides = array<i32>} : memref<50x128xf32, #tpu.memory_space<vmem>>, vector<1x16xf32>,
    %get3A_1078 = vector.shape_cast %get3A_1077 : vector<1x16xf32> to vector<16xf32>
    %add3A_1079 = arith.addf %add3A_1021, %get3A_1078 : vector<16xf32>
    %get3A_1080 = arith.constant 9 : i32
    %get3A_1081 = arith.index_cast %get3A_1080 : i32 to index
    %get3A_1082 = arith.constant 80 : index
    %get3A_1083 = tpu.vector_load %arg7[%get3A_1081, %get3A_1082] {strides = array<i32>} : memref<50x128xf32, #tpu.memory_space<vmem>>, vector<1x16xf32>,
    %get3A_1084 = vector.shape_cast %get3A_1083 : vector<1x16xf32> to vector<16xf32>
    %add3A_1085 = arith.addf %add3A_1027, %get3A_1084 : vector<16xf32>
    %get3A_1086 = arith.constant 9 : i32
    %get3A_1087 = arith.index_cast %get3A_1086 : i32 to index
    %get3A_1088 = arith.constant 96 : index
    %get3A_1089 = tpu.vector_load %arg7[%get3A_1087, %get3A_1088] {strides = array<i32>} : memref<50x128xf32, #tpu.memory_space<vmem>>, vector<1x16xf32>,
    %get3A_1090 = vector.shape_cast %get3A_1089 : vector<1x16xf32> to vector<16xf32>
    %add3A_1091 = arith.addf %add3A_1033, %get3A_1090 : vector<16xf32>
    %get3A_1092 = arith.constant 9 : i32
    %get3A_1093 = arith.index_cast %get3A_1092 : i32 to index
    %get3A_1094 = arith.constant 112 : index
    %get3A_1095 = tpu.vector_load %arg7[%get3A_1093, %get3A_1094] {strides = array<i32>} : memref<50x128xf32, #tpu.memory_space<vmem>>, vector<1x16xf32>,
    %get3A_1096 = vector.shape_cast %get3A_1095 : vector<1x16xf32> to vector<16xf32>
    %add3A_1097 = arith.addf %add3A_1039, %get3A_1096 : vector<16xf32>
    %dma_wait3A_1098 = arith.constant 10 : i32
    %dma_wait3A_1099 = arith.constant 10 : i32
    %dma_wait3A_1100 = arith.constant 0 : i32
    %dma_wait3A_1101 = tpu.memref_slice %arg7[%dma_wait3A_1099, %dma_wait3A_1100] : memref<50x128xf32, #tpu.memory_space<vmem>> -> memref<1x128xf32, #tpu.memory_space<vmem>>
    %dma_wait3A_1102 = tpu.memref_squeeze %dma_wait3A_1101 : memref<1x128xf32, #tpu.memory_space<vmem>> -> memref<128xf32, #tpu.memory_space<vmem>>
    %dma_wait3A_1103 = arith.constant 0 : i32
    %dma_wait3A_1104 = tpu.memref_slice %arg6[%dma_wait3A_1098, %dma_wait3A_1103] : memref<50x128xi32, #tpu.memory_space<vmem>> -> memref<1x128xi32, #tpu.memory_space<vmem>>
    %dma_wait3A_1105 = tpu.memref_squeeze %dma_wait3A_1104 : memref<1x128xi32, #tpu.memory_space<vmem>> -> memref<128xi32, #tpu.memory_space<vmem>>
    %dma_wait3A_1106 = arith.constant 0 : i32
    %dma_wait3A_1107 = tpu.memref_slice %arg3[%dma_wait3A_1106] : memref<1048576xf32, #tpu.memory_space<hbm>> -> memref<1048576xf32, #tpu.memory_space<hbm>>
    tpu.wait_indirect_dma semaphore(%arg10 : memref<!tpu.dma_semaphore, #tpu.memory_space<semaphore_mem>>) src(%dma_wait3A_1107 : memref<1048576xf32, #tpu.memory_space<hbm>>) dst(%dma_wait3A_1102 : memref<128xf32, #tpu.memory_space<vmem>>)
    %get3A_1108 = arith.constant 10 : i32
    %get3A_1109 = arith.index_cast %get3A_1108 : i32 to index
    %get3A_1110 = arith.constant 0 : index
    %get3A_1111 = tpu.vector_load %arg7[%get3A_1109, %get3A_1110] {strides = array<i32>} : memref<50x128xf32, #tpu.memory_space<vmem>>, vector<1x16xf32>,
    %get3A_1112 = vector.shape_cast %get3A_1111 : vector<1x16xf32> to vector<16xf32>
    %add3A_1113 = arith.addf %add3A_1055, %get3A_1112 : vector<16xf32>
    %get3A_1114 = arith.constant 10 : i32
    %get3A_1115 = arith.index_cast %get3A_1114 : i32 to index
    %get3A_1116 = arith.constant 16 : index
    %get3A_1117 = tpu.vector_load %arg7[%get3A_1115, %get3A_1116] {strides = array<i32>} : memref<50x128xf32, #tpu.memory_space<vmem>>, vector<1x16xf32>,
    %get3A_1118 = vector.shape_cast %get3A_1117 : vector<1x16xf32> to vector<16xf32>
    %add3A_1119 = arith.addf %add3A_1061, %get3A_1118 : vector<16xf32>
    %get3A_1120 = arith.constant 10 : i32
    %get3A_1121 = arith.index_cast %get3A_1120 : i32 to index
    %get3A_1122 = arith.constant 32 : index
    %get3A_1123 = tpu.vector_load %arg7[%get3A_1121, %get3A_1122] {strides = array<i32>} : memref<50x128xf32, #tpu.memory_space<vmem>>, vector<1x16xf32>,
    %get3A_1124 = vector.shape_cast %get3A_1123 : vector<1x16xf32> to vector<16xf32>
    %add3A_1125 = arith.addf %add3A_1067, %get3A_1124 : vector<16xf32>
    %get3A_1126 = arith.constant 10 : i32
    %get3A_1127 = arith.index_cast %get3A_1126 : i32 to index
    %get3A_1128 = arith.constant 48 : index
    %get3A_1129 = tpu.vector_load %arg7[%get3A_1127, %get3A_1128] {strides = array<i32>} : memref<50x128xf32, #tpu.memory_space<vmem>>, vector<1x16xf32>,
    %get3A_1130 = vector.shape_cast %get3A_1129 : vector<1x16xf32> to vector<16xf32>
    %add3A_1131 = arith.addf %add3A_1073, %get3A_1130 : vector<16xf32>
    %get3A_1132 = arith.constant 10 : i32
    %get3A_1133 = arith.index_cast %get3A_1132 : i32 to index
    %get3A_1134 = arith.constant 64 : index
    %get3A_1135 = tpu.vector_load %arg7[%get3A_1133, %get3A_1134] {strides = array<i32>} : memref<50x128xf32, #tpu.memory_space<vmem>>, vector<1x16xf32>,
    %get3A_1136 = vector.shape_cast %get3A_1135 : vector<1x16xf32> to vector<16xf32>
    %add3A_1137 = arith.addf %add3A_1079, %get3A_1136 : vector<16xf32>
    %get3A_1138 = arith.constant 10 : i32
    %get3A_1139 = arith.index_cast %get3A_1138 : i32 to index
    %get3A_1140 = arith.constant 80 : index
    %get3A_1141 = tpu.vector_load %arg7[%get3A_1139, %get3A_1140] {strides = array<i32>} : memref<50x128xf32, #tpu.memory_space<vmem>>, vector<1x16xf32>,
    %get3A_1142 = vector.shape_cast %get3A_1141 : vector<1x16xf32> to vector<16xf32>
    %add3A_1143 = arith.addf %add3A_1085, %get3A_1142 : vector<16xf32>
    %get3A_1144 = arith.constant 10 : i32
    %get3A_1145 = arith.index_cast %get3A_1144 : i32 to index
    %get3A_1146 = arith.constant 96 : index
    %get3A_1147 = tpu.vector_load %arg7[%get3A_1145, %get3A_1146] {strides = array<i32>} : memref<50x128xf32, #tpu.memory_space<vmem>>, vector<1x16xf32>,
    %get3A_1148 = vector.shape_cast %get3A_1147 : vector<1x16xf32> to vector<16xf32>
    %add3A_1149 = arith.addf %add3A_1091, %get3A_1148 : vector<16xf32>
    %get3A_1150 = arith.constant 10 : i32
    %get3A_1151 = arith.index_cast %get3A_1150 : i32 to index
    %get3A_1152 = arith.constant 112 : index
    %get3A_1153 = tpu.vector_load %arg7[%get3A_1151, %get3A_1152] {strides = array<i32>} : memref<50x128xf32, #tpu.memory_space<vmem>>, vector<1x16xf32>,
    %get3A_1154 = vector.shape_cast %get3A_1153 : vector<1x16xf32> to vector<16xf32>
    %add3A_1155 = arith.addf %add3A_1097, %get3A_1154 : vector<16xf32>
    %dma_wait3A_1156 = arith.constant 11 : i32
    %dma_wait3A_1157 = arith.constant 11 : i32
    %dma_wait3A_1158 = arith.constant 0 : i32
    %dma_wait3A_1159 = tpu.memref_slice %arg7[%dma_wait3A_1157, %dma_wait3A_1158] : memref<50x128xf32, #tpu.memory_space<vmem>> -> memref<1x128xf32, #tpu.memory_space<vmem>>
    %dma_wait3A_1160 = tpu.memref_squeeze %dma_wait3A_1159 : memref<1x128xf32, #tpu.memory_space<vmem>> -> memref<128xf32, #tpu.memory_space<vmem>>
    %dma_wait3A_1161 = arith.constant 0 : i32
    %dma_wait3A_1162 = tpu.memref_slice %arg6[%dma_wait3A_1156, %dma_wait3A_1161] : memref<50x128xi32, #tpu.memory_space<vmem>> -> memref<1x128xi32, #tpu.memory_space<vmem>>
    %dma_wait3A_1163 = tpu.memref_squeeze %dma_wait3A_1162 : memref<1x128xi32, #tpu.memory_space<vmem>> -> memref<128xi32, #tpu.memory_space<vmem>>
    %dma_wait3A_1164 = arith.constant 0 : i32
    %dma_wait3A_1165 = tpu.memref_slice %arg3[%dma_wait3A_1164] : memref<1048576xf32, #tpu.memory_space<hbm>> -> memref<1048576xf32, #tpu.memory_space<hbm>>
    tpu.wait_indirect_dma semaphore(%arg10 : memref<!tpu.dma_semaphore, #tpu.memory_space<semaphore_mem>>) src(%dma_wait3A_1165 : memref<1048576xf32, #tpu.memory_space<hbm>>) dst(%dma_wait3A_1160 : memref<128xf32, #tpu.memory_space<vmem>>)
    %get3A_1166 = arith.constant 11 : i32
    %get3A_1167 = arith.index_cast %get3A_1166 : i32 to index
    %get3A_1168 = arith.constant 0 : index
    %get3A_1169 = tpu.vector_load %arg7[%get3A_1167, %get3A_1168] {strides = array<i32>} : memref<50x128xf32, #tpu.memory_space<vmem>>, vector<1x16xf32>,
    %get3A_1170 = vector.shape_cast %get3A_1169 : vector<1x16xf32> to vector<16xf32>
    %add3A_1171 = arith.addf %add3A_1113, %get3A_1170 : vector<16xf32>
    %get3A_1172 = arith.constant 11 : i32
    %get3A_1173 = arith.index_cast %get3A_1172 : i32 to index
    %get3A_1174 = arith.constant 16 : index
    %get3A_1175 = tpu.vector_load %arg7[%get3A_1173, %get3A_1174] {strides = array<i32>} : memref<50x128xf32, #tpu.memory_space<vmem>>, vector<1x16xf32>,
    %get3A_1176 = vector.shape_cast %get3A_1175 : vector<1x16xf32> to vector<16xf32>
    %add3A_1177 = arith.addf %add3A_1119, %get3A_1176 : vector<16xf32>
    %get3A_1178 = arith.constant 11 : i32
    %get3A_1179 = arith.index_cast %get3A_1178 : i32 to index
    %get3A_1180 = arith.constant 32 : index
    %get3A_1181 = tpu.vector_load %arg7[%get3A_1179, %get3A_1180] {strides = array<i32>} : memref<50x128xf32, #tpu.memory_space<vmem>>, vector<1x16xf32>,
    %get3A_1182 = vector.shape_cast %get3A_1181 : vector<1x16xf32> to vector<16xf32>
    %add3A_1183 = arith.addf %add3A_1125, %get3A_1182 : vector<16xf32>
    %get3A_1184 = arith.constant 11 : i32
    %get3A_1185 = arith.index_cast %get3A_1184 : i32 to index
    %get3A_1186 = arith.constant 48 : index
    %get3A_1187 = tpu.vector_load %arg7[%get3A_1185, %get3A_1186] {strides = array<i32>} : memref<50x128xf32, #tpu.memory_space<vmem>>, vector<1x16xf32>,
    %get3A_1188 = vector.shape_cast %get3A_1187 : vector<1x16xf32> to vector<16xf32>
    %add3A_1189 = arith.addf %add3A_1131, %get3A_1188 : vector<16xf32>
    %get3A_1190 = arith.constant 11 : i32
    %get3A_1191 = arith.index_cast %get3A_1190 : i32 to index
    %get3A_1192 = arith.constant 64 : index
    %get3A_1193 = tpu.vector_load %arg7[%get3A_1191, %get3A_1192] {strides = array<i32>} : memref<50x128xf32, #tpu.memory_space<vmem>>, vector<1x16xf32>,
    %get3A_1194 = vector.shape_cast %get3A_1193 : vector<1x16xf32> to vector<16xf32>
    %add3A_1195 = arith.addf %add3A_1137, %get3A_1194 : vector<16xf32>
    %get3A_1196 = arith.constant 11 : i32
    %get3A_1197 = arith.index_cast %get3A_1196 : i32 to index
    %get3A_1198 = arith.constant 80 : index
    %get3A_1199 = tpu.vector_load %arg7[%get3A_1197, %get3A_1198] {strides = array<i32>} : memref<50x128xf32, #tpu.memory_space<vmem>>, vector<1x16xf32>,
    %get3A_1200 = vector.shape_cast %get3A_1199 : vector<1x16xf32> to vector<16xf32>
    %add3A_1201 = arith.addf %add3A_1143, %get3A_1200 : vector<16xf32>
    %get3A_1202 = arith.constant 11 : i32
    %get3A_1203 = arith.index_cast %get3A_1202 : i32 to index
    %get3A_1204 = arith.constant 96 : index
    %get3A_1205 = tpu.vector_load %arg7[%get3A_1203, %get3A_1204] {strides = array<i32>} : memref<50x128xf32, #tpu.memory_space<vmem>>, vector<1x16xf32>,
    %get3A_1206 = vector.shape_cast %get3A_1205 : vector<1x16xf32> to vector<16xf32>
    %add3A_1207 = arith.addf %add3A_1149, %get3A_1206 : vector<16xf32>
    %get3A_1208 = arith.constant 11 : i32
    %get3A_1209 = arith.index_cast %get3A_1208 : i32 to index
    %get3A_1210 = arith.constant 112 : index
    %get3A_1211 = tpu.vector_load %arg7[%get3A_1209, %get3A_1210] {strides = array<i32>} : memref<50x128xf32, #tpu.memory_space<vmem>>, vector<1x16xf32>,
    %get3A_1212 = vector.shape_cast %get3A_1211 : vector<1x16xf32> to vector<16xf32>
    %add3A_1213 = arith.addf %add3A_1155, %get3A_1212 : vector<16xf32>
    %dma_wait3A_1214 = arith.constant 12 : i32
    %dma_wait3A_1215 = arith.constant 12 : i32
    %dma_wait3A_1216 = arith.constant 0 : i32
    %dma_wait3A_1217 = tpu.memref_slice %arg7[%dma_wait3A_1215, %dma_wait3A_1216] : memref<50x128xf32, #tpu.memory_space<vmem>> -> memref<1x128xf32, #tpu.memory_space<vmem>>
    %dma_wait3A_1218 = tpu.memref_squeeze %dma_wait3A_1217 : memref<1x128xf32, #tpu.memory_space<vmem>> -> memref<128xf32, #tpu.memory_space<vmem>>
    %dma_wait3A_1219 = arith.constant 0 : i32
    %dma_wait3A_1220 = tpu.memref_slice %arg6[%dma_wait3A_1214, %dma_wait3A_1219] : memref<50x128xi32, #tpu.memory_space<vmem>> -> memref<1x128xi32, #tpu.memory_space<vmem>>
    %dma_wait3A_1221 = tpu.memref_squeeze %dma_wait3A_1220 : memref<1x128xi32, #tpu.memory_space<vmem>> -> memref<128xi32, #tpu.memory_space<vmem>>
    %dma_wait3A_1222 = arith.constant 0 : i32
    %dma_wait3A_1223 = tpu.memref_slice %arg3[%dma_wait3A_1222] : memref<1048576xf32, #tpu.memory_space<hbm>> -> memref<1048576xf32, #tpu.memory_space<hbm>>
    tpu.wait_indirect_dma semaphore(%arg10 : memref<!tpu.dma_semaphore, #tpu.memory_space<semaphore_mem>>) src(%dma_wait3A_1223 : memref<1048576xf32, #tpu.memory_space<hbm>>) dst(%dma_wait3A_1218 : memref<128xf32, #tpu.memory_space<vmem>>)
    %get3A_1224 = arith.constant 12 : i32
    %get3A_1225 = arith.index_cast %get3A_1224 : i32 to index
    %get3A_1226 = arith.constant 0 : index
    %get3A_1227 = tpu.vector_load %arg7[%get3A_1225, %get3A_1226] {strides = array<i32>} : memref<50x128xf32, #tpu.memory_space<vmem>>, vector<1x16xf32>,
    %get3A_1228 = vector.shape_cast %get3A_1227 : vector<1x16xf32> to vector<16xf32>
    %add3A_1229 = arith.addf %add3A_1171, %get3A_1228 : vector<16xf32>
    %get3A_1230 = arith.constant 12 : i32
    %get3A_1231 = arith.index_cast %get3A_1230 : i32 to index
    %get3A_1232 = arith.constant 16 : index
    %get3A_1233 = tpu.vector_load %arg7[%get3A_1231, %get3A_1232] {strides = array<i32>} : memref<50x128xf32, #tpu.memory_space<vmem>>, vector<1x16xf32>,
    %get3A_1234 = vector.shape_cast %get3A_1233 : vector<1x16xf32> to vector<16xf32>
    %add3A_1235 = arith.addf %add3A_1177, %get3A_1234 : vector<16xf32>
    %get3A_1236 = arith.constant 12 : i32
    %get3A_1237 = arith.index_cast %get3A_1236 : i32 to index
    %get3A_1238 = arith.constant 32 : index
    %get3A_1239 = tpu.vector_load %arg7[%get3A_1237, %get3A_1238] {strides = array<i32>} : memref<50x128xf32, #tpu.memory_space<vmem>>, vector<1x16xf32>,
    %get3A_1240 = vector.shape_cast %get3A_1239 : vector<1x16xf32> to vector<16xf32>
    %add3A_1241 = arith.addf %add3A_1183, %get3A_1240 : vector<16xf32>
    %get3A_1242 = arith.constant 12 : i32
    %get3A_1243 = arith.index_cast %get3A_1242 : i32 to index
    %get3A_1244 = arith.constant 48 : index
    %get3A_1245 = tpu.vector_load %arg7[%get3A_1243, %get3A_1244] {strides = array<i32>} : memref<50x128xf32, #tpu.memory_space<vmem>>, vector<1x16xf32>,
    %get3A_1246 = vector.shape_cast %get3A_1245 : vector<1x16xf32> to vector<16xf32>
    %add3A_1247 = arith.addf %add3A_1189, %get3A_1246 : vector<16xf32>
    %get3A_1248 = arith.constant 12 : i32
    %get3A_1249 = arith.index_cast %get3A_1248 : i32 to index
    %get3A_1250 = arith.constant 64 : index
    %get3A_1251 = tpu.vector_load %arg7[%get3A_1249, %get3A_1250] {strides = array<i32>} : memref<50x128xf32, #tpu.memory_space<vmem>>, vector<1x16xf32>,
    %get3A_1252 = vector.shape_cast %get3A_1251 : vector<1x16xf32> to vector<16xf32>
    %add3A_1253 = arith.addf %add3A_1195, %get3A_1252 : vector<16xf32>
    %get3A_1254 = arith.constant 12 : i32
    %get3A_1255 = arith.index_cast %get3A_1254 : i32 to index
    %get3A_1256 = arith.constant 80 : index
    %get3A_1257 = tpu.vector_load %arg7[%get3A_1255, %get3A_1256] {strides = array<i32>} : memref<50x128xf32, #tpu.memory_space<vmem>>, vector<1x16xf32>,
    %get3A_1258 = vector.shape_cast %get3A_1257 : vector<1x16xf32> to vector<16xf32>
    %add3A_1259 = arith.addf %add3A_1201, %get3A_1258 : vector<16xf32>
    %get3A_1260 = arith.constant 12 : i32
    %get3A_1261 = arith.index_cast %get3A_1260 : i32 to index
    %get3A_1262 = arith.constant 96 : index
    %get3A_1263 = tpu.vector_load %arg7[%get3A_1261, %get3A_1262] {strides = array<i32>} : memref<50x128xf32, #tpu.memory_space<vmem>>, vector<1x16xf32>,
    %get3A_1264 = vector.shape_cast %get3A_1263 : vector<1x16xf32> to vector<16xf32>
    %add3A_1265 = arith.addf %add3A_1207, %get3A_1264 : vector<16xf32>
    %get3A_1266 = arith.constant 12 : i32
    %get3A_1267 = arith.index_cast %get3A_1266 : i32 to index
    %get3A_1268 = arith.constant 112 : index
    %get3A_1269 = tpu.vector_load %arg7[%get3A_1267, %get3A_1268] {strides = array<i32>} : memref<50x128xf32, #tpu.memory_space<vmem>>, vector<1x16xf32>,
    %get3A_1270 = vector.shape_cast %get3A_1269 : vector<1x16xf32> to vector<16xf32>
    %add3A_1271 = arith.addf %add3A_1213, %get3A_1270 : vector<16xf32>
    %dma_wait3A_1272 = arith.constant 13 : i32
    %dma_wait3A_1273 = arith.constant 13 : i32
    %dma_wait3A_1274 = arith.constant 0 : i32
    %dma_wait3A_1275 = tpu.memref_slice %arg7[%dma_wait3A_1273, %dma_wait3A_1274] : memref<50x128xf32, #tpu.memory_space<vmem>> -> memref<1x128xf32, #tpu.memory_space<vmem>>
    %dma_wait3A_1276 = tpu.memref_squeeze %dma_wait3A_1275 : memref<1x128xf32, #tpu.memory_space<vmem>> -> memref<128xf32, #tpu.memory_space<vmem>>
    %dma_wait3A_1277 = arith.constant 0 : i32
    %dma_wait3A_1278 = tpu.memref_slice %arg6[%dma_wait3A_1272, %dma_wait3A_1277] : memref<50x128xi32, #tpu.memory_space<vmem>> -> memref<1x128xi32, #tpu.memory_space<vmem>>
    %dma_wait3A_1279 = tpu.memref_squeeze %dma_wait3A_1278 : memref<1x128xi32, #tpu.memory_space<vmem>> -> memref<128xi32, #tpu.memory_space<vmem>>
    %dma_wait3A_1280 = arith.constant 0 : i32
    %dma_wait3A_1281 = tpu.memref_slice %arg3[%dma_wait3A_1280] : memref<1048576xf32, #tpu.memory_space<hbm>> -> memref<1048576xf32, #tpu.memory_space<hbm>>
    tpu.wait_indirect_dma semaphore(%arg10 : memref<!tpu.dma_semaphore, #tpu.memory_space<semaphore_mem>>) src(%dma_wait3A_1281 : memref<1048576xf32, #tpu.memory_space<hbm>>) dst(%dma_wait3A_1276 : memref<128xf32, #tpu.memory_space<vmem>>)
    %get3A_1282 = arith.constant 13 : i32
    %get3A_1283 = arith.index_cast %get3A_1282 : i32 to index
    %get3A_1284 = arith.constant 0 : index
    %get3A_1285 = tpu.vector_load %arg7[%get3A_1283, %get3A_1284] {strides = array<i32>} : memref<50x128xf32, #tpu.memory_space<vmem>>, vector<1x16xf32>,
    %get3A_1286 = vector.shape_cast %get3A_1285 : vector<1x16xf32> to vector<16xf32>
    %add3A_1287 = arith.addf %add3A_1229, %get3A_1286 : vector<16xf32>
    %get3A_1288 = arith.constant 13 : i32
    %get3A_1289 = arith.index_cast %get3A_1288 : i32 to index
    %get3A_1290 = arith.constant 16 : index
    %get3A_1291 = tpu.vector_load %arg7[%get3A_1289, %get3A_1290] {strides = array<i32>} : memref<50x128xf32, #tpu.memory_space<vmem>>, vector<1x16xf32>,
    %get3A_1292 = vector.shape_cast %get3A_1291 : vector<1x16xf32> to vector<16xf32>
    %add3A_1293 = arith.addf %add3A_1235, %get3A_1292 : vector<16xf32>
    %get3A_1294 = arith.constant 13 : i32
    %get3A_1295 = arith.index_cast %get3A_1294 : i32 to index
    %get3A_1296 = arith.constant 32 : index
    %get3A_1297 = tpu.vector_load %arg7[%get3A_1295, %get3A_1296] {strides = array<i32>} : memref<50x128xf32, #tpu.memory_space<vmem>>, vector<1x16xf32>,
    %get3A_1298 = vector.shape_cast %get3A_1297 : vector<1x16xf32> to vector<16xf32>
    %add3A_1299 = arith.addf %add3A_1241, %get3A_1298 : vector<16xf32>
    %get3A_1300 = arith.constant 13 : i32
    %get3A_1301 = arith.index_cast %get3A_1300 : i32 to index
    %get3A_1302 = arith.constant 48 : index
    %get3A_1303 = tpu.vector_load %arg7[%get3A_1301, %get3A_1302] {strides = array<i32>} : memref<50x128xf32, #tpu.memory_space<vmem>>, vector<1x16xf32>,
    %get3A_1304 = vector.shape_cast %get3A_1303 : vector<1x16xf32> to vector<16xf32>
    %add3A_1305 = arith.addf %add3A_1247, %get3A_1304 : vector<16xf32>
    %get3A_1306 = arith.constant 13 : i32
    %get3A_1307 = arith.index_cast %get3A_1306 : i32 to index
    %get3A_1308 = arith.constant 64 : index
    %get3A_1309 = tpu.vector_load %arg7[%get3A_1307, %get3A_1308] {strides = array<i32>} : memref<50x128xf32, #tpu.memory_space<vmem>>, vector<1x16xf32>,
    %get3A_1310 = vector.shape_cast %get3A_1309 : vector<1x16xf32> to vector<16xf32>
    %add3A_1311 = arith.addf %add3A_1253, %get3A_1310 : vector<16xf32>
    %get3A_1312 = arith.constant 13 : i32
    %get3A_1313 = arith.index_cast %get3A_1312 : i32 to index
    %get3A_1314 = arith.constant 80 : index
    %get3A_1315 = tpu.vector_load %arg7[%get3A_1313, %get3A_1314] {strides = array<i32>} : memref<50x128xf32, #tpu.memory_space<vmem>>, vector<1x16xf32>,
    %get3A_1316 = vector.shape_cast %get3A_1315 : vector<1x16xf32> to vector<16xf32>
    %add3A_1317 = arith.addf %add3A_1259, %get3A_1316 : vector<16xf32>
    %get3A_1318 = arith.constant 13 : i32
    %get3A_1319 = arith.index_cast %get3A_1318 : i32 to index
    %get3A_1320 = arith.constant 96 : index
    %get3A_1321 = tpu.vector_load %arg7[%get3A_1319, %get3A_1320] {strides = array<i32>} : memref<50x128xf32, #tpu.memory_space<vmem>>, vector<1x16xf32>,
    %get3A_1322 = vector.shape_cast %get3A_1321 : vector<1x16xf32> to vector<16xf32>
    %add3A_1323 = arith.addf %add3A_1265, %get3A_1322 : vector<16xf32>
    %get3A_1324 = arith.constant 13 : i32
    %get3A_1325 = arith.index_cast %get3A_1324 : i32 to index
    %get3A_1326 = arith.constant 112 : index
    %get3A_1327 = tpu.vector_load %arg7[%get3A_1325, %get3A_1326] {strides = array<i32>} : memref<50x128xf32, #tpu.memory_space<vmem>>, vector<1x16xf32>,
    %get3A_1328 = vector.shape_cast %get3A_1327 : vector<1x16xf32> to vector<16xf32>
    %add3A_1329 = arith.addf %add3A_1271, %get3A_1328 : vector<16xf32>
    %dma_wait3A_1330 = arith.constant 14 : i32
    %dma_wait3A_1331 = arith.constant 14 : i32
    %dma_wait3A_1332 = arith.constant 0 : i32
    %dma_wait3A_1333 = tpu.memref_slice %arg7[%dma_wait3A_1331, %dma_wait3A_1332] : memref<50x128xf32, #tpu.memory_space<vmem>> -> memref<1x128xf32, #tpu.memory_space<vmem>>
    %dma_wait3A_1334 = tpu.memref_squeeze %dma_wait3A_1333 : memref<1x128xf32, #tpu.memory_space<vmem>> -> memref<128xf32, #tpu.memory_space<vmem>>
    %dma_wait3A_1335 = arith.constant 0 : i32
    %dma_wait3A_1336 = tpu.memref_slice %arg6[%dma_wait3A_1330, %dma_wait3A_1335] : memref<50x128xi32, #tpu.memory_space<vmem>> -> memref<1x128xi32, #tpu.memory_space<vmem>>
    %dma_wait3A_1337 = tpu.memref_squeeze %dma_wait3A_1336 : memref<1x128xi32, #tpu.memory_space<vmem>> -> memref<128xi32, #tpu.memory_space<vmem>>
    %dma_wait3A_1338 = arith.constant 0 : i32
    %dma_wait3A_1339 = tpu.memref_slice %arg3[%dma_wait3A_1338] : memref<1048576xf32, #tpu.memory_space<hbm>> -> memref<1048576xf32, #tpu.memory_space<hbm>>
    tpu.wait_indirect_dma semaphore(%arg10 : memref<!tpu.dma_semaphore, #tpu.memory_space<semaphore_mem>>) src(%dma_wait3A_1339 : memref<1048576xf32, #tpu.memory_space<hbm>>) dst(%dma_wait3A_1334 : memref<128xf32, #tpu.memory_space<vmem>>)
    %get3A_1340 = arith.constant 14 : i32
    %get3A_1341 = arith.index_cast %get3A_1340 : i32 to index
    %get3A_1342 = arith.constant 0 : index
    %get3A_1343 = tpu.vector_load %arg7[%get3A_1341, %get3A_1342] {strides = array<i32>} : memref<50x128xf32, #tpu.memory_space<vmem>>, vector<1x16xf32>,
    %get3A_1344 = vector.shape_cast %get3A_1343 : vector<1x16xf32> to vector<16xf32>
    %add3A_1345 = arith.addf %add3A_1287, %get3A_1344 : vector<16xf32>
    %get3A_1346 = arith.constant 14 : i32
    %get3A_1347 = arith.index_cast %get3A_1346 : i32 to index
    %get3A_1348 = arith.constant 16 : index
    %get3A_1349 = tpu.vector_load %arg7[%get3A_1347, %get3A_1348] {strides = array<i32>} : memref<50x128xf32, #tpu.memory_space<vmem>>, vector<1x16xf32>,
    %get3A_1350 = vector.shape_cast %get3A_1349 : vector<1x16xf32> to vector<16xf32>
    %add3A_1351 = arith.addf %add3A_1293, %get3A_1350 : vector<16xf32>
    %get3A_1352 = arith.constant 14 : i32
    %get3A_1353 = arith.index_cast %get3A_1352 : i32 to index
    %get3A_1354 = arith.constant 32 : index
    %get3A_1355 = tpu.vector_load %arg7[%get3A_1353, %get3A_1354] {strides = array<i32>} : memref<50x128xf32, #tpu.memory_space<vmem>>, vector<1x16xf32>,
    %get3A_1356 = vector.shape_cast %get3A_1355 : vector<1x16xf32> to vector<16xf32>
    %add3A_1357 = arith.addf %add3A_1299, %get3A_1356 : vector<16xf32>
    %get3A_1358 = arith.constant 14 : i32
    %get3A_1359 = arith.index_cast %get3A_1358 : i32 to index
    %get3A_1360 = arith.constant 48 : index
    %get3A_1361 = tpu.vector_load %arg7[%get3A_1359, %get3A_1360] {strides = array<i32>} : memref<50x128xf32, #tpu.memory_space<vmem>>, vector<1x16xf32>,
    %get3A_1362 = vector.shape_cast %get3A_1361 : vector<1x16xf32> to vector<16xf32>
    %add3A_1363 = arith.addf %add3A_1305, %get3A_1362 : vector<16xf32>
    %get3A_1364 = arith.constant 14 : i32
    %get3A_1365 = arith.index_cast %get3A_1364 : i32 to index
    %get3A_1366 = arith.constant 64 : index
    %get3A_1367 = tpu.vector_load %arg7[%get3A_1365, %get3A_1366] {strides = array<i32>} : memref<50x128xf32, #tpu.memory_space<vmem>>, vector<1x16xf32>,
    %get3A_1368 = vector.shape_cast %get3A_1367 : vector<1x16xf32> to vector<16xf32>
    %add3A_1369 = arith.addf %add3A_1311, %get3A_1368 : vector<16xf32>
    %get3A_1370 = arith.constant 14 : i32
    %get3A_1371 = arith.index_cast %get3A_1370 : i32 to index
    %get3A_1372 = arith.constant 80 : index
    %get3A_1373 = tpu.vector_load %arg7[%get3A_1371, %get3A_1372] {strides = array<i32>} : memref<50x128xf32, #tpu.memory_space<vmem>>, vector<1x16xf32>,
    %get3A_1374 = vector.shape_cast %get3A_1373 : vector<1x16xf32> to vector<16xf32>
    %add3A_1375 = arith.addf %add3A_1317, %get3A_1374 : vector<16xf32>
    %get3A_1376 = arith.constant 14 : i32
    %get3A_1377 = arith.index_cast %get3A_1376 : i32 to index
    %get3A_1378 = arith.constant 96 : index
    %get3A_1379 = tpu.vector_load %arg7[%get3A_1377, %get3A_1378] {strides = array<i32>} : memref<50x128xf32, #tpu.memory_space<vmem>>, vector<1x16xf32>,
    %get3A_1380 = vector.shape_cast %get3A_1379 : vector<1x16xf32> to vector<16xf32>
    %add3A_1381 = arith.addf %add3A_1323, %get3A_1380 : vector<16xf32>
    %get3A_1382 = arith.constant 14 : i32
    %get3A_1383 = arith.index_cast %get3A_1382 : i32 to index
    %get3A_1384 = arith.constant 112 : index
    %get3A_1385 = tpu.vector_load %arg7[%get3A_1383, %get3A_1384] {strides = array<i32>} : memref<50x128xf32, #tpu.memory_space<vmem>>, vector<1x16xf32>,
    %get3A_1386 = vector.shape_cast %get3A_1385 : vector<1x16xf32> to vector<16xf32>
    %add3A_1387 = arith.addf %add3A_1329, %get3A_1386 : vector<16xf32>
    %dma_wait3A_1388 = arith.constant 15 : i32
    %dma_wait3A_1389 = arith.constant 15 : i32
    %dma_wait3A_1390 = arith.constant 0 : i32
    %dma_wait3A_1391 = tpu.memref_slice %arg7[%dma_wait3A_1389, %dma_wait3A_1390] : memref<50x128xf32, #tpu.memory_space<vmem>> -> memref<1x128xf32, #tpu.memory_space<vmem>>
    %dma_wait3A_1392 = tpu.memref_squeeze %dma_wait3A_1391 : memref<1x128xf32, #tpu.memory_space<vmem>> -> memref<128xf32, #tpu.memory_space<vmem>>
    %dma_wait3A_1393 = arith.constant 0 : i32
    %dma_wait3A_1394 = tpu.memref_slice %arg6[%dma_wait3A_1388, %dma_wait3A_1393] : memref<50x128xi32, #tpu.memory_space<vmem>> -> memref<1x128xi32, #tpu.memory_space<vmem>>
    %dma_wait3A_1395 = tpu.memref_squeeze %dma_wait3A_1394 : memref<1x128xi32, #tpu.memory_space<vmem>> -> memref<128xi32, #tpu.memory_space<vmem>>
    %dma_wait3A_1396 = arith.constant 0 : i32
    %dma_wait3A_1397 = tpu.memref_slice %arg3[%dma_wait3A_1396] : memref<1048576xf32, #tpu.memory_space<hbm>> -> memref<1048576xf32, #tpu.memory_space<hbm>>
    tpu.wait_indirect_dma semaphore(%arg10 : memref<!tpu.dma_semaphore, #tpu.memory_space<semaphore_mem>>) src(%dma_wait3A_1397 : memref<1048576xf32, #tpu.memory_space<hbm>>) dst(%dma_wait3A_1392 : memref<128xf32, #tpu.memory_space<vmem>>)
    %get3A_1398 = arith.constant 15 : i32
    %get3A_1399 = arith.index_cast %get3A_1398 : i32 to index
    %get3A_1400 = arith.constant 0 : index
    %get3A_1401 = tpu.vector_load %arg7[%get3A_1399, %get3A_1400] {strides = array<i32>} : memref<50x128xf32, #tpu.memory_space<vmem>>, vector<1x16xf32>,
    %get3A_1402 = vector.shape_cast %get3A_1401 : vector<1x16xf32> to vector<16xf32>
    %add3A_1403 = arith.addf %add3A_1345, %get3A_1402 : vector<16xf32>
    %get3A_1404 = arith.constant 15 : i32
    %get3A_1405 = arith.index_cast %get3A_1404 : i32 to index
    %get3A_1406 = arith.constant 16 : index
    %get3A_1407 = tpu.vector_load %arg7[%get3A_1405, %get3A_1406] {strides = array<i32>} : memref<50x128xf32, #tpu.memory_space<vmem>>, vector<1x16xf32>,
    %get3A_1408 = vector.shape_cast %get3A_1407 : vector<1x16xf32> to vector<16xf32>
    %add3A_1409 = arith.addf %add3A_1351, %get3A_1408 : vector<16xf32>
    %get3A_1410 = arith.constant 15 : i32
    %get3A_1411 = arith.index_cast %get3A_1410 : i32 to index
    %get3A_1412 = arith.constant 32 : index
    %get3A_1413 = tpu.vector_load %arg7[%get3A_1411, %get3A_1412] {strides = array<i32>} : memref<50x128xf32, #tpu.memory_space<vmem>>, vector<1x16xf32>,
    %get3A_1414 = vector.shape_cast %get3A_1413 : vector<1x16xf32> to vector<16xf32>
    %add3A_1415 = arith.addf %add3A_1357, %get3A_1414 : vector<16xf32>
    %get3A_1416 = arith.constant 15 : i32
    %get3A_1417 = arith.index_cast %get3A_1416 : i32 to index
    %get3A_1418 = arith.constant 48 : index
    %get3A_1419 = tpu.vector_load %arg7[%get3A_1417, %get3A_1418] {strides = array<i32>} : memref<50x128xf32, #tpu.memory_space<vmem>>, vector<1x16xf32>,
    %get3A_1420 = vector.shape_cast %get3A_1419 : vector<1x16xf32> to vector<16xf32>
    %add3A_1421 = arith.addf %add3A_1363, %get3A_1420 : vector<16xf32>
    %get3A_1422 = arith.constant 15 : i32
    %get3A_1423 = arith.index_cast %get3A_1422 : i32 to index
    %get3A_1424 = arith.constant 64 : index
    %get3A_1425 = tpu.vector_load %arg7[%get3A_1423, %get3A_1424] {strides = array<i32>} : memref<50x128xf32, #tpu.memory_space<vmem>>, vector<1x16xf32>,
    %get3A_1426 = vector.shape_cast %get3A_1425 : vector<1x16xf32> to vector<16xf32>
    %add3A_1427 = arith.addf %add3A_1369, %get3A_1426 : vector<16xf32>
    %get3A_1428 = arith.constant 15 : i32
    %get3A_1429 = arith.index_cast %get3A_1428 : i32 to index
    %get3A_1430 = arith.constant 80 : index
    %get3A_1431 = tpu.vector_load %arg7[%get3A_1429, %get3A_1430] {strides = array<i32>} : memref<50x128xf32, #tpu.memory_space<vmem>>, vector<1x16xf32>,
    %get3A_1432 = vector.shape_cast %get3A_1431 : vector<1x16xf32> to vector<16xf32>
    %add3A_1433 = arith.addf %add3A_1375, %get3A_1432 : vector<16xf32>
    %get3A_1434 = arith.constant 15 : i32
    %get3A_1435 = arith.index_cast %get3A_1434 : i32 to index
    %get3A_1436 = arith.constant 96 : index
    %get3A_1437 = tpu.vector_load %arg7[%get3A_1435, %get3A_1436] {strides = array<i32>} : memref<50x128xf32, #tpu.memory_space<vmem>>, vector<1x16xf32>,
    %get3A_1438 = vector.shape_cast %get3A_1437 : vector<1x16xf32> to vector<16xf32>
    %add3A_1439 = arith.addf %add3A_1381, %get3A_1438 : vector<16xf32>
    %get3A_1440 = arith.constant 15 : i32
    %get3A_1441 = arith.index_cast %get3A_1440 : i32 to index
    %get3A_1442 = arith.constant 112 : index
    %get3A_1443 = tpu.vector_load %arg7[%get3A_1441, %get3A_1442] {strides = array<i32>} : memref<50x128xf32, #tpu.memory_space<vmem>>, vector<1x16xf32>,
    %get3A_1444 = vector.shape_cast %get3A_1443 : vector<1x16xf32> to vector<16xf32>
    %add3A_1445 = arith.addf %add3A_1387, %get3A_1444 : vector<16xf32>
    %dma_wait3A_1446 = arith.constant 16 : i32
    %dma_wait3A_1447 = arith.constant 16 : i32
    %dma_wait3A_1448 = arith.constant 0 : i32
    %dma_wait3A_1449 = tpu.memref_slice %arg7[%dma_wait3A_1447, %dma_wait3A_1448] : memref<50x128xf32, #tpu.memory_space<vmem>> -> memref<1x128xf32, #tpu.memory_space<vmem>>
    %dma_wait3A_1450 = tpu.memref_squeeze %dma_wait3A_1449 : memref<1x128xf32, #tpu.memory_space<vmem>> -> memref<128xf32, #tpu.memory_space<vmem>>
    %dma_wait3A_1451 = arith.constant 0 : i32
    %dma_wait3A_1452 = tpu.memref_slice %arg6[%dma_wait3A_1446, %dma_wait3A_1451] : memref<50x128xi32, #tpu.memory_space<vmem>> -> memref<1x128xi32, #tpu.memory_space<vmem>>
    %dma_wait3A_1453 = tpu.memref_squeeze %dma_wait3A_1452 : memref<1x128xi32, #tpu.memory_space<vmem>> -> memref<128xi32, #tpu.memory_space<vmem>>
    %dma_wait3A_1454 = arith.constant 0 : i32
    %dma_wait3A_1455 = tpu.memref_slice %arg3[%dma_wait3A_1454] : memref<1048576xf32, #tpu.memory_space<hbm>> -> memref<1048576xf32, #tpu.memory_space<hbm>>
    tpu.wait_indirect_dma semaphore(%arg10 : memref<!tpu.dma_semaphore, #tpu.memory_space<semaphore_mem>>) src(%dma_wait3A_1455 : memref<1048576xf32, #tpu.memory_space<hbm>>) dst(%dma_wait3A_1450 : memref<128xf32, #tpu.memory_space<vmem>>)
    %get3A_1456 = arith.constant 16 : i32
    %get3A_1457 = arith.index_cast %get3A_1456 : i32 to index
    %get3A_1458 = arith.constant 0 : index
    %get3A_1459 = tpu.vector_load %arg7[%get3A_1457, %get3A_1458] {strides = array<i32>} : memref<50x128xf32, #tpu.memory_space<vmem>>, vector<1x16xf32>,
    %get3A_1460 = vector.shape_cast %get3A_1459 : vector<1x16xf32> to vector<16xf32>
    %add3A_1461 = arith.addf %add3A_1403, %get3A_1460 : vector<16xf32>
    %get3A_1462 = arith.constant 16 : i32
    %get3A_1463 = arith.index_cast %get3A_1462 : i32 to index
    %get3A_1464 = arith.constant 16 : index
    %get3A_1465 = tpu.vector_load %arg7[%get3A_1463, %get3A_1464] {strides = array<i32>} : memref<50x128xf32, #tpu.memory_space<vmem>>, vector<1x16xf32>,
    %get3A_1466 = vector.shape_cast %get3A_1465 : vector<1x16xf32> to vector<16xf32>
    %add3A_1467 = arith.addf %add3A_1409, %get3A_1466 : vector<16xf32>
    %get3A_1468 = arith.constant 16 : i32
    %get3A_1469 = arith.index_cast %get3A_1468 : i32 to index
    %get3A_1470 = arith.constant 32 : index
    %get3A_1471 = tpu.vector_load %arg7[%get3A_1469, %get3A_1470] {strides = array<i32>} : memref<50x128xf32, #tpu.memory_space<vmem>>, vector<1x16xf32>,
    %get3A_1472 = vector.shape_cast %get3A_1471 : vector<1x16xf32> to vector<16xf32>
    %add3A_1473 = arith.addf %add3A_1415, %get3A_1472 : vector<16xf32>
    %get3A_1474 = arith.constant 16 : i32
    %get3A_1475 = arith.index_cast %get3A_1474 : i32 to index
    %get3A_1476 = arith.constant 48 : index
    %get3A_1477 = tpu.vector_load %arg7[%get3A_1475, %get3A_1476] {strides = array<i32>} : memref<50x128xf32, #tpu.memory_space<vmem>>, vector<1x16xf32>,
    %get3A_1478 = vector.shape_cast %get3A_1477 : vector<1x16xf32> to vector<16xf32>
    %add3A_1479 = arith.addf %add3A_1421, %get3A_1478 : vector<16xf32>
    %get3A_1480 = arith.constant 16 : i32
    %get3A_1481 = arith.index_cast %get3A_1480 : i32 to index
    %get3A_1482 = arith.constant 64 : index
    %get3A_1483 = tpu.vector_load %arg7[%get3A_1481, %get3A_1482] {strides = array<i32>} : memref<50x128xf32, #tpu.memory_space<vmem>>, vector<1x16xf32>,
    %get3A_1484 = vector.shape_cast %get3A_1483 : vector<1x16xf32> to vector<16xf32>
    %add3A_1485 = arith.addf %add3A_1427, %get3A_1484 : vector<16xf32>
    %get3A_1486 = arith.constant 16 : i32
    %get3A_1487 = arith.index_cast %get3A_1486 : i32 to index
    %get3A_1488 = arith.constant 80 : index
    %get3A_1489 = tpu.vector_load %arg7[%get3A_1487, %get3A_1488] {strides = array<i32>} : memref<50x128xf32, #tpu.memory_space<vmem>>, vector<1x16xf32>,
    %get3A_1490 = vector.shape_cast %get3A_1489 : vector<1x16xf32> to vector<16xf32>
    %add3A_1491 = arith.addf %add3A_1433, %get3A_1490 : vector<16xf32>
    %get3A_1492 = arith.constant 16 : i32
    %get3A_1493 = arith.index_cast %get3A_1492 : i32 to index
    %get3A_1494 = arith.constant 96 : index
    %get3A_1495 = tpu.vector_load %arg7[%get3A_1493, %get3A_1494] {strides = array<i32>} : memref<50x128xf32, #tpu.memory_space<vmem>>, vector<1x16xf32>,
    %get3A_1496 = vector.shape_cast %get3A_1495 : vector<1x16xf32> to vector<16xf32>
    %add3A_1497 = arith.addf %add3A_1439, %get3A_1496 : vector<16xf32>
    %get3A_1498 = arith.constant 16 : i32
    %get3A_1499 = arith.index_cast %get3A_1498 : i32 to index
    %get3A_1500 = arith.constant 112 : index
    %get3A_1501 = tpu.vector_load %arg7[%get3A_1499, %get3A_1500] {strides = array<i32>} : memref<50x128xf32, #tpu.memory_space<vmem>>, vector<1x16xf32>,
    %get3A_1502 = vector.shape_cast %get3A_1501 : vector<1x16xf32> to vector<16xf32>
    %add3A_1503 = arith.addf %add3A_1445, %get3A_1502 : vector<16xf32>
    %dma_wait3A_1504 = arith.constant 17 : i32
    %dma_wait3A_1505 = arith.constant 17 : i32
    %dma_wait3A_1506 = arith.constant 0 : i32
    %dma_wait3A_1507 = tpu.memref_slice %arg7[%dma_wait3A_1505, %dma_wait3A_1506] : memref<50x128xf32, #tpu.memory_space<vmem>> -> memref<1x128xf32, #tpu.memory_space<vmem>>
    %dma_wait3A_1508 = tpu.memref_squeeze %dma_wait3A_1507 : memref<1x128xf32, #tpu.memory_space<vmem>> -> memref<128xf32, #tpu.memory_space<vmem>>
    %dma_wait3A_1509 = arith.constant 0 : i32
    %dma_wait3A_1510 = tpu.memref_slice %arg6[%dma_wait3A_1504, %dma_wait3A_1509] : memref<50x128xi32, #tpu.memory_space<vmem>> -> memref<1x128xi32, #tpu.memory_space<vmem>>
    %dma_wait3A_1511 = tpu.memref_squeeze %dma_wait3A_1510 : memref<1x128xi32, #tpu.memory_space<vmem>> -> memref<128xi32, #tpu.memory_space<vmem>>
    %dma_wait3A_1512 = arith.constant 0 : i32
    %dma_wait3A_1513 = tpu.memref_slice %arg3[%dma_wait3A_1512] : memref<1048576xf32, #tpu.memory_space<hbm>> -> memref<1048576xf32, #tpu.memory_space<hbm>>
    tpu.wait_indirect_dma semaphore(%arg10 : memref<!tpu.dma_semaphore, #tpu.memory_space<semaphore_mem>>) src(%dma_wait3A_1513 : memref<1048576xf32, #tpu.memory_space<hbm>>) dst(%dma_wait3A_1508 : memref<128xf32, #tpu.memory_space<vmem>>)
    %get3A_1514 = arith.constant 17 : i32
    %get3A_1515 = arith.index_cast %get3A_1514 : i32 to index
    %get3A_1516 = arith.constant 0 : index
    %get3A_1517 = tpu.vector_load %arg7[%get3A_1515, %get3A_1516] {strides = array<i32>} : memref<50x128xf32, #tpu.memory_space<vmem>>, vector<1x16xf32>,
    %get3A_1518 = vector.shape_cast %get3A_1517 : vector<1x16xf32> to vector<16xf32>
    %add3A_1519 = arith.addf %add3A_1461, %get3A_1518 : vector<16xf32>
    %get3A_1520 = arith.constant 17 : i32
    %get3A_1521 = arith.index_cast %get3A_1520 : i32 to index
    %get3A_1522 = arith.constant 16 : index
    %get3A_1523 = tpu.vector_load %arg7[%get3A_1521, %get3A_1522] {strides = array<i32>} : memref<50x128xf32, #tpu.memory_space<vmem>>, vector<1x16xf32>,
    %get3A_1524 = vector.shape_cast %get3A_1523 : vector<1x16xf32> to vector<16xf32>
    %add3A_1525 = arith.addf %add3A_1467, %get3A_1524 : vector<16xf32>
    %get3A_1526 = arith.constant 17 : i32
    %get3A_1527 = arith.index_cast %get3A_1526 : i32 to index
    %get3A_1528 = arith.constant 32 : index
    %get3A_1529 = tpu.vector_load %arg7[%get3A_1527, %get3A_1528] {strides = array<i32>} : memref<50x128xf32, #tpu.memory_space<vmem>>, vector<1x16xf32>,
    %get3A_1530 = vector.shape_cast %get3A_1529 : vector<1x16xf32> to vector<16xf32>
    %add3A_1531 = arith.addf %add3A_1473, %get3A_1530 : vector<16xf32>
    %get3A_1532 = arith.constant 17 : i32
    %get3A_1533 = arith.index_cast %get3A_1532 : i32 to index
    %get3A_1534 = arith.constant 48 : index
    %get3A_1535 = tpu.vector_load %arg7[%get3A_1533, %get3A_1534] {strides = array<i32>} : memref<50x128xf32, #tpu.memory_space<vmem>>, vector<1x16xf32>,
    %get3A_1536 = vector.shape_cast %get3A_1535 : vector<1x16xf32> to vector<16xf32>
    %add3A_1537 = arith.addf %add3A_1479, %get3A_1536 : vector<16xf32>
    %get3A_1538 = arith.constant 17 : i32
    %get3A_1539 = arith.index_cast %get3A_1538 : i32 to index
    %get3A_1540 = arith.constant 64 : index
    %get3A_1541 = tpu.vector_load %arg7[%get3A_1539, %get3A_1540] {strides = array<i32>} : memref<50x128xf32, #tpu.memory_space<vmem>>, vector<1x16xf32>,
    %get3A_1542 = vector.shape_cast %get3A_1541 : vector<1x16xf32> to vector<16xf32>
    %add3A_1543 = arith.addf %add3A_1485, %get3A_1542 : vector<16xf32>
    %get3A_1544 = arith.constant 17 : i32
    %get3A_1545 = arith.index_cast %get3A_1544 : i32 to index
    %get3A_1546 = arith.constant 80 : index
    %get3A_1547 = tpu.vector_load %arg7[%get3A_1545, %get3A_1546] {strides = array<i32>} : memref<50x128xf32, #tpu.memory_space<vmem>>, vector<1x16xf32>,
    %get3A_1548 = vector.shape_cast %get3A_1547 : vector<1x16xf32> to vector<16xf32>
    %add3A_1549 = arith.addf %add3A_1491, %get3A_1548 : vector<16xf32>
    %get3A_1550 = arith.constant 17 : i32
    %get3A_1551 = arith.index_cast %get3A_1550 : i32 to index
    %get3A_1552 = arith.constant 96 : index
    %get3A_1553 = tpu.vector_load %arg7[%get3A_1551, %get3A_1552] {strides = array<i32>} : memref<50x128xf32, #tpu.memory_space<vmem>>, vector<1x16xf32>,
    %get3A_1554 = vector.shape_cast %get3A_1553 : vector<1x16xf32> to vector<16xf32>
    %add3A_1555 = arith.addf %add3A_1497, %get3A_1554 : vector<16xf32>
    %get3A_1556 = arith.constant 17 : i32
    %get3A_1557 = arith.index_cast %get3A_1556 : i32 to index
    %get3A_1558 = arith.constant 112 : index
    %get3A_1559 = tpu.vector_load %arg7[%get3A_1557, %get3A_1558] {strides = array<i32>} : memref<50x128xf32, #tpu.memory_space<vmem>>, vector<1x16xf32>,
    %get3A_1560 = vector.shape_cast %get3A_1559 : vector<1x16xf32> to vector<16xf32>
    %add3A_1561 = arith.addf %add3A_1503, %get3A_1560 : vector<16xf32>
    %dma_wait3A_1562 = arith.constant 18 : i32
    %dma_wait3A_1563 = arith.constant 18 : i32
    %dma_wait3A_1564 = arith.constant 0 : i32
    %dma_wait3A_1565 = tpu.memref_slice %arg7[%dma_wait3A_1563, %dma_wait3A_1564] : memref<50x128xf32, #tpu.memory_space<vmem>> -> memref<1x128xf32, #tpu.memory_space<vmem>>
    %dma_wait3A_1566 = tpu.memref_squeeze %dma_wait3A_1565 : memref<1x128xf32, #tpu.memory_space<vmem>> -> memref<128xf32, #tpu.memory_space<vmem>>
    %dma_wait3A_1567 = arith.constant 0 : i32
    %dma_wait3A_1568 = tpu.memref_slice %arg6[%dma_wait3A_1562, %dma_wait3A_1567] : memref<50x128xi32, #tpu.memory_space<vmem>> -> memref<1x128xi32, #tpu.memory_space<vmem>>
    %dma_wait3A_1569 = tpu.memref_squeeze %dma_wait3A_1568 : memref<1x128xi32, #tpu.memory_space<vmem>> -> memref<128xi32, #tpu.memory_space<vmem>>
    %dma_wait3A_1570 = arith.constant 0 : i32
    %dma_wait3A_1571 = tpu.memref_slice %arg3[%dma_wait3A_1570] : memref<1048576xf32, #tpu.memory_space<hbm>> -> memref<1048576xf32, #tpu.memory_space<hbm>>
    tpu.wait_indirect_dma semaphore(%arg10 : memref<!tpu.dma_semaphore, #tpu.memory_space<semaphore_mem>>) src(%dma_wait3A_1571 : memref<1048576xf32, #tpu.memory_space<hbm>>) dst(%dma_wait3A_1566 : memref<128xf32, #tpu.memory_space<vmem>>)
    %get3A_1572 = arith.constant 18 : i32
    %get3A_1573 = arith.index_cast %get3A_1572 : i32 to index
    %get3A_1574 = arith.constant 0 : index
    %get3A_1575 = tpu.vector_load %arg7[%get3A_1573, %get3A_1574] {strides = array<i32>} : memref<50x128xf32, #tpu.memory_space<vmem>>, vector<1x16xf32>,
    %get3A_1576 = vector.shape_cast %get3A_1575 : vector<1x16xf32> to vector<16xf32>
    %add3A_1577 = arith.addf %add3A_1519, %get3A_1576 : vector<16xf32>
    %get3A_1578 = arith.constant 18 : i32
    %get3A_1579 = arith.index_cast %get3A_1578 : i32 to index
    %get3A_1580 = arith.constant 16 : index
    %get3A_1581 = tpu.vector_load %arg7[%get3A_1579, %get3A_1580] {strides = array<i32>} : memref<50x128xf32, #tpu.memory_space<vmem>>, vector<1x16xf32>,
    %get3A_1582 = vector.shape_cast %get3A_1581 : vector<1x16xf32> to vector<16xf32>
    %add3A_1583 = arith.addf %add3A_1525, %get3A_1582 : vector<16xf32>
    %get3A_1584 = arith.constant 18 : i32
    %get3A_1585 = arith.index_cast %get3A_1584 : i32 to index
    %get3A_1586 = arith.constant 32 : index
    %get3A_1587 = tpu.vector_load %arg7[%get3A_1585, %get3A_1586] {strides = array<i32>} : memref<50x128xf32, #tpu.memory_space<vmem>>, vector<1x16xf32>,
    %get3A_1588 = vector.shape_cast %get3A_1587 : vector<1x16xf32> to vector<16xf32>
    %add3A_1589 = arith.addf %add3A_1531, %get3A_1588 : vector<16xf32>
    %get3A_1590 = arith.constant 18 : i32
    %get3A_1591 = arith.index_cast %get3A_1590 : i32 to index
    %get3A_1592 = arith.constant 48 : index
    %get3A_1593 = tpu.vector_load %arg7[%get3A_1591, %get3A_1592] {strides = array<i32>} : memref<50x128xf32, #tpu.memory_space<vmem>>, vector<1x16xf32>,
    %get3A_1594 = vector.shape_cast %get3A_1593 : vector<1x16xf32> to vector<16xf32>
    %add3A_1595 = arith.addf %add3A_1537, %get3A_1594 : vector<16xf32>
    %get3A_1596 = arith.constant 18 : i32
    %get3A_1597 = arith.index_cast %get3A_1596 : i32 to index
    %get3A_1598 = arith.constant 64 : index
    %get3A_1599 = tpu.vector_load %arg7[%get3A_1597, %get3A_1598] {strides = array<i32>} : memref<50x128xf32, #tpu.memory_space<vmem>>, vector<1x16xf32>,
    %get3A_1600 = vector.shape_cast %get3A_1599 : vector<1x16xf32> to vector<16xf32>
    %add3A_1601 = arith.addf %add3A_1543, %get3A_1600 : vector<16xf32>
    %get3A_1602 = arith.constant 18 : i32
    %get3A_1603 = arith.index_cast %get3A_1602 : i32 to index
    %get3A_1604 = arith.constant 80 : index
    %get3A_1605 = tpu.vector_load %arg7[%get3A_1603, %get3A_1604] {strides = array<i32>} : memref<50x128xf32, #tpu.memory_space<vmem>>, vector<1x16xf32>,
    %get3A_1606 = vector.shape_cast %get3A_1605 : vector<1x16xf32> to vector<16xf32>
    %add3A_1607 = arith.addf %add3A_1549, %get3A_1606 : vector<16xf32>
    %get3A_1608 = arith.constant 18 : i32
    %get3A_1609 = arith.index_cast %get3A_1608 : i32 to index
    %get3A_1610 = arith.constant 96 : index
    %get3A_1611 = tpu.vector_load %arg7[%get3A_1609, %get3A_1610] {strides = array<i32>} : memref<50x128xf32, #tpu.memory_space<vmem>>, vector<1x16xf32>,
    %get3A_1612 = vector.shape_cast %get3A_1611 : vector<1x16xf32> to vector<16xf32>
    %add3A_1613 = arith.addf %add3A_1555, %get3A_1612 : vector<16xf32>
    %get3A_1614 = arith.constant 18 : i32
    %get3A_1615 = arith.index_cast %get3A_1614 : i32 to index
    %get3A_1616 = arith.constant 112 : index
    %get3A_1617 = tpu.vector_load %arg7[%get3A_1615, %get3A_1616] {strides = array<i32>} : memref<50x128xf32, #tpu.memory_space<vmem>>, vector<1x16xf32>,
    %get3A_1618 = vector.shape_cast %get3A_1617 : vector<1x16xf32> to vector<16xf32>
    %add3A_1619 = arith.addf %add3A_1561, %get3A_1618 : vector<16xf32>
    %dma_wait3A_1620 = arith.constant 19 : i32
    %dma_wait3A_1621 = arith.constant 19 : i32
    %dma_wait3A_1622 = arith.constant 0 : i32
    %dma_wait3A_1623 = tpu.memref_slice %arg7[%dma_wait3A_1621, %dma_wait3A_1622] : memref<50x128xf32, #tpu.memory_space<vmem>> -> memref<1x128xf32, #tpu.memory_space<vmem>>
    %dma_wait3A_1624 = tpu.memref_squeeze %dma_wait3A_1623 : memref<1x128xf32, #tpu.memory_space<vmem>> -> memref<128xf32, #tpu.memory_space<vmem>>
    %dma_wait3A_1625 = arith.constant 0 : i32
    %dma_wait3A_1626 = tpu.memref_slice %arg6[%dma_wait3A_1620, %dma_wait3A_1625] : memref<50x128xi32, #tpu.memory_space<vmem>> -> memref<1x128xi32, #tpu.memory_space<vmem>>
    %dma_wait3A_1627 = tpu.memref_squeeze %dma_wait3A_1626 : memref<1x128xi32, #tpu.memory_space<vmem>> -> memref<128xi32, #tpu.memory_space<vmem>>
    %dma_wait3A_1628 = arith.constant 0 : i32
    %dma_wait3A_1629 = tpu.memref_slice %arg3[%dma_wait3A_1628] : memref<1048576xf32, #tpu.memory_space<hbm>> -> memref<1048576xf32, #tpu.memory_space<hbm>>
    tpu.wait_indirect_dma semaphore(%arg10 : memref<!tpu.dma_semaphore, #tpu.memory_space<semaphore_mem>>) src(%dma_wait3A_1629 : memref<1048576xf32, #tpu.memory_space<hbm>>) dst(%dma_wait3A_1624 : memref<128xf32, #tpu.memory_space<vmem>>)
    %get3A_1630 = arith.constant 19 : i32
    %get3A_1631 = arith.index_cast %get3A_1630 : i32 to index
    %get3A_1632 = arith.constant 0 : index
    %get3A_1633 = tpu.vector_load %arg7[%get3A_1631, %get3A_1632] {strides = array<i32>} : memref<50x128xf32, #tpu.memory_space<vmem>>, vector<1x16xf32>,
    %get3A_1634 = vector.shape_cast %get3A_1633 : vector<1x16xf32> to vector<16xf32>
    %add3A_1635 = arith.addf %add3A_1577, %get3A_1634 : vector<16xf32>
    %get3A_1636 = arith.constant 19 : i32
    %get3A_1637 = arith.index_cast %get3A_1636 : i32 to index
    %get3A_1638 = arith.constant 16 : index
    %get3A_1639 = tpu.vector_load %arg7[%get3A_1637, %get3A_1638] {strides = array<i32>} : memref<50x128xf32, #tpu.memory_space<vmem>>, vector<1x16xf32>,
    %get3A_1640 = vector.shape_cast %get3A_1639 : vector<1x16xf32> to vector<16xf32>
    %add3A_1641 = arith.addf %add3A_1583, %get3A_1640 : vector<16xf32>
    %get3A_1642 = arith.constant 19 : i32
    %get3A_1643 = arith.index_cast %get3A_1642 : i32 to index
    %get3A_1644 = arith.constant 32 : index
    %get3A_1645 = tpu.vector_load %arg7[%get3A_1643, %get3A_1644] {strides = array<i32>} : memref<50x128xf32, #tpu.memory_space<vmem>>, vector<1x16xf32>,
    %get3A_1646 = vector.shape_cast %get3A_1645 : vector<1x16xf32> to vector<16xf32>
    %add3A_1647 = arith.addf %add3A_1589, %get3A_1646 : vector<16xf32>
    %get3A_1648 = arith.constant 19 : i32
    %get3A_1649 = arith.index_cast %get3A_1648 : i32 to index
    %get3A_1650 = arith.constant 48 : index
    %get3A_1651 = tpu.vector_load %arg7[%get3A_1649, %get3A_1650] {strides = array<i32>} : memref<50x128xf32, #tpu.memory_space<vmem>>, vector<1x16xf32>,
    %get3A_1652 = vector.shape_cast %get3A_1651 : vector<1x16xf32> to vector<16xf32>
    %add3A_1653 = arith.addf %add3A_1595, %get3A_1652 : vector<16xf32>
    %get3A_1654 = arith.constant 19 : i32
    %get3A_1655 = arith.index_cast %get3A_1654 : i32 to index
    %get3A_1656 = arith.constant 64 : index
    %get3A_1657 = tpu.vector_load %arg7[%get3A_1655, %get3A_1656] {strides = array<i32>} : memref<50x128xf32, #tpu.memory_space<vmem>>, vector<1x16xf32>,
    %get3A_1658 = vector.shape_cast %get3A_1657 : vector<1x16xf32> to vector<16xf32>
    %add3A_1659 = arith.addf %add3A_1601, %get3A_1658 : vector<16xf32>
    %get3A_1660 = arith.constant 19 : i32
    %get3A_1661 = arith.index_cast %get3A_1660 : i32 to index
    %get3A_1662 = arith.constant 80 : index
    %get3A_1663 = tpu.vector_load %arg7[%get3A_1661, %get3A_1662] {strides = array<i32>} : memref<50x128xf32, #tpu.memory_space<vmem>>, vector<1x16xf32>,
    %get3A_1664 = vector.shape_cast %get3A_1663 : vector<1x16xf32> to vector<16xf32>
    %add3A_1665 = arith.addf %add3A_1607, %get3A_1664 : vector<16xf32>
    %get3A_1666 = arith.constant 19 : i32
    %get3A_1667 = arith.index_cast %get3A_1666 : i32 to index
    %get3A_1668 = arith.constant 96 : index
    %get3A_1669 = tpu.vector_load %arg7[%get3A_1667, %get3A_1668] {strides = array<i32>} : memref<50x128xf32, #tpu.memory_space<vmem>>, vector<1x16xf32>,
    %get3A_1670 = vector.shape_cast %get3A_1669 : vector<1x16xf32> to vector<16xf32>
    %add3A_1671 = arith.addf %add3A_1613, %get3A_1670 : vector<16xf32>
    %get3A_1672 = arith.constant 19 : i32
    %get3A_1673 = arith.index_cast %get3A_1672 : i32 to index
    %get3A_1674 = arith.constant 112 : index
    %get3A_1675 = tpu.vector_load %arg7[%get3A_1673, %get3A_1674] {strides = array<i32>} : memref<50x128xf32, #tpu.memory_space<vmem>>, vector<1x16xf32>,
    %get3A_1676 = vector.shape_cast %get3A_1675 : vector<1x16xf32> to vector<16xf32>
    %add3A_1677 = arith.addf %add3A_1619, %get3A_1676 : vector<16xf32>
    %dma_wait3A_1678 = arith.constant 20 : i32
    %dma_wait3A_1679 = arith.constant 20 : i32
    %dma_wait3A_1680 = arith.constant 0 : i32
    %dma_wait3A_1681 = tpu.memref_slice %arg7[%dma_wait3A_1679, %dma_wait3A_1680] : memref<50x128xf32, #tpu.memory_space<vmem>> -> memref<1x128xf32, #tpu.memory_space<vmem>>
    %dma_wait3A_1682 = tpu.memref_squeeze %dma_wait3A_1681 : memref<1x128xf32, #tpu.memory_space<vmem>> -> memref<128xf32, #tpu.memory_space<vmem>>
    %dma_wait3A_1683 = arith.constant 0 : i32
    %dma_wait3A_1684 = tpu.memref_slice %arg6[%dma_wait3A_1678, %dma_wait3A_1683] : memref<50x128xi32, #tpu.memory_space<vmem>> -> memref<1x128xi32, #tpu.memory_space<vmem>>
    %dma_wait3A_1685 = tpu.memref_squeeze %dma_wait3A_1684 : memref<1x128xi32, #tpu.memory_space<vmem>> -> memref<128xi32, #tpu.memory_space<vmem>>
    %dma_wait3A_1686 = arith.constant 0 : i32
    %dma_wait3A_1687 = tpu.memref_slice %arg3[%dma_wait3A_1686] : memref<1048576xf32, #tpu.memory_space<hbm>> -> memref<1048576xf32, #tpu.memory_space<hbm>>
    tpu.wait_indirect_dma semaphore(%arg10 : memref<!tpu.dma_semaphore, #tpu.memory_space<semaphore_mem>>) src(%dma_wait3A_1687 : memref<1048576xf32, #tpu.memory_space<hbm>>) dst(%dma_wait3A_1682 : memref<128xf32, #tpu.memory_space<vmem>>)
    %get3A_1688 = arith.constant 20 : i32
    %get3A_1689 = arith.index_cast %get3A_1688 : i32 to index
    %get3A_1690 = arith.constant 0 : index
    %get3A_1691 = tpu.vector_load %arg7[%get3A_1689, %get3A_1690] {strides = array<i32>} : memref<50x128xf32, #tpu.memory_space<vmem>>, vector<1x16xf32>,
    %get3A_1692 = vector.shape_cast %get3A_1691 : vector<1x16xf32> to vector<16xf32>
    %add3A_1693 = arith.addf %add3A_1635, %get3A_1692 : vector<16xf32>
    %get3A_1694 = arith.constant 20 : i32
    %get3A_1695 = arith.index_cast %get3A_1694 : i32 to index
    %get3A_1696 = arith.constant 16 : index
    %get3A_1697 = tpu.vector_load %arg7[%get3A_1695, %get3A_1696] {strides = array<i32>} : memref<50x128xf32, #tpu.memory_space<vmem>>, vector<1x16xf32>,
    %get3A_1698 = vector.shape_cast %get3A_1697 : vector<1x16xf32> to vector<16xf32>
    %add3A_1699 = arith.addf %add3A_1641, %get3A_1698 : vector<16xf32>
    %get3A_1700 = arith.constant 20 : i32
    %get3A_1701 = arith.index_cast %get3A_1700 : i32 to index
    %get3A_1702 = arith.constant 32 : index
    %get3A_1703 = tpu.vector_load %arg7[%get3A_1701, %get3A_1702] {strides = array<i32>} : memref<50x128xf32, #tpu.memory_space<vmem>>, vector<1x16xf32>,
    %get3A_1704 = vector.shape_cast %get3A_1703 : vector<1x16xf32> to vector<16xf32>
    %add3A_1705 = arith.addf %add3A_1647, %get3A_1704 : vector<16xf32>
    %get3A_1706 = arith.constant 20 : i32
    %get3A_1707 = arith.index_cast %get3A_1706 : i32 to index
    %get3A_1708 = arith.constant 48 : index
    %get3A_1709 = tpu.vector_load %arg7[%get3A_1707, %get3A_1708] {strides = array<i32>} : memref<50x128xf32, #tpu.memory_space<vmem>>, vector<1x16xf32>,
    %get3A_1710 = vector.shape_cast %get3A_1709 : vector<1x16xf32> to vector<16xf32>
    %add3A_1711 = arith.addf %add3A_1653, %get3A_1710 : vector<16xf32>
    %get3A_1712 = arith.constant 20 : i32
    %get3A_1713 = arith.index_cast %get3A_1712 : i32 to index
    %get3A_1714 = arith.constant 64 : index
    %get3A_1715 = tpu.vector_load %arg7[%get3A_1713, %get3A_1714] {strides = array<i32>} : memref<50x128xf32, #tpu.memory_space<vmem>>, vector<1x16xf32>,
    %get3A_1716 = vector.shape_cast %get3A_1715 : vector<1x16xf32> to vector<16xf32>
    %add3A_1717 = arith.addf %add3A_1659, %get3A_1716 : vector<16xf32>
    %get3A_1718 = arith.constant 20 : i32
    %get3A_1719 = arith.index_cast %get3A_1718 : i32 to index
    %get3A_1720 = arith.constant 80 : index
    %get3A_1721 = tpu.vector_load %arg7[%get3A_1719, %get3A_1720] {strides = array<i32>} : memref<50x128xf32, #tpu.memory_space<vmem>>, vector<1x16xf32>,
    %get3A_1722 = vector.shape_cast %get3A_1721 : vector<1x16xf32> to vector<16xf32>
    %add3A_1723 = arith.addf %add3A_1665, %get3A_1722 : vector<16xf32>
    %get3A_1724 = arith.constant 20 : i32
    %get3A_1725 = arith.index_cast %get3A_1724 : i32 to index
    %get3A_1726 = arith.constant 96 : index
    %get3A_1727 = tpu.vector_load %arg7[%get3A_1725, %get3A_1726] {strides = array<i32>} : memref<50x128xf32, #tpu.memory_space<vmem>>, vector<1x16xf32>,
    %get3A_1728 = vector.shape_cast %get3A_1727 : vector<1x16xf32> to vector<16xf32>
    %add3A_1729 = arith.addf %add3A_1671, %get3A_1728 : vector<16xf32>
    %get3A_1730 = arith.constant 20 : i32
    %get3A_1731 = arith.index_cast %get3A_1730 : i32 to index
    %get3A_1732 = arith.constant 112 : index
    %get3A_1733 = tpu.vector_load %arg7[%get3A_1731, %get3A_1732] {strides = array<i32>} : memref<50x128xf32, #tpu.memory_space<vmem>>, vector<1x16xf32>,
    %get3A_1734 = vector.shape_cast %get3A_1733 : vector<1x16xf32> to vector<16xf32>
    %add3A_1735 = arith.addf %add3A_1677, %get3A_1734 : vector<16xf32>
    %dma_wait3A_1736 = arith.constant 21 : i32
    %dma_wait3A_1737 = arith.constant 21 : i32
    %dma_wait3A_1738 = arith.constant 0 : i32
    %dma_wait3A_1739 = tpu.memref_slice %arg7[%dma_wait3A_1737, %dma_wait3A_1738] : memref<50x128xf32, #tpu.memory_space<vmem>> -> memref<1x128xf32, #tpu.memory_space<vmem>>
    %dma_wait3A_1740 = tpu.memref_squeeze %dma_wait3A_1739 : memref<1x128xf32, #tpu.memory_space<vmem>> -> memref<128xf32, #tpu.memory_space<vmem>>
    %dma_wait3A_1741 = arith.constant 0 : i32
    %dma_wait3A_1742 = tpu.memref_slice %arg6[%dma_wait3A_1736, %dma_wait3A_1741] : memref<50x128xi32, #tpu.memory_space<vmem>> -> memref<1x128xi32, #tpu.memory_space<vmem>>
    %dma_wait3A_1743 = tpu.memref_squeeze %dma_wait3A_1742 : memref<1x128xi32, #tpu.memory_space<vmem>> -> memref<128xi32, #tpu.memory_space<vmem>>
    %dma_wait3A_1744 = arith.constant 0 : i32
    %dma_wait3A_1745 = tpu.memref_slice %arg3[%dma_wait3A_1744] : memref<1048576xf32, #tpu.memory_space<hbm>> -> memref<1048576xf32, #tpu.memory_space<hbm>>
    tpu.wait_indirect_dma semaphore(%arg10 : memref<!tpu.dma_semaphore, #tpu.memory_space<semaphore_mem>>) src(%dma_wait3A_1745 : memref<1048576xf32, #tpu.memory_space<hbm>>) dst(%dma_wait3A_1740 : memref<128xf32, #tpu.memory_space<vmem>>)
    %get3A_1746 = arith.constant 21 : i32
    %get3A_1747 = arith.index_cast %get3A_1746 : i32 to index
    %get3A_1748 = arith.constant 0 : index
    %get3A_1749 = tpu.vector_load %arg7[%get3A_1747, %get3A_1748] {strides = array<i32>} : memref<50x128xf32, #tpu.memory_space<vmem>>, vector<1x16xf32>,
    %get3A_1750 = vector.shape_cast %get3A_1749 : vector<1x16xf32> to vector<16xf32>
    %add3A_1751 = arith.addf %add3A_1693, %get3A_1750 : vector<16xf32>
    %get3A_1752 = arith.constant 21 : i32
    %get3A_1753 = arith.index_cast %get3A_1752 : i32 to index
    %get3A_1754 = arith.constant 16 : index
    %get3A_1755 = tpu.vector_load %arg7[%get3A_1753, %get3A_1754] {strides = array<i32>} : memref<50x128xf32, #tpu.memory_space<vmem>>, vector<1x16xf32>,
    %get3A_1756 = vector.shape_cast %get3A_1755 : vector<1x16xf32> to vector<16xf32>
    %add3A_1757 = arith.addf %add3A_1699, %get3A_1756 : vector<16xf32>
    %get3A_1758 = arith.constant 21 : i32
    %get3A_1759 = arith.index_cast %get3A_1758 : i32 to index
    %get3A_1760 = arith.constant 32 : index
    %get3A_1761 = tpu.vector_load %arg7[%get3A_1759, %get3A_1760] {strides = array<i32>} : memref<50x128xf32, #tpu.memory_space<vmem>>, vector<1x16xf32>,
    %get3A_1762 = vector.shape_cast %get3A_1761 : vector<1x16xf32> to vector<16xf32>
    %add3A_1763 = arith.addf %add3A_1705, %get3A_1762 : vector<16xf32>
    %get3A_1764 = arith.constant 21 : i32
    %get3A_1765 = arith.index_cast %get3A_1764 : i32 to index
    %get3A_1766 = arith.constant 48 : index
    %get3A_1767 = tpu.vector_load %arg7[%get3A_1765, %get3A_1766] {strides = array<i32>} : memref<50x128xf32, #tpu.memory_space<vmem>>, vector<1x16xf32>,
    %get3A_1768 = vector.shape_cast %get3A_1767 : vector<1x16xf32> to vector<16xf32>
    %add3A_1769 = arith.addf %add3A_1711, %get3A_1768 : vector<16xf32>
    %get3A_1770 = arith.constant 21 : i32
    %get3A_1771 = arith.index_cast %get3A_1770 : i32 to index
    %get3A_1772 = arith.constant 64 : index
    %get3A_1773 = tpu.vector_load %arg7[%get3A_1771, %get3A_1772] {strides = array<i32>} : memref<50x128xf32, #tpu.memory_space<vmem>>, vector<1x16xf32>,
    %get3A_1774 = vector.shape_cast %get3A_1773 : vector<1x16xf32> to vector<16xf32>
    %add3A_1775 = arith.addf %add3A_1717, %get3A_1774 : vector<16xf32>
    %get3A_1776 = arith.constant 21 : i32
    %get3A_1777 = arith.index_cast %get3A_1776 : i32 to index
    %get3A_1778 = arith.constant 80 : index
    %get3A_1779 = tpu.vector_load %arg7[%get3A_1777, %get3A_1778] {strides = array<i32>} : memref<50x128xf32, #tpu.memory_space<vmem>>, vector<1x16xf32>,
    %get3A_1780 = vector.shape_cast %get3A_1779 : vector<1x16xf32> to vector<16xf32>
    %add3A_1781 = arith.addf %add3A_1723, %get3A_1780 : vector<16xf32>
    %get3A_1782 = arith.constant 21 : i32
    %get3A_1783 = arith.index_cast %get3A_1782 : i32 to index
    %get3A_1784 = arith.constant 96 : index
    %get3A_1785 = tpu.vector_load %arg7[%get3A_1783, %get3A_1784] {strides = array<i32>} : memref<50x128xf32, #tpu.memory_space<vmem>>, vector<1x16xf32>,
    %get3A_1786 = vector.shape_cast %get3A_1785 : vector<1x16xf32> to vector<16xf32>
    %add3A_1787 = arith.addf %add3A_1729, %get3A_1786 : vector<16xf32>
    %get3A_1788 = arith.constant 21 : i32
    %get3A_1789 = arith.index_cast %get3A_1788 : i32 to index
    %get3A_1790 = arith.constant 112 : index
    %get3A_1791 = tpu.vector_load %arg7[%get3A_1789, %get3A_1790] {strides = array<i32>} : memref<50x128xf32, #tpu.memory_space<vmem>>, vector<1x16xf32>,
    %get3A_1792 = vector.shape_cast %get3A_1791 : vector<1x16xf32> to vector<16xf32>
    %add3A_1793 = arith.addf %add3A_1735, %get3A_1792 : vector<16xf32>
    %dma_wait3A_1794 = arith.constant 22 : i32
    %dma_wait3A_1795 = arith.constant 22 : i32
    %dma_wait3A_1796 = arith.constant 0 : i32
    %dma_wait3A_1797 = tpu.memref_slice %arg7[%dma_wait3A_1795, %dma_wait3A_1796] : memref<50x128xf32, #tpu.memory_space<vmem>> -> memref<1x128xf32, #tpu.memory_space<vmem>>
    %dma_wait3A_1798 = tpu.memref_squeeze %dma_wait3A_1797 : memref<1x128xf32, #tpu.memory_space<vmem>> -> memref<128xf32, #tpu.memory_space<vmem>>
    %dma_wait3A_1799 = arith.constant 0 : i32
    %dma_wait3A_1800 = tpu.memref_slice %arg6[%dma_wait3A_1794, %dma_wait3A_1799] : memref<50x128xi32, #tpu.memory_space<vmem>> -> memref<1x128xi32, #tpu.memory_space<vmem>>
    %dma_wait3A_1801 = tpu.memref_squeeze %dma_wait3A_1800 : memref<1x128xi32, #tpu.memory_space<vmem>> -> memref<128xi32, #tpu.memory_space<vmem>>
    %dma_wait3A_1802 = arith.constant 0 : i32
    %dma_wait3A_1803 = tpu.memref_slice %arg3[%dma_wait3A_1802] : memref<1048576xf32, #tpu.memory_space<hbm>> -> memref<1048576xf32, #tpu.memory_space<hbm>>
    tpu.wait_indirect_dma semaphore(%arg10 : memref<!tpu.dma_semaphore, #tpu.memory_space<semaphore_mem>>) src(%dma_wait3A_1803 : memref<1048576xf32, #tpu.memory_space<hbm>>) dst(%dma_wait3A_1798 : memref<128xf32, #tpu.memory_space<vmem>>)
    %get3A_1804 = arith.constant 22 : i32
    %get3A_1805 = arith.index_cast %get3A_1804 : i32 to index
    %get3A_1806 = arith.constant 0 : index
    %get3A_1807 = tpu.vector_load %arg7[%get3A_1805, %get3A_1806] {strides = array<i32>} : memref<50x128xf32, #tpu.memory_space<vmem>>, vector<1x16xf32>,
    %get3A_1808 = vector.shape_cast %get3A_1807 : vector<1x16xf32> to vector<16xf32>
    %add3A_1809 = arith.addf %add3A_1751, %get3A_1808 : vector<16xf32>
    %get3A_1810 = arith.constant 22 : i32
    %get3A_1811 = arith.index_cast %get3A_1810 : i32 to index
    %get3A_1812 = arith.constant 16 : index
    %get3A_1813 = tpu.vector_load %arg7[%get3A_1811, %get3A_1812] {strides = array<i32>} : memref<50x128xf32, #tpu.memory_space<vmem>>, vector<1x16xf32>,
    %get3A_1814 = vector.shape_cast %get3A_1813 : vector<1x16xf32> to vector<16xf32>
    %add3A_1815 = arith.addf %add3A_1757, %get3A_1814 : vector<16xf32>
    %get3A_1816 = arith.constant 22 : i32
    %get3A_1817 = arith.index_cast %get3A_1816 : i32 to index
    %get3A_1818 = arith.constant 32 : index
    %get3A_1819 = tpu.vector_load %arg7[%get3A_1817, %get3A_1818] {strides = array<i32>} : memref<50x128xf32, #tpu.memory_space<vmem>>, vector<1x16xf32>,
    %get3A_1820 = vector.shape_cast %get3A_1819 : vector<1x16xf32> to vector<16xf32>
    %add3A_1821 = arith.addf %add3A_1763, %get3A_1820 : vector<16xf32>
    %get3A_1822 = arith.constant 22 : i32
    %get3A_1823 = arith.index_cast %get3A_1822 : i32 to index
    %get3A_1824 = arith.constant 48 : index
    %get3A_1825 = tpu.vector_load %arg7[%get3A_1823, %get3A_1824] {strides = array<i32>} : memref<50x128xf32, #tpu.memory_space<vmem>>, vector<1x16xf32>,
    %get3A_1826 = vector.shape_cast %get3A_1825 : vector<1x16xf32> to vector<16xf32>
    %add3A_1827 = arith.addf %add3A_1769, %get3A_1826 : vector<16xf32>
    %get3A_1828 = arith.constant 22 : i32
    %get3A_1829 = arith.index_cast %get3A_1828 : i32 to index
    %get3A_1830 = arith.constant 64 : index
    %get3A_1831 = tpu.vector_load %arg7[%get3A_1829, %get3A_1830] {strides = array<i32>} : memref<50x128xf32, #tpu.memory_space<vmem>>, vector<1x16xf32>,
    %get3A_1832 = vector.shape_cast %get3A_1831 : vector<1x16xf32> to vector<16xf32>
    %add3A_1833 = arith.addf %add3A_1775, %get3A_1832 : vector<16xf32>
    %get3A_1834 = arith.constant 22 : i32
    %get3A_1835 = arith.index_cast %get3A_1834 : i32 to index
    %get3A_1836 = arith.constant 80 : index
    %get3A_1837 = tpu.vector_load %arg7[%get3A_1835, %get3A_1836] {strides = array<i32>} : memref<50x128xf32, #tpu.memory_space<vmem>>, vector<1x16xf32>,
    %get3A_1838 = vector.shape_cast %get3A_1837 : vector<1x16xf32> to vector<16xf32>
    %add3A_1839 = arith.addf %add3A_1781, %get3A_1838 : vector<16xf32>
    %get3A_1840 = arith.constant 22 : i32
    %get3A_1841 = arith.index_cast %get3A_1840 : i32 to index
    %get3A_1842 = arith.constant 96 : index
    %get3A_1843 = tpu.vector_load %arg7[%get3A_1841, %get3A_1842] {strides = array<i32>} : memref<50x128xf32, #tpu.memory_space<vmem>>, vector<1x16xf32>,
    %get3A_1844 = vector.shape_cast %get3A_1843 : vector<1x16xf32> to vector<16xf32>
    %add3A_1845 = arith.addf %add3A_1787, %get3A_1844 : vector<16xf32>
    %get3A_1846 = arith.constant 22 : i32
    %get3A_1847 = arith.index_cast %get3A_1846 : i32 to index
    %get3A_1848 = arith.constant 112 : index
    %get3A_1849 = tpu.vector_load %arg7[%get3A_1847, %get3A_1848] {strides = array<i32>} : memref<50x128xf32, #tpu.memory_space<vmem>>, vector<1x16xf32>,
    %get3A_1850 = vector.shape_cast %get3A_1849 : vector<1x16xf32> to vector<16xf32>
    %add3A_1851 = arith.addf %add3A_1793, %get3A_1850 : vector<16xf32>
    %dma_wait3A_1852 = arith.constant 23 : i32
    %dma_wait3A_1853 = arith.constant 23 : i32
    %dma_wait3A_1854 = arith.constant 0 : i32
    %dma_wait3A_1855 = tpu.memref_slice %arg7[%dma_wait3A_1853, %dma_wait3A_1854] : memref<50x128xf32, #tpu.memory_space<vmem>> -> memref<1x128xf32, #tpu.memory_space<vmem>>
    %dma_wait3A_1856 = tpu.memref_squeeze %dma_wait3A_1855 : memref<1x128xf32, #tpu.memory_space<vmem>> -> memref<128xf32, #tpu.memory_space<vmem>>
    %dma_wait3A_1857 = arith.constant 0 : i32
    %dma_wait3A_1858 = tpu.memref_slice %arg6[%dma_wait3A_1852, %dma_wait3A_1857] : memref<50x128xi32, #tpu.memory_space<vmem>> -> memref<1x128xi32, #tpu.memory_space<vmem>>
    %dma_wait3A_1859 = tpu.memref_squeeze %dma_wait3A_1858 : memref<1x128xi32, #tpu.memory_space<vmem>> -> memref<128xi32, #tpu.memory_space<vmem>>
    %dma_wait3A_1860 = arith.constant 0 : i32
    %dma_wait3A_1861 = tpu.memref_slice %arg3[%dma_wait3A_1860] : memref<1048576xf32, #tpu.memory_space<hbm>> -> memref<1048576xf32, #tpu.memory_space<hbm>>
    tpu.wait_indirect_dma semaphore(%arg10 : memref<!tpu.dma_semaphore, #tpu.memory_space<semaphore_mem>>) src(%dma_wait3A_1861 : memref<1048576xf32, #tpu.memory_space<hbm>>) dst(%dma_wait3A_1856 : memref<128xf32, #tpu.memory_space<vmem>>)
    %get3A_1862 = arith.constant 23 : i32
    %get3A_1863 = arith.index_cast %get3A_1862 : i32 to index
    %get3A_1864 = arith.constant 0 : index
    %get3A_1865 = tpu.vector_load %arg7[%get3A_1863, %get3A_1864] {strides = array<i32>} : memref<50x128xf32, #tpu.memory_space<vmem>>, vector<1x16xf32>,
    %get3A_1866 = vector.shape_cast %get3A_1865 : vector<1x16xf32> to vector<16xf32>
    %add3A_1867 = arith.addf %add3A_1809, %get3A_1866 : vector<16xf32>
    %get3A_1868 = arith.constant 23 : i32
    %get3A_1869 = arith.index_cast %get3A_1868 : i32 to index
    %get3A_1870 = arith.constant 16 : index
    %get3A_1871 = tpu.vector_load %arg7[%get3A_1869, %get3A_1870] {strides = array<i32>} : memref<50x128xf32, #tpu.memory_space<vmem>>, vector<1x16xf32>,
    %get3A_1872 = vector.shape_cast %get3A_1871 : vector<1x16xf32> to vector<16xf32>
    %add3A_1873 = arith.addf %add3A_1815, %get3A_1872 : vector<16xf32>
    %get3A_1874 = arith.constant 23 : i32
    %get3A_1875 = arith.index_cast %get3A_1874 : i32 to index
    %get3A_1876 = arith.constant 32 : index
    %get3A_1877 = tpu.vector_load %arg7[%get3A_1875, %get3A_1876] {strides = array<i32>} : memref<50x128xf32, #tpu.memory_space<vmem>>, vector<1x16xf32>,
    %get3A_1878 = vector.shape_cast %get3A_1877 : vector<1x16xf32> to vector<16xf32>
    %add3A_1879 = arith.addf %add3A_1821, %get3A_1878 : vector<16xf32>
    %get3A_1880 = arith.constant 23 : i32
    %get3A_1881 = arith.index_cast %get3A_1880 : i32 to index
    %get3A_1882 = arith.constant 48 : index
    %get3A_1883 = tpu.vector_load %arg7[%get3A_1881, %get3A_1882] {strides = array<i32>} : memref<50x128xf32, #tpu.memory_space<vmem>>, vector<1x16xf32>,
    %get3A_1884 = vector.shape_cast %get3A_1883 : vector<1x16xf32> to vector<16xf32>
    %add3A_1885 = arith.addf %add3A_1827, %get3A_1884 : vector<16xf32>
    %get3A_1886 = arith.constant 23 : i32
    %get3A_1887 = arith.index_cast %get3A_1886 : i32 to index
    %get3A_1888 = arith.constant 64 : index
    %get3A_1889 = tpu.vector_load %arg7[%get3A_1887, %get3A_1888] {strides = array<i32>} : memref<50x128xf32, #tpu.memory_space<vmem>>, vector<1x16xf32>,
    %get3A_1890 = vector.shape_cast %get3A_1889 : vector<1x16xf32> to vector<16xf32>
    %add3A_1891 = arith.addf %add3A_1833, %get3A_1890 : vector<16xf32>
    %get3A_1892 = arith.constant 23 : i32
    %get3A_1893 = arith.index_cast %get3A_1892 : i32 to index
    %get3A_1894 = arith.constant 80 : index
    %get3A_1895 = tpu.vector_load %arg7[%get3A_1893, %get3A_1894] {strides = array<i32>} : memref<50x128xf32, #tpu.memory_space<vmem>>, vector<1x16xf32>,
    %get3A_1896 = vector.shape_cast %get3A_1895 : vector<1x16xf32> to vector<16xf32>
    %add3A_1897 = arith.addf %add3A_1839, %get3A_1896 : vector<16xf32>
    %get3A_1898 = arith.constant 23 : i32
    %get3A_1899 = arith.index_cast %get3A_1898 : i32 to index
    %get3A_1900 = arith.constant 96 : index
    %get3A_1901 = tpu.vector_load %arg7[%get3A_1899, %get3A_1900] {strides = array<i32>} : memref<50x128xf32, #tpu.memory_space<vmem>>, vector<1x16xf32>,
    %get3A_1902 = vector.shape_cast %get3A_1901 : vector<1x16xf32> to vector<16xf32>
    %add3A_1903 = arith.addf %add3A_1845, %get3A_1902 : vector<16xf32>
    %get3A_1904 = arith.constant 23 : i32
    %get3A_1905 = arith.index_cast %get3A_1904 : i32 to index
    %get3A_1906 = arith.constant 112 : index
    %get3A_1907 = tpu.vector_load %arg7[%get3A_1905, %get3A_1906] {strides = array<i32>} : memref<50x128xf32, #tpu.memory_space<vmem>>, vector<1x16xf32>,
    %get3A_1908 = vector.shape_cast %get3A_1907 : vector<1x16xf32> to vector<16xf32>
    %add3A_1909 = arith.addf %add3A_1851, %get3A_1908 : vector<16xf32>
    %dma_wait3A_1910 = arith.constant 24 : i32
    %dma_wait3A_1911 = arith.constant 24 : i32
    %dma_wait3A_1912 = arith.constant 0 : i32
    %dma_wait3A_1913 = tpu.memref_slice %arg7[%dma_wait3A_1911, %dma_wait3A_1912] : memref<50x128xf32, #tpu.memory_space<vmem>> -> memref<1x128xf32, #tpu.memory_space<vmem>>
    %dma_wait3A_1914 = tpu.memref_squeeze %dma_wait3A_1913 : memref<1x128xf32, #tpu.memory_space<vmem>> -> memref<128xf32, #tpu.memory_space<vmem>>
    %dma_wait3A_1915 = arith.constant 0 : i32
    %dma_wait3A_1916 = tpu.memref_slice %arg6[%dma_wait3A_1910, %dma_wait3A_1915] : memref<50x128xi32, #tpu.memory_space<vmem>> -> memref<1x128xi32, #tpu.memory_space<vmem>>
    %dma_wait3A_1917 = tpu.memref_squeeze %dma_wait3A_1916 : memref<1x128xi32, #tpu.memory_space<vmem>> -> memref<128xi32, #tpu.memory_space<vmem>>
    %dma_wait3A_1918 = arith.constant 0 : i32
    %dma_wait3A_1919 = tpu.memref_slice %arg3[%dma_wait3A_1918] : memref<1048576xf32, #tpu.memory_space<hbm>> -> memref<1048576xf32, #tpu.memory_space<hbm>>
    tpu.wait_indirect_dma semaphore(%arg10 : memref<!tpu.dma_semaphore, #tpu.memory_space<semaphore_mem>>) src(%dma_wait3A_1919 : memref<1048576xf32, #tpu.memory_space<hbm>>) dst(%dma_wait3A_1914 : memref<128xf32, #tpu.memory_space<vmem>>)
    %get3A_1920 = arith.constant 24 : i32
    %get3A_1921 = arith.index_cast %get3A_1920 : i32 to index
    %get3A_1922 = arith.constant 0 : index
    %get3A_1923 = tpu.vector_load %arg7[%get3A_1921, %get3A_1922] {strides = array<i32>} : memref<50x128xf32, #tpu.memory_space<vmem>>, vector<1x16xf32>,
    %get3A_1924 = vector.shape_cast %get3A_1923 : vector<1x16xf32> to vector<16xf32>
    %add3A_1925 = arith.addf %add3A_1867, %get3A_1924 : vector<16xf32>
    %get3A_1926 = arith.constant 24 : i32
    %get3A_1927 = arith.index_cast %get3A_1926 : i32 to index
    %get3A_1928 = arith.constant 16 : index
    %get3A_1929 = tpu.vector_load %arg7[%get3A_1927, %get3A_1928] {strides = array<i32>} : memref<50x128xf32, #tpu.memory_space<vmem>>, vector<1x16xf32>,
    %get3A_1930 = vector.shape_cast %get3A_1929 : vector<1x16xf32> to vector<16xf32>
    %add3A_1931 = arith.addf %add3A_1873, %get3A_1930 : vector<16xf32>
    %get3A_1932 = arith.constant 24 : i32
    %get3A_1933 = arith.index_cast %get3A_1932 : i32 to index
    %get3A_1934 = arith.constant 32 : index
    %get3A_1935 = tpu.vector_load %arg7[%get3A_1933, %get3A_1934] {strides = array<i32>} : memref<50x128xf32, #tpu.memory_space<vmem>>, vector<1x16xf32>,
    %get3A_1936 = vector.shape_cast %get3A_1935 : vector<1x16xf32> to vector<16xf32>
    %add3A_1937 = arith.addf %add3A_1879, %get3A_1936 : vector<16xf32>
    %get3A_1938 = arith.constant 24 : i32
    %get3A_1939 = arith.index_cast %get3A_1938 : i32 to index
    %get3A_1940 = arith.constant 48 : index
    %get3A_1941 = tpu.vector_load %arg7[%get3A_1939, %get3A_1940] {strides = array<i32>} : memref<50x128xf32, #tpu.memory_space<vmem>>, vector<1x16xf32>,
    %get3A_1942 = vector.shape_cast %get3A_1941 : vector<1x16xf32> to vector<16xf32>
    %add3A_1943 = arith.addf %add3A_1885, %get3A_1942 : vector<16xf32>
    %get3A_1944 = arith.constant 24 : i32
    %get3A_1945 = arith.index_cast %get3A_1944 : i32 to index
    %get3A_1946 = arith.constant 64 : index
    %get3A_1947 = tpu.vector_load %arg7[%get3A_1945, %get3A_1946] {strides = array<i32>} : memref<50x128xf32, #tpu.memory_space<vmem>>, vector<1x16xf32>,
    %get3A_1948 = vector.shape_cast %get3A_1947 : vector<1x16xf32> to vector<16xf32>
    %add3A_1949 = arith.addf %add3A_1891, %get3A_1948 : vector<16xf32>
    %get3A_1950 = arith.constant 24 : i32
    %get3A_1951 = arith.index_cast %get3A_1950 : i32 to index
    %get3A_1952 = arith.constant 80 : index
    %get3A_1953 = tpu.vector_load %arg7[%get3A_1951, %get3A_1952] {strides = array<i32>} : memref<50x128xf32, #tpu.memory_space<vmem>>, vector<1x16xf32>,
    %get3A_1954 = vector.shape_cast %get3A_1953 : vector<1x16xf32> to vector<16xf32>
    %add3A_1955 = arith.addf %add3A_1897, %get3A_1954 : vector<16xf32>
    %get3A_1956 = arith.constant 24 : i32
    %get3A_1957 = arith.index_cast %get3A_1956 : i32 to index
    %get3A_1958 = arith.constant 96 : index
    %get3A_1959 = tpu.vector_load %arg7[%get3A_1957, %get3A_1958] {strides = array<i32>} : memref<50x128xf32, #tpu.memory_space<vmem>>, vector<1x16xf32>,
    %get3A_1960 = vector.shape_cast %get3A_1959 : vector<1x16xf32> to vector<16xf32>
    %add3A_1961 = arith.addf %add3A_1903, %get3A_1960 : vector<16xf32>
    %get3A_1962 = arith.constant 24 : i32
    %get3A_1963 = arith.index_cast %get3A_1962 : i32 to index
    %get3A_1964 = arith.constant 112 : index
    %get3A_1965 = tpu.vector_load %arg7[%get3A_1963, %get3A_1964] {strides = array<i32>} : memref<50x128xf32, #tpu.memory_space<vmem>>, vector<1x16xf32>,
    %get3A_1966 = vector.shape_cast %get3A_1965 : vector<1x16xf32> to vector<16xf32>
    %add3A_1967 = arith.addf %add3A_1909, %get3A_1966 : vector<16xf32>
    %dma_wait3A_1968 = arith.constant 25 : i32
    %dma_wait3A_1969 = arith.constant 25 : i32
    %dma_wait3A_1970 = arith.constant 0 : i32
    %dma_wait3A_1971 = tpu.memref_slice %arg7[%dma_wait3A_1969, %dma_wait3A_1970] : memref<50x128xf32, #tpu.memory_space<vmem>> -> memref<1x128xf32, #tpu.memory_space<vmem>>
    %dma_wait3A_1972 = tpu.memref_squeeze %dma_wait3A_1971 : memref<1x128xf32, #tpu.memory_space<vmem>> -> memref<128xf32, #tpu.memory_space<vmem>>
    %dma_wait3A_1973 = arith.constant 0 : i32
    %dma_wait3A_1974 = tpu.memref_slice %arg6[%dma_wait3A_1968, %dma_wait3A_1973] : memref<50x128xi32, #tpu.memory_space<vmem>> -> memref<1x128xi32, #tpu.memory_space<vmem>>
    %dma_wait3A_1975 = tpu.memref_squeeze %dma_wait3A_1974 : memref<1x128xi32, #tpu.memory_space<vmem>> -> memref<128xi32, #tpu.memory_space<vmem>>
    %dma_wait3A_1976 = arith.constant 0 : i32
    %dma_wait3A_1977 = tpu.memref_slice %arg3[%dma_wait3A_1976] : memref<1048576xf32, #tpu.memory_space<hbm>> -> memref<1048576xf32, #tpu.memory_space<hbm>>
    tpu.wait_indirect_dma semaphore(%arg10 : memref<!tpu.dma_semaphore, #tpu.memory_space<semaphore_mem>>) src(%dma_wait3A_1977 : memref<1048576xf32, #tpu.memory_space<hbm>>) dst(%dma_wait3A_1972 : memref<128xf32, #tpu.memory_space<vmem>>)
    %get3A_1978 = arith.constant 25 : i32
    %get3A_1979 = arith.index_cast %get3A_1978 : i32 to index
    %get3A_1980 = arith.constant 0 : index
    %get3A_1981 = tpu.vector_load %arg7[%get3A_1979, %get3A_1980] {strides = array<i32>} : memref<50x128xf32, #tpu.memory_space<vmem>>, vector<1x16xf32>,
    %get3A_1982 = vector.shape_cast %get3A_1981 : vector<1x16xf32> to vector<16xf32>
    %add3A_1983 = arith.addf %add3A_1925, %get3A_1982 : vector<16xf32>
    %get3A_1984 = arith.constant 25 : i32
    %get3A_1985 = arith.index_cast %get3A_1984 : i32 to index
    %get3A_1986 = arith.constant 16 : index
    %get3A_1987 = tpu.vector_load %arg7[%get3A_1985, %get3A_1986] {strides = array<i32>} : memref<50x128xf32, #tpu.memory_space<vmem>>, vector<1x16xf32>,
    %get3A_1988 = vector.shape_cast %get3A_1987 : vector<1x16xf32> to vector<16xf32>
    %add3A_1989 = arith.addf %add3A_1931, %get3A_1988 : vector<16xf32>
    %get3A_1990 = arith.constant 25 : i32
    %get3A_1991 = arith.index_cast %get3A_1990 : i32 to index
    %get3A_1992 = arith.constant 32 : index
    %get3A_1993 = tpu.vector_load %arg7[%get3A_1991, %get3A_1992] {strides = array<i32>} : memref<50x128xf32, #tpu.memory_space<vmem>>, vector<1x16xf32>,
    %get3A_1994 = vector.shape_cast %get3A_1993 : vector<1x16xf32> to vector<16xf32>
    %add3A_1995 = arith.addf %add3A_1937, %get3A_1994 : vector<16xf32>
    %get3A_1996 = arith.constant 25 : i32
    %get3A_1997 = arith.index_cast %get3A_1996 : i32 to index
    %get3A_1998 = arith.constant 48 : index
    %get3A_1999 = tpu.vector_load %arg7[%get3A_1997, %get3A_1998] {strides = array<i32>} : memref<50x128xf32, #tpu.memory_space<vmem>>, vector<1x16xf32>,
    %get3A_2000 = vector.shape_cast %get3A_1999 : vector<1x16xf32> to vector<16xf32>
    %add3A_2001 = arith.addf %add3A_1943, %get3A_2000 : vector<16xf32>
    %get3A_2002 = arith.constant 25 : i32
    %get3A_2003 = arith.index_cast %get3A_2002 : i32 to index
    %get3A_2004 = arith.constant 64 : index
    %get3A_2005 = tpu.vector_load %arg7[%get3A_2003, %get3A_2004] {strides = array<i32>} : memref<50x128xf32, #tpu.memory_space<vmem>>, vector<1x16xf32>,
    %get3A_2006 = vector.shape_cast %get3A_2005 : vector<1x16xf32> to vector<16xf32>
    %add3A_2007 = arith.addf %add3A_1949, %get3A_2006 : vector<16xf32>
    %get3A_2008 = arith.constant 25 : i32
    %get3A_2009 = arith.index_cast %get3A_2008 : i32 to index
    %get3A_2010 = arith.constant 80 : index
    %get3A_2011 = tpu.vector_load %arg7[%get3A_2009, %get3A_2010] {strides = array<i32>} : memref<50x128xf32, #tpu.memory_space<vmem>>, vector<1x16xf32>,
    %get3A_2012 = vector.shape_cast %get3A_2011 : vector<1x16xf32> to vector<16xf32>
    %add3A_2013 = arith.addf %add3A_1955, %get3A_2012 : vector<16xf32>
    %get3A_2014 = arith.constant 25 : i32
    %get3A_2015 = arith.index_cast %get3A_2014 : i32 to index
    %get3A_2016 = arith.constant 96 : index
    %get3A_2017 = tpu.vector_load %arg7[%get3A_2015, %get3A_2016] {strides = array<i32>} : memref<50x128xf32, #tpu.memory_space<vmem>>, vector<1x16xf32>,
    %get3A_2018 = vector.shape_cast %get3A_2017 : vector<1x16xf32> to vector<16xf32>
    %add3A_2019 = arith.addf %add3A_1961, %get3A_2018 : vector<16xf32>
    %get3A_2020 = arith.constant 25 : i32
    %get3A_2021 = arith.index_cast %get3A_2020 : i32 to index
    %get3A_2022 = arith.constant 112 : index
    %get3A_2023 = tpu.vector_load %arg7[%get3A_2021, %get3A_2022] {strides = array<i32>} : memref<50x128xf32, #tpu.memory_space<vmem>>, vector<1x16xf32>,
    %get3A_2024 = vector.shape_cast %get3A_2023 : vector<1x16xf32> to vector<16xf32>
    %add3A_2025 = arith.addf %add3A_1967, %get3A_2024 : vector<16xf32>
    %dma_wait3A_2026 = arith.constant 26 : i32
    %dma_wait3A_2027 = arith.constant 26 : i32
    %dma_wait3A_2028 = arith.constant 0 : i32
    %dma_wait3A_2029 = tpu.memref_slice %arg7[%dma_wait3A_2027, %dma_wait3A_2028] : memref<50x128xf32, #tpu.memory_space<vmem>> -> memref<1x128xf32, #tpu.memory_space<vmem>>
    %dma_wait3A_2030 = tpu.memref_squeeze %dma_wait3A_2029 : memref<1x128xf32, #tpu.memory_space<vmem>> -> memref<128xf32, #tpu.memory_space<vmem>>
    %dma_wait3A_2031 = arith.constant 0 : i32
    %dma_wait3A_2032 = tpu.memref_slice %arg6[%dma_wait3A_2026, %dma_wait3A_2031] : memref<50x128xi32, #tpu.memory_space<vmem>> -> memref<1x128xi32, #tpu.memory_space<vmem>>
    %dma_wait3A_2033 = tpu.memref_squeeze %dma_wait3A_2032 : memref<1x128xi32, #tpu.memory_space<vmem>> -> memref<128xi32, #tpu.memory_space<vmem>>
    %dma_wait3A_2034 = arith.constant 0 : i32
    %dma_wait3A_2035 = tpu.memref_slice %arg3[%dma_wait3A_2034] : memref<1048576xf32, #tpu.memory_space<hbm>> -> memref<1048576xf32, #tpu.memory_space<hbm>>
    tpu.wait_indirect_dma semaphore(%arg10 : memref<!tpu.dma_semaphore, #tpu.memory_space<semaphore_mem>>) src(%dma_wait3A_2035 : memref<1048576xf32, #tpu.memory_space<hbm>>) dst(%dma_wait3A_2030 : memref<128xf32, #tpu.memory_space<vmem>>)
    %get3A_2036 = arith.constant 26 : i32
    %get3A_2037 = arith.index_cast %get3A_2036 : i32 to index
    %get3A_2038 = arith.constant 0 : index
    %get3A_2039 = tpu.vector_load %arg7[%get3A_2037, %get3A_2038] {strides = array<i32>} : memref<50x128xf32, #tpu.memory_space<vmem>>, vector<1x16xf32>,
    %get3A_2040 = vector.shape_cast %get3A_2039 : vector<1x16xf32> to vector<16xf32>
    %add3A_2041 = arith.addf %add3A_1983, %get3A_2040 : vector<16xf32>
    %get3A_2042 = arith.constant 26 : i32
    %get3A_2043 = arith.index_cast %get3A_2042 : i32 to index
    %get3A_2044 = arith.constant 16 : index
    %get3A_2045 = tpu.vector_load %arg7[%get3A_2043, %get3A_2044] {strides = array<i32>} : memref<50x128xf32, #tpu.memory_space<vmem>>, vector<1x16xf32>,
    %get3A_2046 = vector.shape_cast %get3A_2045 : vector<1x16xf32> to vector<16xf32>
    %add3A_2047 = arith.addf %add3A_1989, %get3A_2046 : vector<16xf32>
    %get3A_2048 = arith.constant 26 : i32
    %get3A_2049 = arith.index_cast %get3A_2048 : i32 to index
    %get3A_2050 = arith.constant 32 : index
    %get3A_2051 = tpu.vector_load %arg7[%get3A_2049, %get3A_2050] {strides = array<i32>} : memref<50x128xf32, #tpu.memory_space<vmem>>, vector<1x16xf32>,
    %get3A_2052 = vector.shape_cast %get3A_2051 : vector<1x16xf32> to vector<16xf32>
    %add3A_2053 = arith.addf %add3A_1995, %get3A_2052 : vector<16xf32>
    %get3A_2054 = arith.constant 26 : i32
    %get3A_2055 = arith.index_cast %get3A_2054 : i32 to index
    %get3A_2056 = arith.constant 48 : index
    %get3A_2057 = tpu.vector_load %arg7[%get3A_2055, %get3A_2056] {strides = array<i32>} : memref<50x128xf32, #tpu.memory_space<vmem>>, vector<1x16xf32>,
    %get3A_2058 = vector.shape_cast %get3A_2057 : vector<1x16xf32> to vector<16xf32>
    %add3A_2059 = arith.addf %add3A_2001, %get3A_2058 : vector<16xf32>
    %get3A_2060 = arith.constant 26 : i32
    %get3A_2061 = arith.index_cast %get3A_2060 : i32 to index
    %get3A_2062 = arith.constant 64 : index
    %get3A_2063 = tpu.vector_load %arg7[%get3A_2061, %get3A_2062] {strides = array<i32>} : memref<50x128xf32, #tpu.memory_space<vmem>>, vector<1x16xf32>,
    %get3A_2064 = vector.shape_cast %get3A_2063 : vector<1x16xf32> to vector<16xf32>
    %add3A_2065 = arith.addf %add3A_2007, %get3A_2064 : vector<16xf32>
    %get3A_2066 = arith.constant 26 : i32
    %get3A_2067 = arith.index_cast %get3A_2066 : i32 to index
    %get3A_2068 = arith.constant 80 : index
    %get3A_2069 = tpu.vector_load %arg7[%get3A_2067, %get3A_2068] {strides = array<i32>} : memref<50x128xf32, #tpu.memory_space<vmem>>, vector<1x16xf32>,
    %get3A_2070 = vector.shape_cast %get3A_2069 : vector<1x16xf32> to vector<16xf32>
    %add3A_2071 = arith.addf %add3A_2013, %get3A_2070 : vector<16xf32>
    %get3A_2072 = arith.constant 26 : i32
    %get3A_2073 = arith.index_cast %get3A_2072 : i32 to index
    %get3A_2074 = arith.constant 96 : index
    %get3A_2075 = tpu.vector_load %arg7[%get3A_2073, %get3A_2074] {strides = array<i32>} : memref<50x128xf32, #tpu.memory_space<vmem>>, vector<1x16xf32>,
    %get3A_2076 = vector.shape_cast %get3A_2075 : vector<1x16xf32> to vector<16xf32>
    %add3A_2077 = arith.addf %add3A_2019, %get3A_2076 : vector<16xf32>
    %get3A_2078 = arith.constant 26 : i32
    %get3A_2079 = arith.index_cast %get3A_2078 : i32 to index
    %get3A_2080 = arith.constant 112 : index
    %get3A_2081 = tpu.vector_load %arg7[%get3A_2079, %get3A_2080] {strides = array<i32>} : memref<50x128xf32, #tpu.memory_space<vmem>>, vector<1x16xf32>,
    %get3A_2082 = vector.shape_cast %get3A_2081 : vector<1x16xf32> to vector<16xf32>
    %add3A_2083 = arith.addf %add3A_2025, %get3A_2082 : vector<16xf32>
    %dma_wait3A_2084 = arith.constant 27 : i32
    %dma_wait3A_2085 = arith.constant 27 : i32
    %dma_wait3A_2086 = arith.constant 0 : i32
    %dma_wait3A_2087 = tpu.memref_slice %arg7[%dma_wait3A_2085, %dma_wait3A_2086] : memref<50x128xf32, #tpu.memory_space<vmem>> -> memref<1x128xf32, #tpu.memory_space<vmem>>
    %dma_wait3A_2088 = tpu.memref_squeeze %dma_wait3A_2087 : memref<1x128xf32, #tpu.memory_space<vmem>> -> memref<128xf32, #tpu.memory_space<vmem>>
    %dma_wait3A_2089 = arith.constant 0 : i32
    %dma_wait3A_2090 = tpu.memref_slice %arg6[%dma_wait3A_2084, %dma_wait3A_2089] : memref<50x128xi32, #tpu.memory_space<vmem>> -> memref<1x128xi32, #tpu.memory_space<vmem>>
    %dma_wait3A_2091 = tpu.memref_squeeze %dma_wait3A_2090 : memref<1x128xi32, #tpu.memory_space<vmem>> -> memref<128xi32, #tpu.memory_space<vmem>>
    %dma_wait3A_2092 = arith.constant 0 : i32
    %dma_wait3A_2093 = tpu.memref_slice %arg3[%dma_wait3A_2092] : memref<1048576xf32, #tpu.memory_space<hbm>> -> memref<1048576xf32, #tpu.memory_space<hbm>>
    tpu.wait_indirect_dma semaphore(%arg10 : memref<!tpu.dma_semaphore, #tpu.memory_space<semaphore_mem>>) src(%dma_wait3A_2093 : memref<1048576xf32, #tpu.memory_space<hbm>>) dst(%dma_wait3A_2088 : memref<128xf32, #tpu.memory_space<vmem>>)
    %get3A_2094 = arith.constant 27 : i32
    %get3A_2095 = arith.index_cast %get3A_2094 : i32 to index
    %get3A_2096 = arith.constant 0 : index
    %get3A_2097 = tpu.vector_load %arg7[%get3A_2095, %get3A_2096] {strides = array<i32>} : memref<50x128xf32, #tpu.memory_space<vmem>>, vector<1x16xf32>,
    %get3A_2098 = vector.shape_cast %get3A_2097 : vector<1x16xf32> to vector<16xf32>
    %add3A_2099 = arith.addf %add3A_2041, %get3A_2098 : vector<16xf32>
    %get3A_2100 = arith.constant 27 : i32
    %get3A_2101 = arith.index_cast %get3A_2100 : i32 to index
    %get3A_2102 = arith.constant 16 : index
    %get3A_2103 = tpu.vector_load %arg7[%get3A_2101, %get3A_2102] {strides = array<i32>} : memref<50x128xf32, #tpu.memory_space<vmem>>, vector<1x16xf32>,
    %get3A_2104 = vector.shape_cast %get3A_2103 : vector<1x16xf32> to vector<16xf32>
    %add3A_2105 = arith.addf %add3A_2047, %get3A_2104 : vector<16xf32>
    %get3A_2106 = arith.constant 27 : i32
    %get3A_2107 = arith.index_cast %get3A_2106 : i32 to index
    %get3A_2108 = arith.constant 32 : index
    %get3A_2109 = tpu.vector_load %arg7[%get3A_2107, %get3A_2108] {strides = array<i32>} : memref<50x128xf32, #tpu.memory_space<vmem>>, vector<1x16xf32>,
    %get3A_2110 = vector.shape_cast %get3A_2109 : vector<1x16xf32> to vector<16xf32>
    %add3A_2111 = arith.addf %add3A_2053, %get3A_2110 : vector<16xf32>
    %get3A_2112 = arith.constant 27 : i32
    %get3A_2113 = arith.index_cast %get3A_2112 : i32 to index
    %get3A_2114 = arith.constant 48 : index
    %get3A_2115 = tpu.vector_load %arg7[%get3A_2113, %get3A_2114] {strides = array<i32>} : memref<50x128xf32, #tpu.memory_space<vmem>>, vector<1x16xf32>,
    %get3A_2116 = vector.shape_cast %get3A_2115 : vector<1x16xf32> to vector<16xf32>
    %add3A_2117 = arith.addf %add3A_2059, %get3A_2116 : vector<16xf32>
    %get3A_2118 = arith.constant 27 : i32
    %get3A_2119 = arith.index_cast %get3A_2118 : i32 to index
    %get3A_2120 = arith.constant 64 : index
    %get3A_2121 = tpu.vector_load %arg7[%get3A_2119, %get3A_2120] {strides = array<i32>} : memref<50x128xf32, #tpu.memory_space<vmem>>, vector<1x16xf32>,
    %get3A_2122 = vector.shape_cast %get3A_2121 : vector<1x16xf32> to vector<16xf32>
    %add3A_2123 = arith.addf %add3A_2065, %get3A_2122 : vector<16xf32>
    %get3A_2124 = arith.constant 27 : i32
    %get3A_2125 = arith.index_cast %get3A_2124 : i32 to index
    %get3A_2126 = arith.constant 80 : index
    %get3A_2127 = tpu.vector_load %arg7[%get3A_2125, %get3A_2126] {strides = array<i32>} : memref<50x128xf32, #tpu.memory_space<vmem>>, vector<1x16xf32>,
    %get3A_2128 = vector.shape_cast %get3A_2127 : vector<1x16xf32> to vector<16xf32>
    %add3A_2129 = arith.addf %add3A_2071, %get3A_2128 : vector<16xf32>
    %get3A_2130 = arith.constant 27 : i32
    %get3A_2131 = arith.index_cast %get3A_2130 : i32 to index
    %get3A_2132 = arith.constant 96 : index
    %get3A_2133 = tpu.vector_load %arg7[%get3A_2131, %get3A_2132] {strides = array<i32>} : memref<50x128xf32, #tpu.memory_space<vmem>>, vector<1x16xf32>,
    %get3A_2134 = vector.shape_cast %get3A_2133 : vector<1x16xf32> to vector<16xf32>
    %add3A_2135 = arith.addf %add3A_2077, %get3A_2134 : vector<16xf32>
    %get3A_2136 = arith.constant 27 : i32
    %get3A_2137 = arith.index_cast %get3A_2136 : i32 to index
    %get3A_2138 = arith.constant 112 : index
    %get3A_2139 = tpu.vector_load %arg7[%get3A_2137, %get3A_2138] {strides = array<i32>} : memref<50x128xf32, #tpu.memory_space<vmem>>, vector<1x16xf32>,
    %get3A_2140 = vector.shape_cast %get3A_2139 : vector<1x16xf32> to vector<16xf32>
    %add3A_2141 = arith.addf %add3A_2083, %get3A_2140 : vector<16xf32>
    %dma_wait3A_2142 = arith.constant 28 : i32
    %dma_wait3A_2143 = arith.constant 28 : i32
    %dma_wait3A_2144 = arith.constant 0 : i32
    %dma_wait3A_2145 = tpu.memref_slice %arg7[%dma_wait3A_2143, %dma_wait3A_2144] : memref<50x128xf32, #tpu.memory_space<vmem>> -> memref<1x128xf32, #tpu.memory_space<vmem>>
    %dma_wait3A_2146 = tpu.memref_squeeze %dma_wait3A_2145 : memref<1x128xf32, #tpu.memory_space<vmem>> -> memref<128xf32, #tpu.memory_space<vmem>>
    %dma_wait3A_2147 = arith.constant 0 : i32
    %dma_wait3A_2148 = tpu.memref_slice %arg6[%dma_wait3A_2142, %dma_wait3A_2147] : memref<50x128xi32, #tpu.memory_space<vmem>> -> memref<1x128xi32, #tpu.memory_space<vmem>>
    %dma_wait3A_2149 = tpu.memref_squeeze %dma_wait3A_2148 : memref<1x128xi32, #tpu.memory_space<vmem>> -> memref<128xi32, #tpu.memory_space<vmem>>
    %dma_wait3A_2150 = arith.constant 0 : i32
    %dma_wait3A_2151 = tpu.memref_slice %arg3[%dma_wait3A_2150] : memref<1048576xf32, #tpu.memory_space<hbm>> -> memref<1048576xf32, #tpu.memory_space<hbm>>
    tpu.wait_indirect_dma semaphore(%arg10 : memref<!tpu.dma_semaphore, #tpu.memory_space<semaphore_mem>>) src(%dma_wait3A_2151 : memref<1048576xf32, #tpu.memory_space<hbm>>) dst(%dma_wait3A_2146 : memref<128xf32, #tpu.memory_space<vmem>>)
    %get3A_2152 = arith.constant 28 : i32
    %get3A_2153 = arith.index_cast %get3A_2152 : i32 to index
    %get3A_2154 = arith.constant 0 : index
    %get3A_2155 = tpu.vector_load %arg7[%get3A_2153, %get3A_2154] {strides = array<i32>} : memref<50x128xf32, #tpu.memory_space<vmem>>, vector<1x16xf32>,
    %get3A_2156 = vector.shape_cast %get3A_2155 : vector<1x16xf32> to vector<16xf32>
    %add3A_2157 = arith.addf %add3A_2099, %get3A_2156 : vector<16xf32>
    %get3A_2158 = arith.constant 28 : i32
    %get3A_2159 = arith.index_cast %get3A_2158 : i32 to index
    %get3A_2160 = arith.constant 16 : index
    %get3A_2161 = tpu.vector_load %arg7[%get3A_2159, %get3A_2160] {strides = array<i32>} : memref<50x128xf32, #tpu.memory_space<vmem>>, vector<1x16xf32>,
    %get3A_2162 = vector.shape_cast %get3A_2161 : vector<1x16xf32> to vector<16xf32>
    %add3A_2163 = arith.addf %add3A_2105, %get3A_2162 : vector<16xf32>
    %get3A_2164 = arith.constant 28 : i32
    %get3A_2165 = arith.index_cast %get3A_2164 : i32 to index
    %get3A_2166 = arith.constant 32 : index
    %get3A_2167 = tpu.vector_load %arg7[%get3A_2165, %get3A_2166] {strides = array<i32>} : memref<50x128xf32, #tpu.memory_space<vmem>>, vector<1x16xf32>,
    %get3A_2168 = vector.shape_cast %get3A_2167 : vector<1x16xf32> to vector<16xf32>
    %add3A_2169 = arith.addf %add3A_2111, %get3A_2168 : vector<16xf32>
    %get3A_2170 = arith.constant 28 : i32
    %get3A_2171 = arith.index_cast %get3A_2170 : i32 to index
    %get3A_2172 = arith.constant 48 : index
    %get3A_2173 = tpu.vector_load %arg7[%get3A_2171, %get3A_2172] {strides = array<i32>} : memref<50x128xf32, #tpu.memory_space<vmem>>, vector<1x16xf32>,
    %get3A_2174 = vector.shape_cast %get3A_2173 : vector<1x16xf32> to vector<16xf32>
    %add3A_2175 = arith.addf %add3A_2117, %get3A_2174 : vector<16xf32>
    %get3A_2176 = arith.constant 28 : i32
    %get3A_2177 = arith.index_cast %get3A_2176 : i32 to index
    %get3A_2178 = arith.constant 64 : index
    %get3A_2179 = tpu.vector_load %arg7[%get3A_2177, %get3A_2178] {strides = array<i32>} : memref<50x128xf32, #tpu.memory_space<vmem>>, vector<1x16xf32>,
    %get3A_2180 = vector.shape_cast %get3A_2179 : vector<1x16xf32> to vector<16xf32>
    %add3A_2181 = arith.addf %add3A_2123, %get3A_2180 : vector<16xf32>
    %get3A_2182 = arith.constant 28 : i32
    %get3A_2183 = arith.index_cast %get3A_2182 : i32 to index
    %get3A_2184 = arith.constant 80 : index
    %get3A_2185 = tpu.vector_load %arg7[%get3A_2183, %get3A_2184] {strides = array<i32>} : memref<50x128xf32, #tpu.memory_space<vmem>>, vector<1x16xf32>,
    %get3A_2186 = vector.shape_cast %get3A_2185 : vector<1x16xf32> to vector<16xf32>
    %add3A_2187 = arith.addf %add3A_2129, %get3A_2186 : vector<16xf32>
    %get3A_2188 = arith.constant 28 : i32
    %get3A_2189 = arith.index_cast %get3A_2188 : i32 to index
    %get3A_2190 = arith.constant 96 : index
    %get3A_2191 = tpu.vector_load %arg7[%get3A_2189, %get3A_2190] {strides = array<i32>} : memref<50x128xf32, #tpu.memory_space<vmem>>, vector<1x16xf32>,
    %get3A_2192 = vector.shape_cast %get3A_2191 : vector<1x16xf32> to vector<16xf32>
    %add3A_2193 = arith.addf %add3A_2135, %get3A_2192 : vector<16xf32>
    %get3A_2194 = arith.constant 28 : i32
    %get3A_2195 = arith.index_cast %get3A_2194 : i32 to index
    %get3A_2196 = arith.constant 112 : index
    %get3A_2197 = tpu.vector_load %arg7[%get3A_2195, %get3A_2196] {strides = array<i32>} : memref<50x128xf32, #tpu.memory_space<vmem>>, vector<1x16xf32>,
    %get3A_2198 = vector.shape_cast %get3A_2197 : vector<1x16xf32> to vector<16xf32>
    %add3A_2199 = arith.addf %add3A_2141, %get3A_2198 : vector<16xf32>
    %dma_wait3A_2200 = arith.constant 29 : i32
    %dma_wait3A_2201 = arith.constant 29 : i32
    %dma_wait3A_2202 = arith.constant 0 : i32
    %dma_wait3A_2203 = tpu.memref_slice %arg7[%dma_wait3A_2201, %dma_wait3A_2202] : memref<50x128xf32, #tpu.memory_space<vmem>> -> memref<1x128xf32, #tpu.memory_space<vmem>>
    %dma_wait3A_2204 = tpu.memref_squeeze %dma_wait3A_2203 : memref<1x128xf32, #tpu.memory_space<vmem>> -> memref<128xf32, #tpu.memory_space<vmem>>
    %dma_wait3A_2205 = arith.constant 0 : i32
    %dma_wait3A_2206 = tpu.memref_slice %arg6[%dma_wait3A_2200, %dma_wait3A_2205] : memref<50x128xi32, #tpu.memory_space<vmem>> -> memref<1x128xi32, #tpu.memory_space<vmem>>
    %dma_wait3A_2207 = tpu.memref_squeeze %dma_wait3A_2206 : memref<1x128xi32, #tpu.memory_space<vmem>> -> memref<128xi32, #tpu.memory_space<vmem>>
    %dma_wait3A_2208 = arith.constant 0 : i32
    %dma_wait3A_2209 = tpu.memref_slice %arg3[%dma_wait3A_2208] : memref<1048576xf32, #tpu.memory_space<hbm>> -> memref<1048576xf32, #tpu.memory_space<hbm>>
    tpu.wait_indirect_dma semaphore(%arg10 : memref<!tpu.dma_semaphore, #tpu.memory_space<semaphore_mem>>) src(%dma_wait3A_2209 : memref<1048576xf32, #tpu.memory_space<hbm>>) dst(%dma_wait3A_2204 : memref<128xf32, #tpu.memory_space<vmem>>)
    %get3A_2210 = arith.constant 29 : i32
    %get3A_2211 = arith.index_cast %get3A_2210 : i32 to index
    %get3A_2212 = arith.constant 0 : index
    %get3A_2213 = tpu.vector_load %arg7[%get3A_2211, %get3A_2212] {strides = array<i32>} : memref<50x128xf32, #tpu.memory_space<vmem>>, vector<1x16xf32>,
    %get3A_2214 = vector.shape_cast %get3A_2213 : vector<1x16xf32> to vector<16xf32>
    %add3A_2215 = arith.addf %add3A_2157, %get3A_2214 : vector<16xf32>
    %get3A_2216 = arith.constant 29 : i32
    %get3A_2217 = arith.index_cast %get3A_2216 : i32 to index
    %get3A_2218 = arith.constant 16 : index
    %get3A_2219 = tpu.vector_load %arg7[%get3A_2217, %get3A_2218] {strides = array<i32>} : memref<50x128xf32, #tpu.memory_space<vmem>>, vector<1x16xf32>,
    %get3A_2220 = vector.shape_cast %get3A_2219 : vector<1x16xf32> to vector<16xf32>
    %add3A_2221 = arith.addf %add3A_2163, %get3A_2220 : vector<16xf32>
    %get3A_2222 = arith.constant 29 : i32
    %get3A_2223 = arith.index_cast %get3A_2222 : i32 to index
    %get3A_2224 = arith.constant 32 : index
    %get3A_2225 = tpu.vector_load %arg7[%get3A_2223, %get3A_2224] {strides = array<i32>} : memref<50x128xf32, #tpu.memory_space<vmem>>, vector<1x16xf32>,
    %get3A_2226 = vector.shape_cast %get3A_2225 : vector<1x16xf32> to vector<16xf32>
    %add3A_2227 = arith.addf %add3A_2169, %get3A_2226 : vector<16xf32>
    %get3A_2228 = arith.constant 29 : i32
    %get3A_2229 = arith.index_cast %get3A_2228 : i32 to index
    %get3A_2230 = arith.constant 48 : index
    %get3A_2231 = tpu.vector_load %arg7[%get3A_2229, %get3A_2230] {strides = array<i32>} : memref<50x128xf32, #tpu.memory_space<vmem>>, vector<1x16xf32>,
    %get3A_2232 = vector.shape_cast %get3A_2231 : vector<1x16xf32> to vector<16xf32>
    %add3A_2233 = arith.addf %add3A_2175, %get3A_2232 : vector<16xf32>
    %get3A_2234 = arith.constant 29 : i32
    %get3A_2235 = arith.index_cast %get3A_2234 : i32 to index
    %get3A_2236 = arith.constant 64 : index
    %get3A_2237 = tpu.vector_load %arg7[%get3A_2235, %get3A_2236] {strides = array<i32>} : memref<50x128xf32, #tpu.memory_space<vmem>>, vector<1x16xf32>,
    %get3A_2238 = vector.shape_cast %get3A_2237 : vector<1x16xf32> to vector<16xf32>
    %add3A_2239 = arith.addf %add3A_2181, %get3A_2238 : vector<16xf32>
    %get3A_2240 = arith.constant 29 : i32
    %get3A_2241 = arith.index_cast %get3A_2240 : i32 to index
    %get3A_2242 = arith.constant 80 : index
    %get3A_2243 = tpu.vector_load %arg7[%get3A_2241, %get3A_2242] {strides = array<i32>} : memref<50x128xf32, #tpu.memory_space<vmem>>, vector<1x16xf32>,
    %get3A_2244 = vector.shape_cast %get3A_2243 : vector<1x16xf32> to vector<16xf32>
    %add3A_2245 = arith.addf %add3A_2187, %get3A_2244 : vector<16xf32>
    %get3A_2246 = arith.constant 29 : i32
    %get3A_2247 = arith.index_cast %get3A_2246 : i32 to index
    %get3A_2248 = arith.constant 96 : index
    %get3A_2249 = tpu.vector_load %arg7[%get3A_2247, %get3A_2248] {strides = array<i32>} : memref<50x128xf32, #tpu.memory_space<vmem>>, vector<1x16xf32>,
    %get3A_2250 = vector.shape_cast %get3A_2249 : vector<1x16xf32> to vector<16xf32>
    %add3A_2251 = arith.addf %add3A_2193, %get3A_2250 : vector<16xf32>
    %get3A_2252 = arith.constant 29 : i32
    %get3A_2253 = arith.index_cast %get3A_2252 : i32 to index
    %get3A_2254 = arith.constant 112 : index
    %get3A_2255 = tpu.vector_load %arg7[%get3A_2253, %get3A_2254] {strides = array<i32>} : memref<50x128xf32, #tpu.memory_space<vmem>>, vector<1x16xf32>,
    %get3A_2256 = vector.shape_cast %get3A_2255 : vector<1x16xf32> to vector<16xf32>
    %add3A_2257 = arith.addf %add3A_2199, %get3A_2256 : vector<16xf32>
    %dma_wait3A_2258 = arith.constant 30 : i32
    %dma_wait3A_2259 = arith.constant 30 : i32
    %dma_wait3A_2260 = arith.constant 0 : i32
    %dma_wait3A_2261 = tpu.memref_slice %arg7[%dma_wait3A_2259, %dma_wait3A_2260] : memref<50x128xf32, #tpu.memory_space<vmem>> -> memref<1x128xf32, #tpu.memory_space<vmem>>
    %dma_wait3A_2262 = tpu.memref_squeeze %dma_wait3A_2261 : memref<1x128xf32, #tpu.memory_space<vmem>> -> memref<128xf32, #tpu.memory_space<vmem>>
    %dma_wait3A_2263 = arith.constant 0 : i32
    %dma_wait3A_2264 = tpu.memref_slice %arg6[%dma_wait3A_2258, %dma_wait3A_2263] : memref<50x128xi32, #tpu.memory_space<vmem>> -> memref<1x128xi32, #tpu.memory_space<vmem>>
    %dma_wait3A_2265 = tpu.memref_squeeze %dma_wait3A_2264 : memref<1x128xi32, #tpu.memory_space<vmem>> -> memref<128xi32, #tpu.memory_space<vmem>>
    %dma_wait3A_2266 = arith.constant 0 : i32
    %dma_wait3A_2267 = tpu.memref_slice %arg3[%dma_wait3A_2266] : memref<1048576xf32, #tpu.memory_space<hbm>> -> memref<1048576xf32, #tpu.memory_space<hbm>>
    tpu.wait_indirect_dma semaphore(%arg10 : memref<!tpu.dma_semaphore, #tpu.memory_space<semaphore_mem>>) src(%dma_wait3A_2267 : memref<1048576xf32, #tpu.memory_space<hbm>>) dst(%dma_wait3A_2262 : memref<128xf32, #tpu.memory_space<vmem>>)
    %get3A_2268 = arith.constant 30 : i32
    %get3A_2269 = arith.index_cast %get3A_2268 : i32 to index
    %get3A_2270 = arith.constant 0 : index
    %get3A_2271 = tpu.vector_load %arg7[%get3A_2269, %get3A_2270] {strides = array<i32>} : memref<50x128xf32, #tpu.memory_space<vmem>>, vector<1x16xf32>,
    %get3A_2272 = vector.shape_cast %get3A_2271 : vector<1x16xf32> to vector<16xf32>
    %add3A_2273 = arith.addf %add3A_2215, %get3A_2272 : vector<16xf32>
    %get3A_2274 = arith.constant 30 : i32
    %get3A_2275 = arith.index_cast %get3A_2274 : i32 to index
    %get3A_2276 = arith.constant 16 : index
    %get3A_2277 = tpu.vector_load %arg7[%get3A_2275, %get3A_2276] {strides = array<i32>} : memref<50x128xf32, #tpu.memory_space<vmem>>, vector<1x16xf32>,
    %get3A_2278 = vector.shape_cast %get3A_2277 : vector<1x16xf32> to vector<16xf32>
    %add3A_2279 = arith.addf %add3A_2221, %get3A_2278 : vector<16xf32>
    %get3A_2280 = arith.constant 30 : i32
    %get3A_2281 = arith.index_cast %get3A_2280 : i32 to index
    %get3A_2282 = arith.constant 32 : index
    %get3A_2283 = tpu.vector_load %arg7[%get3A_2281, %get3A_2282] {strides = array<i32>} : memref<50x128xf32, #tpu.memory_space<vmem>>, vector<1x16xf32>,
    %get3A_2284 = vector.shape_cast %get3A_2283 : vector<1x16xf32> to vector<16xf32>
    %add3A_2285 = arith.addf %add3A_2227, %get3A_2284 : vector<16xf32>
    %get3A_2286 = arith.constant 30 : i32
    %get3A_2287 = arith.index_cast %get3A_2286 : i32 to index
    %get3A_2288 = arith.constant 48 : index
    %get3A_2289 = tpu.vector_load %arg7[%get3A_2287, %get3A_2288] {strides = array<i32>} : memref<50x128xf32, #tpu.memory_space<vmem>>, vector<1x16xf32>,
    %get3A_2290 = vector.shape_cast %get3A_2289 : vector<1x16xf32> to vector<16xf32>
    %add3A_2291 = arith.addf %add3A_2233, %get3A_2290 : vector<16xf32>
    %get3A_2292 = arith.constant 30 : i32
    %get3A_2293 = arith.index_cast %get3A_2292 : i32 to index
    %get3A_2294 = arith.constant 64 : index
    %get3A_2295 = tpu.vector_load %arg7[%get3A_2293, %get3A_2294] {strides = array<i32>} : memref<50x128xf32, #tpu.memory_space<vmem>>, vector<1x16xf32>,
    %get3A_2296 = vector.shape_cast %get3A_2295 : vector<1x16xf32> to vector<16xf32>
    %add3A_2297 = arith.addf %add3A_2239, %get3A_2296 : vector<16xf32>
    %get3A_2298 = arith.constant 30 : i32
    %get3A_2299 = arith.index_cast %get3A_2298 : i32 to index
    %get3A_2300 = arith.constant 80 : index
    %get3A_2301 = tpu.vector_load %arg7[%get3A_2299, %get3A_2300] {strides = array<i32>} : memref<50x128xf32, #tpu.memory_space<vmem>>, vector<1x16xf32>,
    %get3A_2302 = vector.shape_cast %get3A_2301 : vector<1x16xf32> to vector<16xf32>
    %add3A_2303 = arith.addf %add3A_2245, %get3A_2302 : vector<16xf32>
    %get3A_2304 = arith.constant 30 : i32
    %get3A_2305 = arith.index_cast %get3A_2304 : i32 to index
    %get3A_2306 = arith.constant 96 : index
    %get3A_2307 = tpu.vector_load %arg7[%get3A_2305, %get3A_2306] {strides = array<i32>} : memref<50x128xf32, #tpu.memory_space<vmem>>, vector<1x16xf32>,
    %get3A_2308 = vector.shape_cast %get3A_2307 : vector<1x16xf32> to vector<16xf32>
    %add3A_2309 = arith.addf %add3A_2251, %get3A_2308 : vector<16xf32>
    %get3A_2310 = arith.constant 30 : i32
    %get3A_2311 = arith.index_cast %get3A_2310 : i32 to index
    %get3A_2312 = arith.constant 112 : index
    %get3A_2313 = tpu.vector_load %arg7[%get3A_2311, %get3A_2312] {strides = array<i32>} : memref<50x128xf32, #tpu.memory_space<vmem>>, vector<1x16xf32>,
    %get3A_2314 = vector.shape_cast %get3A_2313 : vector<1x16xf32> to vector<16xf32>
    %add3A_2315 = arith.addf %add3A_2257, %get3A_2314 : vector<16xf32>
    %dma_wait3A_2316 = arith.constant 31 : i32
    %dma_wait3A_2317 = arith.constant 31 : i32
    %dma_wait3A_2318 = arith.constant 0 : i32
    %dma_wait3A_2319 = tpu.memref_slice %arg7[%dma_wait3A_2317, %dma_wait3A_2318] : memref<50x128xf32, #tpu.memory_space<vmem>> -> memref<1x128xf32, #tpu.memory_space<vmem>>
    %dma_wait3A_2320 = tpu.memref_squeeze %dma_wait3A_2319 : memref<1x128xf32, #tpu.memory_space<vmem>> -> memref<128xf32, #tpu.memory_space<vmem>>
    %dma_wait3A_2321 = arith.constant 0 : i32
    %dma_wait3A_2322 = tpu.memref_slice %arg6[%dma_wait3A_2316, %dma_wait3A_2321] : memref<50x128xi32, #tpu.memory_space<vmem>> -> memref<1x128xi32, #tpu.memory_space<vmem>>
    %dma_wait3A_2323 = tpu.memref_squeeze %dma_wait3A_2322 : memref<1x128xi32, #tpu.memory_space<vmem>> -> memref<128xi32, #tpu.memory_space<vmem>>
    %dma_wait3A_2324 = arith.constant 0 : i32
    %dma_wait3A_2325 = tpu.memref_slice %arg3[%dma_wait3A_2324] : memref<1048576xf32, #tpu.memory_space<hbm>> -> memref<1048576xf32, #tpu.memory_space<hbm>>
    tpu.wait_indirect_dma semaphore(%arg10 : memref<!tpu.dma_semaphore, #tpu.memory_space<semaphore_mem>>) src(%dma_wait3A_2325 : memref<1048576xf32, #tpu.memory_space<hbm>>) dst(%dma_wait3A_2320 : memref<128xf32, #tpu.memory_space<vmem>>)
    %get3A_2326 = arith.constant 31 : i32
    %get3A_2327 = arith.index_cast %get3A_2326 : i32 to index
    %get3A_2328 = arith.constant 0 : index
    %get3A_2329 = tpu.vector_load %arg7[%get3A_2327, %get3A_2328] {strides = array<i32>} : memref<50x128xf32, #tpu.memory_space<vmem>>, vector<1x16xf32>,
    %get3A_2330 = vector.shape_cast %get3A_2329 : vector<1x16xf32> to vector<16xf32>
    %add3A_2331 = arith.addf %add3A_2273, %get3A_2330 : vector<16xf32>
    %get3A_2332 = arith.constant 31 : i32
    %get3A_2333 = arith.index_cast %get3A_2332 : i32 to index
    %get3A_2334 = arith.constant 16 : index
    %get3A_2335 = tpu.vector_load %arg7[%get3A_2333, %get3A_2334] {strides = array<i32>} : memref<50x128xf32, #tpu.memory_space<vmem>>, vector<1x16xf32>,
    %get3A_2336 = vector.shape_cast %get3A_2335 : vector<1x16xf32> to vector<16xf32>
    %add3A_2337 = arith.addf %add3A_2279, %get3A_2336 : vector<16xf32>
    %get3A_2338 = arith.constant 31 : i32
    %get3A_2339 = arith.index_cast %get3A_2338 : i32 to index
    %get3A_2340 = arith.constant 32 : index
    %get3A_2341 = tpu.vector_load %arg7[%get3A_2339, %get3A_2340] {strides = array<i32>} : memref<50x128xf32, #tpu.memory_space<vmem>>, vector<1x16xf32>,
    %get3A_2342 = vector.shape_cast %get3A_2341 : vector<1x16xf32> to vector<16xf32>
    %add3A_2343 = arith.addf %add3A_2285, %get3A_2342 : vector<16xf32>
    %get3A_2344 = arith.constant 31 : i32
    %get3A_2345 = arith.index_cast %get3A_2344 : i32 to index
    %get3A_2346 = arith.constant 48 : index
    %get3A_2347 = tpu.vector_load %arg7[%get3A_2345, %get3A_2346] {strides = array<i32>} : memref<50x128xf32, #tpu.memory_space<vmem>>, vector<1x16xf32>,
    %get3A_2348 = vector.shape_cast %get3A_2347 : vector<1x16xf32> to vector<16xf32>
    %add3A_2349 = arith.addf %add3A_2291, %get3A_2348 : vector<16xf32>
    %get3A_2350 = arith.constant 31 : i32
    %get3A_2351 = arith.index_cast %get3A_2350 : i32 to index
    %get3A_2352 = arith.constant 64 : index
    %get3A_2353 = tpu.vector_load %arg7[%get3A_2351, %get3A_2352] {strides = array<i32>} : memref<50x128xf32, #tpu.memory_space<vmem>>, vector<1x16xf32>,
    %get3A_2354 = vector.shape_cast %get3A_2353 : vector<1x16xf32> to vector<16xf32>
    %add3A_2355 = arith.addf %add3A_2297, %get3A_2354 : vector<16xf32>
    %get3A_2356 = arith.constant 31 : i32
    %get3A_2357 = arith.index_cast %get3A_2356 : i32 to index
    %get3A_2358 = arith.constant 80 : index
    %get3A_2359 = tpu.vector_load %arg7[%get3A_2357, %get3A_2358] {strides = array<i32>} : memref<50x128xf32, #tpu.memory_space<vmem>>, vector<1x16xf32>,
    %get3A_2360 = vector.shape_cast %get3A_2359 : vector<1x16xf32> to vector<16xf32>
    %add3A_2361 = arith.addf %add3A_2303, %get3A_2360 : vector<16xf32>
    %get3A_2362 = arith.constant 31 : i32
    %get3A_2363 = arith.index_cast %get3A_2362 : i32 to index
    %get3A_2364 = arith.constant 96 : index
    %get3A_2365 = tpu.vector_load %arg7[%get3A_2363, %get3A_2364] {strides = array<i32>} : memref<50x128xf32, #tpu.memory_space<vmem>>, vector<1x16xf32>,
    %get3A_2366 = vector.shape_cast %get3A_2365 : vector<1x16xf32> to vector<16xf32>
    %add3A_2367 = arith.addf %add3A_2309, %get3A_2366 : vector<16xf32>
    %get3A_2368 = arith.constant 31 : i32
    %get3A_2369 = arith.index_cast %get3A_2368 : i32 to index
    %get3A_2370 = arith.constant 112 : index
    %get3A_2371 = tpu.vector_load %arg7[%get3A_2369, %get3A_2370] {strides = array<i32>} : memref<50x128xf32, #tpu.memory_space<vmem>>, vector<1x16xf32>,
    %get3A_2372 = vector.shape_cast %get3A_2371 : vector<1x16xf32> to vector<16xf32>
    %add3A_2373 = arith.addf %add3A_2315, %get3A_2372 : vector<16xf32>
    %dma_wait3A_2374 = arith.constant 32 : i32
    %dma_wait3A_2375 = arith.constant 32 : i32
    %dma_wait3A_2376 = arith.constant 0 : i32
    %dma_wait3A_2377 = tpu.memref_slice %arg7[%dma_wait3A_2375, %dma_wait3A_2376] : memref<50x128xf32, #tpu.memory_space<vmem>> -> memref<1x128xf32, #tpu.memory_space<vmem>>
    %dma_wait3A_2378 = tpu.memref_squeeze %dma_wait3A_2377 : memref<1x128xf32, #tpu.memory_space<vmem>> -> memref<128xf32, #tpu.memory_space<vmem>>
    %dma_wait3A_2379 = arith.constant 0 : i32
    %dma_wait3A_2380 = tpu.memref_slice %arg6[%dma_wait3A_2374, %dma_wait3A_2379] : memref<50x128xi32, #tpu.memory_space<vmem>> -> memref<1x128xi32, #tpu.memory_space<vmem>>
    %dma_wait3A_2381 = tpu.memref_squeeze %dma_wait3A_2380 : memref<1x128xi32, #tpu.memory_space<vmem>> -> memref<128xi32, #tpu.memory_space<vmem>>
    %dma_wait3A_2382 = arith.constant 0 : i32
    %dma_wait3A_2383 = tpu.memref_slice %arg3[%dma_wait3A_2382] : memref<1048576xf32, #tpu.memory_space<hbm>> -> memref<1048576xf32, #tpu.memory_space<hbm>>
    tpu.wait_indirect_dma semaphore(%arg10 : memref<!tpu.dma_semaphore, #tpu.memory_space<semaphore_mem>>) src(%dma_wait3A_2383 : memref<1048576xf32, #tpu.memory_space<hbm>>) dst(%dma_wait3A_2378 : memref<128xf32, #tpu.memory_space<vmem>>)
    %get3A_2384 = arith.constant 32 : i32
    %get3A_2385 = arith.index_cast %get3A_2384 : i32 to index
    %get3A_2386 = arith.constant 0 : index
    %get3A_2387 = tpu.vector_load %arg7[%get3A_2385, %get3A_2386] {strides = array<i32>} : memref<50x128xf32, #tpu.memory_space<vmem>>, vector<1x16xf32>,
    %get3A_2388 = vector.shape_cast %get3A_2387 : vector<1x16xf32> to vector<16xf32>
    %add3A_2389 = arith.addf %add3A_2331, %get3A_2388 : vector<16xf32>
    %get3A_2390 = arith.constant 32 : i32
    %get3A_2391 = arith.index_cast %get3A_2390 : i32 to index
    %get3A_2392 = arith.constant 16 : index
    %get3A_2393 = tpu.vector_load %arg7[%get3A_2391, %get3A_2392] {strides = array<i32>} : memref<50x128xf32, #tpu.memory_space<vmem>>, vector<1x16xf32>,
    %get3A_2394 = vector.shape_cast %get3A_2393 : vector<1x16xf32> to vector<16xf32>
    %add3A_2395 = arith.addf %add3A_2337, %get3A_2394 : vector<16xf32>
    %get3A_2396 = arith.constant 32 : i32
    %get3A_2397 = arith.index_cast %get3A_2396 : i32 to index
    %get3A_2398 = arith.constant 32 : index
    %get3A_2399 = tpu.vector_load %arg7[%get3A_2397, %get3A_2398] {strides = array<i32>} : memref<50x128xf32, #tpu.memory_space<vmem>>, vector<1x16xf32>,
    %get3A_2400 = vector.shape_cast %get3A_2399 : vector<1x16xf32> to vector<16xf32>
    %add3A_2401 = arith.addf %add3A_2343, %get3A_2400 : vector<16xf32>
    %get3A_2402 = arith.constant 32 : i32
    %get3A_2403 = arith.index_cast %get3A_2402 : i32 to index
    %get3A_2404 = arith.constant 48 : index
    %get3A_2405 = tpu.vector_load %arg7[%get3A_2403, %get3A_2404] {strides = array<i32>} : memref<50x128xf32, #tpu.memory_space<vmem>>, vector<1x16xf32>,
    %get3A_2406 = vector.shape_cast %get3A_2405 : vector<1x16xf32> to vector<16xf32>
    %add3A_2407 = arith.addf %add3A_2349, %get3A_2406 : vector<16xf32>
    %get3A_2408 = arith.constant 32 : i32
    %get3A_2409 = arith.index_cast %get3A_2408 : i32 to index
    %get3A_2410 = arith.constant 64 : index
    %get3A_2411 = tpu.vector_load %arg7[%get3A_2409, %get3A_2410] {strides = array<i32>} : memref<50x128xf32, #tpu.memory_space<vmem>>, vector<1x16xf32>,
    %get3A_2412 = vector.shape_cast %get3A_2411 : vector<1x16xf32> to vector<16xf32>
    %add3A_2413 = arith.addf %add3A_2355, %get3A_2412 : vector<16xf32>
    %get3A_2414 = arith.constant 32 : i32
    %get3A_2415 = arith.index_cast %get3A_2414 : i32 to index
    %get3A_2416 = arith.constant 80 : index
    %get3A_2417 = tpu.vector_load %arg7[%get3A_2415, %get3A_2416] {strides = array<i32>} : memref<50x128xf32, #tpu.memory_space<vmem>>, vector<1x16xf32>,
    %get3A_2418 = vector.shape_cast %get3A_2417 : vector<1x16xf32> to vector<16xf32>
    %add3A_2419 = arith.addf %add3A_2361, %get3A_2418 : vector<16xf32>
    %get3A_2420 = arith.constant 32 : i32
    %get3A_2421 = arith.index_cast %get3A_2420 : i32 to index
    %get3A_2422 = arith.constant 96 : index
    %get3A_2423 = tpu.vector_load %arg7[%get3A_2421, %get3A_2422] {strides = array<i32>} : memref<50x128xf32, #tpu.memory_space<vmem>>, vector<1x16xf32>,
    %get3A_2424 = vector.shape_cast %get3A_2423 : vector<1x16xf32> to vector<16xf32>
    %add3A_2425 = arith.addf %add3A_2367, %get3A_2424 : vector<16xf32>
    %get3A_2426 = arith.constant 32 : i32
    %get3A_2427 = arith.index_cast %get3A_2426 : i32 to index
    %get3A_2428 = arith.constant 112 : index
    %get3A_2429 = tpu.vector_load %arg7[%get3A_2427, %get3A_2428] {strides = array<i32>} : memref<50x128xf32, #tpu.memory_space<vmem>>, vector<1x16xf32>,
    %get3A_2430 = vector.shape_cast %get3A_2429 : vector<1x16xf32> to vector<16xf32>
    %add3A_2431 = arith.addf %add3A_2373, %get3A_2430 : vector<16xf32>
    %dma_wait3A_2432 = arith.constant 33 : i32
    %dma_wait3A_2433 = arith.constant 33 : i32
    %dma_wait3A_2434 = arith.constant 0 : i32
    %dma_wait3A_2435 = tpu.memref_slice %arg7[%dma_wait3A_2433, %dma_wait3A_2434] : memref<50x128xf32, #tpu.memory_space<vmem>> -> memref<1x128xf32, #tpu.memory_space<vmem>>
    %dma_wait3A_2436 = tpu.memref_squeeze %dma_wait3A_2435 : memref<1x128xf32, #tpu.memory_space<vmem>> -> memref<128xf32, #tpu.memory_space<vmem>>
    %dma_wait3A_2437 = arith.constant 0 : i32
    %dma_wait3A_2438 = tpu.memref_slice %arg6[%dma_wait3A_2432, %dma_wait3A_2437] : memref<50x128xi32, #tpu.memory_space<vmem>> -> memref<1x128xi32, #tpu.memory_space<vmem>>
    %dma_wait3A_2439 = tpu.memref_squeeze %dma_wait3A_2438 : memref<1x128xi32, #tpu.memory_space<vmem>> -> memref<128xi32, #tpu.memory_space<vmem>>
    %dma_wait3A_2440 = arith.constant 0 : i32
    %dma_wait3A_2441 = tpu.memref_slice %arg3[%dma_wait3A_2440] : memref<1048576xf32, #tpu.memory_space<hbm>> -> memref<1048576xf32, #tpu.memory_space<hbm>>
    tpu.wait_indirect_dma semaphore(%arg10 : memref<!tpu.dma_semaphore, #tpu.memory_space<semaphore_mem>>) src(%dma_wait3A_2441 : memref<1048576xf32, #tpu.memory_space<hbm>>) dst(%dma_wait3A_2436 : memref<128xf32, #tpu.memory_space<vmem>>)
    %get3A_2442 = arith.constant 33 : i32
    %get3A_2443 = arith.index_cast %get3A_2442 : i32 to index
    %get3A_2444 = arith.constant 0 : index
    %get3A_2445 = tpu.vector_load %arg7[%get3A_2443, %get3A_2444] {strides = array<i32>} : memref<50x128xf32, #tpu.memory_space<vmem>>, vector<1x16xf32>,
    %get3A_2446 = vector.shape_cast %get3A_2445 : vector<1x16xf32> to vector<16xf32>
    %add3A_2447 = arith.addf %add3A_2389, %get3A_2446 : vector<16xf32>
    %get3A_2448 = arith.constant 33 : i32
    %get3A_2449 = arith.index_cast %get3A_2448 : i32 to index
    %get3A_2450 = arith.constant 16 : index
    %get3A_2451 = tpu.vector_load %arg7[%get3A_2449, %get3A_2450] {strides = array<i32>} : memref<50x128xf32, #tpu.memory_space<vmem>>, vector<1x16xf32>,
    %get3A_2452 = vector.shape_cast %get3A_2451 : vector<1x16xf32> to vector<16xf32>
    %add3A_2453 = arith.addf %add3A_2395, %get3A_2452 : vector<16xf32>
    %get3A_2454 = arith.constant 33 : i32
    %get3A_2455 = arith.index_cast %get3A_2454 : i32 to index
    %get3A_2456 = arith.constant 32 : index
    %get3A_2457 = tpu.vector_load %arg7[%get3A_2455, %get3A_2456] {strides = array<i32>} : memref<50x128xf32, #tpu.memory_space<vmem>>, vector<1x16xf32>,
    %get3A_2458 = vector.shape_cast %get3A_2457 : vector<1x16xf32> to vector<16xf32>
    %add3A_2459 = arith.addf %add3A_2401, %get3A_2458 : vector<16xf32>
    %get3A_2460 = arith.constant 33 : i32
    %get3A_2461 = arith.index_cast %get3A_2460 : i32 to index
    %get3A_2462 = arith.constant 48 : index
    %get3A_2463 = tpu.vector_load %arg7[%get3A_2461, %get3A_2462] {strides = array<i32>} : memref<50x128xf32, #tpu.memory_space<vmem>>, vector<1x16xf32>,
    %get3A_2464 = vector.shape_cast %get3A_2463 : vector<1x16xf32> to vector<16xf32>
    %add3A_2465 = arith.addf %add3A_2407, %get3A_2464 : vector<16xf32>
    %get3A_2466 = arith.constant 33 : i32
    %get3A_2467 = arith.index_cast %get3A_2466 : i32 to index
    %get3A_2468 = arith.constant 64 : index
    %get3A_2469 = tpu.vector_load %arg7[%get3A_2467, %get3A_2468] {strides = array<i32>} : memref<50x128xf32, #tpu.memory_space<vmem>>, vector<1x16xf32>,
    %get3A_2470 = vector.shape_cast %get3A_2469 : vector<1x16xf32> to vector<16xf32>
    %add3A_2471 = arith.addf %add3A_2413, %get3A_2470 : vector<16xf32>
    %get3A_2472 = arith.constant 33 : i32
    %get3A_2473 = arith.index_cast %get3A_2472 : i32 to index
    %get3A_2474 = arith.constant 80 : index
    %get3A_2475 = tpu.vector_load %arg7[%get3A_2473, %get3A_2474] {strides = array<i32>} : memref<50x128xf32, #tpu.memory_space<vmem>>, vector<1x16xf32>,
    %get3A_2476 = vector.shape_cast %get3A_2475 : vector<1x16xf32> to vector<16xf32>
    %add3A_2477 = arith.addf %add3A_2419, %get3A_2476 : vector<16xf32>
    %get3A_2478 = arith.constant 33 : i32
    %get3A_2479 = arith.index_cast %get3A_2478 : i32 to index
    %get3A_2480 = arith.constant 96 : index
    %get3A_2481 = tpu.vector_load %arg7[%get3A_2479, %get3A_2480] {strides = array<i32>} : memref<50x128xf32, #tpu.memory_space<vmem>>, vector<1x16xf32>,
    %get3A_2482 = vector.shape_cast %get3A_2481 : vector<1x16xf32> to vector<16xf32>
    %add3A_2483 = arith.addf %add3A_2425, %get3A_2482 : vector<16xf32>
    %get3A_2484 = arith.constant 33 : i32
    %get3A_2485 = arith.index_cast %get3A_2484 : i32 to index
    %get3A_2486 = arith.constant 112 : index
    %get3A_2487 = tpu.vector_load %arg7[%get3A_2485, %get3A_2486] {strides = array<i32>} : memref<50x128xf32, #tpu.memory_space<vmem>>, vector<1x16xf32>,
    %get3A_2488 = vector.shape_cast %get3A_2487 : vector<1x16xf32> to vector<16xf32>
    %add3A_2489 = arith.addf %add3A_2431, %get3A_2488 : vector<16xf32>
    %dma_wait3A_2490 = arith.constant 34 : i32
    %dma_wait3A_2491 = arith.constant 34 : i32
    %dma_wait3A_2492 = arith.constant 0 : i32
    %dma_wait3A_2493 = tpu.memref_slice %arg7[%dma_wait3A_2491, %dma_wait3A_2492] : memref<50x128xf32, #tpu.memory_space<vmem>> -> memref<1x128xf32, #tpu.memory_space<vmem>>
    %dma_wait3A_2494 = tpu.memref_squeeze %dma_wait3A_2493 : memref<1x128xf32, #tpu.memory_space<vmem>> -> memref<128xf32, #tpu.memory_space<vmem>>
    %dma_wait3A_2495 = arith.constant 0 : i32
    %dma_wait3A_2496 = tpu.memref_slice %arg6[%dma_wait3A_2490, %dma_wait3A_2495] : memref<50x128xi32, #tpu.memory_space<vmem>> -> memref<1x128xi32, #tpu.memory_space<vmem>>
    %dma_wait3A_2497 = tpu.memref_squeeze %dma_wait3A_2496 : memref<1x128xi32, #tpu.memory_space<vmem>> -> memref<128xi32, #tpu.memory_space<vmem>>
    %dma_wait3A_2498 = arith.constant 0 : i32
    %dma_wait3A_2499 = tpu.memref_slice %arg3[%dma_wait3A_2498] : memref<1048576xf32, #tpu.memory_space<hbm>> -> memref<1048576xf32, #tpu.memory_space<hbm>>
    tpu.wait_indirect_dma semaphore(%arg10 : memref<!tpu.dma_semaphore, #tpu.memory_space<semaphore_mem>>) src(%dma_wait3A_2499 : memref<1048576xf32, #tpu.memory_space<hbm>>) dst(%dma_wait3A_2494 : memref<128xf32, #tpu.memory_space<vmem>>)
    %get3A_2500 = arith.constant 34 : i32
    %get3A_2501 = arith.index_cast %get3A_2500 : i32 to index
    %get3A_2502 = arith.constant 0 : index
    %get3A_2503 = tpu.vector_load %arg7[%get3A_2501, %get3A_2502] {strides = array<i32>} : memref<50x128xf32, #tpu.memory_space<vmem>>, vector<1x16xf32>,
    %get3A_2504 = vector.shape_cast %get3A_2503 : vector<1x16xf32> to vector<16xf32>
    %add3A_2505 = arith.addf %add3A_2447, %get3A_2504 : vector<16xf32>
    %get3A_2506 = arith.constant 34 : i32
    %get3A_2507 = arith.index_cast %get3A_2506 : i32 to index
    %get3A_2508 = arith.constant 16 : index
    %get3A_2509 = tpu.vector_load %arg7[%get3A_2507, %get3A_2508] {strides = array<i32>} : memref<50x128xf32, #tpu.memory_space<vmem>>, vector<1x16xf32>,
    %get3A_2510 = vector.shape_cast %get3A_2509 : vector<1x16xf32> to vector<16xf32>
    %add3A_2511 = arith.addf %add3A_2453, %get3A_2510 : vector<16xf32>
    %get3A_2512 = arith.constant 34 : i32
    %get3A_2513 = arith.index_cast %get3A_2512 : i32 to index
    %get3A_2514 = arith.constant 32 : index
    %get3A_2515 = tpu.vector_load %arg7[%get3A_2513, %get3A_2514] {strides = array<i32>} : memref<50x128xf32, #tpu.memory_space<vmem>>, vector<1x16xf32>,
    %get3A_2516 = vector.shape_cast %get3A_2515 : vector<1x16xf32> to vector<16xf32>
    %add3A_2517 = arith.addf %add3A_2459, %get3A_2516 : vector<16xf32>
    %get3A_2518 = arith.constant 34 : i32
    %get3A_2519 = arith.index_cast %get3A_2518 : i32 to index
    %get3A_2520 = arith.constant 48 : index
    %get3A_2521 = tpu.vector_load %arg7[%get3A_2519, %get3A_2520] {strides = array<i32>} : memref<50x128xf32, #tpu.memory_space<vmem>>, vector<1x16xf32>,
    %get3A_2522 = vector.shape_cast %get3A_2521 : vector<1x16xf32> to vector<16xf32>
    %add3A_2523 = arith.addf %add3A_2465, %get3A_2522 : vector<16xf32>
    %get3A_2524 = arith.constant 34 : i32
    %get3A_2525 = arith.index_cast %get3A_2524 : i32 to index
    %get3A_2526 = arith.constant 64 : index
    %get3A_2527 = tpu.vector_load %arg7[%get3A_2525, %get3A_2526] {strides = array<i32>} : memref<50x128xf32, #tpu.memory_space<vmem>>, vector<1x16xf32>,
    %get3A_2528 = vector.shape_cast %get3A_2527 : vector<1x16xf32> to vector<16xf32>
    %add3A_2529 = arith.addf %add3A_2471, %get3A_2528 : vector<16xf32>
    %get3A_2530 = arith.constant 34 : i32
    %get3A_2531 = arith.index_cast %get3A_2530 : i32 to index
    %get3A_2532 = arith.constant 80 : index
    %get3A_2533 = tpu.vector_load %arg7[%get3A_2531, %get3A_2532] {strides = array<i32>} : memref<50x128xf32, #tpu.memory_space<vmem>>, vector<1x16xf32>,
    %get3A_2534 = vector.shape_cast %get3A_2533 : vector<1x16xf32> to vector<16xf32>
    %add3A_2535 = arith.addf %add3A_2477, %get3A_2534 : vector<16xf32>
    %get3A_2536 = arith.constant 34 : i32
    %get3A_2537 = arith.index_cast %get3A_2536 : i32 to index
    %get3A_2538 = arith.constant 96 : index
    %get3A_2539 = tpu.vector_load %arg7[%get3A_2537, %get3A_2538] {strides = array<i32>} : memref<50x128xf32, #tpu.memory_space<vmem>>, vector<1x16xf32>,
    %get3A_2540 = vector.shape_cast %get3A_2539 : vector<1x16xf32> to vector<16xf32>
    %add3A_2541 = arith.addf %add3A_2483, %get3A_2540 : vector<16xf32>
    %get3A_2542 = arith.constant 34 : i32
    %get3A_2543 = arith.index_cast %get3A_2542 : i32 to index
    %get3A_2544 = arith.constant 112 : index
    %get3A_2545 = tpu.vector_load %arg7[%get3A_2543, %get3A_2544] {strides = array<i32>} : memref<50x128xf32, #tpu.memory_space<vmem>>, vector<1x16xf32>,
    %get3A_2546 = vector.shape_cast %get3A_2545 : vector<1x16xf32> to vector<16xf32>
    %add3A_2547 = arith.addf %add3A_2489, %get3A_2546 : vector<16xf32>
    %dma_wait3A_2548 = arith.constant 35 : i32
    %dma_wait3A_2549 = arith.constant 35 : i32
    %dma_wait3A_2550 = arith.constant 0 : i32
    %dma_wait3A_2551 = tpu.memref_slice %arg7[%dma_wait3A_2549, %dma_wait3A_2550] : memref<50x128xf32, #tpu.memory_space<vmem>> -> memref<1x128xf32, #tpu.memory_space<vmem>>
    %dma_wait3A_2552 = tpu.memref_squeeze %dma_wait3A_2551 : memref<1x128xf32, #tpu.memory_space<vmem>> -> memref<128xf32, #tpu.memory_space<vmem>>
    %dma_wait3A_2553 = arith.constant 0 : i32
    %dma_wait3A_2554 = tpu.memref_slice %arg6[%dma_wait3A_2548, %dma_wait3A_2553] : memref<50x128xi32, #tpu.memory_space<vmem>> -> memref<1x128xi32, #tpu.memory_space<vmem>>
    %dma_wait3A_2555 = tpu.memref_squeeze %dma_wait3A_2554 : memref<1x128xi32, #tpu.memory_space<vmem>> -> memref<128xi32, #tpu.memory_space<vmem>>
    %dma_wait3A_2556 = arith.constant 0 : i32
    %dma_wait3A_2557 = tpu.memref_slice %arg3[%dma_wait3A_2556] : memref<1048576xf32, #tpu.memory_space<hbm>> -> memref<1048576xf32, #tpu.memory_space<hbm>>
    tpu.wait_indirect_dma semaphore(%arg10 : memref<!tpu.dma_semaphore, #tpu.memory_space<semaphore_mem>>) src(%dma_wait3A_2557 : memref<1048576xf32, #tpu.memory_space<hbm>>) dst(%dma_wait3A_2552 : memref<128xf32, #tpu.memory_space<vmem>>)
    %get3A_2558 = arith.constant 35 : i32
    %get3A_2559 = arith.index_cast %get3A_2558 : i32 to index
    %get3A_2560 = arith.constant 0 : index
    %get3A_2561 = tpu.vector_load %arg7[%get3A_2559, %get3A_2560] {strides = array<i32>} : memref<50x128xf32, #tpu.memory_space<vmem>>, vector<1x16xf32>,
    %get3A_2562 = vector.shape_cast %get3A_2561 : vector<1x16xf32> to vector<16xf32>
    %add3A_2563 = arith.addf %add3A_2505, %get3A_2562 : vector<16xf32>
    %get3A_2564 = arith.constant 35 : i32
    %get3A_2565 = arith.index_cast %get3A_2564 : i32 to index
    %get3A_2566 = arith.constant 16 : index
    %get3A_2567 = tpu.vector_load %arg7[%get3A_2565, %get3A_2566] {strides = array<i32>} : memref<50x128xf32, #tpu.memory_space<vmem>>, vector<1x16xf32>,
    %get3A_2568 = vector.shape_cast %get3A_2567 : vector<1x16xf32> to vector<16xf32>
    %add3A_2569 = arith.addf %add3A_2511, %get3A_2568 : vector<16xf32>
    %get3A_2570 = arith.constant 35 : i32
    %get3A_2571 = arith.index_cast %get3A_2570 : i32 to index
    %get3A_2572 = arith.constant 32 : index
    %get3A_2573 = tpu.vector_load %arg7[%get3A_2571, %get3A_2572] {strides = array<i32>} : memref<50x128xf32, #tpu.memory_space<vmem>>, vector<1x16xf32>,
    %get3A_2574 = vector.shape_cast %get3A_2573 : vector<1x16xf32> to vector<16xf32>
    %add3A_2575 = arith.addf %add3A_2517, %get3A_2574 : vector<16xf32>
    %get3A_2576 = arith.constant 35 : i32
    %get3A_2577 = arith.index_cast %get3A_2576 : i32 to index
    %get3A_2578 = arith.constant 48 : index
    %get3A_2579 = tpu.vector_load %arg7[%get3A_2577, %get3A_2578] {strides = array<i32>} : memref<50x128xf32, #tpu.memory_space<vmem>>, vector<1x16xf32>,
    %get3A_2580 = vector.shape_cast %get3A_2579 : vector<1x16xf32> to vector<16xf32>
    %add3A_2581 = arith.addf %add3A_2523, %get3A_2580 : vector<16xf32>
    %get3A_2582 = arith.constant 35 : i32
    %get3A_2583 = arith.index_cast %get3A_2582 : i32 to index
    %get3A_2584 = arith.constant 64 : index
    %get3A_2585 = tpu.vector_load %arg7[%get3A_2583, %get3A_2584] {strides = array<i32>} : memref<50x128xf32, #tpu.memory_space<vmem>>, vector<1x16xf32>,
    %get3A_2586 = vector.shape_cast %get3A_2585 : vector<1x16xf32> to vector<16xf32>
    %add3A_2587 = arith.addf %add3A_2529, %get3A_2586 : vector<16xf32>
    %get3A_2588 = arith.constant 35 : i32
    %get3A_2589 = arith.index_cast %get3A_2588 : i32 to index
    %get3A_2590 = arith.constant 80 : index
    %get3A_2591 = tpu.vector_load %arg7[%get3A_2589, %get3A_2590] {strides = array<i32>} : memref<50x128xf32, #tpu.memory_space<vmem>>, vector<1x16xf32>,
    %get3A_2592 = vector.shape_cast %get3A_2591 : vector<1x16xf32> to vector<16xf32>
    %add3A_2593 = arith.addf %add3A_2535, %get3A_2592 : vector<16xf32>
    %get3A_2594 = arith.constant 35 : i32
    %get3A_2595 = arith.index_cast %get3A_2594 : i32 to index
    %get3A_2596 = arith.constant 96 : index
    %get3A_2597 = tpu.vector_load %arg7[%get3A_2595, %get3A_2596] {strides = array<i32>} : memref<50x128xf32, #tpu.memory_space<vmem>>, vector<1x16xf32>,
    %get3A_2598 = vector.shape_cast %get3A_2597 : vector<1x16xf32> to vector<16xf32>
    %add3A_2599 = arith.addf %add3A_2541, %get3A_2598 : vector<16xf32>
    %get3A_2600 = arith.constant 35 : i32
    %get3A_2601 = arith.index_cast %get3A_2600 : i32 to index
    %get3A_2602 = arith.constant 112 : index
    %get3A_2603 = tpu.vector_load %arg7[%get3A_2601, %get3A_2602] {strides = array<i32>} : memref<50x128xf32, #tpu.memory_space<vmem>>, vector<1x16xf32>,
    %get3A_2604 = vector.shape_cast %get3A_2603 : vector<1x16xf32> to vector<16xf32>
    %add3A_2605 = arith.addf %add3A_2547, %get3A_2604 : vector<16xf32>
    %dma_wait3A_2606 = arith.constant 36 : i32
    %dma_wait3A_2607 = arith.constant 36 : i32
    %dma_wait3A_2608 = arith.constant 0 : i32
    %dma_wait3A_2609 = tpu.memref_slice %arg7[%dma_wait3A_2607, %dma_wait3A_2608] : memref<50x128xf32, #tpu.memory_space<vmem>> -> memref<1x128xf32, #tpu.memory_space<vmem>>
    %dma_wait3A_2610 = tpu.memref_squeeze %dma_wait3A_2609 : memref<1x128xf32, #tpu.memory_space<vmem>> -> memref<128xf32, #tpu.memory_space<vmem>>
    %dma_wait3A_2611 = arith.constant 0 : i32
    %dma_wait3A_2612 = tpu.memref_slice %arg6[%dma_wait3A_2606, %dma_wait3A_2611] : memref<50x128xi32, #tpu.memory_space<vmem>> -> memref<1x128xi32, #tpu.memory_space<vmem>>
    %dma_wait3A_2613 = tpu.memref_squeeze %dma_wait3A_2612 : memref<1x128xi32, #tpu.memory_space<vmem>> -> memref<128xi32, #tpu.memory_space<vmem>>
    %dma_wait3A_2614 = arith.constant 0 : i32
    %dma_wait3A_2615 = tpu.memref_slice %arg3[%dma_wait3A_2614] : memref<1048576xf32, #tpu.memory_space<hbm>> -> memref<1048576xf32, #tpu.memory_space<hbm>>
    tpu.wait_indirect_dma semaphore(%arg10 : memref<!tpu.dma_semaphore, #tpu.memory_space<semaphore_mem>>) src(%dma_wait3A_2615 : memref<1048576xf32, #tpu.memory_space<hbm>>) dst(%dma_wait3A_2610 : memref<128xf32, #tpu.memory_space<vmem>>)
    %get3A_2616 = arith.constant 36 : i32
    %get3A_2617 = arith.index_cast %get3A_2616 : i32 to index
    %get3A_2618 = arith.constant 0 : index
    %get3A_2619 = tpu.vector_load %arg7[%get3A_2617, %get3A_2618] {strides = array<i32>} : memref<50x128xf32, #tpu.memory_space<vmem>>, vector<1x16xf32>,
    %get3A_2620 = vector.shape_cast %get3A_2619 : vector<1x16xf32> to vector<16xf32>
    %add3A_2621 = arith.addf %add3A_2563, %get3A_2620 : vector<16xf32>
    %get3A_2622 = arith.constant 36 : i32
    %get3A_2623 = arith.index_cast %get3A_2622 : i32 to index
    %get3A_2624 = arith.constant 16 : index
    %get3A_2625 = tpu.vector_load %arg7[%get3A_2623, %get3A_2624] {strides = array<i32>} : memref<50x128xf32, #tpu.memory_space<vmem>>, vector<1x16xf32>,
    %get3A_2626 = vector.shape_cast %get3A_2625 : vector<1x16xf32> to vector<16xf32>
    %add3A_2627 = arith.addf %add3A_2569, %get3A_2626 : vector<16xf32>
    %get3A_2628 = arith.constant 36 : i32
    %get3A_2629 = arith.index_cast %get3A_2628 : i32 to index
    %get3A_2630 = arith.constant 32 : index
    %get3A_2631 = tpu.vector_load %arg7[%get3A_2629, %get3A_2630] {strides = array<i32>} : memref<50x128xf32, #tpu.memory_space<vmem>>, vector<1x16xf32>,
    %get3A_2632 = vector.shape_cast %get3A_2631 : vector<1x16xf32> to vector<16xf32>
    %add3A_2633 = arith.addf %add3A_2575, %get3A_2632 : vector<16xf32>
    %get3A_2634 = arith.constant 36 : i32
    %get3A_2635 = arith.index_cast %get3A_2634 : i32 to index
    %get3A_2636 = arith.constant 48 : index
    %get3A_2637 = tpu.vector_load %arg7[%get3A_2635, %get3A_2636] {strides = array<i32>} : memref<50x128xf32, #tpu.memory_space<vmem>>, vector<1x16xf32>,
    %get3A_2638 = vector.shape_cast %get3A_2637 : vector<1x16xf32> to vector<16xf32>
    %add3A_2639 = arith.addf %add3A_2581, %get3A_2638 : vector<16xf32>
    %get3A_2640 = arith.constant 36 : i32
    %get3A_2641 = arith.index_cast %get3A_2640 : i32 to index
    %get3A_2642 = arith.constant 64 : index
    %get3A_2643 = tpu.vector_load %arg7[%get3A_2641, %get3A_2642] {strides = array<i32>} : memref<50x128xf32, #tpu.memory_space<vmem>>, vector<1x16xf32>,
    %get3A_2644 = vector.shape_cast %get3A_2643 : vector<1x16xf32> to vector<16xf32>
    %add3A_2645 = arith.addf %add3A_2587, %get3A_2644 : vector<16xf32>
    %get3A_2646 = arith.constant 36 : i32
    %get3A_2647 = arith.index_cast %get3A_2646 : i32 to index
    %get3A_2648 = arith.constant 80 : index
    %get3A_2649 = tpu.vector_load %arg7[%get3A_2647, %get3A_2648] {strides = array<i32>} : memref<50x128xf32, #tpu.memory_space<vmem>>, vector<1x16xf32>,
    %get3A_2650 = vector.shape_cast %get3A_2649 : vector<1x16xf32> to vector<16xf32>
    %add3A_2651 = arith.addf %add3A_2593, %get3A_2650 : vector<16xf32>
    %get3A_2652 = arith.constant 36 : i32
    %get3A_2653 = arith.index_cast %get3A_2652 : i32 to index
    %get3A_2654 = arith.constant 96 : index
    %get3A_2655 = tpu.vector_load %arg7[%get3A_2653, %get3A_2654] {strides = array<i32>} : memref<50x128xf32, #tpu.memory_space<vmem>>, vector<1x16xf32>,
    %get3A_2656 = vector.shape_cast %get3A_2655 : vector<1x16xf32> to vector<16xf32>
    %add3A_2657 = arith.addf %add3A_2599, %get3A_2656 : vector<16xf32>
    %get3A_2658 = arith.constant 36 : i32
    %get3A_2659 = arith.index_cast %get3A_2658 : i32 to index
    %get3A_2660 = arith.constant 112 : index
    %get3A_2661 = tpu.vector_load %arg7[%get3A_2659, %get3A_2660] {strides = array<i32>} : memref<50x128xf32, #tpu.memory_space<vmem>>, vector<1x16xf32>,
    %get3A_2662 = vector.shape_cast %get3A_2661 : vector<1x16xf32> to vector<16xf32>
    %add3A_2663 = arith.addf %add3A_2605, %get3A_2662 : vector<16xf32>
    %dma_wait3A_2664 = arith.constant 37 : i32
    %dma_wait3A_2665 = arith.constant 37 : i32
    %dma_wait3A_2666 = arith.constant 0 : i32
    %dma_wait3A_2667 = tpu.memref_slice %arg7[%dma_wait3A_2665, %dma_wait3A_2666] : memref<50x128xf32, #tpu.memory_space<vmem>> -> memref<1x128xf32, #tpu.memory_space<vmem>>
    %dma_wait3A_2668 = tpu.memref_squeeze %dma_wait3A_2667 : memref<1x128xf32, #tpu.memory_space<vmem>> -> memref<128xf32, #tpu.memory_space<vmem>>
    %dma_wait3A_2669 = arith.constant 0 : i32
    %dma_wait3A_2670 = tpu.memref_slice %arg6[%dma_wait3A_2664, %dma_wait3A_2669] : memref<50x128xi32, #tpu.memory_space<vmem>> -> memref<1x128xi32, #tpu.memory_space<vmem>>
    %dma_wait3A_2671 = tpu.memref_squeeze %dma_wait3A_2670 : memref<1x128xi32, #tpu.memory_space<vmem>> -> memref<128xi32, #tpu.memory_space<vmem>>
    %dma_wait3A_2672 = arith.constant 0 : i32
    %dma_wait3A_2673 = tpu.memref_slice %arg3[%dma_wait3A_2672] : memref<1048576xf32, #tpu.memory_space<hbm>> -> memref<1048576xf32, #tpu.memory_space<hbm>>
    tpu.wait_indirect_dma semaphore(%arg10 : memref<!tpu.dma_semaphore, #tpu.memory_space<semaphore_mem>>) src(%dma_wait3A_2673 : memref<1048576xf32, #tpu.memory_space<hbm>>) dst(%dma_wait3A_2668 : memref<128xf32, #tpu.memory_space<vmem>>)
    %get3A_2674 = arith.constant 37 : i32
    %get3A_2675 = arith.index_cast %get3A_2674 : i32 to index
    %get3A_2676 = arith.constant 0 : index
    %get3A_2677 = tpu.vector_load %arg7[%get3A_2675, %get3A_2676] {strides = array<i32>} : memref<50x128xf32, #tpu.memory_space<vmem>>, vector<1x16xf32>,
    %get3A_2678 = vector.shape_cast %get3A_2677 : vector<1x16xf32> to vector<16xf32>
    %add3A_2679 = arith.addf %add3A_2621, %get3A_2678 : vector<16xf32>
    %get3A_2680 = arith.constant 37 : i32
    %get3A_2681 = arith.index_cast %get3A_2680 : i32 to index
    %get3A_2682 = arith.constant 16 : index
    %get3A_2683 = tpu.vector_load %arg7[%get3A_2681, %get3A_2682] {strides = array<i32>} : memref<50x128xf32, #tpu.memory_space<vmem>>, vector<1x16xf32>,
    %get3A_2684 = vector.shape_cast %get3A_2683 : vector<1x16xf32> to vector<16xf32>
    %add3A_2685 = arith.addf %add3A_2627, %get3A_2684 : vector<16xf32>
    %get3A_2686 = arith.constant 37 : i32
    %get3A_2687 = arith.index_cast %get3A_2686 : i32 to index
    %get3A_2688 = arith.constant 32 : index
    %get3A_2689 = tpu.vector_load %arg7[%get3A_2687, %get3A_2688] {strides = array<i32>} : memref<50x128xf32, #tpu.memory_space<vmem>>, vector<1x16xf32>,
    %get3A_2690 = vector.shape_cast %get3A_2689 : vector<1x16xf32> to vector<16xf32>
    %add3A_2691 = arith.addf %add3A_2633, %get3A_2690 : vector<16xf32>
    %get3A_2692 = arith.constant 37 : i32
    %get3A_2693 = arith.index_cast %get3A_2692 : i32 to index
    %get3A_2694 = arith.constant 48 : index
    %get3A_2695 = tpu.vector_load %arg7[%get3A_2693, %get3A_2694] {strides = array<i32>} : memref<50x128xf32, #tpu.memory_space<vmem>>, vector<1x16xf32>,
    %get3A_2696 = vector.shape_cast %get3A_2695 : vector<1x16xf32> to vector<16xf32>
    %add3A_2697 = arith.addf %add3A_2639, %get3A_2696 : vector<16xf32>
    %get3A_2698 = arith.constant 37 : i32
    %get3A_2699 = arith.index_cast %get3A_2698 : i32 to index
    %get3A_2700 = arith.constant 64 : index
    %get3A_2701 = tpu.vector_load %arg7[%get3A_2699, %get3A_2700] {strides = array<i32>} : memref<50x128xf32, #tpu.memory_space<vmem>>, vector<1x16xf32>,
    %get3A_2702 = vector.shape_cast %get3A_2701 : vector<1x16xf32> to vector<16xf32>
    %add3A_2703 = arith.addf %add3A_2645, %get3A_2702 : vector<16xf32>
    %get3A_2704 = arith.constant 37 : i32
    %get3A_2705 = arith.index_cast %get3A_2704 : i32 to index
    %get3A_2706 = arith.constant 80 : index
    %get3A_2707 = tpu.vector_load %arg7[%get3A_2705, %get3A_2706] {strides = array<i32>} : memref<50x128xf32, #tpu.memory_space<vmem>>, vector<1x16xf32>,
    %get3A_2708 = vector.shape_cast %get3A_2707 : vector<1x16xf32> to vector<16xf32>
    %add3A_2709 = arith.addf %add3A_2651, %get3A_2708 : vector<16xf32>
    %get3A_2710 = arith.constant 37 : i32
    %get3A_2711 = arith.index_cast %get3A_2710 : i32 to index
    %get3A_2712 = arith.constant 96 : index
    %get3A_2713 = tpu.vector_load %arg7[%get3A_2711, %get3A_2712] {strides = array<i32>} : memref<50x128xf32, #tpu.memory_space<vmem>>, vector<1x16xf32>,
    %get3A_2714 = vector.shape_cast %get3A_2713 : vector<1x16xf32> to vector<16xf32>
    %add3A_2715 = arith.addf %add3A_2657, %get3A_2714 : vector<16xf32>
    %get3A_2716 = arith.constant 37 : i32
    %get3A_2717 = arith.index_cast %get3A_2716 : i32 to index
    %get3A_2718 = arith.constant 112 : index
    %get3A_2719 = tpu.vector_load %arg7[%get3A_2717, %get3A_2718] {strides = array<i32>} : memref<50x128xf32, #tpu.memory_space<vmem>>, vector<1x16xf32>,
    %get3A_2720 = vector.shape_cast %get3A_2719 : vector<1x16xf32> to vector<16xf32>
    %add3A_2721 = arith.addf %add3A_2663, %get3A_2720 : vector<16xf32>
    %dma_wait3A_2722 = arith.constant 38 : i32
    %dma_wait3A_2723 = arith.constant 38 : i32
    %dma_wait3A_2724 = arith.constant 0 : i32
    %dma_wait3A_2725 = tpu.memref_slice %arg7[%dma_wait3A_2723, %dma_wait3A_2724] : memref<50x128xf32, #tpu.memory_space<vmem>> -> memref<1x128xf32, #tpu.memory_space<vmem>>
    %dma_wait3A_2726 = tpu.memref_squeeze %dma_wait3A_2725 : memref<1x128xf32, #tpu.memory_space<vmem>> -> memref<128xf32, #tpu.memory_space<vmem>>
    %dma_wait3A_2727 = arith.constant 0 : i32
    %dma_wait3A_2728 = tpu.memref_slice %arg6[%dma_wait3A_2722, %dma_wait3A_2727] : memref<50x128xi32, #tpu.memory_space<vmem>> -> memref<1x128xi32, #tpu.memory_space<vmem>>
    %dma_wait3A_2729 = tpu.memref_squeeze %dma_wait3A_2728 : memref<1x128xi32, #tpu.memory_space<vmem>> -> memref<128xi32, #tpu.memory_space<vmem>>
    %dma_wait3A_2730 = arith.constant 0 : i32
    %dma_wait3A_2731 = tpu.memref_slice %arg3[%dma_wait3A_2730] : memref<1048576xf32, #tpu.memory_space<hbm>> -> memref<1048576xf32, #tpu.memory_space<hbm>>
    tpu.wait_indirect_dma semaphore(%arg10 : memref<!tpu.dma_semaphore, #tpu.memory_space<semaphore_mem>>) src(%dma_wait3A_2731 : memref<1048576xf32, #tpu.memory_space<hbm>>) dst(%dma_wait3A_2726 : memref<128xf32, #tpu.memory_space<vmem>>)
    %get3A_2732 = arith.constant 38 : i32
    %get3A_2733 = arith.index_cast %get3A_2732 : i32 to index
    %get3A_2734 = arith.constant 0 : index
    %get3A_2735 = tpu.vector_load %arg7[%get3A_2733, %get3A_2734] {strides = array<i32>} : memref<50x128xf32, #tpu.memory_space<vmem>>, vector<1x16xf32>,
    %get3A_2736 = vector.shape_cast %get3A_2735 : vector<1x16xf32> to vector<16xf32>
    %add3A_2737 = arith.addf %add3A_2679, %get3A_2736 : vector<16xf32>
    %get3A_2738 = arith.constant 38 : i32
    %get3A_2739 = arith.index_cast %get3A_2738 : i32 to index
    %get3A_2740 = arith.constant 16 : index
    %get3A_2741 = tpu.vector_load %arg7[%get3A_2739, %get3A_2740] {strides = array<i32>} : memref<50x128xf32, #tpu.memory_space<vmem>>, vector<1x16xf32>,
    %get3A_2742 = vector.shape_cast %get3A_2741 : vector<1x16xf32> to vector<16xf32>
    %add3A_2743 = arith.addf %add3A_2685, %get3A_2742 : vector<16xf32>
    %get3A_2744 = arith.constant 38 : i32
    %get3A_2745 = arith.index_cast %get3A_2744 : i32 to index
    %get3A_2746 = arith.constant 32 : index
    %get3A_2747 = tpu.vector_load %arg7[%get3A_2745, %get3A_2746] {strides = array<i32>} : memref<50x128xf32, #tpu.memory_space<vmem>>, vector<1x16xf32>,
    %get3A_2748 = vector.shape_cast %get3A_2747 : vector<1x16xf32> to vector<16xf32>
    %add3A_2749 = arith.addf %add3A_2691, %get3A_2748 : vector<16xf32>
    %get3A_2750 = arith.constant 38 : i32
    %get3A_2751 = arith.index_cast %get3A_2750 : i32 to index
    %get3A_2752 = arith.constant 48 : index
    %get3A_2753 = tpu.vector_load %arg7[%get3A_2751, %get3A_2752] {strides = array<i32>} : memref<50x128xf32, #tpu.memory_space<vmem>>, vector<1x16xf32>,
    %get3A_2754 = vector.shape_cast %get3A_2753 : vector<1x16xf32> to vector<16xf32>
    %add3A_2755 = arith.addf %add3A_2697, %get3A_2754 : vector<16xf32>
    %get3A_2756 = arith.constant 38 : i32
    %get3A_2757 = arith.index_cast %get3A_2756 : i32 to index
    %get3A_2758 = arith.constant 64 : index
    %get3A_2759 = tpu.vector_load %arg7[%get3A_2757, %get3A_2758] {strides = array<i32>} : memref<50x128xf32, #tpu.memory_space<vmem>>, vector<1x16xf32>,
    %get3A_2760 = vector.shape_cast %get3A_2759 : vector<1x16xf32> to vector<16xf32>
    %add3A_2761 = arith.addf %add3A_2703, %get3A_2760 : vector<16xf32>
    %get3A_2762 = arith.constant 38 : i32
    %get3A_2763 = arith.index_cast %get3A_2762 : i32 to index
    %get3A_2764 = arith.constant 80 : index
    %get3A_2765 = tpu.vector_load %arg7[%get3A_2763, %get3A_2764] {strides = array<i32>} : memref<50x128xf32, #tpu.memory_space<vmem>>, vector<1x16xf32>,
    %get3A_2766 = vector.shape_cast %get3A_2765 : vector<1x16xf32> to vector<16xf32>
    %add3A_2767 = arith.addf %add3A_2709, %get3A_2766 : vector<16xf32>
    %get3A_2768 = arith.constant 38 : i32
    %get3A_2769 = arith.index_cast %get3A_2768 : i32 to index
    %get3A_2770 = arith.constant 96 : index
    %get3A_2771 = tpu.vector_load %arg7[%get3A_2769, %get3A_2770] {strides = array<i32>} : memref<50x128xf32, #tpu.memory_space<vmem>>, vector<1x16xf32>,
    %get3A_2772 = vector.shape_cast %get3A_2771 : vector<1x16xf32> to vector<16xf32>
    %add3A_2773 = arith.addf %add3A_2715, %get3A_2772 : vector<16xf32>
    %get3A_2774 = arith.constant 38 : i32
    %get3A_2775 = arith.index_cast %get3A_2774 : i32 to index
    %get3A_2776 = arith.constant 112 : index
    %get3A_2777 = tpu.vector_load %arg7[%get3A_2775, %get3A_2776] {strides = array<i32>} : memref<50x128xf32, #tpu.memory_space<vmem>>, vector<1x16xf32>,
    %get3A_2778 = vector.shape_cast %get3A_2777 : vector<1x16xf32> to vector<16xf32>
    %add3A_2779 = arith.addf %add3A_2721, %get3A_2778 : vector<16xf32>
    %dma_wait3A_2780 = arith.constant 39 : i32
    %dma_wait3A_2781 = arith.constant 39 : i32
    %dma_wait3A_2782 = arith.constant 0 : i32
    %dma_wait3A_2783 = tpu.memref_slice %arg7[%dma_wait3A_2781, %dma_wait3A_2782] : memref<50x128xf32, #tpu.memory_space<vmem>> -> memref<1x128xf32, #tpu.memory_space<vmem>>
    %dma_wait3A_2784 = tpu.memref_squeeze %dma_wait3A_2783 : memref<1x128xf32, #tpu.memory_space<vmem>> -> memref<128xf32, #tpu.memory_space<vmem>>
    %dma_wait3A_2785 = arith.constant 0 : i32
    %dma_wait3A_2786 = tpu.memref_slice %arg6[%dma_wait3A_2780, %dma_wait3A_2785] : memref<50x128xi32, #tpu.memory_space<vmem>> -> memref<1x128xi32, #tpu.memory_space<vmem>>
    %dma_wait3A_2787 = tpu.memref_squeeze %dma_wait3A_2786 : memref<1x128xi32, #tpu.memory_space<vmem>> -> memref<128xi32, #tpu.memory_space<vmem>>
    %dma_wait3A_2788 = arith.constant 0 : i32
    %dma_wait3A_2789 = tpu.memref_slice %arg3[%dma_wait3A_2788] : memref<1048576xf32, #tpu.memory_space<hbm>> -> memref<1048576xf32, #tpu.memory_space<hbm>>
    tpu.wait_indirect_dma semaphore(%arg10 : memref<!tpu.dma_semaphore, #tpu.memory_space<semaphore_mem>>) src(%dma_wait3A_2789 : memref<1048576xf32, #tpu.memory_space<hbm>>) dst(%dma_wait3A_2784 : memref<128xf32, #tpu.memory_space<vmem>>)
    %get3A_2790 = arith.constant 39 : i32
    %get3A_2791 = arith.index_cast %get3A_2790 : i32 to index
    %get3A_2792 = arith.constant 0 : index
    %get3A_2793 = tpu.vector_load %arg7[%get3A_2791, %get3A_2792] {strides = array<i32>} : memref<50x128xf32, #tpu.memory_space<vmem>>, vector<1x16xf32>,
    %get3A_2794 = vector.shape_cast %get3A_2793 : vector<1x16xf32> to vector<16xf32>
    %add3A_2795 = arith.addf %add3A_2737, %get3A_2794 : vector<16xf32>
    %get3A_2796 = arith.constant 39 : i32
    %get3A_2797 = arith.index_cast %get3A_2796 : i32 to index
    %get3A_2798 = arith.constant 16 : index
    %get3A_2799 = tpu.vector_load %arg7[%get3A_2797, %get3A_2798] {strides = array<i32>} : memref<50x128xf32, #tpu.memory_space<vmem>>, vector<1x16xf32>,
    %get3A_2800 = vector.shape_cast %get3A_2799 : vector<1x16xf32> to vector<16xf32>
    %add3A_2801 = arith.addf %add3A_2743, %get3A_2800 : vector<16xf32>
    %get3A_2802 = arith.constant 39 : i32
    %get3A_2803 = arith.index_cast %get3A_2802 : i32 to index
    %get3A_2804 = arith.constant 32 : index
    %get3A_2805 = tpu.vector_load %arg7[%get3A_2803, %get3A_2804] {strides = array<i32>} : memref<50x128xf32, #tpu.memory_space<vmem>>, vector<1x16xf32>,
    %get3A_2806 = vector.shape_cast %get3A_2805 : vector<1x16xf32> to vector<16xf32>
    %add3A_2807 = arith.addf %add3A_2749, %get3A_2806 : vector<16xf32>
    %get3A_2808 = arith.constant 39 : i32
    %get3A_2809 = arith.index_cast %get3A_2808 : i32 to index
    %get3A_2810 = arith.constant 48 : index
    %get3A_2811 = tpu.vector_load %arg7[%get3A_2809, %get3A_2810] {strides = array<i32>} : memref<50x128xf32, #tpu.memory_space<vmem>>, vector<1x16xf32>,
    %get3A_2812 = vector.shape_cast %get3A_2811 : vector<1x16xf32> to vector<16xf32>
    %add3A_2813 = arith.addf %add3A_2755, %get3A_2812 : vector<16xf32>
    %get3A_2814 = arith.constant 39 : i32
    %get3A_2815 = arith.index_cast %get3A_2814 : i32 to index
    %get3A_2816 = arith.constant 64 : index
    %get3A_2817 = tpu.vector_load %arg7[%get3A_2815, %get3A_2816] {strides = array<i32>} : memref<50x128xf32, #tpu.memory_space<vmem>>, vector<1x16xf32>,
    %get3A_2818 = vector.shape_cast %get3A_2817 : vector<1x16xf32> to vector<16xf32>
    %add3A_2819 = arith.addf %add3A_2761, %get3A_2818 : vector<16xf32>
    %get3A_2820 = arith.constant 39 : i32
    %get3A_2821 = arith.index_cast %get3A_2820 : i32 to index
    %get3A_2822 = arith.constant 80 : index
    %get3A_2823 = tpu.vector_load %arg7[%get3A_2821, %get3A_2822] {strides = array<i32>} : memref<50x128xf32, #tpu.memory_space<vmem>>, vector<1x16xf32>,
    %get3A_2824 = vector.shape_cast %get3A_2823 : vector<1x16xf32> to vector<16xf32>
    %add3A_2825 = arith.addf %add3A_2767, %get3A_2824 : vector<16xf32>
    %get3A_2826 = arith.constant 39 : i32
    %get3A_2827 = arith.index_cast %get3A_2826 : i32 to index
    %get3A_2828 = arith.constant 96 : index
    %get3A_2829 = tpu.vector_load %arg7[%get3A_2827, %get3A_2828] {strides = array<i32>} : memref<50x128xf32, #tpu.memory_space<vmem>>, vector<1x16xf32>,
    %get3A_2830 = vector.shape_cast %get3A_2829 : vector<1x16xf32> to vector<16xf32>
    %add3A_2831 = arith.addf %add3A_2773, %get3A_2830 : vector<16xf32>
    %get3A_2832 = arith.constant 39 : i32
    %get3A_2833 = arith.index_cast %get3A_2832 : i32 to index
    %get3A_2834 = arith.constant 112 : index
    %get3A_2835 = tpu.vector_load %arg7[%get3A_2833, %get3A_2834] {strides = array<i32>} : memref<50x128xf32, #tpu.memory_space<vmem>>, vector<1x16xf32>,
    %get3A_2836 = vector.shape_cast %get3A_2835 : vector<1x16xf32> to vector<16xf32>
    %add3A_2837 = arith.addf %add3A_2779, %get3A_2836 : vector<16xf32>
    %dma_wait3A_2838 = arith.constant 40 : i32
    %dma_wait3A_2839 = arith.constant 40 : i32
    %dma_wait3A_2840 = arith.constant 0 : i32
    %dma_wait3A_2841 = tpu.memref_slice %arg7[%dma_wait3A_2839, %dma_wait3A_2840] : memref<50x128xf32, #tpu.memory_space<vmem>> -> memref<1x128xf32, #tpu.memory_space<vmem>>
    %dma_wait3A_2842 = tpu.memref_squeeze %dma_wait3A_2841 : memref<1x128xf32, #tpu.memory_space<vmem>> -> memref<128xf32, #tpu.memory_space<vmem>>
    %dma_wait3A_2843 = arith.constant 0 : i32
    %dma_wait3A_2844 = tpu.memref_slice %arg6[%dma_wait3A_2838, %dma_wait3A_2843] : memref<50x128xi32, #tpu.memory_space<vmem>> -> memref<1x128xi32, #tpu.memory_space<vmem>>
    %dma_wait3A_2845 = tpu.memref_squeeze %dma_wait3A_2844 : memref<1x128xi32, #tpu.memory_space<vmem>> -> memref<128xi32, #tpu.memory_space<vmem>>
    %dma_wait3A_2846 = arith.constant 0 : i32
    %dma_wait3A_2847 = tpu.memref_slice %arg3[%dma_wait3A_2846] : memref<1048576xf32, #tpu.memory_space<hbm>> -> memref<1048576xf32, #tpu.memory_space<hbm>>
    tpu.wait_indirect_dma semaphore(%arg10 : memref<!tpu.dma_semaphore, #tpu.memory_space<semaphore_mem>>) src(%dma_wait3A_2847 : memref<1048576xf32, #tpu.memory_space<hbm>>) dst(%dma_wait3A_2842 : memref<128xf32, #tpu.memory_space<vmem>>)
    %get3A_2848 = arith.constant 40 : i32
    %get3A_2849 = arith.index_cast %get3A_2848 : i32 to index
    %get3A_2850 = arith.constant 0 : index
    %get3A_2851 = tpu.vector_load %arg7[%get3A_2849, %get3A_2850] {strides = array<i32>} : memref<50x128xf32, #tpu.memory_space<vmem>>, vector<1x16xf32>,
    %get3A_2852 = vector.shape_cast %get3A_2851 : vector<1x16xf32> to vector<16xf32>
    %add3A_2853 = arith.addf %add3A_2795, %get3A_2852 : vector<16xf32>
    %get3A_2854 = arith.constant 40 : i32
    %get3A_2855 = arith.index_cast %get3A_2854 : i32 to index
    %get3A_2856 = arith.constant 16 : index
    %get3A_2857 = tpu.vector_load %arg7[%get3A_2855, %get3A_2856] {strides = array<i32>} : memref<50x128xf32, #tpu.memory_space<vmem>>, vector<1x16xf32>,
    %get3A_2858 = vector.shape_cast %get3A_2857 : vector<1x16xf32> to vector<16xf32>
    %add3A_2859 = arith.addf %add3A_2801, %get3A_2858 : vector<16xf32>
    %get3A_2860 = arith.constant 40 : i32
    %get3A_2861 = arith.index_cast %get3A_2860 : i32 to index
    %get3A_2862 = arith.constant 32 : index
    %get3A_2863 = tpu.vector_load %arg7[%get3A_2861, %get3A_2862] {strides = array<i32>} : memref<50x128xf32, #tpu.memory_space<vmem>>, vector<1x16xf32>,
    %get3A_2864 = vector.shape_cast %get3A_2863 : vector<1x16xf32> to vector<16xf32>
    %add3A_2865 = arith.addf %add3A_2807, %get3A_2864 : vector<16xf32>
    %get3A_2866 = arith.constant 40 : i32
    %get3A_2867 = arith.index_cast %get3A_2866 : i32 to index
    %get3A_2868 = arith.constant 48 : index
    %get3A_2869 = tpu.vector_load %arg7[%get3A_2867, %get3A_2868] {strides = array<i32>} : memref<50x128xf32, #tpu.memory_space<vmem>>, vector<1x16xf32>,
    %get3A_2870 = vector.shape_cast %get3A_2869 : vector<1x16xf32> to vector<16xf32>
    %add3A_2871 = arith.addf %add3A_2813, %get3A_2870 : vector<16xf32>
    %get3A_2872 = arith.constant 40 : i32
    %get3A_2873 = arith.index_cast %get3A_2872 : i32 to index
    %get3A_2874 = arith.constant 64 : index
    %get3A_2875 = tpu.vector_load %arg7[%get3A_2873, %get3A_2874] {strides = array<i32>} : memref<50x128xf32, #tpu.memory_space<vmem>>, vector<1x16xf32>,
    %get3A_2876 = vector.shape_cast %get3A_2875 : vector<1x16xf32> to vector<16xf32>
    %add3A_2877 = arith.addf %add3A_2819, %get3A_2876 : vector<16xf32>
    %get3A_2878 = arith.constant 40 : i32
    %get3A_2879 = arith.index_cast %get3A_2878 : i32 to index
    %get3A_2880 = arith.constant 80 : index
    %get3A_2881 = tpu.vector_load %arg7[%get3A_2879, %get3A_2880] {strides = array<i32>} : memref<50x128xf32, #tpu.memory_space<vmem>>, vector<1x16xf32>,
    %get3A_2882 = vector.shape_cast %get3A_2881 : vector<1x16xf32> to vector<16xf32>
    %add3A_2883 = arith.addf %add3A_2825, %get3A_2882 : vector<16xf32>
    %get3A_2884 = arith.constant 40 : i32
    %get3A_2885 = arith.index_cast %get3A_2884 : i32 to index
    %get3A_2886 = arith.constant 96 : index
    %get3A_2887 = tpu.vector_load %arg7[%get3A_2885, %get3A_2886] {strides = array<i32>} : memref<50x128xf32, #tpu.memory_space<vmem>>, vector<1x16xf32>,
    %get3A_2888 = vector.shape_cast %get3A_2887 : vector<1x16xf32> to vector<16xf32>
    %add3A_2889 = arith.addf %add3A_2831, %get3A_2888 : vector<16xf32>
    %get3A_2890 = arith.constant 40 : i32
    %get3A_2891 = arith.index_cast %get3A_2890 : i32 to index
    %get3A_2892 = arith.constant 112 : index
    %get3A_2893 = tpu.vector_load %arg7[%get3A_2891, %get3A_2892] {strides = array<i32>} : memref<50x128xf32, #tpu.memory_space<vmem>>, vector<1x16xf32>,
    %get3A_2894 = vector.shape_cast %get3A_2893 : vector<1x16xf32> to vector<16xf32>
    %add3A_2895 = arith.addf %add3A_2837, %get3A_2894 : vector<16xf32>
    %dma_wait3A_2896 = arith.constant 41 : i32
    %dma_wait3A_2897 = arith.constant 41 : i32
    %dma_wait3A_2898 = arith.constant 0 : i32
    %dma_wait3A_2899 = tpu.memref_slice %arg7[%dma_wait3A_2897, %dma_wait3A_2898] : memref<50x128xf32, #tpu.memory_space<vmem>> -> memref<1x128xf32, #tpu.memory_space<vmem>>
    %dma_wait3A_2900 = tpu.memref_squeeze %dma_wait3A_2899 : memref<1x128xf32, #tpu.memory_space<vmem>> -> memref<128xf32, #tpu.memory_space<vmem>>
    %dma_wait3A_2901 = arith.constant 0 : i32
    %dma_wait3A_2902 = tpu.memref_slice %arg6[%dma_wait3A_2896, %dma_wait3A_2901] : memref<50x128xi32, #tpu.memory_space<vmem>> -> memref<1x128xi32, #tpu.memory_space<vmem>>
    %dma_wait3A_2903 = tpu.memref_squeeze %dma_wait3A_2902 : memref<1x128xi32, #tpu.memory_space<vmem>> -> memref<128xi32, #tpu.memory_space<vmem>>
    %dma_wait3A_2904 = arith.constant 0 : i32
    %dma_wait3A_2905 = tpu.memref_slice %arg3[%dma_wait3A_2904] : memref<1048576xf32, #tpu.memory_space<hbm>> -> memref<1048576xf32, #tpu.memory_space<hbm>>
    tpu.wait_indirect_dma semaphore(%arg10 : memref<!tpu.dma_semaphore, #tpu.memory_space<semaphore_mem>>) src(%dma_wait3A_2905 : memref<1048576xf32, #tpu.memory_space<hbm>>) dst(%dma_wait3A_2900 : memref<128xf32, #tpu.memory_space<vmem>>)
    %get3A_2906 = arith.constant 41 : i32
    %get3A_2907 = arith.index_cast %get3A_2906 : i32 to index
    %get3A_2908 = arith.constant 0 : index
    %get3A_2909 = tpu.vector_load %arg7[%get3A_2907, %get3A_2908] {strides = array<i32>} : memref<50x128xf32, #tpu.memory_space<vmem>>, vector<1x16xf32>,
    %get3A_2910 = vector.shape_cast %get3A_2909 : vector<1x16xf32> to vector<16xf32>
    %add3A_2911 = arith.addf %add3A_2853, %get3A_2910 : vector<16xf32>
    %get3A_2912 = arith.constant 41 : i32
    %get3A_2913 = arith.index_cast %get3A_2912 : i32 to index
    %get3A_2914 = arith.constant 16 : index
    %get3A_2915 = tpu.vector_load %arg7[%get3A_2913, %get3A_2914] {strides = array<i32>} : memref<50x128xf32, #tpu.memory_space<vmem>>, vector<1x16xf32>,
    %get3A_2916 = vector.shape_cast %get3A_2915 : vector<1x16xf32> to vector<16xf32>
    %add3A_2917 = arith.addf %add3A_2859, %get3A_2916 : vector<16xf32>
    %get3A_2918 = arith.constant 41 : i32
    %get3A_2919 = arith.index_cast %get3A_2918 : i32 to index
    %get3A_2920 = arith.constant 32 : index
    %get3A_2921 = tpu.vector_load %arg7[%get3A_2919, %get3A_2920] {strides = array<i32>} : memref<50x128xf32, #tpu.memory_space<vmem>>, vector<1x16xf32>,
    %get3A_2922 = vector.shape_cast %get3A_2921 : vector<1x16xf32> to vector<16xf32>
    %add3A_2923 = arith.addf %add3A_2865, %get3A_2922 : vector<16xf32>
    %get3A_2924 = arith.constant 41 : i32
    %get3A_2925 = arith.index_cast %get3A_2924 : i32 to index
    %get3A_2926 = arith.constant 48 : index
    %get3A_2927 = tpu.vector_load %arg7[%get3A_2925, %get3A_2926] {strides = array<i32>} : memref<50x128xf32, #tpu.memory_space<vmem>>, vector<1x16xf32>,
    %get3A_2928 = vector.shape_cast %get3A_2927 : vector<1x16xf32> to vector<16xf32>
    %add3A_2929 = arith.addf %add3A_2871, %get3A_2928 : vector<16xf32>
    %get3A_2930 = arith.constant 41 : i32
    %get3A_2931 = arith.index_cast %get3A_2930 : i32 to index
    %get3A_2932 = arith.constant 64 : index
    %get3A_2933 = tpu.vector_load %arg7[%get3A_2931, %get3A_2932] {strides = array<i32>} : memref<50x128xf32, #tpu.memory_space<vmem>>, vector<1x16xf32>,
    %get3A_2934 = vector.shape_cast %get3A_2933 : vector<1x16xf32> to vector<16xf32>
    %add3A_2935 = arith.addf %add3A_2877, %get3A_2934 : vector<16xf32>
    %get3A_2936 = arith.constant 41 : i32
    %get3A_2937 = arith.index_cast %get3A_2936 : i32 to index
    %get3A_2938 = arith.constant 80 : index
    %get3A_2939 = tpu.vector_load %arg7[%get3A_2937, %get3A_2938] {strides = array<i32>} : memref<50x128xf32, #tpu.memory_space<vmem>>, vector<1x16xf32>,
    %get3A_2940 = vector.shape_cast %get3A_2939 : vector<1x16xf32> to vector<16xf32>
    %add3A_2941 = arith.addf %add3A_2883, %get3A_2940 : vector<16xf32>
    %get3A_2942 = arith.constant 41 : i32
    %get3A_2943 = arith.index_cast %get3A_2942 : i32 to index
    %get3A_2944 = arith.constant 96 : index
    %get3A_2945 = tpu.vector_load %arg7[%get3A_2943, %get3A_2944] {strides = array<i32>} : memref<50x128xf32, #tpu.memory_space<vmem>>, vector<1x16xf32>,
    %get3A_2946 = vector.shape_cast %get3A_2945 : vector<1x16xf32> to vector<16xf32>
    %add3A_2947 = arith.addf %add3A_2889, %get3A_2946 : vector<16xf32>
    %get3A_2948 = arith.constant 41 : i32
    %get3A_2949 = arith.index_cast %get3A_2948 : i32 to index
    %get3A_2950 = arith.constant 112 : index
    %get3A_2951 = tpu.vector_load %arg7[%get3A_2949, %get3A_2950] {strides = array<i32>} : memref<50x128xf32, #tpu.memory_space<vmem>>, vector<1x16xf32>,
    %get3A_2952 = vector.shape_cast %get3A_2951 : vector<1x16xf32> to vector<16xf32>
    %add3A_2953 = arith.addf %add3A_2895, %get3A_2952 : vector<16xf32>
    %dma_wait3A_2954 = arith.constant 42 : i32
    %dma_wait3A_2955 = arith.constant 42 : i32
    %dma_wait3A_2956 = arith.constant 0 : i32
    %dma_wait3A_2957 = tpu.memref_slice %arg7[%dma_wait3A_2955, %dma_wait3A_2956] : memref<50x128xf32, #tpu.memory_space<vmem>> -> memref<1x128xf32, #tpu.memory_space<vmem>>
    %dma_wait3A_2958 = tpu.memref_squeeze %dma_wait3A_2957 : memref<1x128xf32, #tpu.memory_space<vmem>> -> memref<128xf32, #tpu.memory_space<vmem>>
    %dma_wait3A_2959 = arith.constant 0 : i32
    %dma_wait3A_2960 = tpu.memref_slice %arg6[%dma_wait3A_2954, %dma_wait3A_2959] : memref<50x128xi32, #tpu.memory_space<vmem>> -> memref<1x128xi32, #tpu.memory_space<vmem>>
    %dma_wait3A_2961 = tpu.memref_squeeze %dma_wait3A_2960 : memref<1x128xi32, #tpu.memory_space<vmem>> -> memref<128xi32, #tpu.memory_space<vmem>>
    %dma_wait3A_2962 = arith.constant 0 : i32
    %dma_wait3A_2963 = tpu.memref_slice %arg3[%dma_wait3A_2962] : memref<1048576xf32, #tpu.memory_space<hbm>> -> memref<1048576xf32, #tpu.memory_space<hbm>>
    tpu.wait_indirect_dma semaphore(%arg10 : memref<!tpu.dma_semaphore, #tpu.memory_space<semaphore_mem>>) src(%dma_wait3A_2963 : memref<1048576xf32, #tpu.memory_space<hbm>>) dst(%dma_wait3A_2958 : memref<128xf32, #tpu.memory_space<vmem>>)
    %get3A_2964 = arith.constant 42 : i32
    %get3A_2965 = arith.index_cast %get3A_2964 : i32 to index
    %get3A_2966 = arith.constant 0 : index
    %get3A_2967 = tpu.vector_load %arg7[%get3A_2965, %get3A_2966] {strides = array<i32>} : memref<50x128xf32, #tpu.memory_space<vmem>>, vector<1x16xf32>,
    %get3A_2968 = vector.shape_cast %get3A_2967 : vector<1x16xf32> to vector<16xf32>
    %add3A_2969 = arith.addf %add3A_2911, %get3A_2968 : vector<16xf32>
    %get3A_2970 = arith.constant 42 : i32
    %get3A_2971 = arith.index_cast %get3A_2970 : i32 to index
    %get3A_2972 = arith.constant 16 : index
    %get3A_2973 = tpu.vector_load %arg7[%get3A_2971, %get3A_2972] {strides = array<i32>} : memref<50x128xf32, #tpu.memory_space<vmem>>, vector<1x16xf32>,
    %get3A_2974 = vector.shape_cast %get3A_2973 : vector<1x16xf32> to vector<16xf32>
    %add3A_2975 = arith.addf %add3A_2917, %get3A_2974 : vector<16xf32>
    %get3A_2976 = arith.constant 42 : i32
    %get3A_2977 = arith.index_cast %get3A_2976 : i32 to index
    %get3A_2978 = arith.constant 32 : index
    %get3A_2979 = tpu.vector_load %arg7[%get3A_2977, %get3A_2978] {strides = array<i32>} : memref<50x128xf32, #tpu.memory_space<vmem>>, vector<1x16xf32>,
    %get3A_2980 = vector.shape_cast %get3A_2979 : vector<1x16xf32> to vector<16xf32>
    %add3A_2981 = arith.addf %add3A_2923, %get3A_2980 : vector<16xf32>
    %get3A_2982 = arith.constant 42 : i32
    %get3A_2983 = arith.index_cast %get3A_2982 : i32 to index
    %get3A_2984 = arith.constant 48 : index
    %get3A_2985 = tpu.vector_load %arg7[%get3A_2983, %get3A_2984] {strides = array<i32>} : memref<50x128xf32, #tpu.memory_space<vmem>>, vector<1x16xf32>,
    %get3A_2986 = vector.shape_cast %get3A_2985 : vector<1x16xf32> to vector<16xf32>
    %add3A_2987 = arith.addf %add3A_2929, %get3A_2986 : vector<16xf32>
    %get3A_2988 = arith.constant 42 : i32
    %get3A_2989 = arith.index_cast %get3A_2988 : i32 to index
    %get3A_2990 = arith.constant 64 : index
    %get3A_2991 = tpu.vector_load %arg7[%get3A_2989, %get3A_2990] {strides = array<i32>} : memref<50x128xf32, #tpu.memory_space<vmem>>, vector<1x16xf32>,
    %get3A_2992 = vector.shape_cast %get3A_2991 : vector<1x16xf32> to vector<16xf32>
    %add3A_2993 = arith.addf %add3A_2935, %get3A_2992 : vector<16xf32>
    %get3A_2994 = arith.constant 42 : i32
    %get3A_2995 = arith.index_cast %get3A_2994 : i32 to index
    %get3A_2996 = arith.constant 80 : index
    %get3A_2997 = tpu.vector_load %arg7[%get3A_2995, %get3A_2996] {strides = array<i32>} : memref<50x128xf32, #tpu.memory_space<vmem>>, vector<1x16xf32>,
    %get3A_2998 = vector.shape_cast %get3A_2997 : vector<1x16xf32> to vector<16xf32>
    %add3A_2999 = arith.addf %add3A_2941, %get3A_2998 : vector<16xf32>
    %get3A_3000 = arith.constant 42 : i32
    %get3A_3001 = arith.index_cast %get3A_3000 : i32 to index
    %get3A_3002 = arith.constant 96 : index
    %get3A_3003 = tpu.vector_load %arg7[%get3A_3001, %get3A_3002] {strides = array<i32>} : memref<50x128xf32, #tpu.memory_space<vmem>>, vector<1x16xf32>,
    %get3A_3004 = vector.shape_cast %get3A_3003 : vector<1x16xf32> to vector<16xf32>
    %add3A_3005 = arith.addf %add3A_2947, %get3A_3004 : vector<16xf32>
    %get3A_3006 = arith.constant 42 : i32
    %get3A_3007 = arith.index_cast %get3A_3006 : i32 to index
    %get3A_3008 = arith.constant 112 : index
    %get3A_3009 = tpu.vector_load %arg7[%get3A_3007, %get3A_3008] {strides = array<i32>} : memref<50x128xf32, #tpu.memory_space<vmem>>, vector<1x16xf32>,
    %get3A_3010 = vector.shape_cast %get3A_3009 : vector<1x16xf32> to vector<16xf32>
    %add3A_3011 = arith.addf %add3A_2953, %get3A_3010 : vector<16xf32>
    %dma_wait3A_3012 = arith.constant 43 : i32
    %dma_wait3A_3013 = arith.constant 43 : i32
    %dma_wait3A_3014 = arith.constant 0 : i32
    %dma_wait3A_3015 = tpu.memref_slice %arg7[%dma_wait3A_3013, %dma_wait3A_3014] : memref<50x128xf32, #tpu.memory_space<vmem>> -> memref<1x128xf32, #tpu.memory_space<vmem>>
    %dma_wait3A_3016 = tpu.memref_squeeze %dma_wait3A_3015 : memref<1x128xf32, #tpu.memory_space<vmem>> -> memref<128xf32, #tpu.memory_space<vmem>>
    %dma_wait3A_3017 = arith.constant 0 : i32
    %dma_wait3A_3018 = tpu.memref_slice %arg6[%dma_wait3A_3012, %dma_wait3A_3017] : memref<50x128xi32, #tpu.memory_space<vmem>> -> memref<1x128xi32, #tpu.memory_space<vmem>>
    %dma_wait3A_3019 = tpu.memref_squeeze %dma_wait3A_3018 : memref<1x128xi32, #tpu.memory_space<vmem>> -> memref<128xi32, #tpu.memory_space<vmem>>
    %dma_wait3A_3020 = arith.constant 0 : i32
    %dma_wait3A_3021 = tpu.memref_slice %arg3[%dma_wait3A_3020] : memref<1048576xf32, #tpu.memory_space<hbm>> -> memref<1048576xf32, #tpu.memory_space<hbm>>
    tpu.wait_indirect_dma semaphore(%arg10 : memref<!tpu.dma_semaphore, #tpu.memory_space<semaphore_mem>>) src(%dma_wait3A_3021 : memref<1048576xf32, #tpu.memory_space<hbm>>) dst(%dma_wait3A_3016 : memref<128xf32, #tpu.memory_space<vmem>>)
    %get3A_3022 = arith.constant 43 : i32
    %get3A_3023 = arith.index_cast %get3A_3022 : i32 to index
    %get3A_3024 = arith.constant 0 : index
    %get3A_3025 = tpu.vector_load %arg7[%get3A_3023, %get3A_3024] {strides = array<i32>} : memref<50x128xf32, #tpu.memory_space<vmem>>, vector<1x16xf32>,
    %get3A_3026 = vector.shape_cast %get3A_3025 : vector<1x16xf32> to vector<16xf32>
    %add3A_3027 = arith.addf %add3A_2969, %get3A_3026 : vector<16xf32>
    %get3A_3028 = arith.constant 43 : i32
    %get3A_3029 = arith.index_cast %get3A_3028 : i32 to index
    %get3A_3030 = arith.constant 16 : index
    %get3A_3031 = tpu.vector_load %arg7[%get3A_3029, %get3A_3030] {strides = array<i32>} : memref<50x128xf32, #tpu.memory_space<vmem>>, vector<1x16xf32>,
    %get3A_3032 = vector.shape_cast %get3A_3031 : vector<1x16xf32> to vector<16xf32>
    %add3A_3033 = arith.addf %add3A_2975, %get3A_3032 : vector<16xf32>
    %get3A_3034 = arith.constant 43 : i32
    %get3A_3035 = arith.index_cast %get3A_3034 : i32 to index
    %get3A_3036 = arith.constant 32 : index
    %get3A_3037 = tpu.vector_load %arg7[%get3A_3035, %get3A_3036] {strides = array<i32>} : memref<50x128xf32, #tpu.memory_space<vmem>>, vector<1x16xf32>,
    %get3A_3038 = vector.shape_cast %get3A_3037 : vector<1x16xf32> to vector<16xf32>
    %add3A_3039 = arith.addf %add3A_2981, %get3A_3038 : vector<16xf32>
    %get3A_3040 = arith.constant 43 : i32
    %get3A_3041 = arith.index_cast %get3A_3040 : i32 to index
    %get3A_3042 = arith.constant 48 : index
    %get3A_3043 = tpu.vector_load %arg7[%get3A_3041, %get3A_3042] {strides = array<i32>} : memref<50x128xf32, #tpu.memory_space<vmem>>, vector<1x16xf32>,
    %get3A_3044 = vector.shape_cast %get3A_3043 : vector<1x16xf32> to vector<16xf32>
    %add3A_3045 = arith.addf %add3A_2987, %get3A_3044 : vector<16xf32>
    %get3A_3046 = arith.constant 43 : i32
    %get3A_3047 = arith.index_cast %get3A_3046 : i32 to index
    %get3A_3048 = arith.constant 64 : index
    %get3A_3049 = tpu.vector_load %arg7[%get3A_3047, %get3A_3048] {strides = array<i32>} : memref<50x128xf32, #tpu.memory_space<vmem>>, vector<1x16xf32>,
    %get3A_3050 = vector.shape_cast %get3A_3049 : vector<1x16xf32> to vector<16xf32>
    %add3A_3051 = arith.addf %add3A_2993, %get3A_3050 : vector<16xf32>
    %get3A_3052 = arith.constant 43 : i32
    %get3A_3053 = arith.index_cast %get3A_3052 : i32 to index
    %get3A_3054 = arith.constant 80 : index
    %get3A_3055 = tpu.vector_load %arg7[%get3A_3053, %get3A_3054] {strides = array<i32>} : memref<50x128xf32, #tpu.memory_space<vmem>>, vector<1x16xf32>,
    %get3A_3056 = vector.shape_cast %get3A_3055 : vector<1x16xf32> to vector<16xf32>
    %add3A_3057 = arith.addf %add3A_2999, %get3A_3056 : vector<16xf32>
    %get3A_3058 = arith.constant 43 : i32
    %get3A_3059 = arith.index_cast %get3A_3058 : i32 to index
    %get3A_3060 = arith.constant 96 : index
    %get3A_3061 = tpu.vector_load %arg7[%get3A_3059, %get3A_3060] {strides = array<i32>} : memref<50x128xf32, #tpu.memory_space<vmem>>, vector<1x16xf32>,
    %get3A_3062 = vector.shape_cast %get3A_3061 : vector<1x16xf32> to vector<16xf32>
    %add3A_3063 = arith.addf %add3A_3005, %get3A_3062 : vector<16xf32>
    %get3A_3064 = arith.constant 43 : i32
    %get3A_3065 = arith.index_cast %get3A_3064 : i32 to index
    %get3A_3066 = arith.constant 112 : index
    %get3A_3067 = tpu.vector_load %arg7[%get3A_3065, %get3A_3066] {strides = array<i32>} : memref<50x128xf32, #tpu.memory_space<vmem>>, vector<1x16xf32>,
    %get3A_3068 = vector.shape_cast %get3A_3067 : vector<1x16xf32> to vector<16xf32>
    %add3A_3069 = arith.addf %add3A_3011, %get3A_3068 : vector<16xf32>
    %dma_wait3A_3070 = arith.constant 44 : i32
    %dma_wait3A_3071 = arith.constant 44 : i32
    %dma_wait3A_3072 = arith.constant 0 : i32
    %dma_wait3A_3073 = tpu.memref_slice %arg7[%dma_wait3A_3071, %dma_wait3A_3072] : memref<50x128xf32, #tpu.memory_space<vmem>> -> memref<1x128xf32, #tpu.memory_space<vmem>>
    %dma_wait3A_3074 = tpu.memref_squeeze %dma_wait3A_3073 : memref<1x128xf32, #tpu.memory_space<vmem>> -> memref<128xf32, #tpu.memory_space<vmem>>
    %dma_wait3A_3075 = arith.constant 0 : i32
    %dma_wait3A_3076 = tpu.memref_slice %arg6[%dma_wait3A_3070, %dma_wait3A_3075] : memref<50x128xi32, #tpu.memory_space<vmem>> -> memref<1x128xi32, #tpu.memory_space<vmem>>
    %dma_wait3A_3077 = tpu.memref_squeeze %dma_wait3A_3076 : memref<1x128xi32, #tpu.memory_space<vmem>> -> memref<128xi32, #tpu.memory_space<vmem>>
    %dma_wait3A_3078 = arith.constant 0 : i32
    %dma_wait3A_3079 = tpu.memref_slice %arg3[%dma_wait3A_3078] : memref<1048576xf32, #tpu.memory_space<hbm>> -> memref<1048576xf32, #tpu.memory_space<hbm>>
    tpu.wait_indirect_dma semaphore(%arg10 : memref<!tpu.dma_semaphore, #tpu.memory_space<semaphore_mem>>) src(%dma_wait3A_3079 : memref<1048576xf32, #tpu.memory_space<hbm>>) dst(%dma_wait3A_3074 : memref<128xf32, #tpu.memory_space<vmem>>)
    %get3A_3080 = arith.constant 44 : i32
    %get3A_3081 = arith.index_cast %get3A_3080 : i32 to index
    %get3A_3082 = arith.constant 0 : index
    %get3A_3083 = tpu.vector_load %arg7[%get3A_3081, %get3A_3082] {strides = array<i32>} : memref<50x128xf32, #tpu.memory_space<vmem>>, vector<1x16xf32>,
    %get3A_3084 = vector.shape_cast %get3A_3083 : vector<1x16xf32> to vector<16xf32>
    %add3A_3085 = arith.addf %add3A_3027, %get3A_3084 : vector<16xf32>
    %get3A_3086 = arith.constant 44 : i32
    %get3A_3087 = arith.index_cast %get3A_3086 : i32 to index
    %get3A_3088 = arith.constant 16 : index
    %get3A_3089 = tpu.vector_load %arg7[%get3A_3087, %get3A_3088] {strides = array<i32>} : memref<50x128xf32, #tpu.memory_space<vmem>>, vector<1x16xf32>,
    %get3A_3090 = vector.shape_cast %get3A_3089 : vector<1x16xf32> to vector<16xf32>
    %add3A_3091 = arith.addf %add3A_3033, %get3A_3090 : vector<16xf32>
    %get3A_3092 = arith.constant 44 : i32
    %get3A_3093 = arith.index_cast %get3A_3092 : i32 to index
    %get3A_3094 = arith.constant 32 : index
    %get3A_3095 = tpu.vector_load %arg7[%get3A_3093, %get3A_3094] {strides = array<i32>} : memref<50x128xf32, #tpu.memory_space<vmem>>, vector<1x16xf32>,
    %get3A_3096 = vector.shape_cast %get3A_3095 : vector<1x16xf32> to vector<16xf32>
    %add3A_3097 = arith.addf %add3A_3039, %get3A_3096 : vector<16xf32>
    %get3A_3098 = arith.constant 44 : i32
    %get3A_3099 = arith.index_cast %get3A_3098 : i32 to index
    %get3A_3100 = arith.constant 48 : index
    %get3A_3101 = tpu.vector_load %arg7[%get3A_3099, %get3A_3100] {strides = array<i32>} : memref<50x128xf32, #tpu.memory_space<vmem>>, vector<1x16xf32>,
    %get3A_3102 = vector.shape_cast %get3A_3101 : vector<1x16xf32> to vector<16xf32>
    %add3A_3103 = arith.addf %add3A_3045, %get3A_3102 : vector<16xf32>
    %get3A_3104 = arith.constant 44 : i32
    %get3A_3105 = arith.index_cast %get3A_3104 : i32 to index
    %get3A_3106 = arith.constant 64 : index
    %get3A_3107 = tpu.vector_load %arg7[%get3A_3105, %get3A_3106] {strides = array<i32>} : memref<50x128xf32, #tpu.memory_space<vmem>>, vector<1x16xf32>,
    %get3A_3108 = vector.shape_cast %get3A_3107 : vector<1x16xf32> to vector<16xf32>
    %add3A_3109 = arith.addf %add3A_3051, %get3A_3108 : vector<16xf32>
    %get3A_3110 = arith.constant 44 : i32
    %get3A_3111 = arith.index_cast %get3A_3110 : i32 to index
    %get3A_3112 = arith.constant 80 : index
    %get3A_3113 = tpu.vector_load %arg7[%get3A_3111, %get3A_3112] {strides = array<i32>} : memref<50x128xf32, #tpu.memory_space<vmem>>, vector<1x16xf32>,
    %get3A_3114 = vector.shape_cast %get3A_3113 : vector<1x16xf32> to vector<16xf32>
    %add3A_3115 = arith.addf %add3A_3057, %get3A_3114 : vector<16xf32>
    %get3A_3116 = arith.constant 44 : i32
    %get3A_3117 = arith.index_cast %get3A_3116 : i32 to index
    %get3A_3118 = arith.constant 96 : index
    %get3A_3119 = tpu.vector_load %arg7[%get3A_3117, %get3A_3118] {strides = array<i32>} : memref<50x128xf32, #tpu.memory_space<vmem>>, vector<1x16xf32>,
    %get3A_3120 = vector.shape_cast %get3A_3119 : vector<1x16xf32> to vector<16xf32>
    %add3A_3121 = arith.addf %add3A_3063, %get3A_3120 : vector<16xf32>
    %get3A_3122 = arith.constant 44 : i32
    %get3A_3123 = arith.index_cast %get3A_3122 : i32 to index
    %get3A_3124 = arith.constant 112 : index
    %get3A_3125 = tpu.vector_load %arg7[%get3A_3123, %get3A_3124] {strides = array<i32>} : memref<50x128xf32, #tpu.memory_space<vmem>>, vector<1x16xf32>,
    %get3A_3126 = vector.shape_cast %get3A_3125 : vector<1x16xf32> to vector<16xf32>
    %add3A_3127 = arith.addf %add3A_3069, %get3A_3126 : vector<16xf32>
    %dma_wait3A_3128 = arith.constant 45 : i32
    %dma_wait3A_3129 = arith.constant 45 : i32
    %dma_wait3A_3130 = arith.constant 0 : i32
    %dma_wait3A_3131 = tpu.memref_slice %arg7[%dma_wait3A_3129, %dma_wait3A_3130] : memref<50x128xf32, #tpu.memory_space<vmem>> -> memref<1x128xf32, #tpu.memory_space<vmem>>
    %dma_wait3A_3132 = tpu.memref_squeeze %dma_wait3A_3131 : memref<1x128xf32, #tpu.memory_space<vmem>> -> memref<128xf32, #tpu.memory_space<vmem>>
    %dma_wait3A_3133 = arith.constant 0 : i32
    %dma_wait3A_3134 = tpu.memref_slice %arg6[%dma_wait3A_3128, %dma_wait3A_3133] : memref<50x128xi32, #tpu.memory_space<vmem>> -> memref<1x128xi32, #tpu.memory_space<vmem>>
    %dma_wait3A_3135 = tpu.memref_squeeze %dma_wait3A_3134 : memref<1x128xi32, #tpu.memory_space<vmem>> -> memref<128xi32, #tpu.memory_space<vmem>>
    %dma_wait3A_3136 = arith.constant 0 : i32
    %dma_wait3A_3137 = tpu.memref_slice %arg3[%dma_wait3A_3136] : memref<1048576xf32, #tpu.memory_space<hbm>> -> memref<1048576xf32, #tpu.memory_space<hbm>>
    tpu.wait_indirect_dma semaphore(%arg10 : memref<!tpu.dma_semaphore, #tpu.memory_space<semaphore_mem>>) src(%dma_wait3A_3137 : memref<1048576xf32, #tpu.memory_space<hbm>>) dst(%dma_wait3A_3132 : memref<128xf32, #tpu.memory_space<vmem>>)
    %get3A_3138 = arith.constant 45 : i32
    %get3A_3139 = arith.index_cast %get3A_3138 : i32 to index
    %get3A_3140 = arith.constant 0 : index
    %get3A_3141 = tpu.vector_load %arg7[%get3A_3139, %get3A_3140] {strides = array<i32>} : memref<50x128xf32, #tpu.memory_space<vmem>>, vector<1x16xf32>,
    %get3A_3142 = vector.shape_cast %get3A_3141 : vector<1x16xf32> to vector<16xf32>
    %add3A_3143 = arith.addf %add3A_3085, %get3A_3142 : vector<16xf32>
    %get3A_3144 = arith.constant 45 : i32
    %get3A_3145 = arith.index_cast %get3A_3144 : i32 to index
    %get3A_3146 = arith.constant 16 : index
    %get3A_3147 = tpu.vector_load %arg7[%get3A_3145, %get3A_3146] {strides = array<i32>} : memref<50x128xf32, #tpu.memory_space<vmem>>, vector<1x16xf32>,
    %get3A_3148 = vector.shape_cast %get3A_3147 : vector<1x16xf32> to vector<16xf32>
    %add3A_3149 = arith.addf %add3A_3091, %get3A_3148 : vector<16xf32>
    %get3A_3150 = arith.constant 45 : i32
    %get3A_3151 = arith.index_cast %get3A_3150 : i32 to index
    %get3A_3152 = arith.constant 32 : index
    %get3A_3153 = tpu.vector_load %arg7[%get3A_3151, %get3A_3152] {strides = array<i32>} : memref<50x128xf32, #tpu.memory_space<vmem>>, vector<1x16xf32>,
    %get3A_3154 = vector.shape_cast %get3A_3153 : vector<1x16xf32> to vector<16xf32>
    %add3A_3155 = arith.addf %add3A_3097, %get3A_3154 : vector<16xf32>
    %get3A_3156 = arith.constant 45 : i32
    %get3A_3157 = arith.index_cast %get3A_3156 : i32 to index
    %get3A_3158 = arith.constant 48 : index
    %get3A_3159 = tpu.vector_load %arg7[%get3A_3157, %get3A_3158] {strides = array<i32>} : memref<50x128xf32, #tpu.memory_space<vmem>>, vector<1x16xf32>,
    %get3A_3160 = vector.shape_cast %get3A_3159 : vector<1x16xf32> to vector<16xf32>
    %add3A_3161 = arith.addf %add3A_3103, %get3A_3160 : vector<16xf32>
    %get3A_3162 = arith.constant 45 : i32
    %get3A_3163 = arith.index_cast %get3A_3162 : i32 to index
    %get3A_3164 = arith.constant 64 : index
    %get3A_3165 = tpu.vector_load %arg7[%get3A_3163, %get3A_3164] {strides = array<i32>} : memref<50x128xf32, #tpu.memory_space<vmem>>, vector<1x16xf32>,
    %get3A_3166 = vector.shape_cast %get3A_3165 : vector<1x16xf32> to vector<16xf32>
    %add3A_3167 = arith.addf %add3A_3109, %get3A_3166 : vector<16xf32>
    %get3A_3168 = arith.constant 45 : i32
    %get3A_3169 = arith.index_cast %get3A_3168 : i32 to index
    %get3A_3170 = arith.constant 80 : index
    %get3A_3171 = tpu.vector_load %arg7[%get3A_3169, %get3A_3170] {strides = array<i32>} : memref<50x128xf32, #tpu.memory_space<vmem>>, vector<1x16xf32>,
    %get3A_3172 = vector.shape_cast %get3A_3171 : vector<1x16xf32> to vector<16xf32>
    %add3A_3173 = arith.addf %add3A_3115, %get3A_3172 : vector<16xf32>
    %get3A_3174 = arith.constant 45 : i32
    %get3A_3175 = arith.index_cast %get3A_3174 : i32 to index
    %get3A_3176 = arith.constant 96 : index
    %get3A_3177 = tpu.vector_load %arg7[%get3A_3175, %get3A_3176] {strides = array<i32>} : memref<50x128xf32, #tpu.memory_space<vmem>>, vector<1x16xf32>,
    %get3A_3178 = vector.shape_cast %get3A_3177 : vector<1x16xf32> to vector<16xf32>
    %add3A_3179 = arith.addf %add3A_3121, %get3A_3178 : vector<16xf32>
    %get3A_3180 = arith.constant 45 : i32
    %get3A_3181 = arith.index_cast %get3A_3180 : i32 to index
    %get3A_3182 = arith.constant 112 : index
    %get3A_3183 = tpu.vector_load %arg7[%get3A_3181, %get3A_3182] {strides = array<i32>} : memref<50x128xf32, #tpu.memory_space<vmem>>, vector<1x16xf32>,
    %get3A_3184 = vector.shape_cast %get3A_3183 : vector<1x16xf32> to vector<16xf32>
    %add3A_3185 = arith.addf %add3A_3127, %get3A_3184 : vector<16xf32>
    %dma_wait3A_3186 = arith.constant 46 : i32
    %dma_wait3A_3187 = arith.constant 46 : i32
    %dma_wait3A_3188 = arith.constant 0 : i32
    %dma_wait3A_3189 = tpu.memref_slice %arg7[%dma_wait3A_3187, %dma_wait3A_3188] : memref<50x128xf32, #tpu.memory_space<vmem>> -> memref<1x128xf32, #tpu.memory_space<vmem>>
    %dma_wait3A_3190 = tpu.memref_squeeze %dma_wait3A_3189 : memref<1x128xf32, #tpu.memory_space<vmem>> -> memref<128xf32, #tpu.memory_space<vmem>>
    %dma_wait3A_3191 = arith.constant 0 : i32
    %dma_wait3A_3192 = tpu.memref_slice %arg6[%dma_wait3A_3186, %dma_wait3A_3191] : memref<50x128xi32, #tpu.memory_space<vmem>> -> memref<1x128xi32, #tpu.memory_space<vmem>>
    %dma_wait3A_3193 = tpu.memref_squeeze %dma_wait3A_3192 : memref<1x128xi32, #tpu.memory_space<vmem>> -> memref<128xi32, #tpu.memory_space<vmem>>
    %dma_wait3A_3194 = arith.constant 0 : i32
    %dma_wait3A_3195 = tpu.memref_slice %arg3[%dma_wait3A_3194] : memref<1048576xf32, #tpu.memory_space<hbm>> -> memref<1048576xf32, #tpu.memory_space<hbm>>
    tpu.wait_indirect_dma semaphore(%arg10 : memref<!tpu.dma_semaphore, #tpu.memory_space<semaphore_mem>>) src(%dma_wait3A_3195 : memref<1048576xf32, #tpu.memory_space<hbm>>) dst(%dma_wait3A_3190 : memref<128xf32, #tpu.memory_space<vmem>>)
    %get3A_3196 = arith.constant 46 : i32
    %get3A_3197 = arith.index_cast %get3A_3196 : i32 to index
    %get3A_3198 = arith.constant 0 : index
    %get3A_3199 = tpu.vector_load %arg7[%get3A_3197, %get3A_3198] {strides = array<i32>} : memref<50x128xf32, #tpu.memory_space<vmem>>, vector<1x16xf32>,
    %get3A_3200 = vector.shape_cast %get3A_3199 : vector<1x16xf32> to vector<16xf32>
    %add3A_3201 = arith.addf %add3A_3143, %get3A_3200 : vector<16xf32>
    %get3A_3202 = arith.constant 46 : i32
    %get3A_3203 = arith.index_cast %get3A_3202 : i32 to index
    %get3A_3204 = arith.constant 16 : index
    %get3A_3205 = tpu.vector_load %arg7[%get3A_3203, %get3A_3204] {strides = array<i32>} : memref<50x128xf32, #tpu.memory_space<vmem>>, vector<1x16xf32>,
    %get3A_3206 = vector.shape_cast %get3A_3205 : vector<1x16xf32> to vector<16xf32>
    %add3A_3207 = arith.addf %add3A_3149, %get3A_3206 : vector<16xf32>
    %get3A_3208 = arith.constant 46 : i32
    %get3A_3209 = arith.index_cast %get3A_3208 : i32 to index
    %get3A_3210 = arith.constant 32 : index
    %get3A_3211 = tpu.vector_load %arg7[%get3A_3209, %get3A_3210] {strides = array<i32>} : memref<50x128xf32, #tpu.memory_space<vmem>>, vector<1x16xf32>,
    %get3A_3212 = vector.shape_cast %get3A_3211 : vector<1x16xf32> to vector<16xf32>
    %add3A_3213 = arith.addf %add3A_3155, %get3A_3212 : vector<16xf32>
    %get3A_3214 = arith.constant 46 : i32
    %get3A_3215 = arith.index_cast %get3A_3214 : i32 to index
    %get3A_3216 = arith.constant 48 : index
    %get3A_3217 = tpu.vector_load %arg7[%get3A_3215, %get3A_3216] {strides = array<i32>} : memref<50x128xf32, #tpu.memory_space<vmem>>, vector<1x16xf32>,
    %get3A_3218 = vector.shape_cast %get3A_3217 : vector<1x16xf32> to vector<16xf32>
    %add3A_3219 = arith.addf %add3A_3161, %get3A_3218 : vector<16xf32>
    %get3A_3220 = arith.constant 46 : i32
    %get3A_3221 = arith.index_cast %get3A_3220 : i32 to index
    %get3A_3222 = arith.constant 64 : index
    %get3A_3223 = tpu.vector_load %arg7[%get3A_3221, %get3A_3222] {strides = array<i32>} : memref<50x128xf32, #tpu.memory_space<vmem>>, vector<1x16xf32>,
    %get3A_3224 = vector.shape_cast %get3A_3223 : vector<1x16xf32> to vector<16xf32>
    %add3A_3225 = arith.addf %add3A_3167, %get3A_3224 : vector<16xf32>
    %get3A_3226 = arith.constant 46 : i32
    %get3A_3227 = arith.index_cast %get3A_3226 : i32 to index
    %get3A_3228 = arith.constant 80 : index
    %get3A_3229 = tpu.vector_load %arg7[%get3A_3227, %get3A_3228] {strides = array<i32>} : memref<50x128xf32, #tpu.memory_space<vmem>>, vector<1x16xf32>,
    %get3A_3230 = vector.shape_cast %get3A_3229 : vector<1x16xf32> to vector<16xf32>
    %add3A_3231 = arith.addf %add3A_3173, %get3A_3230 : vector<16xf32>
    %get3A_3232 = arith.constant 46 : i32
    %get3A_3233 = arith.index_cast %get3A_3232 : i32 to index
    %get3A_3234 = arith.constant 96 : index
    %get3A_3235 = tpu.vector_load %arg7[%get3A_3233, %get3A_3234] {strides = array<i32>} : memref<50x128xf32, #tpu.memory_space<vmem>>, vector<1x16xf32>,
    %get3A_3236 = vector.shape_cast %get3A_3235 : vector<1x16xf32> to vector<16xf32>
    %add3A_3237 = arith.addf %add3A_3179, %get3A_3236 : vector<16xf32>
    %get3A_3238 = arith.constant 46 : i32
    %get3A_3239 = arith.index_cast %get3A_3238 : i32 to index
    %get3A_3240 = arith.constant 112 : index
    %get3A_3241 = tpu.vector_load %arg7[%get3A_3239, %get3A_3240] {strides = array<i32>} : memref<50x128xf32, #tpu.memory_space<vmem>>, vector<1x16xf32>,
    %get3A_3242 = vector.shape_cast %get3A_3241 : vector<1x16xf32> to vector<16xf32>
    %add3A_3243 = arith.addf %add3A_3185, %get3A_3242 : vector<16xf32>
    %dma_wait3A_3244 = arith.constant 47 : i32
    %dma_wait3A_3245 = arith.constant 47 : i32
    %dma_wait3A_3246 = arith.constant 0 : i32
    %dma_wait3A_3247 = tpu.memref_slice %arg7[%dma_wait3A_3245, %dma_wait3A_3246] : memref<50x128xf32, #tpu.memory_space<vmem>> -> memref<1x128xf32, #tpu.memory_space<vmem>>
    %dma_wait3A_3248 = tpu.memref_squeeze %dma_wait3A_3247 : memref<1x128xf32, #tpu.memory_space<vmem>> -> memref<128xf32, #tpu.memory_space<vmem>>
    %dma_wait3A_3249 = arith.constant 0 : i32
    %dma_wait3A_3250 = tpu.memref_slice %arg6[%dma_wait3A_3244, %dma_wait3A_3249] : memref<50x128xi32, #tpu.memory_space<vmem>> -> memref<1x128xi32, #tpu.memory_space<vmem>>
    %dma_wait3A_3251 = tpu.memref_squeeze %dma_wait3A_3250 : memref<1x128xi32, #tpu.memory_space<vmem>> -> memref<128xi32, #tpu.memory_space<vmem>>
    %dma_wait3A_3252 = arith.constant 0 : i32
    %dma_wait3A_3253 = tpu.memref_slice %arg3[%dma_wait3A_3252] : memref<1048576xf32, #tpu.memory_space<hbm>> -> memref<1048576xf32, #tpu.memory_space<hbm>>
    tpu.wait_indirect_dma semaphore(%arg10 : memref<!tpu.dma_semaphore, #tpu.memory_space<semaphore_mem>>) src(%dma_wait3A_3253 : memref<1048576xf32, #tpu.memory_space<hbm>>) dst(%dma_wait3A_3248 : memref<128xf32, #tpu.memory_space<vmem>>)
    %get3A_3254 = arith.constant 47 : i32
    %get3A_3255 = arith.index_cast %get3A_3254 : i32 to index
    %get3A_3256 = arith.constant 0 : index
    %get3A_3257 = tpu.vector_load %arg7[%get3A_3255, %get3A_3256] {strides = array<i32>} : memref<50x128xf32, #tpu.memory_space<vmem>>, vector<1x16xf32>,
    %get3A_3258 = vector.shape_cast %get3A_3257 : vector<1x16xf32> to vector<16xf32>
    %add3A_3259 = arith.addf %add3A_3201, %get3A_3258 : vector<16xf32>
    %get3A_3260 = arith.constant 47 : i32
    %get3A_3261 = arith.index_cast %get3A_3260 : i32 to index
    %get3A_3262 = arith.constant 16 : index
    %get3A_3263 = tpu.vector_load %arg7[%get3A_3261, %get3A_3262] {strides = array<i32>} : memref<50x128xf32, #tpu.memory_space<vmem>>, vector<1x16xf32>,
    %get3A_3264 = vector.shape_cast %get3A_3263 : vector<1x16xf32> to vector<16xf32>
    %add3A_3265 = arith.addf %add3A_3207, %get3A_3264 : vector<16xf32>
    %get3A_3266 = arith.constant 47 : i32
    %get3A_3267 = arith.index_cast %get3A_3266 : i32 to index
    %get3A_3268 = arith.constant 32 : index
    %get3A_3269 = tpu.vector_load %arg7[%get3A_3267, %get3A_3268] {strides = array<i32>} : memref<50x128xf32, #tpu.memory_space<vmem>>, vector<1x16xf32>,
    %get3A_3270 = vector.shape_cast %get3A_3269 : vector<1x16xf32> to vector<16xf32>
    %add3A_3271 = arith.addf %add3A_3213, %get3A_3270 : vector<16xf32>
    %get3A_3272 = arith.constant 47 : i32
    %get3A_3273 = arith.index_cast %get3A_3272 : i32 to index
    %get3A_3274 = arith.constant 48 : index
    %get3A_3275 = tpu.vector_load %arg7[%get3A_3273, %get3A_3274] {strides = array<i32>} : memref<50x128xf32, #tpu.memory_space<vmem>>, vector<1x16xf32>,
    %get3A_3276 = vector.shape_cast %get3A_3275 : vector<1x16xf32> to vector<16xf32>
    %add3A_3277 = arith.addf %add3A_3219, %get3A_3276 : vector<16xf32>
    %get3A_3278 = arith.constant 47 : i32
    %get3A_3279 = arith.index_cast %get3A_3278 : i32 to index
    %get3A_3280 = arith.constant 64 : index
    %get3A_3281 = tpu.vector_load %arg7[%get3A_3279, %get3A_3280] {strides = array<i32>} : memref<50x128xf32, #tpu.memory_space<vmem>>, vector<1x16xf32>,
    %get3A_3282 = vector.shape_cast %get3A_3281 : vector<1x16xf32> to vector<16xf32>
    %add3A_3283 = arith.addf %add3A_3225, %get3A_3282 : vector<16xf32>
    %get3A_3284 = arith.constant 47 : i32
    %get3A_3285 = arith.index_cast %get3A_3284 : i32 to index
    %get3A_3286 = arith.constant 80 : index
    %get3A_3287 = tpu.vector_load %arg7[%get3A_3285, %get3A_3286] {strides = array<i32>} : memref<50x128xf32, #tpu.memory_space<vmem>>, vector<1x16xf32>,
    %get3A_3288 = vector.shape_cast %get3A_3287 : vector<1x16xf32> to vector<16xf32>
    %add3A_3289 = arith.addf %add3A_3231, %get3A_3288 : vector<16xf32>
    %get3A_3290 = arith.constant 47 : i32
    %get3A_3291 = arith.index_cast %get3A_3290 : i32 to index
    %get3A_3292 = arith.constant 96 : index
    %get3A_3293 = tpu.vector_load %arg7[%get3A_3291, %get3A_3292] {strides = array<i32>} : memref<50x128xf32, #tpu.memory_space<vmem>>, vector<1x16xf32>,
    %get3A_3294 = vector.shape_cast %get3A_3293 : vector<1x16xf32> to vector<16xf32>
    %add3A_3295 = arith.addf %add3A_3237, %get3A_3294 : vector<16xf32>
    %get3A_3296 = arith.constant 47 : i32
    %get3A_3297 = arith.index_cast %get3A_3296 : i32 to index
    %get3A_3298 = arith.constant 112 : index
    %get3A_3299 = tpu.vector_load %arg7[%get3A_3297, %get3A_3298] {strides = array<i32>} : memref<50x128xf32, #tpu.memory_space<vmem>>, vector<1x16xf32>,
    %get3A_3300 = vector.shape_cast %get3A_3299 : vector<1x16xf32> to vector<16xf32>
    %add3A_3301 = arith.addf %add3A_3243, %get3A_3300 : vector<16xf32>
    %dma_wait3A_3302 = arith.constant 48 : i32
    %dma_wait3A_3303 = arith.constant 48 : i32
    %dma_wait3A_3304 = arith.constant 0 : i32
    %dma_wait3A_3305 = tpu.memref_slice %arg7[%dma_wait3A_3303, %dma_wait3A_3304] : memref<50x128xf32, #tpu.memory_space<vmem>> -> memref<1x128xf32, #tpu.memory_space<vmem>>
    %dma_wait3A_3306 = tpu.memref_squeeze %dma_wait3A_3305 : memref<1x128xf32, #tpu.memory_space<vmem>> -> memref<128xf32, #tpu.memory_space<vmem>>
    %dma_wait3A_3307 = arith.constant 0 : i32
    %dma_wait3A_3308 = tpu.memref_slice %arg6[%dma_wait3A_3302, %dma_wait3A_3307] : memref<50x128xi32, #tpu.memory_space<vmem>> -> memref<1x128xi32, #tpu.memory_space<vmem>>
    %dma_wait3A_3309 = tpu.memref_squeeze %dma_wait3A_3308 : memref<1x128xi32, #tpu.memory_space<vmem>> -> memref<128xi32, #tpu.memory_space<vmem>>
    %dma_wait3A_3310 = arith.constant 0 : i32
    %dma_wait3A_3311 = tpu.memref_slice %arg3[%dma_wait3A_3310] : memref<1048576xf32, #tpu.memory_space<hbm>> -> memref<1048576xf32, #tpu.memory_space<hbm>>
    tpu.wait_indirect_dma semaphore(%arg10 : memref<!tpu.dma_semaphore, #tpu.memory_space<semaphore_mem>>) src(%dma_wait3A_3311 : memref<1048576xf32, #tpu.memory_space<hbm>>) dst(%dma_wait3A_3306 : memref<128xf32, #tpu.memory_space<vmem>>)
    %get3A_3312 = arith.constant 48 : i32
    %get3A_3313 = arith.index_cast %get3A_3312 : i32 to index
    %get3A_3314 = arith.constant 0 : index
    %get3A_3315 = tpu.vector_load %arg7[%get3A_3313, %get3A_3314] {strides = array<i32>} : memref<50x128xf32, #tpu.memory_space<vmem>>, vector<1x16xf32>,
    %get3A_3316 = vector.shape_cast %get3A_3315 : vector<1x16xf32> to vector<16xf32>
    %add3A_3317 = arith.addf %add3A_3259, %get3A_3316 : vector<16xf32>
    %get3A_3318 = arith.constant 48 : i32
    %get3A_3319 = arith.index_cast %get3A_3318 : i32 to index
    %get3A_3320 = arith.constant 16 : index
    %get3A_3321 = tpu.vector_load %arg7[%get3A_3319, %get3A_3320] {strides = array<i32>} : memref<50x128xf32, #tpu.memory_space<vmem>>, vector<1x16xf32>,
    %get3A_3322 = vector.shape_cast %get3A_3321 : vector<1x16xf32> to vector<16xf32>
    %add3A_3323 = arith.addf %add3A_3265, %get3A_3322 : vector<16xf32>
    %get3A_3324 = arith.constant 48 : i32
    %get3A_3325 = arith.index_cast %get3A_3324 : i32 to index
    %get3A_3326 = arith.constant 32 : index
    %get3A_3327 = tpu.vector_load %arg7[%get3A_3325, %get3A_3326] {strides = array<i32>} : memref<50x128xf32, #tpu.memory_space<vmem>>, vector<1x16xf32>,
    %get3A_3328 = vector.shape_cast %get3A_3327 : vector<1x16xf32> to vector<16xf32>
    %add3A_3329 = arith.addf %add3A_3271, %get3A_3328 : vector<16xf32>
    %get3A_3330 = arith.constant 48 : i32
    %get3A_3331 = arith.index_cast %get3A_3330 : i32 to index
    %get3A_3332 = arith.constant 48 : index
    %get3A_3333 = tpu.vector_load %arg7[%get3A_3331, %get3A_3332] {strides = array<i32>} : memref<50x128xf32, #tpu.memory_space<vmem>>, vector<1x16xf32>,
    %get3A_3334 = vector.shape_cast %get3A_3333 : vector<1x16xf32> to vector<16xf32>
    %add3A_3335 = arith.addf %add3A_3277, %get3A_3334 : vector<16xf32>
    %get3A_3336 = arith.constant 48 : i32
    %get3A_3337 = arith.index_cast %get3A_3336 : i32 to index
    %get3A_3338 = arith.constant 64 : index
    %get3A_3339 = tpu.vector_load %arg7[%get3A_3337, %get3A_3338] {strides = array<i32>} : memref<50x128xf32, #tpu.memory_space<vmem>>, vector<1x16xf32>,
    %get3A_3340 = vector.shape_cast %get3A_3339 : vector<1x16xf32> to vector<16xf32>
    %add3A_3341 = arith.addf %add3A_3283, %get3A_3340 : vector<16xf32>
    %get3A_3342 = arith.constant 48 : i32
    %get3A_3343 = arith.index_cast %get3A_3342 : i32 to index
    %get3A_3344 = arith.constant 80 : index
    %get3A_3345 = tpu.vector_load %arg7[%get3A_3343, %get3A_3344] {strides = array<i32>} : memref<50x128xf32, #tpu.memory_space<vmem>>, vector<1x16xf32>,
    %get3A_3346 = vector.shape_cast %get3A_3345 : vector<1x16xf32> to vector<16xf32>
    %add3A_3347 = arith.addf %add3A_3289, %get3A_3346 : vector<16xf32>
    %get3A_3348 = arith.constant 48 : i32
    %get3A_3349 = arith.index_cast %get3A_3348 : i32 to index
    %get3A_3350 = arith.constant 96 : index
    %get3A_3351 = tpu.vector_load %arg7[%get3A_3349, %get3A_3350] {strides = array<i32>} : memref<50x128xf32, #tpu.memory_space<vmem>>, vector<1x16xf32>,
    %get3A_3352 = vector.shape_cast %get3A_3351 : vector<1x16xf32> to vector<16xf32>
    %add3A_3353 = arith.addf %add3A_3295, %get3A_3352 : vector<16xf32>
    %get3A_3354 = arith.constant 48 : i32
    %get3A_3355 = arith.index_cast %get3A_3354 : i32 to index
    %get3A_3356 = arith.constant 112 : index
    %get3A_3357 = tpu.vector_load %arg7[%get3A_3355, %get3A_3356] {strides = array<i32>} : memref<50x128xf32, #tpu.memory_space<vmem>>, vector<1x16xf32>,
    %get3A_3358 = vector.shape_cast %get3A_3357 : vector<1x16xf32> to vector<16xf32>
    %add3A_3359 = arith.addf %add3A_3301, %get3A_3358 : vector<16xf32>
    %dma_wait3A_3360 = arith.constant 49 : i32
    %dma_wait3A_3361 = arith.constant 49 : i32
    %dma_wait3A_3362 = arith.constant 0 : i32
    %dma_wait3A_3363 = tpu.memref_slice %arg7[%dma_wait3A_3361, %dma_wait3A_3362] : memref<50x128xf32, #tpu.memory_space<vmem>> -> memref<1x128xf32, #tpu.memory_space<vmem>>
    %dma_wait3A_3364 = tpu.memref_squeeze %dma_wait3A_3363 : memref<1x128xf32, #tpu.memory_space<vmem>> -> memref<128xf32, #tpu.memory_space<vmem>>
    %dma_wait3A_3365 = arith.constant 0 : i32
    %dma_wait3A_3366 = tpu.memref_slice %arg6[%dma_wait3A_3360, %dma_wait3A_3365] : memref<50x128xi32, #tpu.memory_space<vmem>> -> memref<1x128xi32, #tpu.memory_space<vmem>>
    %dma_wait3A_3367 = tpu.memref_squeeze %dma_wait3A_3366 : memref<1x128xi32, #tpu.memory_space<vmem>> -> memref<128xi32, #tpu.memory_space<vmem>>
    %dma_wait3A_3368 = arith.constant 0 : i32
    %dma_wait3A_3369 = tpu.memref_slice %arg3[%dma_wait3A_3368] : memref<1048576xf32, #tpu.memory_space<hbm>> -> memref<1048576xf32, #tpu.memory_space<hbm>>
    tpu.wait_indirect_dma semaphore(%arg10 : memref<!tpu.dma_semaphore, #tpu.memory_space<semaphore_mem>>) src(%dma_wait3A_3369 : memref<1048576xf32, #tpu.memory_space<hbm>>) dst(%dma_wait3A_3364 : memref<128xf32, #tpu.memory_space<vmem>>)
    %get3A_3370 = arith.constant 49 : i32
    %get3A_3371 = arith.index_cast %get3A_3370 : i32 to index
    %get3A_3372 = arith.constant 0 : index
    %get3A_3373 = tpu.vector_load %arg7[%get3A_3371, %get3A_3372] {strides = array<i32>} : memref<50x128xf32, #tpu.memory_space<vmem>>, vector<1x16xf32>,
    %get3A_3374 = vector.shape_cast %get3A_3373 : vector<1x16xf32> to vector<16xf32>
    %add3A_3375 = arith.addf %add3A_3317, %get3A_3374 : vector<16xf32>
    %get3A_3376 = arith.constant 49 : i32
    %get3A_3377 = arith.index_cast %get3A_3376 : i32 to index
    %get3A_3378 = arith.constant 16 : index
    %get3A_3379 = tpu.vector_load %arg7[%get3A_3377, %get3A_3378] {strides = array<i32>} : memref<50x128xf32, #tpu.memory_space<vmem>>, vector<1x16xf32>,
    %get3A_3380 = vector.shape_cast %get3A_3379 : vector<1x16xf32> to vector<16xf32>
    %add3A_3381 = arith.addf %add3A_3323, %get3A_3380 : vector<16xf32>
    %get3A_3382 = arith.constant 49 : i32
    %get3A_3383 = arith.index_cast %get3A_3382 : i32 to index
    %get3A_3384 = arith.constant 32 : index
    %get3A_3385 = tpu.vector_load %arg7[%get3A_3383, %get3A_3384] {strides = array<i32>} : memref<50x128xf32, #tpu.memory_space<vmem>>, vector<1x16xf32>,
    %get3A_3386 = vector.shape_cast %get3A_3385 : vector<1x16xf32> to vector<16xf32>
    %add3A_3387 = arith.addf %add3A_3329, %get3A_3386 : vector<16xf32>
    %get3A_3388 = arith.constant 49 : i32
    %get3A_3389 = arith.index_cast %get3A_3388 : i32 to index
    %get3A_3390 = arith.constant 48 : index
    %get3A_3391 = tpu.vector_load %arg7[%get3A_3389, %get3A_3390] {strides = array<i32>} : memref<50x128xf32, #tpu.memory_space<vmem>>, vector<1x16xf32>,
    %get3A_3392 = vector.shape_cast %get3A_3391 : vector<1x16xf32> to vector<16xf32>
    %add3A_3393 = arith.addf %add3A_3335, %get3A_3392 : vector<16xf32>
    %get3A_3394 = arith.constant 49 : i32
    %get3A_3395 = arith.index_cast %get3A_3394 : i32 to index
    %get3A_3396 = arith.constant 64 : index
    %get3A_3397 = tpu.vector_load %arg7[%get3A_3395, %get3A_3396] {strides = array<i32>} : memref<50x128xf32, #tpu.memory_space<vmem>>, vector<1x16xf32>,
    %get3A_3398 = vector.shape_cast %get3A_3397 : vector<1x16xf32> to vector<16xf32>
    %add3A_3399 = arith.addf %add3A_3341, %get3A_3398 : vector<16xf32>
    %get3A_3400 = arith.constant 49 : i32
    %get3A_3401 = arith.index_cast %get3A_3400 : i32 to index
    %get3A_3402 = arith.constant 80 : index
    %get3A_3403 = tpu.vector_load %arg7[%get3A_3401, %get3A_3402] {strides = array<i32>} : memref<50x128xf32, #tpu.memory_space<vmem>>, vector<1x16xf32>,
    %get3A_3404 = vector.shape_cast %get3A_3403 : vector<1x16xf32> to vector<16xf32>
    %add3A_3405 = arith.addf %add3A_3347, %get3A_3404 : vector<16xf32>
    %get3A_3406 = arith.constant 49 : i32
    %get3A_3407 = arith.index_cast %get3A_3406 : i32 to index
    %get3A_3408 = arith.constant 96 : index
    %get3A_3409 = tpu.vector_load %arg7[%get3A_3407, %get3A_3408] {strides = array<i32>} : memref<50x128xf32, #tpu.memory_space<vmem>>, vector<1x16xf32>,
    %get3A_3410 = vector.shape_cast %get3A_3409 : vector<1x16xf32> to vector<16xf32>
    %add3A_3411 = arith.addf %add3A_3353, %get3A_3410 : vector<16xf32>
    %get3A_3412 = arith.constant 49 : i32
    %get3A_3413 = arith.index_cast %get3A_3412 : i32 to index
    %get3A_3414 = arith.constant 112 : index
    %get3A_3415 = tpu.vector_load %arg7[%get3A_3413, %get3A_3414] {strides = array<i32>} : memref<50x128xf32, #tpu.memory_space<vmem>>, vector<1x16xf32>,
    %get3A_3416 = vector.shape_cast %get3A_3415 : vector<1x16xf32> to vector<16xf32>
    %add3A_3417 = arith.addf %add3A_3359, %get3A_3416 : vector<16xf32>
    %mul3A_3418 = arith.constant 2.000000e-02 : f32
    %mul3A_3419 = vector.broadcast %mul3A_3418 : f32 to vector<16xf32>
    %mul3A_3420 = arith.mulf %add3A_3375, %mul3A_3419 : vector<16xf32>
    %add3A_3421 = arith.addf %mul3A_3420, %get3A_4 : vector<16xf32>
    %swap3A = arith.constant 0 : index
    %swap3A_3422 = tpu.vector_load %arg9[%swap3A] {strides = array<i32>} : memref<128xf32, #tpu.memory_space<vmem>>, vector<16xf32>,
    %swap3A_3423 = vector.shape_cast %swap3A_3422 : vector<16xf32> to vector<16xf32>
    %swap3A_3424 = vector.shape_cast %add3A_3421 : vector<16xf32> to vector<16xf32>
    tpu.vector_store %arg9[%swap3A], %swap3A_3424 {strides = array<i32>} : memref<128xf32, #tpu.memory_space<vmem>>, vector<16xf32>,
    %mul3A_3425 = arith.constant 2.000000e-02 : f32
    %mul3A_3426 = vector.broadcast %mul3A_3425 : f32 to vector<16xf32>
    %mul3A_3427 = arith.mulf %add3A_3381, %mul3A_3426 : vector<16xf32>
    %add3A_3428 = arith.addf %mul3A_3427, %get3A_4 : vector<16xf32>
    %swap3A_3429 = arith.constant 16 : index
    %swap3A_3430 = tpu.vector_load %arg9[%swap3A_3429] {strides = array<i32>} : memref<128xf32, #tpu.memory_space<vmem>>, vector<16xf32>,
    %swap3A_3431 = vector.shape_cast %swap3A_3430 : vector<16xf32> to vector<16xf32>
    %swap3A_3432 = vector.shape_cast %add3A_3428 : vector<16xf32> to vector<16xf32>
    tpu.vector_store %arg9[%swap3A_3429], %swap3A_3432 {strides = array<i32>} : memref<128xf32, #tpu.memory_space<vmem>>, vector<16xf32>,
    %mul3A_3433 = arith.constant 2.000000e-02 : f32
    %mul3A_3434 = vector.broadcast %mul3A_3433 : f32 to vector<16xf32>
    %mul3A_3435 = arith.mulf %add3A_3387, %mul3A_3434 : vector<16xf32>
    %add3A_3436 = arith.addf %mul3A_3435, %get3A_4 : vector<16xf32>
    %swap3A_3437 = arith.constant 32 : index
    %swap3A_3438 = tpu.vector_load %arg9[%swap3A_3437] {strides = array<i32>} : memref<128xf32, #tpu.memory_space<vmem>>, vector<16xf32>,
    %swap3A_3439 = vector.shape_cast %swap3A_3438 : vector<16xf32> to vector<16xf32>
    %swap3A_3440 = vector.shape_cast %add3A_3436 : vector<16xf32> to vector<16xf32>
    tpu.vector_store %arg9[%swap3A_3437], %swap3A_3440 {strides = array<i32>} : memref<128xf32, #tpu.memory_space<vmem>>, vector<16xf32>,
    %mul3A_3441 = arith.constant 2.000000e-02 : f32
    %mul3A_3442 = vector.broadcast %mul3A_3441 : f32 to vector<16xf32>
    %mul3A_3443 = arith.mulf %add3A_3393, %mul3A_3442 : vector<16xf32>
    %add3A_3444 = arith.addf %mul3A_3443, %get3A_4 : vector<16xf32>
    %swap3A_3445 = arith.constant 48 : index
    %swap3A_3446 = tpu.vector_load %arg9[%swap3A_3445] {strides = array<i32>} : memref<128xf32, #tpu.memory_space<vmem>>, vector<16xf32>,
    %swap3A_3447 = vector.shape_cast %swap3A_3446 : vector<16xf32> to vector<16xf32>
    %swap3A_3448 = vector.shape_cast %add3A_3444 : vector<16xf32> to vector<16xf32>
    tpu.vector_store %arg9[%swap3A_3445], %swap3A_3448 {strides = array<i32>} : memref<128xf32, #tpu.memory_space<vmem>>, vector<16xf32>,
    %mul3A_3449 = arith.constant 2.000000e-02 : f32
    %mul3A_3450 = vector.broadcast %mul3A_3449 : f32 to vector<16xf32>
    %mul3A_3451 = arith.mulf %add3A_3399, %mul3A_3450 : vector<16xf32>
    %add3A_3452 = arith.addf %mul3A_3451, %get3A_4 : vector<16xf32>
    %swap3A_3453 = arith.constant 64 : index
    %swap3A_3454 = tpu.vector_load %arg9[%swap3A_3453] {strides = array<i32>} : memref<128xf32, #tpu.memory_space<vmem>>, vector<16xf32>,
    %swap3A_3455 = vector.shape_cast %swap3A_3454 : vector<16xf32> to vector<16xf32>
    %swap3A_3456 = vector.shape_cast %add3A_3452 : vector<16xf32> to vector<16xf32>
    tpu.vector_store %arg9[%swap3A_3453], %swap3A_3456 {strides = array<i32>} : memref<128xf32, #tpu.memory_space<vmem>>, vector<16xf32>,
    %mul3A_3457 = arith.constant 2.000000e-02 : f32
    %mul3A_3458 = vector.broadcast %mul3A_3457 : f32 to vector<16xf32>
    %mul3A_3459 = arith.mulf %add3A_3405, %mul3A_3458 : vector<16xf32>
    %add3A_3460 = arith.addf %mul3A_3459, %get3A_4 : vector<16xf32>
    %swap3A_3461 = arith.constant 80 : index
    %swap3A_3462 = tpu.vector_load %arg9[%swap3A_3461] {strides = array<i32>} : memref<128xf32, #tpu.memory_space<vmem>>, vector<16xf32>,
    %swap3A_3463 = vector.shape_cast %swap3A_3462 : vector<16xf32> to vector<16xf32>
    %swap3A_3464 = vector.shape_cast %add3A_3460 : vector<16xf32> to vector<16xf32>
    tpu.vector_store %arg9[%swap3A_3461], %swap3A_3464 {strides = array<i32>} : memref<128xf32, #tpu.memory_space<vmem>>, vector<16xf32>,
    %mul3A_3465 = arith.constant 2.000000e-02 : f32
    %mul3A_3466 = vector.broadcast %mul3A_3465 : f32 to vector<16xf32>
    %mul3A_3467 = arith.mulf %add3A_3411, %mul3A_3466 : vector<16xf32>
    %add3A_3468 = arith.addf %mul3A_3467, %get3A_4 : vector<16xf32>
    %swap3A_3469 = arith.constant 96 : index
    %swap3A_3470 = tpu.vector_load %arg9[%swap3A_3469] {strides = array<i32>} : memref<128xf32, #tpu.memory_space<vmem>>, vector<16xf32>,
    %swap3A_3471 = vector.shape_cast %swap3A_3470 : vector<16xf32> to vector<16xf32>
    %swap3A_3472 = vector.shape_cast %add3A_3468 : vector<16xf32> to vector<16xf32>
    tpu.vector_store %arg9[%swap3A_3469], %swap3A_3472 {strides = array<i32>} : memref<128xf32, #tpu.memory_space<vmem>>, vector<16xf32>,
    %mul3A_3473 = arith.constant 2.000000e-02 : f32
    %mul3A_3474 = vector.broadcast %mul3A_3473 : f32 to vector<16xf32>
    %mul3A_3475 = arith.mulf %add3A_3417, %mul3A_3474 : vector<16xf32>
    %add3A_3476 = arith.addf %mul3A_3475, %get3A_4 : vector<16xf32>
    %swap3A_3477 = arith.constant 112 : index
    %swap3A_3478 = tpu.vector_load %arg9[%swap3A_3477] {strides = array<i32>} : memref<128xf32, #tpu.memory_space<vmem>>, vector<16xf32>,
    %swap3A_3479 = vector.shape_cast %swap3A_3478 : vector<16xf32> to vector<16xf32>
    %swap3A_3480 = vector.shape_cast %add3A_3476 : vector<16xf32> to vector<16xf32>
    tpu.vector_store %arg9[%swap3A_3477], %swap3A_3480 {strides = array<i32>} : memref<128xf32, #tpu.memory_space<vmem>>, vector<16xf32>,
    "tpu.region"() ({
      %run_scoped3A = tpu.sem_alloc : memref<!tpu.dma_semaphore, #tpu.memory_space<semaphore_mem>>
      %dma_start3A_3481 = tpu.memref_slice %arg5[%mul3A_2] : memref<4096xf32, #tpu.memory_space<hbm>> -> memref<128xf32, #tpu.memory_space<hbm>>
      %dma_start3A_3482 = tpu.memref_slice %arg5[%mul3A_2] : memref<4096xf32, #tpu.memory_space<hbm>> -> memref<128xf32, #tpu.memory_space<hbm>>
      tpu.enqueue_dma source(%arg9 : memref<128xf32, #tpu.memory_space<vmem>>) target(%dma_start3A_3482 : memref<128xf32, #tpu.memory_space<hbm>>) target_semaphore(%run_scoped3A : memref<!tpu.dma_semaphore, #tpu.memory_space<semaphore_mem>>)
      %dma_wait3A_3483 = tpu.memref_slice %arg5[%mul3A_2] : memref<4096xf32, #tpu.memory_space<hbm>> -> memref<128xf32, #tpu.memory_space<hbm>>
      %dma_wait3A_3484 = tpu.memref_slice %arg5[%mul3A_2] : memref<4096xf32, #tpu.memory_space<hbm>> -> memref<128xf32, #tpu.memory_space<hbm>>
      tpu.wait_dma2 semaphore(%run_scoped3A : memref<!tpu.dma_semaphore, #tpu.memory_space<semaphore_mem>>) src(%arg9 : memref<128xf32, #tpu.memory_space<vmem>>) dst(%dma_wait3A_3484 : memref<128xf32, #tpu.memory_space<hbm>>)
      tpu.yield
    }) : () -> ()
    return
  }
}

module attributes {stable_mosaic.version = 14 : i64} {
  func.func @_matvec_body(%arg0: i32, %arg1: memref<1x32xf32, #tpu.memory_space<vmem>>, %arg2: memref<32x65536xf32, #tpu.memory_space<vmem>>, %arg3: memref<65536xf32, #tpu.memory_space<vmem>>) attributes {dimension_semantics = [#tpu.dimension_semantics<arbitrary>], iteration_bounds = array<i64: 16>, scalar_prefetch = 0 : i64, scratch_operands = 0 : i64, tpu.core_type = #tpu.core_type<tc>, window_params = [{pipeline_mode = #tpu.pipeline_mode<synchronous>, transform_indices = @transform_0, window_bounds = array<i64: 1, 32>}, {transform_indices = @transform_1, window_bounds = array<i64: 32, 65536>}, {transform_indices = @transform_2, window_bounds = array<i64: 65536>}]} {
    %get3A = arith.constant 0 : index
    %get3A_0 = arith.constant 0 : index
    %get3A_1 = vector.load %arg1[%get3A, %get3A_0] : memref<1x32xf32, #tpu.memory_space<vmem>>, vector<1x32xf32>
    %get3A_2 = arith.constant 0 : index
    %get3A_3 = arith.constant 0 : index
    %get3A_4 = vector.load %arg2[%get3A_2, %get3A_3] : memref<32x65536xf32, #tpu.memory_space<vmem>>, vector<32x65536xf32>
    %dot_general3A = arith.constant dense<0.000000e+00> : vector<1x65536xf32>
    %dot_general3A_5 = tpu.matmul %get3A_1, %get3A_4, %dot_general3A {dimension_numbers = #tpu.dot_dimension_numbers<[1], [0], [0], [1], [0, 0, 1, 1], [], []>, transpose_lhs_hint = false} : vector<1x32xf32>, vector<32x65536xf32>, vector<1x65536xf32> -> vector<1x65536xf32>
    %squeeze3A = vector.shape_cast %dot_general3A_5 : vector<1x65536xf32> to vector<65536xf32>
    %swap3A = arith.constant 0 : index
    %swap3A_6 = vector.load %arg3[%swap3A] : memref<65536xf32, #tpu.memory_space<vmem>>, vector<65536xf32>
    tpu.vector_store %arg3[%swap3A], %squeeze3A {strides = array<i32>} : memref<65536xf32, #tpu.memory_space<vmem>>, vector<65536xf32>,
    return
  }
  func.func @transform_0(%arg0: i32) -> (i32, i32) {
    %c0_i32 = arith.constant 0 : i32
    %c0_i32_0 = arith.constant 0 : i32
    %c0_i32_1 = arith.constant 0 : i32
    return %c0_i32, %c0_i32_0 : i32, i32
  }
  func.func @transform_1(%arg0: i32) -> (i32, i32) {
    %c0_i32 = arith.constant 0 : i32
    %c0_i32_0 = arith.constant 0 : i32
    return %c0_i32, %arg0 : i32, i32
  }
  func.func @transform_2(%arg0: i32) -> i32 {
    %c0_i32 = arith.constant 0 : i32
    return %arg0 : i32
  }
}

</mosaic_0001>

<sc_bundles>
// kernel: kernel.4.cloned.1.call-start
scs
__scs_entry_jumppad:
0x0: {  	(pc) =	sbr.rel $0x88, $3  }
0x1: {  	(tag) =	ssettag $0x0;
	lr =	simm.s32 $0x1  }
0x2: {  	[smem:$0x3F9D] =	sst lr;
	_ =	strace $0xD0000000  }
0x3: {  	_ = 	snop  }
0x4: {  	_ = 	snop  }
0x5: {  	_ = 	snop  }
0x6: {  	_ = 	snop  }
0x7: {  	_ = 	snop  }
__scs_overlays_trampoline_lowered:
0x8: {  	[smem:$0x3FAC] =	sst s0  }
0x9: {  	[smem:$0x3FAD] =	sst s1  }
0xa: {  	[smem:$0x3FAE] =	sst s2  }
0xb: {  	[smem:$0x3FAF] =	sst s3  }
0xc: {  	[smem:$0x3FB0] =	sst s4  }
0xd: {  	[smem:$0x3FB1] =	sst s5  }
0xe: {  	[smem:$0x3FB2] =	sst s6  }
0xf: {  	[smem:$0x3FB3] =	sst s7  }
0x10: {  	[smem:$0x3FB4] =	sst s8  }
0x11: {  	[smem:$0x3FB5] =	sst s9;
	s0 =	simm.s32 @!p0 $0x0  }
0x12: {  	s1 =	sld [smem:$0x3F9B];
	s0 =	simm.s32 @p0 $0x1  }
0x13: {  	[smem:$0x3FB6] =	sst s0;
	s0 =	simm.s32 @!p1 $0x0  }
0x14: {  	s2 =	sld [smem:$0x3F9A];
	s0 =	simm.s32 @p1 $0x1  }
0x15: {  	[smem:$0x3FB7] =	sst s0;
	s0 =	simm.s32 @!p2 $0x0  }
0x16: {  	s3 =	sld [smem:$0x3FDB];
	s0 =	simm.s32 @p2 $0x1  }
0x17: {  	s4 =	simm.s32 $0x1BF5;
	[smem:$0x3FB9] =	sst s0  }
0x18: {  	s0 =	sld [smem:$0x3F9C];
	_ =	swait.ge [sflag:s4], $0x0  }
0x19: {  	s7 =	sld [smem:$0x3F9D]  }
0x1a: {  	s8 =	sadd.s32 $0xFFFFE003, lr  }
0x1b: {  	s9 =	sadd.s32 $0xFFFFFEF7, lr;
	s5 =	simm.s32 $0xFFFFFFFF;
	p2 =	slt.u32 s8, $0xFFFFF086  }
0x1c: {  	p1 =	slt.u32 s9, $0xF7A;
	s5 =	simm.s32 @!p2 $0x0  }
0x1d: {  	s5 =	simm.s32 @p1 $0x1;
	p0 =	seq.s32 s7, s2  }
0x1e: {  	s7 =	smul.u32 @!p0 $0xF7A, s2;
	p2 =	seq.s32 @!p0 s5, $0x0  }
0x1f: {  	s9 =	smul.u32 $0xF7A, s1;
	s8 =	simm.s32 @!p0 $0x1BF5;
	p2 =	por !p2, p0  }
0x20: {  	[sflag:s8] =	ssyncset.s32 @!p0 $0xFFFFF086;
	s6 =	sadd.s32 @!p0 s3, s7;
	s7 =	simm.s32 @!p0 $0x108  }
0x21: {  	s3 =	sadd.s32 s3, s9;
	s6 =	sadd.s32 @!p0 $0x88, s6;
	s7 =	simm.s32 @p2 $0x1082  }
0x22: {  	[simem:s7], [sflag:s8] =	dma.local @!p0 [hbm:s6], $0xF7A  }
0x23: {  	s9 =	sor.u32 $0xD0000000, s2;
	s6 =	simm.s32 $0x108;
	_ =	swait.ge @!p0 [sflag:s8], $0x0  }
0x24: {  	s3 =	sadd.s32 $0x88, s3;
	s6 =	simm.s32 @!p1 $0x1082;
	[sflag:s4] =	ssyncset.s32 $0xFFFFF086  }
0x25: {  	[simem:s6], [sflag:s4] =	dma.local [hbm:s3], $0xF7A  }
0x26: {  	[smem:$0x3F9D] =	sst s1;
	(tag) =	ssettag s2;
	_ =	strace s9  }
0x27: {  	s1 =	sld [smem:$0x3FAD]  }
0x28: {  	s2 =	sld [smem:$0x3FAE]  }
0x29: {  	s4 =	sld [smem:$0x3FB0]  }
0x2a: {  	p0 =	seq.s32 s5, $0x0;
	s5 =	sld [smem:$0x3FB1]  }
0x2b: {  	s6 =	sld [smem:$0x3FB2]  }
0x2c: {  	s7 =	sld [smem:$0x3FB3]  }
0x2d: {  	s3 =	simm.s32 $0x108;
	s8 =	sld [smem:$0x3FB4]  }
0x2e: {  	s3 =	simm.s32 @!p0 $0x1082;
	s9 =	sld [smem:$0x3FB5]  }
0x2f: {  	lr =	sadd.s32 s0, s3;
	s0 =	sld [smem:$0x3FAC]  }
0x30: {  	s3 =	sld [smem:$0x3FAF]  }
0x31: {  	[smem:$0x3FB8] =	sst s10  }
0x32: {  	s10 =	sld [smem:$0x3FB6];
	_ =	sdelay $0x3  }
0x33: {  	p0 =	seq.s32 s10, $0x1;
	s10 =	sld [smem:$0x3FB8];
	_ =	sdelay $0x3  }
0x34: {  	[smem:$0x3FB8] =	sst s10  }
0x35: {  	s10 =	sld [smem:$0x3FB7];
	_ =	sdelay $0x3  }
0x36: {  	p1 =	seq.s32 s10, $0x1;
	s10 =	sld [smem:$0x3FB8];
	_ =	sdelay $0x3  }
0x37: {  	[smem:$0x3FB8] =	sst s10  }
0x38: {  	s10 =	sld [smem:$0x3FB9]  }
0x39: {  	_ = 	snop;
	(pc) =	sbr.ind lr, $3  }
0x3a: {  	_ = 	snop  }
0x3b: {  	_ = 	snop  }
0x3c: {  	p2 =	seq.s32 s10, $0x1;
	s10 =	sld [smem:$0x3FB8]  }
0x3d: {  	_ =	shalt  }
0x3e: {  	_ =	shalt  }
0x3f: {  	_ =	shalt  }
0x40: {  	_ =	shalt  }
0x41: {  	_ =	shalt  }
0x42: {  	_ =	shalt  }
0x43: {  	_ =	shalt  }
0x44: {  	_ =	shalt  }
0x45: {  	_ =	shalt  }
0x46: {  	_ =	shalt  }
0x47: {  	_ =	shalt  }
0x48: {  	_ =	shalt  }
0x49: {  	_ =	shalt  }
0x4a: {  	_ =	shalt  }
0x4b: {  	_ =	shalt  }
0x4c: {  	_ =	shalt  }
0x4d: {  	_ =	shalt  }
0x4e: {  	_ =	shalt  }
0x4f: {  	_ =	shalt  }
0x50: {  	_ =	shalt  }
0x51: {  	_ =	shalt  }
0x52: {  	_ =	shalt  }
0x53: {  	_ =	shalt  }
0x54: {  	_ =	shalt  }
0x55: {  	_ =	shalt  }
0x56: {  	_ =	shalt  }
0x57: {  	_ =	shalt  }
0x58: {  	_ =	shalt  }
0x59: {  	_ =	shalt  }
0x5a: {  	_ =	shalt  }
0x5b: {  	_ =	shalt  }
0x5c: {  	_ =	shalt  }
0x5d: {  	_ =	shalt  }
0x5e: {  	_ =	shalt  }
0x5f: {  	_ =	shalt  }
0x60: {  	_ =	shalt  }
0x61: {  	_ =	shalt  }
0x62: {  	_ =	shalt  }
0x63: {  	_ =	shalt  }
0x64: {  	_ =	shalt  }
0x65: {  	_ =	shalt  }
0x66: {  	_ =	shalt  }
0x67: {  	_ =	shalt  }
0x68: {  	_ =	shalt  }
0x69: {  	_ =	shalt  }
0x6a: {  	_ =	shalt  }
0x6b: {  	_ =	shalt  }
0x6c: {  	_ =	shalt  }
0x6d: {  	_ =	shalt  }
0x6e: {  	_ =	shalt  }
0x6f: {  	_ =	shalt  }
0x70: {  	_ =	shalt  }
0x71: {  	_ =	shalt  }
0x72: {  	_ =	shalt  }
0x73: {  	_ =	shalt  }
0x74: {  	_ =	shalt  }
0x75: {  	_ =	shalt  }
0x76: {  	_ =	shalt  }
0x77: {  	_ =	shalt  }
0x78: {  	_ =	shalt  }
0x79: {  	_ =	shalt  }
0x7a: {  	_ =	shalt  }
0x7b: {  	_ =	shalt  }
0x7c: {  	_ =	shalt  }
0x7d: {  	_ =	shalt  }
0x7e: {  	_ =	shalt  }
0x7f: {  	_ =	shalt  }
0x80: {  	_ =	shalt  }
0x81: {  	_ =	shalt  }
0x82: {  	_ =	shalt  }
0x83: {  	_ =	shalt  }
0x84: {  	_ =	shalt  }
0x85: {  	_ =	shalt  }
0x86: {  	_ =	shalt  }
0x87: {  	_ =	shalt  }
.Lfunc_end0:
.L_simem_size_0:
called_computation_lowered:
.L_overlay_start_0:
0x88: {  	s2 =	sld [smem:$0x3FD9]  }
0x89: {  	s3 =	sld [smem:$0x3FFE];
	_ =	sdelay $0x1  }
0x8a: {  	s1 =	srdreg.scid  }
0x8b: {  	s0 =	sand.u32 $0x1, s1  }
0x8c: {  	s17 =	sshll.u32 s0, $0xA;
	s2 =	sadd.s32 s3, s2  }
0x8d: {  	s2 =	sadd.s32 s2, s17  }
0x8e: {  	[smem:$0x3FC4] =	sst s2  }
0x8f: {  	_ = 	snop  }
0x90: {  	s2 =	sld [smem:$0x3FD0];
	(tm) =	ssettm $0x1  }
0x91: {  	s18 =	sld [smem:$0x3FFB];
	_ =	sdelay $0x3  }
0x92: {  	_ =	strace s18  }
0x93: {  	s3 =	sld [smem:$0x3FFC];
	_ =	sdelay $0x3  }
0x94: {  	_ =	strace s3  }
0x95: {  	s3 =	sld [smem:$0x3FFD];
	_ =	sdelay $0x3  }
0x96: {  	_ =	strace s3  }
0x97: {  	_ =	strace $0x8FFFFFFF  }
0x98: {  	s19 =	sld [smem:$0x3FDB];
	_ =	sdelay $0x1  }
0x99: {  	s4 =	simm.s32 $_scs_section_size  }
0x9a: {  	s5 =	simm.s32 $_size__tile_overlayer_lowered;
	s6 =	simm.s32 $_tile_overlayer_lowered  }
0x9b: {  	s22 =	simm.s32 $0x1BFF;
	s21 =	sshll.u32 s6, $0x1;
	s3 =	sadd.s32 s4, s19  }
0x9c: {  	s7 =	simm.s32 $0x0;
	s20 =	sshll.u32 s5, $0x1;
	s5 =	sadd.s32 s21, s3  }
0x9d: {  	[timem:s7], [sflag:s22] =	dma.local [hbm:s5], s20  }
0x9e: {  	_ =	swait.ge [sflag:s22], s20  }
0x9f: {  	s4 =	ssub.s32 $0x0, s20;
	[sflag:s22] =	ssyncset.done $0x0  }
0xa0: {  	[sflag:s22] =	ssyncadd.s32 s4;
	_ =	sdelay $0x1  }
0xa1: {  	s23 =	simm.s32 $0x1B8B  }
0xa2: {  	_ =	swait.ge [sflag:s23], $0x1  }
0xa3: {  	[sflag:s23] =	ssyncset.done $0x0  }
0xa4: {  	s25 =	simm.s32 $0x1B8E;
	s24 =	sld [smem:$0x3FFE];
	[sflag:s23] =	ssyncadd.s32 $0xFFFFFFFF  }
0xa5: {  	s26 =	simm.s32 $execute0_lowered;
	[smem:$0x3FD2] =	sst s25  }
0xa6: {  	s5 =	sshll.u32 s26, $0x1;
	_ =	strace $0x80000046;
	[dreg:$0x1] =	wrdreg $0xFFFFFFFF  }
0xa7: {  	s28 =	simm.s32 $_size_execute0_lowered;
	s3 =	sadd.s32 s3, s5;
	[dreg:$0x0] =	wrdreg $0x0  }
0xa8: {  	s5 =	sshll.u32 s28, $0x1;
	[dreg:$0x2] =	wrdreg s3  }
0xa9: {  	[dreg:$0x3] =	wrdreg s5  }
0xaa: {  	[dreg:$0x4] =	wrdreg $0xC0  }
0xab: {  	_ =	task [dreg:s7], $0x5FFFF  }
0xac: {  	[dreg:$0x1] =	wrdreg $0xFFFFFFFF  }
0xad: {  	[dreg:$0x0] =	wrdreg $0x60  }
0xae: {  	[dreg:$0x2] =	wrdreg s24  }
0xaf: {  	[dreg:$0x3] =	wrdreg s2  }
0xb0: {  	[dreg:$0x4] =	wrdreg $0x9  }
0xb1: {  	_ =	task.clear_ibuf [dreg:s7], $0x5FFFF;
	_ =	strace $0x90000046  }
0xb2: {  	s29 =	simm.s32 $0x9;
	_ =	strace $0x80000048  }
0xb3: {  	_ =	swait.ge [sflag:s29], $0x1  }
0xb4: {  	[sflag:s29] =	ssyncadd.s32 $0xFFFFFFFF  }
0xb5: {  	_ =	strace $0x90000048  }
0xb6: {  	_ =	sfence  }
0xb7: {  	s30 =	sld [smem:$0x0];
	_ =	sdelay $0x2  }
0xb8: {  	s31 =	sshll.u32 s1, $0xD;
	s1 =	sshrl.u32 s1, $0x2  }
0xb9: {  	s3 =	sand.u32 $0x4000, s31;
	s1 =	sadd.s32 s1, s30  }
0xba: {  	s0 =	sor.u32 s3, s0;
	s1 =	sshll.u32 s1, $0x11  }
0xbb: {  	s0 =	sor.u32 s1, s0  }
0xbc: {  	s0 =	sadd.s32 $0x8F2B, s0  }
0xbd: {  	[sflag:s0] =	ssyncadd.remote.s32 $0x1  }
0xbe: {  	_ =	sfence.sel $0xFFFF  }
0xbf: {  	[dreg:$0x0] =	wrdreg $0xFFFFFFFF;
	(pc) =	sbr.abs _section_cstart, $3  }
0xc0: {  	[dreg:$0x1] =	wrdreg $0xFFFFFFFF  }
0xc1: {  	_ =	task.clear_ibuf [dreg:s7], $0x2FFFF;
	_ =	strace $0x9FFFFFFF  }
0xc2: {  	(tm) =	ssettm $0x7FFFFFFF  }
0xc3: {  	_ =	shalt  }
tec
execute0_lowered:
.L_overlay_start_1:
0x0: {  	(tag) =	ssettag $0x1  }
0x1: {  	s0 =	rddreg [dreg:$0x0];
	s2 =	srdreg.scid  }
0x2: {  	s3 =	rddreg [dreg:$0x1];
	s4 =	sand.u32 $0x1, s2;
	s2 =	simm.s32 $0x0  }
0x3: {  	s7 =	sadd.s32 $0x26C00, s0;
	[smem:$0x7FF] =	sst s2  }
0x4: {  	s19 =	simm.s32 $0x3200;
	_ =	strace $0x80000047;
	[dreg:$0x3] =	wrdreg s7  }
0x5: {  	s20 =	simm.s32 $0x1900;
	[dreg:$0x6] =	wrdreg s19  }
0x6: {  	s21 =	simm.s32 $0x1980;
	[dreg:$0x7] =	wrdreg s20  }
0x7: {  	s22 =	simm.s32 $0x100;
	[dreg:$0x8] =	wrdreg s21  }
0x8: {  	s23 =	simm.s32 $0x1A00;
	[dreg:$0x9] =	wrdreg s22  }
0x9: {  	s24 =	simm.s32 $0x180;
	[dreg:$0xa] =	wrdreg s23  }
0xa: {  	s25 =	simm.s32 $0x1A80;
	[dreg:$0xb] =	wrdreg s24  }
0xb: {  	s1 =	stileid.u32;
	s26 =	simm.s32 $0x200;
	[dreg:$0xc] =	wrdreg s25  }
0xc: {  	s5 =	sshll.u32 s1, $0x5;
	s1 =	simm.s32 $0x1B00;
	[dreg:$0xd] =	wrdreg s26  }
0xd: {  	s8 =	simm.s32 $0x1C00;
	[dreg:$0xe] =	wrdreg s1  }
0xe: {  	s9 =	simm.s32 $0x380;
	[dreg:$0x12] =	wrdreg s8  }
0xf: {  	s10 =	simm.s32 $0x1C80;
	[dreg:$0x13] =	wrdreg s9  }
0x10: {  	s11 =	simm.s32 $0x400;
	[dreg:$0x14] =	wrdreg s10  }
0x11: {  	s12 =	simm.s32 $0x1D00;
	[dreg:$0x15] =	wrdreg s11  }
0x12: {  	s13 =	simm.s32 $0x480;
	[dreg:$0x16] =	wrdreg s12  }
0x13: {  	s14 =	simm.s32 $0x1D80;
	[dreg:$0x17] =	wrdreg s13  }
0x14: {  	s15 =	simm.s32 $0x500;
	[dreg:$0x18] =	wrdreg s14  }
0x15: {  	s16 =	simm.s32 $0x1E00;
	[dreg:$0x19] =	wrdreg s15  }
0x16: {  	s17 =	simm.s32 $0x580;
	[dreg:$0x1a] =	wrdreg s16  }
0x17: {  	s18 =	simm.s32 $0x1E80;
	[dreg:$0x1b] =	wrdreg s17  }
0x18: {  	s7 =	simm.s32 $0x300;
	[dreg:$0x1c] =	wrdreg s18  }
0x19: {  	s19 =	simm.s32 $0x600;
	[dreg:$0x11] =	wrdreg s7  }
0x1a: {  	s20 =	simm.s32 $0x1F00;
	[dreg:$0x1d] =	wrdreg s19  }
0x1b: {  	s21 =	simm.s32 $0x680;
	[dreg:$0x1e] =	wrdreg s20  }
0x1c: {  	s22 =	simm.s32 $0x1F80;
	[dreg:$0x1f] =	wrdreg s21  }
0x1d: {  	s23 =	simm.s32 $0x700;
	[smem:$0x7CC] =	sst s22  }
0x1e: {  	s24 =	simm.s32 $0x2000;
	[smem:$0x7CD] =	sst s23  }
0x1f: {  	s25 =	simm.s32 $0x780;
	[smem:$0x7CE] =	sst s24  }
0x20: {  	s26 =	simm.s32 $0x2080;
	[smem:$0x7CF] =	sst s25  }
0x21: {  	s1 =	simm.s32 $0x800;
	[smem:$0x7D0] =	sst s26  }
0x22: {  	s8 =	simm.s32 $0x900;
	[smem:$0x7D1] =	sst s1  }
0x23: {  	s9 =	simm.s32 $0x2200;
	[smem:$0x7D5] =	sst s8  }
0x24: {  	s10 =	simm.s32 $0x980;
	[smem:$0x7D6] =	sst s9  }
0x25: {  	s11 =	simm.s32 $0x2280;
	[smem:$0x7D7] =	sst s10  }
0x26: {  	s12 =	simm.s32 $0xA00;
	[smem:$0x7D8] =	sst s11  }
0x27: {  	s13 =	simm.s32 $0x2300;
	[smem:$0x7D9] =	sst s12  }
0x28: {  	s14 =	simm.s32 $0xA80;
	[smem:$0x7DA] =	sst s13  }
0x29: {  	s15 =	simm.s32 $0x2380;
	[smem:$0x7DB] =	sst s14  }
0x2a: {  	s16 =	simm.s32 $0xB00;
	[smem:$0x7DC] =	sst s15  }
0x2b: {  	s6 =	sshll.u32 s4, $0x4;
	s17 =	simm.s32 $0x2400;
	[smem:$0x7DD] =	sst s16  }
0x2c: {  	s5 =	sor.u32 s6, s5;
	s18 =	simm.s32 $0xB80;
	[smem:$0x7DE] =	sst s17  }
0x2d: {  	s3 =	sadd.s32 s3, s5;
	[smem:$0x7DF] =	sst s18  }
0x2e: {  	s6 =	sadd.s32 s5, s0;
	s5 =	simm.s32 $0x280;
	[dreg:$0x5] =	wrdreg s3  }
0x2f: {  	s7 =	simm.s32 $0x2180;
	[dreg:$0xf] =	wrdreg s5  }
0x30: {  	s19 =	simm.s32 $0x2480;
	[smem:$0x7D4] =	sst s7  }
0x31: {  	s20 =	simm.s32 $0xC00;
	[smem:$0x7E0] =	sst s19  }
0x32: {  	s21 =	simm.s32 $0x2500;
	[smem:$0x7E1] =	sst s20  }
0x33: {  	s22 =	simm.s32 $0xC80;
	[smem:$0x7E2] =	sst s21  }
0x34: {  	s23 =	simm.s32 $0x2580;
	[smem:$0x7E3] =	sst s22  }
0x35: {  	s24 =	simm.s32 $0xD00;
	[smem:$0x7E4] =	sst s23  }
0x36: {  	s25 =	simm.s32 $0x2600;
	[smem:$0x7E5] =	sst s24  }
0x37: {  	s26 =	simm.s32 $0xD80;
	[smem:$0x7E6] =	sst s25  }
0x38: {  	s1 =	simm.s32 $0x2680;
	[smem:$0x7E7] =	sst s26  }
0x39: {  	s8 =	simm.s32 $0x2780;
	[smem:$0x7E8] =	sst s1  }
0x3a: {  	s9 =	simm.s32 $0xF00;
	[smem:$0x7EC] =	sst s8  }
0x3b: {  	s10 =	simm.s32 $0x2800;
	[smem:$0x7ED] =	sst s9  }
0x3c: {  	s11 =	simm.s32 $0xF80;
	[smem:$0x7EE] =	sst s10  }
0x3d: {  	s28 =	simm.s32 $0x3100;
	s12 =	simm.s32 $0x2880;
	[smem:$0x7EF] =	sst s11  }
0x3e: {  	s29 =	simm.s32 $0x1880;
	s13 =	simm.s32 $0x2900;
	[smem:$0x7F0] =	sst s12  }
0x3f: {  	s30 =	simm.s32 $0x3180;
	s14 =	simm.s32 $0x1080;
	[smem:$0x7F1] =	sst s13  }
0x40: {  	s31 =	simm.s32 $0x1;
	s15 =	simm.s32 $0x2980;
	[smem:$0x7F2] =	sst s14  }
0x41: {  	s4 =	ssub.s32 $0x2, s4;
	s16 =	simm.s32 $0x1100;
	[smem:$0x7F3] =	sst s15  }
0x42: {  	s17 =	simm.s32 $0x2A00;
	s18 =	simm.s32 $0x1180;
	[smem:$0x7F4] =	sst s16  }
0x43: {  	s6 =	sadd.s32 $0x800, s6;
	s5 =	simm.s32 $0x2100;
	[smem:$0x7F5] =	sst s17  }
0x44: {  	s7 =	simm.s32 $0xE80;
	[smem:$0x7F6] =	sst s18;
	s19 =	simm.s32 $0x2A80  }
0x45: {  	s3 =	sadd.s32 $0x6C00, s0;
	s20 =	simm.s32 $0x1200;
	s21 =	simm.s32 $0x2B00  }
0x46: {  	s22 =	sshrl.u32 s4, $0x1;
	s23 =	simm.s32 $0x1280;
	[dreg:$0x4] =	wrdreg s6  }
0x47: {  	s24 =	simm.s32 $0x2B80;
	s25 =	simm.s32 $0x1300;
	[smem:$0x7D2] =	sst s5  }
0x48: {  	s26 =	simm.s32 $0x2C00;
	s11 =	simm.s32 $0x2D00;
	[smem:$0x7EB] =	sst s7  }
0x49: {  	s12 =	simm.s32 $0x1480;
	s13 =	simm.s32 $0x2D80;
	[smem:$0x7F7] =	sst s19  }
0x4a: {  	s14 =	simm.s32 $0x1500;
	s15 =	simm.s32 $0x2E00;
	[smem:$0x7F8] =	sst s20  }
0x4b: {  	s16 =	simm.s32 $0x1580;
	s17 =	simm.s32 $0x2E80;
	[smem:$0x7F9] =	sst s21  }
0x4c: {  	s18 =	simm.s32 $0x1600;
	s0 =	simm.s32 $0x3210;
	[smem:$0x7FA] =	sst s23  }
0x4d: {  	s6 =	simm.s32 $0x1B80;
	s5 =	simm.s32 $0xE00;
	[smem:$0x7FB] =	sst s24  }
0x4e: {  	s4 =	ssub.s32 s4, s22;
	[smem:$0x7FC] =	sst s25;
	s7 =	simm.s32 $0x2  }
0x4f: {  	[smem:$0x7FD] =	sst s26;
	s19 =	simm.s32 $0x2F00;
	s20 =	simm.s32 $0x1680  }
0x50: {  	s21 =	simm.s32 $0x2F80;
	s22 =	simm.s32 $0x1700;
	s23 =	simm.s32 $0x3000  }
0x51: {  	s24 =	simm.s32 $0x1780;
	s25 =	simm.s32 $0x3080;
	[dreg:$0x10] =	wrdreg s6  }
0x52: {  	s26 =	simm.s32 $0x1800;
	s6 =	simm.s32 $0x880;
	[smem:$0x7E9] =	sst s5  }
0x53: {  	s4 =	smax.u32 s4, $0x1;
	[smem:$0x7D3] =	sst s6;
	s6 =	simm.s32 $0x2700  }
0x54: {  	s5 =	simm.s32 $0x80;
	[smem:$0x7EA] =	sst s6;
	s6 =	simm.s32 $0x1000  }
.LBB2_1:
0x55: {  	s1 =	rddreg [dreg:$0x4]  }
0x56: {  	[tilespmem:s2], [sflag:$0x2] =	stream.strided.gather [hbm4b:s1+s5], $0x1900, s6, s5, $0x38;
	[tilespmem:$0x3290] =	vst v63  }
0x57: {  	_ =	swait.ge [sflag:s7], $0x1900  }
0x58: {  	s10 =	rddreg [dreg:$0x3];
	[sflag:s7] =	ssyncset.done $0x0  }
0x59: {  	s8 =	rddreg [dreg:$0x6];
	[sflag:s7] =	ssyncadd.s32 $0xFFFFE700  }
0x5a: {  	[tilespmem:s8], [sflag:$0x2] =	stream.linear.gather [hbm4b:s10+s2], $0x10, $0x38;
	[tilespmem:$0x3290] =	vst v63  }
0x5b: {  	_ =	swait.ge [sflag:s7], $0x10  }
0x5c: {  	s9 =	rddreg [dreg:$0x7]  }
0x5d: {  	s10 =	rddreg [dreg:$0x8]  }
0x5e: {  	[sflag:s7] =	ssyncset.done $0x0;
	s1 =	rddreg [dreg:$0x9]  }
0x5f: {  	s8 =	rddreg [dreg:$0xa];
	[sflag:s7] =	ssyncadd.s32 $0xFFFFFFF0  }
0x60: {  	v51 =	vld [tilespmem:$0x3200];
	[tilespmem:s9], [sflag:$0x1] =	stream.indirect.gather [hbm4b:s3+s5], $0x1, s2, s5, $0xb8  }
0x61: {  	s9 =	rddreg [dreg:$0xb]  }
0x62: {  	[tilespmem:s10], [sflag:$0x1] =	stream.indirect.gather [hbm4b:s3+s5], $0x1, s5, s5, $0xb8;
	[tilespmem:$0x3290] =	vst v63  }
0x63: {  	s10 =	rddreg [dreg:$0xc]  }
0x64: {  	[tilespmem:s8], [sflag:$0x1] =	stream.indirect.gather [hbm4b:s3+s5], $0x1, s1, s5, $0xb8;
	[tilespmem:$0x3290] =	vst v63  }
0x65: {  	s1 =	rddreg [dreg:$0xd]  }
0x66: {  	s8 =	rddreg [dreg:$0xe]  }
0x67: {  	[tilespmem:s10], [sflag:$0x1] =	stream.indirect.gather [hbm4b:s3+s5], $0x1, s9, s5, $0xb8;
	[tilespmem:$0x3290] =	vst v63  }
0x68: {  	s9 =	rddreg [dreg:$0xf]  }
0x69: {  	s10 =	rddreg [dreg:$0x10]  }
0x6a: {  	[tilespmem:s8], [sflag:$0x1] =	stream.indirect.gather [hbm4b:s3+s5], $0x1, s1, s5, $0xb8;
	[tilespmem:$0x3290] =	vst v63  }
0x6b: {  	s1 =	rddreg [dreg:$0x11]  }
0x6c: {  	s8 =	rddreg [dreg:$0x12]  }
0x6d: {  	[tilespmem:s10], [sflag:$0x1] =	stream.indirect.gather [hbm4b:s3+s5], $0x1, s9, s5, $0xb8;
	[tilespmem:$0x3290] =	vst v63  }
0x6e: {  	s9 =	rddreg [dreg:$0x13]  }
0x6f: {  	s10 =	rddreg [dreg:$0x14]  }
0x70: {  	[tilespmem:s8], [sflag:$0x1] =	stream.indirect.gather [hbm4b:s3+s5], $0x1, s1, s5, $0xb8;
	[tilespmem:$0x3290] =	vst v63  }
0x71: {  	s1 =	rddreg [dreg:$0x15]  }
0x72: {  	s8 =	rddreg [dreg:$0x16]  }
0x73: {  	[tilespmem:s10], [sflag:$0x1] =	stream.indirect.gather [hbm4b:s3+s5], $0x1, s9, s5, $0xb8;
	[tilespmem:$0x3290] =	vst v63  }
0x74: {  	s9 =	rddreg [dreg:$0x17]  }
0x75: {  	s10 =	rddreg [dreg:$0x18]  }
0x76: {  	[tilespmem:s8], [sflag:$0x1] =	stream.indirect.gather [hbm4b:s3+s5], $0x1, s1, s5, $0xb8;
	[tilespmem:$0x3290] =	vst v63  }
0x77: {  	s1 =	rddreg [dreg:$0x19]  }
0x78: {  	s8 =	rddreg [dreg:$0x1a]  }
0x79: {  	[tilespmem:s10], [sflag:$0x1] =	stream.indirect.gather [hbm4b:s3+s5], $0x1, s9, s5, $0xb8;
	[tilespmem:$0x3290] =	vst v63  }
0x7a: {  	s9 =	rddreg [dreg:$0x1b]  }
0x7b: {  	s10 =	rddreg [dreg:$0x1c]  }
0x7c: {  	[tilespmem:s8], [sflag:$0x1] =	stream.indirect.gather [hbm4b:s3+s5], $0x1, s1, s5, $0xb8;
	[tilespmem:$0x3290] =	vst v63  }
0x7d: {  	s1 =	rddreg [dreg:$0x1d]  }
0x7e: {  	s8 =	rddreg [dreg:$0x1e]  }
0x7f: {  	[tilespmem:s10], [sflag:$0x1] =	stream.indirect.gather [hbm4b:s3+s5], $0x1, s9, s5, $0xb8;
	[tilespmem:$0x3290] =	vst v63  }
0x80: {  	s9 =	rddreg [dreg:$0x1f]  }
0x81: {  	s10 =	sld [smem:$0x7CC]  }
0x82: {  	[tilespmem:s8], [sflag:$0x1] =	stream.indirect.gather [hbm4b:s3+s5], $0x1, s1, s5, $0xb8;
	[tilespmem:$0x3290] =	vst v63  }
0x83: {  	s1 =	sld [smem:$0x7CD]  }
0x84: {  	s8 =	sld [smem:$0x7CE]  }
0x85: {  	[tilespmem:s10], [sflag:$0x1] =	stream.indirect.gather [hbm4b:s3+s5], $0x1, s9, s5, $0xb8;
	[tilespmem:$0x3290] =	vst v63  }
0x86: {  	s9 =	sld [smem:$0x7CF]  }
0x87: {  	s10 =	sld [smem:$0x7D0]  }
0x88: {  	[tilespmem:s8], [sflag:$0x1] =	stream.indirect.gather [hbm4b:s3+s5], $0x1, s1, s5, $0xb8;
	[tilespmem:$0x3290] =	vst v63  }
0x89: {  	s1 =	sld [smem:$0x7D1]  }
0x8a: {  	s8 =	sld [smem:$0x7D2]  }
0x8b: {  	[tilespmem:s10], [sflag:$0x1] =	stream.indirect.gather [hbm4b:s3+s5], $0x1, s9, s5, $0xb8;
	[tilespmem:$0x3290] =	vst v63  }
0x8c: {  	s9 =	sld [smem:$0x7D3]  }
0x8d: {  	s10 =	sld [smem:$0x7D4]  }
0x8e: {  	[tilespmem:s8], [sflag:$0x1] =	stream.indirect.gather [hbm4b:s3+s5], $0x1, s1, s5, $0xb8;
	[tilespmem:$0x3290] =	vst v63  }
0x8f: {  	s1 =	sld [smem:$0x7D5]  }
0x90: {  	s8 =	sld [smem:$0x7D6]  }
0x91: {  	[tilespmem:s10], [sflag:$0x1] =	stream.indirect.gather [hbm4b:s3+s5], $0x1, s9, s5, $0xb8;
	[tilespmem:$0x3290] =	vst v63  }
0x92: {  	s9 =	sld [smem:$0x7D7]  }
0x93: {  	s10 =	sld [smem:$0x7D8]  }
0x94: {  	[tilespmem:s8], [sflag:$0x1] =	stream.indirect.gather [hbm4b:s3+s5], $0x1, s1, s5, $0xb8;
	[tilespmem:$0x3290] =	vst v63  }
0x95: {  	s1 =	sld [smem:$0x7D9]  }
0x96: {  	s8 =	sld [smem:$0x7DA]  }
0x97: {  	[tilespmem:s10], [sflag:$0x1] =	stream.indirect.gather [hbm4b:s3+s5], $0x1, s9, s5, $0xb8;
	[tilespmem:$0x3290] =	vst v63  }
0x98: {  	s9 =	sld [smem:$0x7DB]  }
0x99: {  	s10 =	sld [smem:$0x7DC]  }
0x9a: {  	[tilespmem:s8], [sflag:$0x1] =	stream.indirect.gather [hbm4b:s3+s5], $0x1, s1, s5, $0xb8;
	[tilespmem:$0x3290] =	vst v63  }
0x9b: {  	s1 =	sld [smem:$0x7DD]  }
0x9c: {  	s8 =	sld [smem:$0x7DE]  }
0x9d: {  	[tilespmem:s10], [sflag:$0x1] =	stream.indirect.gather [hbm4b:s3+s5], $0x1, s9, s5, $0xb8;
	[tilespmem:$0x3290] =	vst v63  }
0x9e: {  	s9 =	sld [smem:$0x7DF]  }
0x9f: {  	s10 =	sld [smem:$0x7E0]  }
0xa0: {  	[tilespmem:s8], [sflag:$0x1] =	stream.indirect.gather [hbm4b:s3+s5], $0x1, s1, s5, $0xb8;
	[tilespmem:$0x3290] =	vst v63  }
0xa1: {  	s1 =	sld [smem:$0x7E1]  }
0xa2: {  	s8 =	sld [smem:$0x7E2]  }
0xa3: {  	[tilespmem:s10], [sflag:$0x1] =	stream.indirect.gather [hbm4b:s3+s5], $0x1, s9, s5, $0xb8;
	[tilespmem:$0x3290] =	vst v63  }
0xa4: {  	s9 =	sld [smem:$0x7E3]  }
0xa5: {  	s10 =	sld [smem:$0x7E4]  }
0xa6: {  	[tilespmem:s8], [sflag:$0x1] =	stream.indirect.gather [hbm4b:s3+s5], $0x1, s1, s5, $0xb8;
	[tilespmem:$0x3290] =	vst v63  }
0xa7: {  	s1 =	sld [smem:$0x7E5]  }
0xa8: {  	s8 =	sld [smem:$0x7E6]  }
0xa9: {  	[tilespmem:s10], [sflag:$0x1] =	stream.indirect.gather [hbm4b:s3+s5], $0x1, s9, s5, $0xb8;
	[tilespmem:$0x3290] =	vst v63  }
0xaa: {  	s9 =	sld [smem:$0x7E7]  }
0xab: {  	s10 =	sld [smem:$0x7E8]  }
0xac: {  	[tilespmem:s8], [sflag:$0x1] =	stream.indirect.gather [hbm4b:s3+s5], $0x1, s1, s5, $0xb8;
	[tilespmem:$0x3290] =	vst v63  }
0xad: {  	s1 =	sld [smem:$0x7E9]  }
0xae: {  	s8 =	sld [smem:$0x7EA]  }
0xaf: {  	[tilespmem:s10], [sflag:$0x1] =	stream.indirect.gather [hbm4b:s3+s5], $0x1, s9, s5, $0xb8;
	[tilespmem:$0x3290] =	vst v63  }
0xb0: {  	s9 =	sld [smem:$0x7EB]  }
0xb1: {  	s10 =	sld [smem:$0x7EC]  }
0xb2: {  	[tilespmem:s8], [sflag:$0x1] =	stream.indirect.gather [hbm4b:s3+s5], $0x1, s1, s5, $0xb8;
	[tilespmem:$0x3290] =	vst v63  }
0xb3: {  	s1 =	sld [smem:$0x7ED]  }
0xb4: {  	s8 =	sld [smem:$0x7EE]  }
0xb5: {  	[tilespmem:s10], [sflag:$0x1] =	stream.indirect.gather [hbm4b:s3+s5], $0x1, s9, s5, $0xb8;
	[tilespmem:$0x3290] =	vst v63  }
0xb6: {  	s9 =	sld [smem:$0x7EF]  }
0xb7: {  	s10 =	sld [smem:$0x7F0]  }
0xb8: {  	[tilespmem:s8], [sflag:$0x1] =	stream.indirect.gather [hbm4b:s3+s5], $0x1, s1, s5, $0xb8;
	[tilespmem:$0x3290] =	vst v63  }
0xb9: {  	s8 =	sld [smem:$0x7F1]  }
0xba: {  	[tilespmem:s10], [sflag:$0x1] =	stream.indirect.gather [hbm4b:s3+s5], $0x1, s9, s5, $0xb8;
	[tilespmem:$0x3290] =	vst v63  }
0xbb: {  	s1 =	sld [smem:$0x7F2]  }
0xbc: {  	[tilespmem:s8], [sflag:$0x1] =	stream.indirect.gather [hbm4b:s3+s5], $0x1, s6, s5, $0xb8;
	[tilespmem:$0x3290] =	vst v63  }
0xbd: {  	s8 =	sld [smem:$0x7F3]  }
0xbe: {  	s9 =	sld [smem:$0x7F4]  }
0xbf: {  	s10 =	sld [smem:$0x7F5]  }
0xc0: {  	[tilespmem:s8], [sflag:$0x1] =	stream.indirect.gather [hbm4b:s3+s5], $0x1, s1, s5, $0xb8;
	[tilespmem:$0x3290] =	vst v63  }
0xc1: {  	s1 =	sld [smem:$0x7F6]  }
0xc2: {  	s8 =	sld [smem:$0x7F7]  }
0xc3: {  	[tilespmem:s10], [sflag:$0x1] =	stream.indirect.gather [hbm4b:s3+s5], $0x1, s9, s5, $0xb8;
	[tilespmem:$0x3290] =	vst v63  }
0xc4: {  	s9 =	sld [smem:$0x7F8]  }
0xc5: {  	s10 =	sld [smem:$0x7F9]  }
0xc6: {  	[tilespmem:s8], [sflag:$0x1] =	stream.indirect.gather [hbm4b:s3+s5], $0x1, s1, s5, $0xb8;
	[tilespmem:$0x3290] =	vst v63  }
0xc7: {  	s1 =	sld [smem:$0x7FA]  }
0xc8: {  	s8 =	sld [smem:$0x7FB]  }
0xc9: {  	[tilespmem:s10], [sflag:$0x1] =	stream.indirect.gather [hbm4b:s3+s5], $0x1, s9, s5, $0xb8;
	[tilespmem:$0x3290] =	vst v63  }
0xca: {  	s9 =	sld [smem:$0x7FC]  }
0xcb: {  	s10 =	sld [smem:$0x7FD]  }
0xcc: {  	[tilespmem:s8], [sflag:$0x1] =	stream.indirect.gather [hbm4b:s3+s5], $0x1, s1, s5, $0xb8;
	[tilespmem:$0x3290] =	vst v63  }
0xcd: {  	_ = 	snop  }
0xce: {  	[tilespmem:s10], [sflag:$0x1] =	stream.indirect.gather [hbm4b:s3+s5], $0x1, s9, s5, $0xb8;
	[tilespmem:$0x3290] =	vst v63  }
0xcf: {  	s9 =	simm.s32 $0x1380;
	s10 =	simm.s32 $0x2C80  }
0xd0: {  	[tilespmem:s10], [sflag:$0x1] =	stream.indirect.gather [hbm4b:s3+s5], $0x1, s9, s5, $0xb8;
	[tilespmem:$0x3290] =	vst v63  }
0xd1: {  	s9 =	simm.s32 $0x1400  }
0xd2: {  	[tilespmem:s11], [sflag:$0x1] =	stream.indirect.gather [hbm4b:s3+s5], $0x1, s9, s5, $0xb8;
	[tilespmem:$0x3290] =	vst v63  }
0xd3: {  	_ = 	snop  }
0xd4: {  	[tilespmem:s13], [sflag:$0x1] =	stream.indirect.gather [hbm4b:s3+s5], $0x1, s12, s5, $0xb8;
	[tilespmem:$0x3290] =	vst v63  }
0xd5: {  	_ = 	snop  }
0xd6: {  	[tilespmem:s15], [sflag:$0x1] =	stream.indirect.gather [hbm4b:s3+s5], $0x1, s14, s5, $0xb8;
	[tilespmem:$0x3290] =	vst v63  }
0xd7: {  	_ = 	snop  }
0xd8: {  	[tilespmem:s17], [sflag:$0x1] =	stream.indirect.gather [hbm4b:s3+s5], $0x1, s16, s5, $0xb8;
	[tilespmem:$0x3290] =	vst v63  }
0xd9: {  	_ = 	snop  }
0xda: {  	[tilespmem:s19], [sflag:$0x1] =	stream.indirect.gather [hbm4b:s3+s5], $0x1, s18, s5, $0xb8;
	[tilespmem:$0x3290] =	vst v63  }
0xdb: {  	_ = 	snop  }
0xdc: {  	[tilespmem:s21], [sflag:$0x1] =	stream.indirect.gather [hbm4b:s3+s5], $0x1, s20, s5, $0xb8;
	[tilespmem:$0x3290] =	vst v63  }
0xdd: {  	_ = 	snop  }
0xde: {  	[tilespmem:s23], [sflag:$0x1] =	stream.indirect.gather [hbm4b:s3+s5], $0x1, s22, s5, $0xb8;
	[tilespmem:$0x3290] =	vst v63  }
0xdf: {  	_ = 	snop  }
0xe0: {  	[tilespmem:s25], [sflag:$0x1] =	stream.indirect.gather [hbm4b:s3+s5], $0x1, s24, s5, $0xb8;
	[tilespmem:$0x3290] =	vst v63  }
0xe1: {  	_ = 	snop  }
0xe2: {  	[tilespmem:s28], [sflag:$0x1] =	stream.indirect.gather [hbm4b:s3+s5], $0x1, s26, s5, $0xb8;
	[tilespmem:$0x3290] =	vst v63  }
0xe3: {  	_ = 	snop  }
0xe4: {  	[tilespmem:s30], [sflag:$0x1] =	stream.indirect.gather [hbm4b:s3+s5], $0x1, s29, s5, $0xb8;
	[tilespmem:$0x3290] =	vst v63  }
0xe5: {  	_ =	swait.ge [sflag:s31], $0x80  }
0xe6: {  	[sflag:s31] =	ssyncset.done $0x0  }
0xe7: {  	[sflag:s31] =	ssyncadd.s32 $0xFFFFFF80  }
0xe8: {  	v4 =	vld [tilespmem:$0x1900]  }
0xe9: {  	v0 =	vld [tilespmem:$0x1960]  }
0xea: {  	v5 =	vld [tilespmem:$0x1910]  }
0xeb: {  	v6 =	vld [tilespmem:$0x1920]  }
0xec: {  	v7 =	vld [tilespmem:$0x1930]  }
0xed: {  	v50 =	vld [tilespmem:$0x1940]  }
0xee: {  	v52 =	vld [tilespmem:$0x1950];
	[tilespmem:$0x1F110] =	vst v0  }
0xef: {  	v63 =	vld [tilespmem:$0x1970];
	_ =	swait.ge [sflag:s31], $0x80  }
0xf0: {  	[sflag:s31] =	ssyncset.done $0x0  }
0xf1: {  	[sflag:s31] =	ssyncadd.s32 $0xFFFFFF80  }
0xf2: {  	v0 =	vld [tilespmem:$0x1980]  }
0xf3: {  	v1 =	vld [tilespmem:$0x1990]  }
0xf4: {  	v2 =	vld [tilespmem:$0x19A0]  }
0xf5: {  	v3 =	vld [tilespmem:$0x19B0]  }
0xf6: {  	v12 =	vld [tilespmem:$0x19C0]  }
0xf7: {  	v13 =	vld [tilespmem:$0x19D0]  }
0xf8: {  	v16 =	vld [tilespmem:$0x19E0]  }
0xf9: {  	v17 =	vld [tilespmem:$0x19F0];
	_ =	swait.ge [sflag:s31], $0x80  }
0xfa: {  	[sflag:s31] =	ssyncset.done $0x0  }
0xfb: {  	[sflag:s31] =	ssyncadd.s32 $0xFFFFFF80  }
0xfc: {  	v8 =	vld [tilespmem:$0x1A00]  }
0xfd: {  	v9 =	vld [tilespmem:$0x1A10]  }
0xfe: {  	v14 =	vld [tilespmem:$0x1A20]  }
0xff: {  	v15 =	vld [tilespmem:$0x1A30]  }
0x100: {  	v18 =	vld [tilespmem:$0x1A40]  }
0x101: {  	v19 =	vld [tilespmem:$0x1A50]  }
0x102: {  	v24 =	vld [tilespmem:$0x1A60]  }
0x103: {  	v25 =	vld [tilespmem:$0x1A70];
	_ =	swait.ge [sflag:s31], $0x80  }
0x104: {  	[sflag:s31] =	ssyncset.done $0x0  }
0x105: {  	[sflag:s31] =	ssyncadd.s32 $0xFFFFFF80  }
0x106: {  	v10 =	vld [tilespmem:$0x1A80]  }
0x107: {  	v11 =	vld [tilespmem:$0x1A90]  }
0x108: {  	v20 =	vld [tilespmem:$0x1AA0]  }
0x109: {  	v21 =	vld [tilespmem:$0x1AB0]  }
0x10a: {  	v26 =	vld [tilespmem:$0x1AC0]  }
0x10b: {  	v27 =	vld [tilespmem:$0x1AD0]  }
0x10c: {  	v32 =	vld [tilespmem:$0x1AE0]  }
0x10d: {  	v33 =	vld [tilespmem:$0x1AF0];
	_ =	swait.ge [sflag:s31], $0x80  }
0x10e: {  	[sflag:s31] =	ssyncset.done $0x0  }
0x10f: {  	[sflag:s31] =	ssyncadd.s32 $0xFFFFFF80  }
0x110: {  	v22 =	vld [tilespmem:$0x1B00]  }
0x111: {  	v23 =	vld [tilespmem:$0x1B10]  }
0x112: {  	v28 =	vld [tilespmem:$0x1B20]  }
0x113: {  	v29 =	vld [tilespmem:$0x1B30]  }
0x114: {  	v34 =	vld [tilespmem:$0x1B40]  }
0x115: {  	v35 =	vld [tilespmem:$0x1B50]  }
0x116: {  	v40 =	vld [tilespmem:$0x1B60]  }
0x117: {  	v41 =	vld [tilespmem:$0x1B70];
	_ =	swait.ge [sflag:s31], $0x80  }
0x118: {  	[sflag:s31] =	ssyncset.done $0x0  }
0x119: {  	[sflag:s31] =	ssyncadd.s32 $0xFFFFFF80  }
0x11a: {  	v30 =	vld [tilespmem:$0x1B80]  }
0x11b: {  	v31 =	vld [tilespmem:$0x1B90]  }
0x11c: {  	v36 =	vld [tilespmem:$0x1BA0]  }
0x11d: {  	v37 =	vld [tilespmem:$0x1BB0]  }
0x11e: {  	v42 =	vld [tilespmem:$0x1BC0]  }
0x11f: {  	v43 =	vld [tilespmem:$0x1BD0]  }
0x120: {  	v53 =	vld [tilespmem:$0x1BE0]  }
0x121: {  	v54 =	vld [tilespmem:$0x1BF0];
	_ =	swait.ge [sflag:s31], $0x80  }
0x122: {  	[sflag:s31] =	ssyncset.done $0x0  }
0x123: {  	[sflag:s31] =	ssyncadd.s32 $0xFFFFFF80  }
0x124: {  	v38 =	vld [tilespmem:$0x1C00]  }
0x125: {  	v46 =	vld [tilespmem:$0x1C60]  }
0x126: {  	v39 =	vld [tilespmem:$0x1C10]  }
0x127: {  	v44 =	vld [tilespmem:$0x1C20]  }
0x128: {  	v45 =	vld [tilespmem:$0x1C30]  }
0x129: {  	v55 =	vld [tilespmem:$0x1C40]  }
0x12a: {  	v56 =	vld [tilespmem:$0x1C50];
	[tilespmem:$0x1F120] =	vst v46  }
0x12b: {  	v60 =	vld [tilespmem:$0x1C70];
	_ =	swait.ge [sflag:s31], $0x80  }
0x12c: {  	[sflag:s31] =	ssyncset.done $0x0  }
0x12d: {  	[sflag:s31] =	ssyncadd.s32 $0xFFFFFF80  }
0x12e: {  	v48 =	vld [tilespmem:$0x1CE0]  }
0x12f: {  	v59 =	vld [tilespmem:$0x1CF0]  }
0x130: {  	v46 =	vld [tilespmem:$0x1C80]  }
0x131: {  	v47 =	vld [tilespmem:$0x1C90]  }
0x132: {  	v57 =	vld [tilespmem:$0x1CA0]  }
0x133: {  	v58 =	vld [tilespmem:$0x1CB0];
	[tilespmem:$0x1F130] =	vst v48  }
0x134: {  	v61 =	vld [tilespmem:$0x1CC0];
	[tilespmem:$0x1F140] =	vst v59  }
0x135: {  	v62 =	vld [tilespmem:$0x1CD0];
	_ =	swait.ge [sflag:s31], $0x80  }
0x136: {  	[sflag:s31] =	ssyncset.done $0x0  }
0x137: {  	[sflag:s31] =	ssyncadd.s32 $0xFFFFFF80  }
0x138: {  	v59 =	vld [tilespmem:$0x1D20];
	_ =	sdelay $0x4  }
0x139: {  	[tilespmem:$0x1F150] =	vst v59;
	v59 =	vld [tilespmem:$0x1D30];
	_ =	sdelay $0x4  }
0x13a: {  	[tilespmem:$0x1F160] =	vst v59;
	v59 =	vld [tilespmem:$0x1D40];
	_ =	sdelay $0x4  }
0x13b: {  	[tilespmem:$0x1F170] =	vst v59;
	v59 =	vld [tilespmem:$0x1D50];
	_ =	sdelay $0x4  }
0x13c: {  	[tilespmem:$0x1F180] =	vst v59;
	v59 =	vld [tilespmem:$0x1D60];
	_ =	sdelay $0x4  }
0x13d: {  	[tilespmem:$0x1F190] =	vst v59;
	v59 =	vld [tilespmem:$0x1D70];
	_ =	sdelay $0x4  }
0x13e: {  	v48 =	vld [tilespmem:$0x1D00];
	[tilespmem:$0x1F1A0] =	vst v59  }
0x13f: {  	v49 =	vld [tilespmem:$0x1D10];
	_ =	swait.ge [sflag:s31], $0x80  }
0x140: {  	[sflag:s31] =	ssyncset.done $0x0  }
0x141: {  	[sflag:s31] =	ssyncadd.s32 $0xFFFFFF80  }
0x142: {  	v59 =	vld [tilespmem:$0x1D80];
	_ =	sdelay $0x4  }
0x143: {  	[tilespmem:$0x1F1B0] =	vst v59;
	v59 =	vld [tilespmem:$0x1D90];
	_ =	sdelay $0x4  }
0x144: {  	[tilespmem:$0x1F1C0] =	vst v59;
	v59 =	vld [tilespmem:$0x1DA0];
	_ =	sdelay $0x4  }
0x145: {  	[tilespmem:$0x1F1D0] =	vst v59;
	v59 =	vld [tilespmem:$0x1DB0];
	_ =	sdelay $0x4  }
0x146: {  	[tilespmem:$0x1F1E0] =	vst v59;
	v59 =	vld [tilespmem:$0x1DC0];
	_ =	sdelay $0x4  }
0x147: {  	[tilespmem:$0x1F1F0] =	vst v59;
	v59 =	vld [tilespmem:$0x1DD0];
	_ =	sdelay $0x4  }
0x148: {  	[tilespmem:$0x1F200] =	vst v59;
	v59 =	vld [tilespmem:$0x1DE0];
	_ =	sdelay $0x4  }
0x149: {  	[tilespmem:$0x1F210] =	vst v59;
	v59 =	vld [tilespmem:$0x1DF0];
	_ =	sdelay $0x4  }
0x14a: {  	[tilespmem:$0x1F220] =	vst v59  }
0x14b: {  	_ =	swait.ge [sflag:s31], $0x80  }
0x14c: {  	[sflag:s31] =	ssyncset.done $0x0  }
0x14d: {  	[sflag:s31] =	ssyncadd.s32 $0xFFFFFF80  }
0x14e: {  	v59 =	vld [tilespmem:$0x1E00];
	_ =	sdelay $0x4  }
0x14f: {  	[tilespmem:$0x1F230] =	vst v59;
	v59 =	vld [tilespmem:$0x1E10];
	_ =	sdelay $0x4  }
0x150: {  	[tilespmem:$0x1F240] =	vst v59;
	v59 =	vld [tilespmem:$0x1E20];
	_ =	sdelay $0x4  }
0x151: {  	[tilespmem:$0x1F250] =	vst v59;
	v59 =	vld [tilespmem:$0x1E30];
	_ =	sdelay $0x4  }
0x152: {  	[tilespmem:$0x1F260] =	vst v59;
	v59 =	vld [tilespmem:$0x1E40];
	_ =	sdelay $0x4  }
0x153: {  	[tilespmem:$0x1F270] =	vst v59;
	v59 =	vld [tilespmem:$0x1E50];
	_ =	sdelay $0x4  }
0x154: {  	[tilespmem:$0x1F280] =	vst v59;
	v59 =	vld [tilespmem:$0x1E60];
	_ =	sdelay $0x4  }
0x155: {  	[tilespmem:$0x1F290] =	vst v59;
	v59 =	vld [tilespmem:$0x1E70];
	_ =	sdelay $0x4  }
0x156: {  	[tilespmem:$0x1F2A0] =	vst v59  }
0x157: {  	_ =	swait.ge [sflag:s31], $0x80  }
0x158: {  	[sflag:s31] =	ssyncset.done $0x0  }
0x159: {  	[sflag:s31] =	ssyncadd.s32 $0xFFFFFF80  }
0x15a: {  	v59 =	vld [tilespmem:$0x1E80];
	_ =	sdelay $0x4  }
0x15b: {  	[tilespmem:$0x1F2B0] =	vst v59;
	v59 =	vld [tilespmem:$0x1E90];
	_ =	sdelay $0x4  }
0x15c: {  	[tilespmem:$0x1F2C0] =	vst v59;
	v59 =	vld [tilespmem:$0x1EA0];
	_ =	sdelay $0x4  }
0x15d: {  	[tilespmem:$0x1F2D0] =	vst v59;
	v59 =	vld [tilespmem:$0x1EB0];
	_ =	sdelay $0x4  }
0x15e: {  	[tilespmem:$0x1F2E0] =	vst v59;
	v59 =	vld [tilespmem:$0x1EC0];
	_ =	sdelay $0x4  }
0x15f: {  	[tilespmem:$0x1F2F0] =	vst v59;
	v59 =	vld [tilespmem:$0x1ED0];
	_ =	sdelay $0x4  }
0x160: {  	[tilespmem:$0x1F300] =	vst v59;
	v59 =	vld [tilespmem:$0x1EE0];
	_ =	sdelay $0x4  }
0x161: {  	[tilespmem:$0x1F310] =	vst v59;
	v59 =	vld [tilespmem:$0x1EF0];
	_ =	sdelay $0x4  }
0x162: {  	[tilespmem:$0x1F320] =	vst v59  }
0x163: {  	_ =	swait.ge [sflag:s31], $0x80  }
0x164: {  	[sflag:s31] =	ssyncset.done $0x0  }
0x165: {  	[sflag:s31] =	ssyncadd.s32 $0xFFFFFF80  }
0x166: {  	v59 =	vld [tilespmem:$0x1F00];
	_ =	sdelay $0x4  }
0x167: {  	[tilespmem:$0x1F330] =	vst v59;
	v59 =	vld [tilespmem:$0x1F10];
	_ =	sdelay $0x4  }
0x168: {  	[tilespmem:$0x1F340] =	vst v59;
	v59 =	vld [tilespmem:$0x1F20];
	_ =	sdelay $0x4  }
0x169: {  	[tilespmem:$0x1F350] =	vst v59;
	v59 =	vld [tilespmem:$0x1F30];
	_ =	sdelay $0x4  }
0x16a: {  	[tilespmem:$0x1F360] =	vst v59;
	v59 =	vld [tilespmem:$0x1F40];
	_ =	sdelay $0x4  }
0x16b: {  	[tilespmem:$0x1F370] =	vst v59;
	v59 =	vld [tilespmem:$0x1F50];
	_ =	sdelay $0x4  }
0x16c: {  	[tilespmem:$0x1F380] =	vst v59;
	v59 =	vld [tilespmem:$0x1F60];
	_ =	sdelay $0x4  }
0x16d: {  	[tilespmem:$0x1F390] =	vst v59;
	v59 =	vld [tilespmem:$0x1F70];
	_ =	sdelay $0x4  }
0x16e: {  	[tilespmem:$0x1F3A0] =	vst v59  }
0x16f: {  	_ =	swait.ge [sflag:s31], $0x80  }
0x170: {  	[sflag:s31] =	ssyncset.done $0x0  }
0x171: {  	[sflag:s31] =	ssyncadd.s32 $0xFFFFFF80  }
0x172: {  	v59 =	vld [tilespmem:$0x1F80];
	_ =	sdelay $0x4  }
0x173: {  	[tilespmem:$0x1F3B0] =	vst v59;
	v59 =	vld [tilespmem:$0x1F90];
	_ =	sdelay $0x4  }
0x174: {  	[tilespmem:$0x1F3C0] =	vst v59;
	v59 =	vld [tilespmem:$0x1FA0];
	_ =	sdelay $0x4  }
0x175: {  	[tilespmem:$0x1F3D0] =	vst v59;
	v59 =	vld [tilespmem:$0x1FB0];
	_ =	sdelay $0x4  }
0x176: {  	[tilespmem:$0x1F3E0] =	vst v59;
	v59 =	vld [tilespmem:$0x1FC0];
	_ =	sdelay $0x4  }
0x177: {  	[tilespmem:$0x1F3F0] =	vst v59;
	v59 =	vld [tilespmem:$0x1FD0];
	_ =	sdelay $0x4  }
0x178: {  	[tilespmem:$0x1F400] =	vst v59;
	v59 =	vld [tilespmem:$0x1FE0];
	_ =	sdelay $0x4  }
0x179: {  	[tilespmem:$0x1F410] =	vst v59;
	v59 =	vld [tilespmem:$0x1FF0];
	_ =	sdelay $0x4  }
0x17a: {  	[tilespmem:$0x1F420] =	vst v59  }
0x17b: {  	_ =	swait.ge [sflag:s31], $0x80  }
0x17c: {  	[sflag:s31] =	ssyncset.done $0x0  }
0x17d: {  	[sflag:s31] =	ssyncadd.s32 $0xFFFFFF80  }
0x17e: {  	v59 =	vld [tilespmem:$0x2000];
	_ =	sdelay $0x4  }
0x17f: {  	[tilespmem:$0x1F430] =	vst v59;
	v59 =	vld [tilespmem:$0x2010];
	_ =	sdelay $0x4  }
0x180: {  	[tilespmem:$0x1F440] =	vst v59;
	v59 =	vld [tilespmem:$0x2020];
	_ =	sdelay $0x4  }
0x181: {  	[tilespmem:$0x1F450] =	vst v59;
	v59 =	vld [tilespmem:$0x2030];
	_ =	sdelay $0x4  }
0x182: {  	[tilespmem:$0x1F460] =	vst v59;
	v59 =	vld [tilespmem:$0x2040];
	_ =	sdelay $0x4  }
0x183: {  	[tilespmem:$0x1F470] =	vst v59;
	v59 =	vld [tilespmem:$0x2050];
	_ =	sdelay $0x4  }
0x184: {  	[tilespmem:$0x1F480] =	vst v59;
	v59 =	vld [tilespmem:$0x2060];
	_ =	sdelay $0x4  }
0x185: {  	[tilespmem:$0x1F490] =	vst v59;
	v59 =	vld [tilespmem:$0x2070];
	_ =	sdelay $0x4  }
0x186: {  	[tilespmem:$0x1F4A0] =	vst v59  }
0x187: {  	_ =	swait.ge [sflag:s31], $0x80  }
0x188: {  	[sflag:s31] =	ssyncset.done $0x0  }
0x189: {  	[sflag:s31] =	ssyncadd.s32 $0xFFFFFF80  }
0x18a: {  	v59 =	vld [tilespmem:$0x2080];
	_ =	sdelay $0x4  }
0x18b: {  	[tilespmem:$0x1F4B0] =	vst v59;
	v59 =	vld [tilespmem:$0x2090];
	_ =	sdelay $0x4  }
0x18c: {  	[tilespmem:$0x1F4C0] =	vst v59;
	v59 =	vld [tilespmem:$0x20A0];
	_ =	sdelay $0x4  }
0x18d: {  	[tilespmem:$0x1F4D0] =	vst v59;
	v59 =	vld [tilespmem:$0x20B0];
	_ =	sdelay $0x4  }
0x18e: {  	[tilespmem:$0x1F4E0] =	vst v59;
	v59 =	vld [tilespmem:$0x20C0];
	_ =	sdelay $0x4  }
0x18f: {  	[tilespmem:$0x1F4F0] =	vst v59;
	v59 =	vld [tilespmem:$0x20D0];
	_ =	sdelay $0x4  }
0x190: {  	[tilespmem:$0x1F500] =	vst v59;
	v59 =	vld [tilespmem:$0x20E0];
	_ =	sdelay $0x4  }
0x191: {  	[tilespmem:$0x1F510] =	vst v59;
	v59 =	vld [tilespmem:$0x20F0];
	_ =	sdelay $0x4  }
0x192: {  	[tilespmem:$0x1F520] =	vst v59  }
0x193: {  	_ =	swait.ge [sflag:s31], $0x80  }
0x194: {  	[sflag:s31] =	ssyncset.done $0x0  }
0x195: {  	[sflag:s31] =	ssyncadd.s32 $0xFFFFFF80  }
0x196: {  	v59 =	vld [tilespmem:$0x2100];
	_ =	sdelay $0x4  }
0x197: {  	[tilespmem:$0x1F530] =	vst v59;
	v59 =	vld [tilespmem:$0x2110];
	_ =	sdelay $0x4  }
0x198: {  	[tilespmem:$0x1F540] =	vst v59;
	v59 =	vld [tilespmem:$0x2120];
	_ =	sdelay $0x4  }
0x199: {  	[tilespmem:$0x1F550] =	vst v59;
	v59 =	vld [tilespmem:$0x2130];
	_ =	sdelay $0x4  }
0x19a: {  	[tilespmem:$0x1F560] =	vst v59;
	v59 =	vld [tilespmem:$0x2140];
	_ =	sdelay $0x4  }
0x19b: {  	[tilespmem:$0x1F570] =	vst v59;
	v59 =	vld [tilespmem:$0x2150];
	_ =	sdelay $0x4  }
0x19c: {  	[tilespmem:$0x1F580] =	vst v59;
	v59 =	vld [tilespmem:$0x2160];
	_ =	sdelay $0x4  }
0x19d: {  	[tilespmem:$0x1F590] =	vst v59;
	v59 =	vld [tilespmem:$0x2170];
	_ =	sdelay $0x4  }
0x19e: {  	[tilespmem:$0x1F5A0] =	vst v59  }
0x19f: {  	_ =	swait.ge [sflag:s31], $0x80  }
0x1a0: {  	[sflag:s31] =	ssyncset.done $0x0  }
0x1a1: {  	[sflag:s31] =	ssyncadd.s32 $0xFFFFFF80  }
0x1a2: {  	v59 =	vld [tilespmem:$0x2180];
	_ =	sdelay $0x4  }
0x1a3: {  	[tilespmem:$0x1F5B0] =	vst v59;
	v59 =	vld [tilespmem:$0x2190];
	_ =	sdelay $0x4  }
0x1a4: {  	[tilespmem:$0x1F5C0] =	vst v59;
	v59 =	vld [tilespmem:$0x21A0];
	_ =	sdelay $0x4  }
0x1a5: {  	[tilespmem:$0x1F5D0] =	vst v59;
	v59 =	vld [tilespmem:$0x21B0];
	_ =	sdelay $0x4  }
0x1a6: {  	[tilespmem:$0x1F5E0] =	vst v59;
	v59 =	vld [tilespmem:$0x21C0];
	_ =	sdelay $0x4  }
0x1a7: {  	[tilespmem:$0x1F5F0] =	vst v59;
	v59 =	vld [tilespmem:$0x21D0];
	_ =	sdelay $0x4  }
0x1a8: {  	[tilespmem:$0x1F600] =	vst v59;
	v59 =	vld [tilespmem:$0x21E0];
	_ =	sdelay $0x4  }
0x1a9: {  	[tilespmem:$0x1F610] =	vst v59;
	v59 =	vld [tilespmem:$0x21F0];
	_ =	sdelay $0x4  }
0x1aa: {  	[tilespmem:$0x1F620] =	vst v59  }
0x1ab: {  	_ =	swait.ge [sflag:s31], $0x80  }
0x1ac: {  	[sflag:s31] =	ssyncset.done $0x0  }
0x1ad: {  	[sflag:s31] =	ssyncadd.s32 $0xFFFFFF80  }
0x1ae: {  	v59 =	vld [tilespmem:$0x2200];
	_ =	sdelay $0x4  }
0x1af: {  	[tilespmem:$0x1F630] =	vst v59;
	v59 =	vld [tilespmem:$0x2210];
	_ =	sdelay $0x4  }
0x1b0: {  	[tilespmem:$0x1F640] =	vst v59;
	v59 =	vld [tilespmem:$0x2220];
	_ =	sdelay $0x4  }
0x1b1: {  	[tilespmem:$0x1F650] =	vst v59;
	v59 =	vld [tilespmem:$0x2230];
	_ =	sdelay $0x4  }
0x1b2: {  	[tilespmem:$0x1F660] =	vst v59;
	v59 =	vld [tilespmem:$0x2240];
	_ =	sdelay $0x4  }
0x1b3: {  	[tilespmem:$0x1F670] =	vst v59;
	v59 =	vld [tilespmem:$0x2250];
	_ =	sdelay $0x4  }
0x1b4: {  	[tilespmem:$0x1F680] =	vst v59;
	v59 =	vld [tilespmem:$0x2260];
	_ =	sdelay $0x4  }
0x1b5: {  	[tilespmem:$0x1F690] =	vst v59;
	v59 =	vld [tilespmem:$0x2270];
	_ =	sdelay $0x4  }
0x1b6: {  	[tilespmem:$0x1F6A0] =	vst v59  }
0x1b7: {  	_ =	swait.ge [sflag:s31], $0x80  }
0x1b8: {  	[sflag:s31] =	ssyncset.done $0x0  }
0x1b9: {  	[sflag:s31] =	ssyncadd.s32 $0xFFFFFF80  }
0x1ba: {  	v59 =	vld [tilespmem:$0x2280];
	_ =	sdelay $0x4  }
0x1bb: {  	[tilespmem:$0x1F6B0] =	vst v59;
	v59 =	vld [tilespmem:$0x2290];
	_ =	sdelay $0x4  }
0x1bc: {  	[tilespmem:$0x1F6C0] =	vst v59;
	v59 =	vld [tilespmem:$0x22A0];
	_ =	sdelay $0x4  }
0x1bd: {  	[tilespmem:$0x1F6D0] =	vst v59;
	v59 =	vld [tilespmem:$0x22B0];
	_ =	sdelay $0x4  }
0x1be: {  	[tilespmem:$0x1F6E0] =	vst v59;
	v59 =	vld [tilespmem:$0x22C0];
	_ =	sdelay $0x4  }
0x1bf: {  	[tilespmem:$0x1F6F0] =	vst v59;
	v59 =	vld [tilespmem:$0x22D0];
	_ =	sdelay $0x4  }
0x1c0: {  	[tilespmem:$0x1F700] =	vst v59;
	v59 =	vld [tilespmem:$0x22E0];
	_ =	sdelay $0x4  }
0x1c1: {  	[tilespmem:$0x1F710] =	vst v59;
	v59 =	vld [tilespmem:$0x22F0];
	_ =	sdelay $0x4  }
0x1c2: {  	[tilespmem:$0x1F720] =	vst v59  }
0x1c3: {  	_ =	swait.ge [sflag:s31], $0x80  }
0x1c4: {  	[sflag:s31] =	ssyncset.done $0x0  }
0x1c5: {  	[sflag:s31] =	ssyncadd.s32 $0xFFFFFF80  }
0x1c6: {  	v59 =	vld [tilespmem:$0x2300];
	_ =	sdelay $0x4  }
0x1c7: {  	[tilespmem:$0x1F730] =	vst v59;
	v59 =	vld [tilespmem:$0x2310];
	_ =	sdelay $0x4  }
0x1c8: {  	[tilespmem:$0x1F740] =	vst v59;
	v59 =	vld [tilespmem:$0x2320];
	_ =	sdelay $0x4  }
0x1c9: {  	[tilespmem:$0x1F750] =	vst v59;
	v59 =	vld [tilespmem:$0x2330];
	_ =	sdelay $0x4  }
0x1ca: {  	[tilespmem:$0x1F760] =	vst v59;
	v59 =	vld [tilespmem:$0x2340];
	_ =	sdelay $0x4  }
0x1cb: {  	[tilespmem:$0x1F770] =	vst v59;
	v59 =	vld [tilespmem:$0x2350];
	_ =	sdelay $0x4  }
0x1cc: {  	[tilespmem:$0x1F780] =	vst v59;
	v59 =	vld [tilespmem:$0x2360];
	_ =	sdelay $0x4  }
0x1cd: {  	[tilespmem:$0x1F790] =	vst v59;
	v59 =	vld [tilespmem:$0x2370];
	_ =	sdelay $0x4  }
0x1ce: {  	[tilespmem:$0x1F7A0] =	vst v59  }
0x1cf: {  	_ =	swait.ge [sflag:s31], $0x80  }
0x1d0: {  	[sflag:s31] =	ssyncset.done $0x0  }
0x1d1: {  	[sflag:s31] =	ssyncadd.s32 $0xFFFFFF80  }
0x1d2: {  	v59 =	vld [tilespmem:$0x2380];
	_ =	sdelay $0x4  }
0x1d3: {  	[tilespmem:$0x1F7B0] =	vst v59;
	v59 =	vld [tilespmem:$0x2390];
	_ =	sdelay $0x4  }
0x1d4: {  	[tilespmem:$0x1F7C0] =	vst v59;
	v59 =	vld [tilespmem:$0x23A0];
	_ =	sdelay $0x4  }
0x1d5: {  	[tilespmem:$0x1F7D0] =	vst v59;
	v59 =	vld [tilespmem:$0x23B0];
	_ =	sdelay $0x4  }
0x1d6: {  	[tilespmem:$0x1F7E0] =	vst v59;
	v59 =	vld [tilespmem:$0x23C0];
	_ =	sdelay $0x4  }
0x1d7: {  	[tilespmem:$0x1F7F0] =	vst v59;
	v59 =	vld [tilespmem:$0x23D0];
	_ =	sdelay $0x4  }
0x1d8: {  	[tilespmem:$0x1F800] =	vst v59;
	v59 =	vld [tilespmem:$0x23E0];
	_ =	sdelay $0x4  }
0x1d9: {  	[tilespmem:$0x1F810] =	vst v59;
	v59 =	vld [tilespmem:$0x23F0];
	_ =	sdelay $0x4  }
0x1da: {  	[tilespmem:$0x1F820] =	vst v59  }
0x1db: {  	_ =	swait.ge [sflag:s31], $0x80  }
0x1dc: {  	[sflag:s31] =	ssyncset.done $0x0  }
0x1dd: {  	[sflag:s31] =	ssyncadd.s32 $0xFFFFFF80  }
0x1de: {  	v59 =	vld [tilespmem:$0x2400];
	_ =	sdelay $0x4  }
0x1df: {  	[tilespmem:$0x1F830] =	vst v59;
	v59 =	vld [tilespmem:$0x2410];
	_ =	sdelay $0x4  }
0x1e0: {  	[tilespmem:$0x1F840] =	vst v59;
	v59 =	vld [tilespmem:$0x2420];
	_ =	sdelay $0x4  }
0x1e1: {  	[tilespmem:$0x1F850] =	vst v59;
	v59 =	vld [tilespmem:$0x2430];
	_ =	sdelay $0x4  }
0x1e2: {  	[tilespmem:$0x1F860] =	vst v59;
	v59 =	vld [tilespmem:$0x2440];
	_ =	sdelay $0x4  }
0x1e3: {  	[tilespmem:$0x1F870] =	vst v59;
	v59 =	vld [tilespmem:$0x2450];
	_ =	sdelay $0x4  }
0x1e4: {  	[tilespmem:$0x1F880] =	vst v59;
	v59 =	vld [tilespmem:$0x2460];
	_ =	sdelay $0x4  }
0x1e5: {  	[tilespmem:$0x1F890] =	vst v59;
	v59 =	vld [tilespmem:$0x2470];
	_ =	sdelay $0x4  }
0x1e6: {  	[tilespmem:$0x1F8A0] =	vst v59  }
0x1e7: {  	_ =	swait.ge [sflag:s31], $0x80  }
0x1e8: {  	[sflag:s31] =	ssyncset.done $0x0  }
0x1e9: {  	[sflag:s31] =	ssyncadd.s32 $0xFFFFFF80  }
0x1ea: {  	v59 =	vld [tilespmem:$0x2480];
	_ =	sdelay $0x4  }
0x1eb: {  	[tilespmem:$0x1F8B0] =	vst v59;
	v59 =	vld [tilespmem:$0x2490];
	_ =	sdelay $0x4  }
0x1ec: {  	[tilespmem:$0x1F8C0] =	vst v59;
	v59 =	vld [tilespmem:$0x24A0];
	_ =	sdelay $0x4  }
0x1ed: {  	[tilespmem:$0x1F8D0] =	vst v59;
	v59 =	vld [tilespmem:$0x24B0];
	_ =	sdelay $0x4  }
0x1ee: {  	[tilespmem:$0x1F8E0] =	vst v59;
	v59 =	vld [tilespmem:$0x24C0];
	_ =	sdelay $0x4  }
0x1ef: {  	[tilespmem:$0x1F8F0] =	vst v59;
	v59 =	vld [tilespmem:$0x24D0];
	_ =	sdelay $0x4  }
0x1f0: {  	[tilespmem:$0x1F900] =	vst v59;
	v59 =	vld [tilespmem:$0x24E0];
	_ =	sdelay $0x4  }
0x1f1: {  	[tilespmem:$0x1F910] =	vst v59;
	v59 =	vld [tilespmem:$0x24F0];
	_ =	sdelay $0x4  }
0x1f2: {  	[tilespmem:$0x1F920] =	vst v59  }
0x1f3: {  	_ =	swait.ge [sflag:s31], $0x80  }
0x1f4: {  	[sflag:s31] =	ssyncset.done $0x0  }
0x1f5: {  	[sflag:s31] =	ssyncadd.s32 $0xFFFFFF80  }
0x1f6: {  	v59 =	vld [tilespmem:$0x2500];
	_ =	sdelay $0x4  }
0x1f7: {  	[tilespmem:$0x1F930] =	vst v59;
	v59 =	vld [tilespmem:$0x2510];
	_ =	sdelay $0x4  }
0x1f8: {  	[tilespmem:$0x1F940] =	vst v59;
	v59 =	vld [tilespmem:$0x2520];
	_ =	sdelay $0x4  }
0x1f9: {  	[tilespmem:$0x1F950] =	vst v59;
	v59 =	vld [tilespmem:$0x2530];
	_ =	sdelay $0x4  }
0x1fa: {  	[tilespmem:$0x1F960] =	vst v59;
	v59 =	vld [tilespmem:$0x2540];
	_ =	sdelay $0x4  }
0x1fb: {  	[tilespmem:$0x1F970] =	vst v59;
	v59 =	vld [tilespmem:$0x2550];
	_ =	sdelay $0x4  }
0x1fc: {  	[tilespmem:$0x1F980] =	vst v59;
	v59 =	vld [tilespmem:$0x2560];
	_ =	sdelay $0x4  }
0x1fd: {  	[tilespmem:$0x1F990] =	vst v59;
	v59 =	vld [tilespmem:$0x2570];
	_ =	sdelay $0x4  }
0x1fe: {  	[tilespmem:$0x1F9A0] =	vst v59  }
0x1ff: {  	_ =	swait.ge [sflag:s31], $0x80  }
0x200: {  	[sflag:s31] =	ssyncset.done $0x0  }
0x201: {  	[sflag:s31] =	ssyncadd.s32 $0xFFFFFF80  }
0x202: {  	v59 =	vld [tilespmem:$0x2580];
	_ =	sdelay $0x4  }
0x203: {  	[tilespmem:$0x1F9B0] =	vst v59;
	v59 =	vld [tilespmem:$0x2590];
	_ =	sdelay $0x4  }
0x204: {  	[tilespmem:$0x1F9C0] =	vst v59;
	v59 =	vld [tilespmem:$0x25A0];
	_ =	sdelay $0x4  }
0x205: {  	[tilespmem:$0x1F9D0] =	vst v59;
	v59 =	vld [tilespmem:$0x25B0];
	_ =	sdelay $0x4  }
0x206: {  	[tilespmem:$0x1F9E0] =	vst v59;
	v59 =	vld [tilespmem:$0x25C0];
	_ =	sdelay $0x4  }
0x207: {  	[tilespmem:$0x1F9F0] =	vst v59;
	v59 =	vld [tilespmem:$0x25D0];
	_ =	sdelay $0x4  }
0x208: {  	[tilespmem:$0x1FA00] =	vst v59;
	v59 =	vld [tilespmem:$0x25E0];
	_ =	sdelay $0x4  }
0x209: {  	[tilespmem:$0x1FA10] =	vst v59;
	v59 =	vld [tilespmem:$0x25F0];
	_ =	sdelay $0x4  }
0x20a: {  	[tilespmem:$0x1FA20] =	vst v59  }
0x20b: {  	_ =	swait.ge [sflag:s31], $0x80  }
0x20c: {  	[sflag:s31] =	ssyncset.done $0x0  }
0x20d: {  	[sflag:s31] =	ssyncadd.s32 $0xFFFFFF80  }
0x20e: {  	v59 =	vld [tilespmem:$0x2600];
	_ =	sdelay $0x4  }
0x20f: {  	[tilespmem:$0x1FA30] =	vst v59;
	v59 =	vld [tilespmem:$0x2610];
	_ =	sdelay $0x4  }
0x210: {  	[tilespmem:$0x1FA40] =	vst v59;
	v59 =	vld [tilespmem:$0x2620];
	_ =	sdelay $0x4  }
0x211: {  	[tilespmem:$0x1FA50] =	vst v59;
	v59 =	vld [tilespmem:$0x2630];
	_ =	sdelay $0x4  }
0x212: {  	[tilespmem:$0x1FA60] =	vst v59;
	v59 =	vld [tilespmem:$0x2640];
	_ =	sdelay $0x4  }
0x213: {  	[tilespmem:$0x1FA70] =	vst v59;
	v59 =	vld [tilespmem:$0x2650];
	_ =	sdelay $0x4  }
0x214: {  	[tilespmem:$0x1FA80] =	vst v59;
	v59 =	vld [tilespmem:$0x2660];
	_ =	sdelay $0x4  }
0x215: {  	[tilespmem:$0x1FA90] =	vst v59;
	v59 =	vld [tilespmem:$0x2670];
	_ =	sdelay $0x4  }
0x216: {  	[tilespmem:$0x1FAA0] =	vst v59  }
0x217: {  	_ =	swait.ge [sflag:s31], $0x80  }
0x218: {  	[sflag:s31] =	ssyncset.done $0x0  }
0x219: {  	[sflag:s31] =	ssyncadd.s32 $0xFFFFFF80  }
0x21a: {  	v59 =	vld [tilespmem:$0x2680];
	_ =	sdelay $0x4  }
0x21b: {  	[tilespmem:$0x1FAB0] =	vst v59;
	v59 =	vld [tilespmem:$0x2690];
	_ =	sdelay $0x4  }
0x21c: {  	[tilespmem:$0x1FAC0] =	vst v59;
	v59 =	vld [tilespmem:$0x26A0];
	_ =	sdelay $0x4  }
0x21d: {  	[tilespmem:$0x1FAD0] =	vst v59;
	v59 =	vld [tilespmem:$0x26B0];
	_ =	sdelay $0x4  }
0x21e: {  	[tilespmem:$0x1FAE0] =	vst v59;
	v59 =	vld [tilespmem:$0x26C0];
	_ =	sdelay $0x4  }
0x21f: {  	[tilespmem:$0x1FAF0] =	vst v59;
	v59 =	vld [tilespmem:$0x26D0];
	_ =	sdelay $0x4  }
0x220: {  	[tilespmem:$0x1FB00] =	vst v59;
	v59 =	vld [tilespmem:$0x26E0];
	_ =	sdelay $0x4  }
0x221: {  	[tilespmem:$0x1FB10] =	vst v59;
	v59 =	vld [tilespmem:$0x26F0];
	_ =	sdelay $0x4  }
0x222: {  	[tilespmem:$0x1FB20] =	vst v59  }
0x223: {  	_ =	swait.ge [sflag:s31], $0x80  }
0x224: {  	[sflag:s31] =	ssyncset.done $0x0  }
0x225: {  	[sflag:s31] =	ssyncadd.s32 $0xFFFFFF80  }
0x226: {  	v59 =	vld [tilespmem:$0x2700];
	_ =	sdelay $0x4  }
0x227: {  	[tilespmem:$0x1FB30] =	vst v59;
	v59 =	vld [tilespmem:$0x2710];
	_ =	sdelay $0x4  }
0x228: {  	[tilespmem:$0x1FB40] =	vst v59;
	v59 =	vld [tilespmem:$0x2720];
	_ =	sdelay $0x4  }
0x229: {  	[tilespmem:$0x1FB50] =	vst v59;
	v59 =	vld [tilespmem:$0x2730];
	_ =	sdelay $0x4  }
0x22a: {  	[tilespmem:$0x1FB60] =	vst v59;
	v59 =	vld [tilespmem:$0x2740];
	_ =	sdelay $0x4  }
0x22b: {  	[tilespmem:$0x1FB70] =	vst v59;
	v59 =	vld [tilespmem:$0x2750];
	_ =	sdelay $0x4  }
0x22c: {  	[tilespmem:$0x1FB80] =	vst v59;
	v59 =	vld [tilespmem:$0x2760];
	_ =	sdelay $0x4  }
0x22d: {  	[tilespmem:$0x1FB90] =	vst v59;
	v59 =	vld [tilespmem:$0x2770];
	_ =	sdelay $0x4  }
0x22e: {  	[tilespmem:$0x1FBA0] =	vst v59  }
0x22f: {  	_ =	swait.ge [sflag:s31], $0x80  }
0x230: {  	[sflag:s31] =	ssyncset.done $0x0  }
0x231: {  	[sflag:s31] =	ssyncadd.s32 $0xFFFFFF80  }
0x232: {  	v59 =	vld [tilespmem:$0x2780];
	_ =	sdelay $0x4  }
0x233: {  	[tilespmem:$0x1FBB0] =	vst v59;
	v59 =	vld [tilespmem:$0x2790];
	_ =	sdelay $0x4  }
0x234: {  	[tilespmem:$0x1FBC0] =	vst v59;
	v59 =	vld [tilespmem:$0x27A0];
	_ =	sdelay $0x4  }
0x235: {  	[tilespmem:$0x1FBD0] =	vst v59;
	v59 =	vld [tilespmem:$0x27B0];
	_ =	sdelay $0x4  }
0x236: {  	[tilespmem:$0x1FBE0] =	vst v59;
	v59 =	vld [tilespmem:$0x27C0];
	_ =	sdelay $0x4  }
0x237: {  	[tilespmem:$0x1FBF0] =	vst v59;
	v59 =	vld [tilespmem:$0x27D0];
	_ =	sdelay $0x4  }
0x238: {  	[tilespmem:$0x1FC00] =	vst v59;
	v59 =	vld [tilespmem:$0x27E0];
	_ =	sdelay $0x4  }
0x239: {  	[tilespmem:$0x1FC10] =	vst v59;
	v59 =	vld [tilespmem:$0x27F0];
	_ =	sdelay $0x4  }
0x23a: {  	[tilespmem:$0x1FC20] =	vst v59  }
0x23b: {  	_ =	swait.ge [sflag:s31], $0x80  }
0x23c: {  	[sflag:s31] =	ssyncset.done $0x0  }
0x23d: {  	[sflag:s31] =	ssyncadd.s32 $0xFFFFFF80  }
0x23e: {  	v59 =	vld [tilespmem:$0x2800];
	_ =	sdelay $0x4  }
0x23f: {  	[tilespmem:$0x1FC30] =	vst v59;
	v59 =	vld [tilespmem:$0x2810];
	_ =	sdelay $0x4  }
0x240: {  	[tilespmem:$0x1FC40] =	vst v59;
	v59 =	vld [tilespmem:$0x2820];
	_ =	sdelay $0x4  }
0x241: {  	[tilespmem:$0x1FC50] =	vst v59;
	v59 =	vld [tilespmem:$0x2830];
	_ =	sdelay $0x4  }
0x242: {  	[tilespmem:$0x1FC60] =	vst v59;
	v59 =	vld [tilespmem:$0x2840];
	_ =	sdelay $0x4  }
0x243: {  	[tilespmem:$0x1FC70] =	vst v59  }
0x244: {  	v59 =	vld [tilespmem:$0x2850];
	_ =	sdelay $0x4  }
0x245: {  	[tilespmem:$0x1FC80] =	vst v59;
	v59 =	vld [tilespmem:$0x2860];
	_ =	sdelay $0x4  }
0x246: {  	[tilespmem:$0x1FC90] =	vst v59;
	v59 =	vld [tilespmem:$0x2870];
	_ =	sdelay $0x4  }
0x247: {  	[tilespmem:$0x1FCA0] =	vst v59  }
0x248: {  	_ =	swait.ge [sflag:s31], $0x80  }
0x249: {  	[sflag:s31] =	ssyncset.done $0x0  }
0x24a: {  	[sflag:s31] =	ssyncadd.s32 $0xFFFFFF80  }
0x24b: {  	v59 =	vld [tilespmem:$0x2880];
	_ =	sdelay $0x4  }
0x24c: {  	[tilespmem:$0x1FCB0] =	vst v59;
	v59 =	vld [tilespmem:$0x2890];
	_ =	sdelay $0x4  }
0x24d: {  	[tilespmem:$0x1FCC0] =	vst v59;
	v59 =	vld [tilespmem:$0x28A0];
	_ =	sdelay $0x4  }
0x24e: {  	[tilespmem:$0x1FCD0] =	vst v59;
	v59 =	vld [tilespmem:$0x28B0];
	_ =	sdelay $0x4  }
0x24f: {  	[tilespmem:$0x1FCE0] =	vst v59;
	v59 =	vld [tilespmem:$0x28C0];
	_ =	sdelay $0x4  }
0x250: {  	[tilespmem:$0x1FCF0] =	vst v59;
	v59 =	vld [tilespmem:$0x28D0];
	_ =	sdelay $0x4  }
0x251: {  	[tilespmem:$0x1FD00] =	vst v59;
	v59 =	vld [tilespmem:$0x28E0];
	_ =	sdelay $0x4  }
0x252: {  	[tilespmem:$0x1FD10] =	vst v59;
	v59 =	vld [tilespmem:$0x28F0];
	_ =	sdelay $0x4  }
0x253: {  	[tilespmem:$0x1FD20] =	vst v59  }
0x254: {  	_ =	swait.ge [sflag:s31], $0x80  }
0x255: {  	[sflag:s31] =	ssyncset.done $0x0  }
0x256: {  	[sflag:s31] =	ssyncadd.s32 $0xFFFFFF80  }
0x257: {  	v59 =	vld [tilespmem:$0x2900];
	_ =	sdelay $0x4  }
0x258: {  	[tilespmem:$0x1FD30] =	vst v59;
	v59 =	vld [tilespmem:$0x2910];
	_ =	sdelay $0x1  }
0x259: {  	v4 =	vadd.f32 $0.0e+00, v4;
	_ =	sdelay $0x1  }
0x25a: {  	v0 =	vadd.f32 v0, v4;
	v4 =	vadd.f32 $0.0e+00, v50;
	v50 =	vld [tilespmem:$0x2920]  }
0x25b: {  	v5 =	vadd.f32 $0.0e+00, v5;
	[tilespmem:$0x1FD40] =	vst v59;
	v59 =	vadd.f32 $0.0e+00, v63;
	v63 =	vld [tilespmem:$0x2930]  }
0x25c: {  	v6 =	vadd.f32 $0.0e+00, v6  }
0x25d: {  	v1 =	vadd.f32 v1, v5;
	v5 =	vadd.f32 $0.0e+00, v52;
	v52 =	vld [tilespmem:$0x1F110]  }
0x25e: {  	v4 =	vadd.f32 v12, v4;
	v12 =	vld [tilespmem:$0x2940]  }
0x25f: {  	v2 =	vadd.f32 v2, v6;
	v5 =	vadd.f32 v13, v5;
	v13 =	vld [tilespmem:$0x2950];
	[tilespmem:$0x1FD50] =	vst v50  }
0x260: {  	v1 =	vadd.f32 v9, v1;
	v9 =	vld [tilespmem:$0x2960];
	[tilespmem:$0x1FD60] =	vst v63  }
0x261: {  	v2 =	vadd.f32 v14, v2;
	v14 =	vld [tilespmem:$0x2970];
	_ =	swait.ge [sflag:s31], $0x80  }
0x262: {  	v7 =	vadd.f32 $0.0e+00, v7;
	v0 =	vadd.f32 v8, v0;
	[sflag:s31] =	ssyncset.done $0x0  }
0x263: {  	[sflag:s31] =	ssyncadd.s32 $0xFFFFFF80  }
0x264: {  	v3 =	vadd.f32 v3, v7;
	v0 =	vadd.f32 v10, v0;
	v10 =	vld [tilespmem:$0x2980]  }
0x265: {  	v1 =	vadd.f32 v11, v1;
	v6 =	vadd.f32 $0.0e+00, v52;
	v11 =	vld [tilespmem:$0x2990]  }
0x266: {  	v3 =	vadd.f32 v15, v3;
	v15 =	vld [tilespmem:$0x29A0]  }
0x267: {  	v6 =	vadd.f32 v16, v6;
	v16 =	vld [tilespmem:$0x29B0]  }
0x268: {  	v7 =	vadd.f32 v17, v59;
	v17 =	vld [tilespmem:$0x29C0]  }
0x269: {  	v4 =	vadd.f32 v18, v4;
	v18 =	vld [tilespmem:$0x29D0]  }
0x26a: {  	v5 =	vadd.f32 v19, v5;
	v19 =	vld [tilespmem:$0x29E0]  }
0x26b: {  	v2 =	vadd.f32 v20, v2;
	v20 =	vld [tilespmem:$0x29F0];
	_ =	swait.ge [sflag:s31], $0x80  }
0x26c: {  	v1 =	vadd.f32 v23, v1;
	[sflag:s31] =	ssyncset.done $0x0  }
0x26d: {  	v3 =	vadd.f32 v21, v3;
	v6 =	vadd.f32 v24, v6;
	[sflag:s31] =	ssyncadd.s32 $0xFFFFFF80  }
0x26e: {  	v4 =	vadd.f32 v26, v4;
	v1 =	vadd.f32 v31, v1;
	v31 =	vld [tilespmem:$0x2A10]  }
0x26f: {  	v5 =	vadd.f32 v27, v5;
	v6 =	vadd.f32 v32, v6;
	v32 =	vld [tilespmem:$0x2A20]  }
0x270: {  	v2 =	vadd.f32 v28, v2;
	v4 =	vadd.f32 v34, v4;
	v34 =	vld [tilespmem:$0x2A30]  }
0x271: {  	v3 =	vadd.f32 v29, v3;
	v5 =	vadd.f32 v35, v5;
	v35 =	vld [tilespmem:$0x2A40]  }
0x272: {  	v2 =	vadd.f32 v36, v2;
	v36 =	vld [tilespmem:$0x2A50]  }
0x273: {  	v3 =	vadd.f32 v37, v3;
	v37 =	vld [tilespmem:$0x2A60];
	[tilespmem:$0x1FD70] =	vst v31  }
0x274: {  	v0 =	vadd.f32 v22, v0;
	v6 =	vadd.f32 v40, v6;
	v40 =	vld [tilespmem:$0x2A70];
	[tilespmem:$0x1FD80] =	vst v32  }
0x275: {  	v7 =	vadd.f32 v25, v7;
	[tilespmem:$0x1FD90] =	vst v34  }
0x276: {  	v0 =	vadd.f32 v30, v0;
	[tilespmem:$0x1FDA0] =	vst v35  }
0x277: {  	v7 =	vadd.f32 v33, v7;
	v33 =	vld [tilespmem:$0x1F120];
	[tilespmem:$0x1FDB0] =	vst v36  }
0x278: {  	v0 =	vadd.f32 v38, v0;
	v38 =	vld [tilespmem:$0x1F130];
	[tilespmem:$0x1FDC0] =	vst v37  }
0x279: {  	v1 =	vadd.f32 v39, v1;
	v39 =	vld [tilespmem:$0x1F140];
	[tilespmem:$0x1FDD0] =	vst v40  }
0x27a: {  	v21 =	vld [tilespmem:$0x2A00];
	_ =	swait.ge [sflag:s31], $0x80  }
0x27b: {  	v7 =	vadd.f32 v41, v7;
	v41 =	vld [tilespmem:$0x1F150]  }
0x27c: {  	v4 =	vadd.f32 v42, v4;
	v42 =	vld [tilespmem:$0x1F160]  }
0x27d: {  	v5 =	vadd.f32 v43, v5;
	v43 =	vld [tilespmem:$0x1F170]  }
0x27e: {  	v2 =	vadd.f32 v44, v2;
	v44 =	vld [tilespmem:$0x1F180]  }
0x27f: {  	v3 =	vadd.f32 v45, v3;
	v0 =	vadd.f32 v46, v0;
	v45 =	vld [tilespmem:$0x1F190]  }
0x280: {  	v1 =	vadd.f32 v47, v1;
	v46 =	vld [tilespmem:$0x1F1A0]  }
0x281: {  	v0 =	vadd.f32 v48, v0;
	v48 =	vld [tilespmem:$0x1F1B0]  }
0x282: {  	v1 =	vadd.f32 v49, v1;
	v49 =	vld [tilespmem:$0x1F1C0]  }
0x283: {  	v52 =	vld [tilespmem:$0x1F1D0]  }
0x284: {  	v6 =	vadd.f32 v53, v6;
	v53 =	vld [tilespmem:$0x1F1E0]  }
0x285: {  	v4 =	vadd.f32 v55, v4;
	v55 =	vld [tilespmem:$0x1F1F0]  }
0x286: {  	v5 =	vadd.f32 v56, v5;
	v56 =	vld [tilespmem:$0x1F200]  }
0x287: {  	v3 =	vadd.f32 v58, v3;
	v58 =	vld [tilespmem:$0x1F210]  }
0x288: {  	v59 =	vld [tilespmem:$0x1F220]  }
0x289: {  	v4 =	vadd.f32 v61, v4;
	[sflag:s31] =	ssyncset.done $0x0;
	v61 =	vld [tilespmem:$0x1F230]  }
0x28a: {  	v5 =	vadd.f32 v62, v5;
	v62 =	vld [tilespmem:$0x1F240];
	[sflag:s31] =	ssyncadd.s32 $0xFFFFFF80  }
0x28b: {  	v47 =	vld [tilespmem:$0x2A80]  }
0x28c: {  	v50 =	vld [tilespmem:$0x2A90]  }
0x28d: {  	v7 =	vadd.f32 v54, v7;
	v54 =	vld [tilespmem:$0x2AA0]  }
0x28e: {  	v2 =	vadd.f32 v57, v2;
	v57 =	vld [tilespmem:$0x2AB0]  }
0x28f: {  	v7 =	vadd.f32 v60, v7;
	v60 =	vld [tilespmem:$0x2AC0]  }
0x290: {  	v63 =	vld [tilespmem:$0x2AD0];
	[tilespmem:$0x1FDE0] =	vst v47  }
0x291: {  	v24 =	vld [tilespmem:$0x2AE0];
	[tilespmem:$0x1FDF0] =	vst v50  }
0x292: {  	v27 =	vld [tilespmem:$0x2AF0];
	[tilespmem:$0x1FE00] =	vst v54  }
0x293: {  	v22 =	vld [tilespmem:$0x1F250];
	[tilespmem:$0x1FE10] =	vst v57  }
0x294: {  	v23 =	vld [tilespmem:$0x1F260];
	[tilespmem:$0x1FE20] =	vst v60  }
0x295: {  	v25 =	vld [tilespmem:$0x1F270];
	[tilespmem:$0x1FE30] =	vst v63  }
0x296: {  	v26 =	vld [tilespmem:$0x1F280];
	[tilespmem:$0x1FE40] =	vst v24  }
0x297: {  	v28 =	vld [tilespmem:$0x1F290];
	[tilespmem:$0x1FE50] =	vst v27  }
0x298: {  	v29 =	vld [tilespmem:$0x1F2A0];
	_ =	swait.ge [sflag:s31], $0x80  }
0x299: {  	v30 =	vld [tilespmem:$0x1F2B0]  }
0x29a: {  	v31 =	vld [tilespmem:$0x1F2C0]  }
0x29b: {  	v32 =	vld [tilespmem:$0x1F2D0]  }
0x29c: {  	v6 =	vadd.f32 v33, v6;
	v33 =	vld [tilespmem:$0x1F2E0]  }
0x29d: {  	v34 =	vld [tilespmem:$0x1F2F0]  }
0x29e: {  	v35 =	vld [tilespmem:$0x1F300]  }
0x29f: {  	v37 =	vld [tilespmem:$0x1F310]  }
0x2a0: {  	v6 =	vadd.f32 v38, v6;
	v38 =	vld [tilespmem:$0x1F320]  }
0x2a1: {  	v40 =	vld [tilespmem:$0x1F330]  }
0x2a2: {  	v2 =	vadd.f32 v41, v2;
	v41 =	vld [tilespmem:$0x1F340]  }
0x2a3: {  	v7 =	vadd.f32 v39, v7;
	v4 =	vadd.f32 v43, v4;
	v43 =	vld [tilespmem:$0x1F350]  }
0x2a4: {  	v5 =	vadd.f32 v44, v5;
	v44 =	vld [tilespmem:$0x1F360]  }
0x2a5: {  	v7 =	vadd.f32 v46, v7;
	v46 =	vld [tilespmem:$0x1F370]  }
0x2a6: {  	v47 =	vld [tilespmem:$0x1F380]  }
0x2a7: {  	v1 =	vadd.f32 v49, v1;
	[sflag:s31] =	ssyncset.done $0x0;
	v49 =	vld [tilespmem:$0x1F390]  }
0x2a8: {  	v50 =	vld [tilespmem:$0x1F3A0];
	[sflag:s31] =	ssyncadd.s32 $0xFFFFFF80  }
0x2a9: {  	v36 =	vld [tilespmem:$0x2B00]  }
0x2aa: {  	v39 =	vld [tilespmem:$0x2B10]  }
0x2ab: {  	v3 =	vadd.f32 v42, v3;
	v42 =	vld [tilespmem:$0x2B20]  }
0x2ac: {  	v6 =	vadd.f32 v45, v6;
	v45 =	vld [tilespmem:$0x2B30]  }
0x2ad: {  	v0 =	vadd.f32 v48, v0;
	v48 =	vld [tilespmem:$0x2B40]  }
0x2ae: {  	v2 =	vadd.f32 v52, v2;
	v52 =	vld [tilespmem:$0x2B50];
	[tilespmem:$0x1FE60] =	vst v36  }
0x2af: {  	v4 =	vadd.f32 v55, v4;
	v55 =	vld [tilespmem:$0x2B60];
	[tilespmem:$0x1FE70] =	vst v39  }
0x2b0: {  	v6 =	vadd.f32 v58, v6;
	v58 =	vld [tilespmem:$0x2B70];
	[tilespmem:$0x1FE80] =	vst v42  }
0x2b1: {  	v3 =	vadd.f32 v53, v3;
	v53 =	vld [tilespmem:$0x1F3B0];
	[tilespmem:$0x1FE90] =	vst v45  }
0x2b2: {  	v54 =	vld [tilespmem:$0x1F3C0];
	[tilespmem:$0x1FEA0] =	vst v48  }
0x2b3: {  	v5 =	vadd.f32 v56, v5;
	v56 =	vld [tilespmem:$0x1F3D0];
	[tilespmem:$0x1FEB0] =	vst v52  }
0x2b4: {  	v57 =	vld [tilespmem:$0x1F3E0];
	[tilespmem:$0x1FEC0] =	vst v55  }
0x2b5: {  	v7 =	vadd.f32 v59, v7;
	v59 =	vld [tilespmem:$0x1F3F0];
	[tilespmem:$0x1FED0] =	vst v58  }
0x2b6: {  	v60 =	vld [tilespmem:$0x1F400];
	_ =	swait.ge [sflag:s31], $0x80  }
0x2b7: {  	v0 =	vadd.f32 v61, v0;
	v61 =	vld [tilespmem:$0x1F410]  }
0x2b8: {  	v1 =	vadd.f32 v62, v1;
	v62 =	vld [tilespmem:$0x1F420]  }
0x2b9: {  	v63 =	vld [tilespmem:$0x1F430]  }
0x2ba: {  	v2 =	vadd.f32 v22, v2;
	v22 =	vld [tilespmem:$0x1F440]  }
0x2bb: {  	v3 =	vadd.f32 v23, v3;
	v23 =	vld [tilespmem:$0x1F450]  }
0x2bc: {  	v24 =	vld [tilespmem:$0x1F460]  }
0x2bd: {  	v5 =	vadd.f32 v26, v5;
	v26 =	vld [tilespmem:$0x1F470]  }
0x2be: {  	v27 =	vld [tilespmem:$0x1F480]  }
0x2bf: {  	v7 =	vadd.f32 v29, v7;
	v29 =	vld [tilespmem:$0x1F490]  }
0x2c0: {  	v0 =	vadd.f32 v30, v0;
	v30 =	vld [tilespmem:$0x1F4A0]  }
0x2c1: {  	v2 =	vadd.f32 v32, v2;
	v32 =	vld [tilespmem:$0x1F4B0]  }
0x2c2: {  	v3 =	vadd.f32 v33, v3;
	v33 =	vld [tilespmem:$0x1F4C0]  }
0x2c3: {  	v5 =	vadd.f32 v35, v5;
	v35 =	vld [tilespmem:$0x1F4D0]  }
0x2c4: {  	v36 =	vld [tilespmem:$0x1F4E0]  }
0x2c5: {  	v7 =	vadd.f32 v38, v7;
	[sflag:s31] =	ssyncset.done $0x0;
	v38 =	vld [tilespmem:$0x1F4F0]  }
0x2c6: {  	v39 =	vld [tilespmem:$0x1F500];
	[sflag:s31] =	ssyncadd.s32 $0xFFFFFF80  }
0x2c7: {  	v4 =	vadd.f32 v25, v4;
	v25 =	vld [tilespmem:$0x2B80]  }
0x2c8: {  	v6 =	vadd.f32 v28, v6;
	v28 =	vld [tilespmem:$0x2B90]  }
0x2c9: {  	v1 =	vadd.f32 v31, v1;
	v31 =	vld [tilespmem:$0x2BA0]  }
0x2ca: {  	v4 =	vadd.f32 v34, v4;
	v34 =	vld [tilespmem:$0x2BB0]  }
0x2cb: {  	v6 =	vadd.f32 v37, v6;
	v37 =	vld [tilespmem:$0x2BC0]  }
0x2cc: {  	v0 =	vadd.f32 v40, v0;
	v40 =	vld [tilespmem:$0x2BD0];
	[tilespmem:$0x1FEE0] =	vst v25  }
0x2cd: {  	v2 =	vadd.f32 v43, v2;
	v43 =	vld [tilespmem:$0x2BE0];
	[tilespmem:$0x1FEF0] =	vst v28  }
0x2ce: {  	v4 =	vadd.f32 v46, v4;
	v46 =	vld [tilespmem:$0x2BF0];
	[tilespmem:$0x1FF00] =	vst v31  }
0x2cf: {  	v1 =	vadd.f32 v41, v1;
	v41 =	vld [tilespmem:$0x1F510];
	[tilespmem:$0x1FF10] =	vst v34  }
0x2d0: {  	v42 =	vld [tilespmem:$0x1F520];
	[tilespmem:$0x1FF20] =	vst v37  }
0x2d1: {  	v3 =	vadd.f32 v44, v3;
	v44 =	vld [tilespmem:$0x1F530];
	[tilespmem:$0x1FF30] =	vst v40  }
0x2d2: {  	v45 =	vld [tilespmem:$0x1F540];
	[tilespmem:$0x1FF40] =	vst v43  }
0x2d3: {  	v5 =	vadd.f32 v47, v5;
	v47 =	vld [tilespmem:$0x1F550];
	[tilespmem:$0x1FF50] =	vst v46  }
0x2d4: {  	v48 =	vld [tilespmem:$0x1F560];
	_ =	swait.ge [sflag:s31], $0x80  }
0x2d5: {  	v6 =	vadd.f32 v49, v6;
	v49 =	vld [tilespmem:$0x1F570]  }
0x2d6: {  	v7 =	vadd.f32 v50, v7;
	v50 =	vld [tilespmem:$0x1F580]  }
0x2d7: {  	v52 =	vld [tilespmem:$0x1F590]  }
0x2d8: {  	v0 =	vadd.f32 v53, v0;
	v53 =	vld [tilespmem:$0x1F5A0]  }
0x2d9: {  	v1 =	vadd.f32 v54, v1;
	v54 =	vld [tilespmem:$0x1F5B0]  }
0x2da: {  	v55 =	vld [tilespmem:$0x1F5C0]  }
0x2db: {  	v3 =	vadd.f32 v57, v3;
	v57 =	vld [tilespmem:$0x1F5D0]  }
0x2dc: {  	v58 =	vld [tilespmem:$0x1F5E0]  }
0x2dd: {  	v5 =	vadd.f32 v60, v5;
	v60 =	vld [tilespmem:$0x1F5F0]  }
0x2de: {  	v6 =	vadd.f32 v61, v6;
	v61 =	vld [tilespmem:$0x1F600]  }
0x2df: {  	v0 =	vadd.f32 v63, v0;
	v63 =	vld [tilespmem:$0x1F610]  }
0x2e0: {  	v1 =	vadd.f32 v22, v1;
	v22 =	vld [tilespmem:$0x1F620]  }
0x2e1: {  	v3 =	vadd.f32 v24, v3;
	v24 =	vld [tilespmem:$0x1F630]  }
0x2e2: {  	v25 =	vld [tilespmem:$0x1F640]  }
0x2e3: {  	v5 =	vadd.f32 v27, v5;
	[sflag:s31] =	ssyncset.done $0x0;
	v27 =	vld [tilespmem:$0x1F650]  }
0x2e4: {  	v28 =	vld [tilespmem:$0x1F660];
	[sflag:s31] =	ssyncadd.s32 $0xFFFFFF80  }
0x2e5: {  	v2 =	vadd.f32 v56, v2;
	v56 =	vld [tilespmem:$0x2C00]  }
0x2e6: {  	v4 =	vadd.f32 v59, v4;
	v59 =	vld [tilespmem:$0x2C10]  }
0x2e7: {  	v7 =	vadd.f32 v62, v7;
	v62 =	vld [tilespmem:$0x2C20]  }
0x2e8: {  	v2 =	vadd.f32 v23, v2;
	v23 =	vld [tilespmem:$0x2C30]  }
0x2e9: {  	v4 =	vadd.f32 v26, v4;
	v26 =	vld [tilespmem:$0x2C40]  }
0x2ea: {  	v6 =	vadd.f32 v29, v6;
	v29 =	vld [tilespmem:$0x2C50];
	[tilespmem:$0x1FF60] =	vst v56  }
0x2eb: {  	v0 =	vadd.f32 v32, v0;
	v32 =	vld [tilespmem:$0x2C60];
	[tilespmem:$0x1FF70] =	vst v59  }
0x2ec: {  	v2 =	vadd.f32 v35, v2;
	v35 =	vld [tilespmem:$0x2C70];
	[tilespmem:$0x1FF80] =	vst v62  }
0x2ed: {  	v7 =	vadd.f32 v30, v7;
	v30 =	vld [tilespmem:$0x1F670];
	[tilespmem:$0x1FF90] =	vst v23  }
0x2ee: {  	v31 =	vld [tilespmem:$0x1F680];
	[tilespmem:$0x1FFA0] =	vst v26  }
0x2ef: {  	v1 =	vadd.f32 v33, v1;
	v33 =	vld [tilespmem:$0x1F690];
	[tilespmem:$0x1FFB0] =	vst v29  }
0x2f0: {  	v34 =	vld [tilespmem:$0x1F6A0];
	[tilespmem:$0x1FFC0] =	vst v32  }
0x2f1: {  	v3 =	vadd.f32 v36, v3;
	v36 =	vld [tilespmem:$0x1F6B0];
	[tilespmem:$0x1FFD0] =	vst v35  }
0x2f2: {  	v37 =	vld [tilespmem:$0x1F6C0];
	_ =	swait.ge [sflag:s31], $0x80  }
0x2f3: {  	v4 =	vadd.f32 v38, v4;
	v38 =	vld [tilespmem:$0x1F6D0]  }
0x2f4: {  	v5 =	vadd.f32 v39, v5;
	v39 =	vld [tilespmem:$0x1F6E0]  }
0x2f5: {  	v40 =	vld [tilespmem:$0x1F6F0]  }
0x2f6: {  	v6 =	vadd.f32 v41, v6;
	v41 =	vld [tilespmem:$0x1F700]  }
0x2f7: {  	v7 =	vadd.f32 v42, v7;
	v42 =	vld [tilespmem:$0x1F710]  }
0x2f8: {  	v43 =	vld [tilespmem:$0x1F720]  }
0x2f9: {  	v1 =	vadd.f32 v45, v1;
	v45 =	vld [tilespmem:$0x1F730]  }
0x2fa: {  	v46 =	vld [tilespmem:$0x1F740]  }
0x2fb: {  	v3 =	vadd.f32 v48, v3;
	v48 =	vld [tilespmem:$0x1F750]  }
0x2fc: {  	v4 =	vadd.f32 v49, v4;
	v49 =	vld [tilespmem:$0x1F760]  }
0x2fd: {  	v0 =	vadd.f32 v44, v0;
	v5 =	vadd.f32 v50, v5;
	v50 =	vld [tilespmem:$0x1F770]  }
0x2fe: {  	v7 =	vadd.f32 v53, v7;
	v53 =	vld [tilespmem:$0x1F780]  }
0x2ff: {  	v0 =	vadd.f32 v54, v0;
	v54 =	vld [tilespmem:$0x1F790]  }
0x300: {  	v2 =	vadd.f32 v47, v2;
	v1 =	vadd.f32 v55, v1;
	v55 =	vld [tilespmem:$0x1F7A0]  }
0x301: {  	v56 =	vld [tilespmem:$0x1F7B0]  }
0x302: {  	v2 =	vadd.f32 v57, v2;
	v57 =	vld [tilespmem:$0x1F7C0]  }
0x303: {  	v3 =	vadd.f32 v58, v3;
	v58 =	vld [tilespmem:$0x1F7D0]  }
0x304: {  	v6 =	vadd.f32 v52, v6;
	v59 =	vld [tilespmem:$0x1F7E0]  }
0x305: {  	v4 =	vadd.f32 v60, v4;
	v60 =	vld [tilespmem:$0x1F7F0]  }
0x306: {  	v5 =	vadd.f32 v61, v5;
	v6 =	vadd.f32 v63, v6;
	v61 =	vld [tilespmem:$0x1F800]  }
0x307: {  	v7 =	vadd.f32 v22, v7;
	v0 =	vadd.f32 v24, v0;
	[sflag:s31] =	ssyncset.done $0x0;
	v62 =	vld [tilespmem:$0x1F810]  }
0x308: {  	v1 =	vadd.f32 v25, v1;
	v5 =	vadd.f32 v31, v5;
	v63 =	vld [tilespmem:$0x1F820];
	[sflag:s31] =	ssyncadd.s32 $0xFFFFFF80  }
0x309: {  	v6 =	vadd.f32 v33, v6;
	v7 =	vadd.f32 v34, v7;
	v44 =	vld [tilespmem:$0x2C80]  }
0x30a: {  	v0 =	vadd.f32 v36, v0;
	v47 =	vld [tilespmem:$0x2C90];
	v5 =	vadd.f32 v41, v5  }
0x30b: {  	v1 =	vadd.f32 v37, v1;
	v52 =	vld [tilespmem:$0x2CA0];
	v6 =	vadd.f32 v42, v6  }
0x30c: {  	v7 =	vadd.f32 v43, v7;
	v5 =	vadd.f32 v53, v5;
	v53 =	vld [tilespmem:$0x2CB0]  }
0x30d: {  	v0 =	vadd.f32 v45, v0;
	v6 =	vadd.f32 v54, v6;
	v54 =	vld [tilespmem:$0x2CC0]  }
0x30e: {  	v1 =	vadd.f32 v46, v1;
	[tilespmem:$0x1FFE0] =	vst v44;
	v7 =	vadd.f32 v55, v7;
	v55 =	vld [tilespmem:$0x2CD0]  }
0x30f: {  	[tilespmem:$0x1FFF0] =	vst v47;
	v0 =	vadd.f32 v56, v0;
	v56 =	vld [tilespmem:$0x2CE0]  }
0x310: {  	v1 =	vadd.f32 v57, v1;
	v57 =	vld [tilespmem:$0x2CF0];
	_ =	swait.ge [sflag:s31], $0x80  }
0x311: {  	v22 =	vld [tilespmem:$0x1F830]  }
0x312: {  	v23 =	vld [tilespmem:$0x1F840]  }
0x313: {  	v24 =	vld [tilespmem:$0x1F850]  }
0x314: {  	v25 =	vld [tilespmem:$0x1F860]  }
0x315: {  	v26 =	vld [tilespmem:$0x1F870]  }
0x316: {  	v2 =	vadd.f32 v27, v2;
	v27 =	vld [tilespmem:$0x1F880]  }
0x317: {  	v3 =	vadd.f32 v28, v3;
	v28 =	vld [tilespmem:$0x1F890]  }
0x318: {  	v29 =	vld [tilespmem:$0x1F8A0]  }
0x319: {  	v4 =	vadd.f32 v30, v4;
	v30 =	vld [tilespmem:$0x1F8B0]  }
0x31a: {  	v31 =	vld [tilespmem:$0x1F8C0]  }
0x31b: {  	v32 =	vld [tilespmem:$0x1F8D0]  }
0x31c: {  	v33 =	vld [tilespmem:$0x1F8E0]  }
0x31d: {  	v34 =	vld [tilespmem:$0x1F8F0]  }
0x31e: {  	v35 =	vld [tilespmem:$0x1F900]  }
0x31f: {  	v36 =	vld [tilespmem:$0x1F910]  }
0x320: {  	v37 =	vld [tilespmem:$0x1F920]  }
0x321: {  	v2 =	vadd.f32 v38, v2;
	v38 =	vld [tilespmem:$0x1F930]  }
0x322: {  	v3 =	vadd.f32 v39, v3;
	v39 =	vld [tilespmem:$0x1F940]  }
0x323: {  	v4 =	vadd.f32 v40, v4;
	v40 =	vld [tilespmem:$0x1F950]  }
0x324: {  	v41 =	vld [tilespmem:$0x1F960]  }
0x325: {  	v2 =	vadd.f32 v48, v2;
	[sflag:s31] =	ssyncset.done $0x0;
	v42 =	vld [tilespmem:$0x1F970]  }
0x326: {  	v3 =	vadd.f32 v49, v3;
	v43 =	vld [tilespmem:$0x1F980];
	[sflag:s31] =	ssyncadd.s32 $0xFFFFFF80  }
0x327: {  	v4 =	vadd.f32 v50, v4;
	v2 =	vadd.f32 v58, v2;
	v58 =	vld [tilespmem:$0x2D00]  }
0x328: {  	v3 =	vadd.f32 v59, v3;
	v59 =	vld [tilespmem:$0x2D10]  }
0x329: {  	v4 =	vadd.f32 v60, v4;
	v60 =	vld [tilespmem:$0x2D20]  }
0x32a: {  	v5 =	vadd.f32 v61, v5;
	v61 =	vld [tilespmem:$0x2D30]  }
0x32b: {  	v6 =	vadd.f32 v62, v6;
	v62 =	vld [tilespmem:$0x2D40]  }
0x32c: {  	v50 =	vld [tilespmem:$0x2D50]  }
0x32d: {  	v49 =	vld [tilespmem:$0x2D60]  }
0x32e: {  	v48 =	vld [tilespmem:$0x2D70];
	_ =	swait.ge [sflag:s31], $0x80  }
0x32f: {  	v44 =	vld [tilespmem:$0x1F990]  }
0x330: {  	v45 =	vld [tilespmem:$0x1F9A0]  }
0x331: {  	v46 =	vld [tilespmem:$0x1F9B0]  }
0x332: {  	v47 =	vld [tilespmem:$0x1F9C0]  }
0x333: {  	v7 =	vadd.f32 v63, v7;
	v63 =	vld [tilespmem:$0x1F9D0]  }
0x334: {  	v0 =	vadd.f32 v22, v0;
	v22 =	vld [tilespmem:$0x1F9E0]  }
0x335: {  	v1 =	vadd.f32 v23, v1;
	v23 =	vld [tilespmem:$0x1F9F0]  }
0x336: {  	v2 =	vadd.f32 v24, v2;
	v24 =	vld [tilespmem:$0x1FA00]  }
0x337: {  	v3 =	vadd.f32 v25, v3;
	v25 =	vld [tilespmem:$0x1FA10]  }
0x338: {  	v4 =	vadd.f32 v26, v4;
	v26 =	vld [tilespmem:$0x1FA20]  }
0x339: {  	v5 =	vadd.f32 v27, v5;
	v27 =	vld [tilespmem:$0x1FA30]  }
0x33a: {  	v6 =	vadd.f32 v28, v6;
	v28 =	vld [tilespmem:$0x1FA40]  }
0x33b: {  	v7 =	vadd.f32 v29, v7;
	v29 =	vld [tilespmem:$0x1FA50]  }
0x33c: {  	v0 =	vadd.f32 v30, v0;
	v30 =	vld [tilespmem:$0x1FA60]  }
0x33d: {  	v1 =	vadd.f32 v31, v1;
	v31 =	vld [tilespmem:$0x1FA70]  }
0x33e: {  	v2 =	vadd.f32 v32, v2;
	v32 =	vld [tilespmem:$0x1FA80]  }
0x33f: {  	v3 =	vadd.f32 v33, v3;
	v33 =	vld [tilespmem:$0x1FA90]  }
0x340: {  	v4 =	vadd.f32 v34, v4;
	v34 =	vld [tilespmem:$0x1FAA0]  }
0x341: {  	v5 =	vadd.f32 v35, v5;
	v35 =	vld [tilespmem:$0x1FAB0]  }
0x342: {  	[sflag:s31] =	ssyncset.done $0x0;
	v6 =	vadd.f32 v36, v6;
	v7 =	vadd.f32 v37, v7;
	v36 =	vld [tilespmem:$0x1FAC0]  }
0x343: {  	[sflag:s31] =	ssyncadd.s32 $0xFFFFFF80;
	v37 =	vld [tilespmem:$0x1FAD0]  }
0x344: {  	v7 =	vadd.f32 v45, v7;
	v45 =	vld [tilespmem:$0x2DA0]  }
0x345: {  	v6 =	vadd.f32 v44, v6;
	v44 =	vld [tilespmem:$0x2DB0]  }
0x346: {  	v5 =	vadd.f32 v43, v5;
	v43 =	vld [tilespmem:$0x2DC0]  }
0x347: {  	v4 =	vadd.f32 v42, v4;
	v42 =	vld [tilespmem:$0x2DD0]  }
0x348: {  	v3 =	vadd.f32 v41, v3;
	v41 =	vld [tilespmem:$0x2DE0]  }
0x349: {  	v1 =	vadd.f32 v39, v1;
	v2 =	vadd.f32 v40, v2;
	v40 =	vld [tilespmem:$0x2DF0]  }
0x34a: {  	v0 =	vadd.f32 v38, v0;
	v38 =	vld [tilespmem:$0x1FAE0]  }
0x34b: {  	v1 =	vadd.f32 v47, v1;
	v47 =	vld [tilespmem:$0x2D80]  }
0x34c: {  	v0 =	vadd.f32 v46, v0;
	v46 =	vld [tilespmem:$0x2D90];
	_ =	swait.ge [sflag:s31], $0x80  }
0x34d: {  	v39 =	vld [tilespmem:$0x1FAF0]  }
0x34e: {  	v2 =	vadd.f32 v63, v2;
	v63 =	vld [tilespmem:$0x1FB00]  }
0x34f: {  	v3 =	vadd.f32 v22, v3;
	v22 =	vld [tilespmem:$0x1FB10]  }
0x350: {  	v4 =	vadd.f32 v23, v4;
	v23 =	vld [tilespmem:$0x1FB20]  }
0x351: {  	v5 =	vadd.f32 v24, v5;
	v24 =	vld [tilespmem:$0x1FB30]  }
0x352: {  	v6 =	vadd.f32 v25, v6;
	v25 =	vld [tilespmem:$0x1FB40]  }
0x353: {  	v7 =	vadd.f32 v26, v7;
	v26 =	vld [tilespmem:$0x1FB50]  }
0x354: {  	v0 =	vadd.f32 v27, v0;
	v27 =	vld [tilespmem:$0x1FB60]  }
0x355: {  	v1 =	vadd.f32 v28, v1;
	v28 =	vld [tilespmem:$0x1FB70]  }
0x356: {  	v2 =	vadd.f32 v29, v2;
	v29 =	vld [tilespmem:$0x1FB80]  }
0x357: {  	v3 =	vadd.f32 v30, v3;
	v30 =	vld [tilespmem:$0x1FB90]  }
0x358: {  	v4 =	vadd.f32 v31, v4;
	v31 =	vld [tilespmem:$0x1FBA0]  }
0x359: {  	v5 =	vadd.f32 v32, v5;
	v32 =	vld [tilespmem:$0x1FBB0]  }
0x35a: {  	[sflag:s31] =	ssyncset.done $0x0;
	v6 =	vadd.f32 v33, v6;
	v33 =	vld [tilespmem:$0x1FBC0]  }
0x35b: {  	v7 =	vadd.f32 v34, v7;
	[sflag:s31] =	ssyncadd.s32 $0xFFFFFF80;
	v34 =	vld [tilespmem:$0x1FBD0]  }
0x35c: {  	v3 =	vadd.f32 v38, v3;
	v38 =	vld [tilespmem:$0x2E10]  }
0x35d: {  	v2 =	vadd.f32 v37, v2;
	v37 =	vld [tilespmem:$0x2E20]  }
0x35e: {  	v1 =	vadd.f32 v36, v1;
	v36 =	vld [tilespmem:$0x2E30]  }
0x35f: {  	v0 =	vadd.f32 v35, v0;
	v35 =	vld [tilespmem:$0x2E40]  }
0x360: {  	v4 =	vadd.f32 v39, v4;
	v39 =	vld [tilespmem:$0x2E00]  }
0x361: {  	v5 =	vadd.f32 v63, v5;
	v63 =	vld [tilespmem:$0x1FBE0]  }
0x362: {  	v6 =	vadd.f32 v22, v6;
	v22 =	vld [tilespmem:$0x1FBF0]  }
0x363: {  	v7 =	vadd.f32 v23, v7;
	v23 =	vld [tilespmem:$0x1FC00]  }
0x364: {  	v0 =	vadd.f32 v24, v0;
	v24 =	vld [tilespmem:$0x1FC10]  }
0x365: {  	v1 =	vadd.f32 v25, v1;
	v25 =	vld [tilespmem:$0x1FC20]  }
0x366: {  	v2 =	vadd.f32 v26, v2;
	v26 =	vld [tilespmem:$0x1FC30]  }
0x367: {  	v3 =	vadd.f32 v27, v3;
	v27 =	vld [tilespmem:$0x1FC40]  }
0x368: {  	v2 =	vadd.f32 v34, v2;
	v34 =	vld [tilespmem:$0x2E50]  }
0x369: {  	v1 =	vadd.f32 v33, v1;
	v33 =	vld [tilespmem:$0x2E60]  }
0x36a: {  	v0 =	vadd.f32 v32, v0;
	v32 =	vld [tilespmem:$0x2E70];
	_ =	swait.ge [sflag:s31], $0x80  }
0x36b: {  	v4 =	vadd.f32 v28, v4;
	v28 =	vld [tilespmem:$0x1FC50]  }
0x36c: {  	v5 =	vadd.f32 v29, v5;
	v29 =	vld [tilespmem:$0x1FC60]  }
0x36d: {  	v6 =	vadd.f32 v30, v6;
	v30 =	vld [tilespmem:$0x1FC70]  }
0x36e: {  	v7 =	vadd.f32 v31, v7;
	v31 =	vld [tilespmem:$0x1FC80]  }
0x36f: {  	v3 =	vadd.f32 v63, v3;
	v63 =	vld [tilespmem:$0x1FC90]  }
0x370: {  	v4 =	vadd.f32 v22, v4;
	v22 =	vld [tilespmem:$0x1FCA0]  }
0x371: {  	v5 =	vadd.f32 v23, v5;
	v23 =	vld [tilespmem:$0x1FCB0]  }
0x372: {  	v6 =	vadd.f32 v24, v6;
	v24 =	vld [tilespmem:$0x1FCC0]  }
0x373: {  	v7 =	vadd.f32 v25, v7;
	v25 =	vld [tilespmem:$0x1FCD0]  }
0x374: {  	[sflag:s31] =	ssyncset.done $0x0;
	v0 =	vadd.f32 v26, v0;
	v26 =	vld [tilespmem:$0x1FCE0]  }
0x375: {  	[sflag:s31] =	ssyncadd.s32 $0xFFFFFF80;
	v1 =	vadd.f32 v27, v1;
	v27 =	vld [tilespmem:$0x1FCF0]  }
0x376: {  	v5 =	vadd.f32 v31, v5;
	v31 =	vld [tilespmem:$0x2E80]  }
0x377: {  	v4 =	vadd.f32 v30, v4;
	v30 =	vld [tilespmem:$0x2E90]  }
0x378: {  	v3 =	vadd.f32 v29, v3;
	v29 =	vld [tilespmem:$0x2EA0]  }
0x379: {  	v2 =	vadd.f32 v28, v2;
	v28 =	vld [tilespmem:$0x1FD00]  }
0x37a: {  	v6 =	vadd.f32 v63, v6;
	v63 =	vld [tilespmem:$0x1FD10]  }
0x37b: {  	v7 =	vadd.f32 v22, v7;
	v22 =	vld [tilespmem:$0x1FD20]  }
0x37c: {  	v0 =	vadd.f32 v23, v0;
	v23 =	vld [tilespmem:$0x1FD30]  }
0x37d: {  	v1 =	vadd.f32 v24, v1;
	v24 =	vld [tilespmem:$0x1FD40]  }
0x37e: {  	v2 =	vadd.f32 v25, v2;
	v25 =	vld [tilespmem:$0x1FD50]  }
0x37f: {  	v3 =	vadd.f32 v26, v3;
	v26 =	vld [tilespmem:$0x2ED0]  }
0x380: {  	v4 =	vadd.f32 v27, v4;
	v27 =	vld [tilespmem:$0x2EC0]  }
0x381: {  	v5 =	vadd.f32 v28, v5;
	v28 =	vld [tilespmem:$0x2EB0]  }
0x382: {  	v6 =	vadd.f32 v63, v6;
	v63 =	vld [tilespmem:$0x1FD60]  }
0x383: {  	v4 =	vadd.f32 v12, v4;
	v2 =	vadd.f32 v25, v2;
	v25 =	vld [tilespmem:$0x2EE0]  }
0x384: {  	v1 =	vadd.f32 v24, v1;
	v24 =	vld [tilespmem:$0x2EF0];
	_ =	swait.ge [sflag:s31], $0x80  }
0x385: {  	v4 =	vadd.f32 v17, v4;
	v17 =	vld [tilespmem:$0x1FD90]  }
0x386: {  	v12 =	vld [tilespmem:$0x1FDD0]  }
0x387: {  	v5 =	vadd.f32 v13, v5;
	v13 =	vld [tilespmem:$0x1FDE0]  }
0x388: {  	v7 =	vadd.f32 v22, v7;
	v2 =	vadd.f32 v15, v2;
	v15 =	vld [tilespmem:$0x1FD70]  }
0x389: {  	v0 =	vadd.f32 v23, v0;
	[sflag:s31] =	ssyncset.done $0x0;
	v5 =	vadd.f32 v18, v5;
	v18 =	vld [tilespmem:$0x1FDA0]  }
0x38a: {  	v7 =	vadd.f32 v14, v7;
	[sflag:s31] =	ssyncadd.s32 $0xFFFFFF80;
	v14 =	vld [tilespmem:$0x1FDF0]  }
0x38b: {  	v0 =	vadd.f32 v10, v0;
	v23 =	vld [tilespmem:$0x2F00]  }
0x38c: {  	v22 =	vld [tilespmem:$0x2F10]  }
0x38d: {  	v0 =	vadd.f32 v21, v0;
	v21 =	vld [tilespmem:$0x2F20];
	v3 =	vadd.f32 v63, v3  }
0x38e: {  	v7 =	vadd.f32 v20, v7;
	v20 =	vld [tilespmem:$0x2F30]  }
0x38f: {  	v6 =	vadd.f32 v9, v6;
	v3 =	vadd.f32 v16, v3;
	v16 =	vld [tilespmem:$0x1FD80]  }
0x390: {  	v63 =	vld [tilespmem:$0x1FDC0]  }
0x391: {  	v6 =	vadd.f32 v19, v6;
	v19 =	vld [tilespmem:$0x1FDB0]  }
0x392: {  	v7 =	vadd.f32 v12, v7;
	v12 =	vld [tilespmem:$0x1FE30]  }
0x393: {  	v4 =	vadd.f32 v18, v4;
	v18 =	vld [tilespmem:$0x2F50]  }
0x394: {  	v1 =	vadd.f32 v11, v1;
	v2 =	vadd.f32 v16, v2;
	v16 =	vld [tilespmem:$0x1FE10]  }
0x395: {  	v6 =	vadd.f32 v63, v6;
	v63 =	vld [tilespmem:$0x1FE20]  }
0x396: {  	v1 =	vadd.f32 v15, v1;
	v15 =	vld [tilespmem:$0x1FE00]  }
0x397: {  	v3 =	vadd.f32 v17, v3;
	v5 =	vadd.f32 v19, v5;
	v19 =	vld [tilespmem:$0x2F40]  }
0x398: {  	v17 =	vld [tilespmem:$0x2F60]  }
0x399: {  	v3 =	vadd.f32 v16, v3;
	v16 =	vld [tilespmem:$0x2F70];
	_ =	swait.ge [sflag:s31], $0x80  }
0x39a: {  	v4 =	vadd.f32 v63, v4;
	v63 =	vld [tilespmem:$0x1FE70];
	_ =	sdelay $0x2  }
0x39b: {  	v1 =	vadd.f32 v14, v1;
	_ =	sdelay $0x1  }
0x39c: {  	v1 =	vadd.f32 v63, v1;
	v63 =	vld [tilespmem:$0x1FEB0];
	_ =	sdelay $0x2  }
0x39d: {  	v5 =	vadd.f32 v12, v5;
	v2 =	vadd.f32 v15, v2;
	v15 =	vld [tilespmem:$0x1FE60];
	_ =	sdelay $0x1  }
0x39e: {  	v5 =	vadd.f32 v63, v5;
	v63 =	vld [tilespmem:$0x1FEE0]  }
0x39f: {  	v0 =	vadd.f32 v13, v0  }
0x3a0: {  	v13 =	vld [tilespmem:$0x1FE40]  }
0x3a1: {  	v12 =	vld [tilespmem:$0x1FE80];
	v0 =	vadd.f32 v15, v0;
	_ =	sdelay $0x1  }
0x3a2: {  	v0 =	vadd.f32 v63, v0;
	v63 =	vld [tilespmem:$0x1FF00];
	_ =	sdelay $0x1  }
0x3a3: {  	v14 =	vld [tilespmem:$0x1FE50]  }
0x3a4: {  	v6 =	vadd.f32 v13, v6;
	v2 =	vadd.f32 v12, v2;
	v13 =	vld [tilespmem:$0x1FE90];
	_ =	sdelay $0x1  }
0x3a5: {  	v2 =	vadd.f32 v63, v2;
	v63 =	vld [tilespmem:$0x1FF10];
	_ =	sdelay $0x2  }
0x3a6: {  	v7 =	vadd.f32 v14, v7;
	v14 =	vld [tilespmem:$0x1FEA0];
	v3 =	vadd.f32 v13, v3;
	_ =	sdelay $0x1  }
0x3a7: {  	v3 =	vadd.f32 v63, v3;
	v63 =	vld [tilespmem:$0x1FF20];
	_ =	sdelay $0x2  }
0x3a8: {  	v4 =	vadd.f32 v14, v4;
	_ =	sdelay $0x1  }
0x3a9: {  	v4 =	vadd.f32 v63, v4;
	v63 =	vld [tilespmem:$0x1FF30];
	_ =	sdelay $0x2  }
0x3aa: {  	v12 =	vld [tilespmem:$0x1FEC0];
	_ =	sdelay $0x1  }
0x3ab: {  	v5 =	vadd.f32 v63, v5;
	v63 =	vld [tilespmem:$0x1FF40];
	_ =	sdelay $0x2  }
0x3ac: {  	v6 =	vadd.f32 v12, v6;
	v13 =	vld [tilespmem:$0x1FED0];
	_ =	sdelay $0x1  }
0x3ad: {  	v6 =	vadd.f32 v63, v6;
	v63 =	vld [tilespmem:$0x1FF50];
	_ =	sdelay $0x2  }
0x3ae: {  	v7 =	vadd.f32 v13, v7;
	_ =	sdelay $0x1  }
0x3af: {  	v7 =	vadd.f32 v63, v7;
	v63 =	vld [tilespmem:$0x1FF60];
	_ =	sdelay $0x2  }
0x3b0: {  	v12 =	vld [tilespmem:$0x1FEF0];
	_ =	sdelay $0x1  }
0x3b1: {  	v0 =	vadd.f32 v63, v0;
	v63 =	vld [tilespmem:$0x1FF70];
	_ =	sdelay $0x2  }
0x3b2: {  	v1 =	vadd.f32 v12, v1  }
0x3b3: {  	[sflag:s31] =	ssyncset.done $0x0  }
0x3b4: {  	[sflag:s31] =	ssyncadd.s32 $0xFFFFFF80;
	v1 =	vadd.f32 v63, v1;
	v63 =	vld [tilespmem:$0x1FF80]  }
0x3b5: {  	v11 =	vld [tilespmem:$0x2FC0]  }
0x3b6: {  	v10 =	vld [tilespmem:$0x2FD0]  }
0x3b7: {  	v9 =	vld [tilespmem:$0x2FE0]  }
0x3b8: {  	v8 =	vld [tilespmem:$0x2FF0]  }
0x3b9: {  	v2 =	vadd.f32 v63, v2;
	v63 =	vld [tilespmem:$0x1FF90]  }
0x3ba: {  	v15 =	vld [tilespmem:$0x2F80]  }
0x3bb: {  	v14 =	vld [tilespmem:$0x2F90]  }
0x3bc: {  	v13 =	vld [tilespmem:$0x2FA0]  }
0x3bd: {  	v12 =	vld [tilespmem:$0x2FB0];
	_ =	swait.ge [sflag:s31], $0x80  }
0x3be: {  	v3 =	vadd.f32 v63, v3;
	v63 =	vld [tilespmem:$0x1FFA0];
	_ =	sdelay $0x4  }
0x3bf: {  	v4 =	vadd.f32 v63, v4;
	v63 =	vld [tilespmem:$0x1FFB0];
	_ =	sdelay $0x4  }
0x3c0: {  	v5 =	vadd.f32 v63, v5;
	v63 =	vld [tilespmem:$0x1FFC0];
	_ =	sdelay $0x4  }
0x3c1: {  	v2 =	vadd.f32 v52, v2;
	v6 =	vadd.f32 v63, v6;
	v63 =	vld [tilespmem:$0x1FFD0];
	_ =	sdelay $0x1  }
0x3c2: {  	v2 =	vadd.f32 v60, v2;
	_ =	sdelay $0x1  }
0x3c3: {  	v2 =	vadd.f32 v45, v2  }
0x3c4: {  	[sflag:s31] =	ssyncset.done $0x0;
	v3 =	vadd.f32 v53, v3;
	v7 =	vadd.f32 v63, v7;
	v63 =	vld [tilespmem:$0x1FFE0]  }
0x3c5: {  	[sflag:s31] =	ssyncadd.s32 $0xFFFFFF80;
	v2 =	vadd.f32 v37, v2  }
0x3c6: {  	v52 =	vld [tilespmem:$0x3010];
	v3 =	vadd.f32 v61, v3  }
0x3c7: {  	v53 =	vld [tilespmem:$0x3020];
	v2 =	vadd.f32 v29, v2  }
0x3c8: {  	v3 =	vadd.f32 v44, v3;
	v4 =	vadd.f32 v54, v4;
	v54 =	vld [tilespmem:$0x3030]  }
0x3c9: {  	v5 =	vadd.f32 v55, v5;
	v0 =	vadd.f32 v63, v0;
	v63 =	vld [tilespmem:$0x1FFF0]  }
0x3ca: {  	v2 =	vadd.f32 v21, v2;
	v3 =	vadd.f32 v36, v3;
	v55 =	vld [tilespmem:$0x3040]  }
0x3cb: {  	v5 =	vadd.f32 v50, v5;
	v50 =	vld [tilespmem:$0x3060];
	v7 =	vadd.f32 v57, v7  }
0x3cc: {  	v4 =	vadd.f32 v62, v4;
	v6 =	vadd.f32 v56, v6;
	v56 =	vld [tilespmem:$0x3050]  }
0x3cd: {  	v3 =	vadd.f32 v28, v3;
	v7 =	vadd.f32 v48, v7;
	v48 =	vld [tilespmem:$0x3070]  }
0x3ce: {  	v4 =	vadd.f32 v43, v4;
	v1 =	vadd.f32 v63, v1;
	v63 =	vld [tilespmem:$0x3000];
	_ =	swait.ge [sflag:s31], $0x80  }
0x3cf: {  	v2 =	vadd.f32 v13, v2;
	[sflag:s31] =	ssyncset.done $0x0  }
0x3d0: {  	v3 =	vadd.f32 v20, v3;
	v4 =	vadd.f32 v35, v4;
	[sflag:s31] =	ssyncadd.s32 $0xFFFFFF80  }
0x3d1: {  	v2 =	vadd.f32 v53, v2;
	v6 =	vadd.f32 v49, v6;
	v49 =	vld [tilespmem:$0x3080]  }
0x3d2: {  	v3 =	vadd.f32 v12, v3;
	v4 =	vadd.f32 v27, v4;
	v57 =	vld [tilespmem:$0x3090]  }
0x3d3: {  	v5 =	vadd.f32 v42, v5;
	v0 =	vadd.f32 v58, v0;
	v58 =	vld [tilespmem:$0x30A0]  }
0x3d4: {  	v4 =	vadd.f32 v19, v4;
	v1 =	vadd.f32 v59, v1;
	v59 =	vld [tilespmem:$0x30B0]  }
0x3d5: {  	v3 =	vadd.f32 v54, v3;
	v5 =	vadd.f32 v34, v5;
	v60 =	vld [tilespmem:$0x30C0]  }
0x3d6: {  	v4 =	vadd.f32 v11, v4;
	v6 =	vadd.f32 v41, v6;
	v61 =	vld [tilespmem:$0x30D0]  }
0x3d7: {  	v7 =	vadd.f32 v40, v7;
	v0 =	vadd.f32 v47, v0;
	v62 =	vld [tilespmem:$0x30E0]  }
0x3d8: {  	v5 =	vadd.f32 v26, v5;
	v6 =	vadd.f32 v33, v6;
	v29 =	vld [tilespmem:$0x30F0];
	_ =	swait.ge [sflag:s31], $0x80  }
0x3d9: {  	v7 =	vadd.f32 v32, v7;
	v0 =	vadd.f32 v39, v0;
	[sflag:s31] =	ssyncset.done $0x0  }
0x3da: {  	v5 =	vadd.f32 v18, v5;
	v6 =	vadd.f32 v25, v6;
	[sflag:s31] =	ssyncadd.s32 $0xFFFFFF80  }
0x3db: {  	v7 =	vadd.f32 v24, v7;
	v0 =	vadd.f32 v31, v0;
	v31 =	vld [tilespmem:$0x3100]  }
0x3dc: {  	v4 =	vadd.f32 v55, v4;
	v5 =	vadd.f32 v10, v5;
	v33 =	vld [tilespmem:$0x3110]  }
0x3dd: {  	v6 =	vadd.f32 v17, v6;
	v7 =	vadd.f32 v16, v7;
	v35 =	vld [tilespmem:$0x3120]  }
0x3de: {  	v5 =	vadd.f32 v56, v5;
	v1 =	vadd.f32 v46, v1;
	v37 =	vld [tilespmem:$0x3130]  }
0x3df: {  	v6 =	vadd.f32 v9, v6;
	v7 =	vadd.f32 v8, v7;
	v39 =	vld [tilespmem:$0x3140]  }
0x3e0: {  	v0 =	vadd.f32 v23, v0;
	v1 =	vadd.f32 v38, v1;
	v41 =	vld [tilespmem:$0x3150]  }
0x3e1: {  	v6 =	vadd.f32 v50, v6;
	v42 =	vld [tilespmem:$0x3160];
	v7 =	vadd.f32 v48, v7  }
0x3e2: {  	v43 =	vld [tilespmem:$0x3170];
	_ =	swait.ge [sflag:s31], $0x80;
	v0 =	vadd.f32 v15, v0;
	v1 =	vadd.f32 v30, v1  }
0x3e3: {  	[sflag:s31] =	ssyncset.done $0x0;
	v2 =	vadd.f32 v58, v2;
	v3 =	vadd.f32 v59, v3  }
0x3e4: {  	[sflag:s31] =	ssyncadd.s32 $0xFFFFFF80;
	v4 =	vadd.f32 v60, v4;
	v5 =	vadd.f32 v61, v5  }
0x3e5: {  	v6 =	vadd.f32 v62, v6;
	v0 =	vadd.f32 v63, v0;
	v46 =	vld [tilespmem:$0x31A0]  }
0x3e6: {  	v7 =	vadd.f32 v29, v7;
	v47 =	vld [tilespmem:$0x31B0];
	v1 =	vadd.f32 v22, v1  }
0x3e7: {  	v48 =	vld [tilespmem:$0x31C0];
	v0 =	vadd.f32 v49, v0;
	v2 =	vadd.f32 v35, v2  }
0x3e8: {  	v50 =	vld [tilespmem:$0x31E0];
	v3 =	vadd.f32 v37, v3;
	v4 =	vadd.f32 v39, v4  }
0x3e9: {  	v44 =	vld [tilespmem:$0x3180];
	v5 =	vadd.f32 v41, v5;
	v6 =	vadd.f32 v42, v6  }
0x3ea: {  	v49 =	vld [tilespmem:$0x31D0];
	v7 =	vadd.f32 v43, v7;
	v1 =	vadd.f32 v14, v1  }
0x3eb: {  	v0 =	vadd.f32 v31, v0;
	v2 =	vadd.f32 v46, v2  }
0x3ec: {  	v1 =	vadd.f32 v52, v1;
	v52 =	vld [tilespmem:$0x31F0];
	v3 =	vadd.f32 v47, v3  }
0x3ed: {  	v45 =	vld [tilespmem:$0x3190];
	v4 =	vadd.f32 v48, v4;
	v6 =	vadd.f32 v50, v6;
	v2 =	vmul.f32 $1.999999960e-02, v2  }
0x3ee: {  	v0 =	vadd.f32 v44, v0;
	v1 =	vadd.f32 v57, v1;
	v3 =	vmul.f32 $1.999999960e-02, v3  }
0x3ef: {  	v5 =	vadd.f32 v49, v5;
	v54 =	vmul.f32 $1.999999960e-02, v4;
	v53 =	vadd.f32 v2, v51  }
0x3f0: {  	v59 =	vmul.f32 $1.999999960e-02, v6;
	v1 =	vadd.f32 v33, v1;
	v56 =	vadd.f32 v3, v51  }
0x3f1: {  	v0 =	vmul.f32 $1.999999960e-02, v0;
	v58 =	vadd.f32 v54, v51;
	v55 =	vadd.f32 v52, v7;
	[tilespmem:$0x3230] =	vst v53  }
0x3f2: {  	v57 =	vmul.f32 $1.999999960e-02, v5;
	v62 =	vadd.f32 v59, v51;
	v1 =	vadd.f32 v45, v1;
	[tilespmem:$0x3240] =	vst v56  }
0x3f3: {  	v0 =	vadd.f32 v0, v51;
	[tilespmem:$0x3250] =	vst v58;
	v61 =	vmul.f32 $1.999999960e-02, v55  }
0x3f4: {  	v60 =	vadd.f32 v57, v51;
	[tilespmem:$0x3270] =	vst v62;
	v1 =	vmul.f32 $1.999999960e-02, v1  }
0x3f5: {  	[tilespmem:$0x3210] =	vst v0;
	v63 =	vadd.f32 v61, v51  }
0x3f6: {  	[tilespmem:$0x3260] =	vst v60;
	v1 =	vadd.f32 v1, v51  }
0x3f7: {  	p0 =	sne.s32 s4, $0x1;
	[tilespmem:$0x3280] =	vst v63  }
.Ltmp0:
0x3f8: {  	s10 =	rddreg [dreg:$0x5];
	[tilespmem:$0x3220] =	vst v1;
	(pc) =	sbr.rel @p0 .LBB2_1-.Ltmp0, $4  }
0x3f9: {  	[hbm4b:s10+s2] =	stream.linear.scatter [tilespmem:s0], [sflag:$0x2], $0x80, $0x38;
	[tilespmem:$0x3290] =	vst v63  }
0x3fa: {  	_ =	swait.ge [sflag:s7], $0x80  }
0x3fb: {  	[sflag:s7] =	ssyncset.done $0x0  }
0x3fc: {  	s4 =	sadd.s32 $0xFFFFFFFF, s4;
	[sflag:s7] =	ssyncadd.s32 $0xFFFFFF80  }
0x3fd: {  	_ =	sfence.sel $0x180000  }
0x3fe: {  	[bflag:$0x0] =	sbarrier.arrive $0xFFFF  }
0x3ff: {  	_ =	strace $0x90000047  }
0x400: {  	s0 =	stileid.u32;
	[bflag:$0x2] =	sbarrier.arrive $0xFFFF  }
0x401: {  	p0 =	sne.s32 s0, $0x0;
	s0 =	rddreg [dreg:$0x2]  }
0x402: {  	s0 =	sadd.s32 @!p0 $0x100000, s0  }
0x403: {  	[sflag:s0] =	ssyncadd.tile.s32 @!p0 $0x1;
	_ =	shalt  }
.Lfunc_end2:
_tile_overlayer_lowered:
.L_overlay_start_2:
0x404: {  	(tag) =	ssettag $0x2  }
0x405: {  	s0 =	rddreg [dreg:$0x0];
	s2 =	stileid.u32  }
0x406: {  	s1 =	rddreg [dreg:$0x1];
	p0 =	sne.s32 s2, $0x0  }
0x407: {  	s3 =	rddreg [dreg:$0x2];
	[bflag:$0x3] =	sbarrier.arrive $0xFFFF;
	s2 =	simm.s32 @!p0 $0x1C02  }
0x408: {  	[timem:s3], [sflag:s2] =	dma.local @!p0 [hbm:s0], s1  }
0x409: {  	s0 =	simm.s32 @!p0 $0x2  }
0x40a: {  	_ =	swait.ge @!p0 [sflag:s0], s1  }
0x40b: {  	s1 =	ssub.s32 @!p0 $0x0, s1;
	[sflag:s0] =	ssyncset.done @!p0 $0x0  }
0x40c: {  	[sflag:s0] =	ssyncadd.s32 @!p0 s1  }
0x40d: {  	[bflag:$0x3] =	sbarrier.arrive $0xFFFF  }
0x40e: {  	_ =	shalt  }

</sc_bundles>
